<compile_context>
chip_gen: v7x
topology: tpu7x:2x2x1
jax: 0.10.2.dev20260603
libtpu: 0.0.44.dev20260713+nightly
codegen_flags: <defaults>
</compile_context>

<pallas_src>
import functools

import jax
import jax.numpy as jnp
import numpy as np
from jax import lax
from jax.experimental import pallas as pl
from jax.experimental.pallas import tpu as pltpu
from jax.experimental.pallas import tpu_sc as plsc

ROWS, COLS = 2048, 8192
N = ROWS * COLS
NW = 32
PER_W = N // NW
ROWS_W = ROWS // NW
CHUNK_R, CHUNK_C = 8, 4096
CHUNK = CHUNK_R * CHUNK_C
NCHUNK = PER_W // CHUNK
UNROLL = 4
NROW = 130
HSIZE = NROW * 16
LUTN = 1280

_S = np.log10(2.0) * 63.0 / 13.0
C1 = float(np.float32(_S / 2 ** 23))
KC = float(np.float32(-127.0 * _S + 7.0 * 63.0 / 13.0 + 513.0 - 1e-3))

_RR = np.arange(360, 737)
_CC = np.clip(_RR - 512, 0, 64)

_RLUT_NP = np.zeros(LUTN, np.int32)
_RLUT_NP[360:737] = (65 + _CC) << 4
_RLUT_NP[872:1249] = (64 - _CC) << 4


def _edges():
    return jnp.concatenate(
        [-jnp.logspace(6, -7, 64), jnp.array([0.0]), jnp.logspace(-7, 6, 64)]
    )


def _blut(edges):
    bpos = edges[65:129]
    bpos = jnp.concatenate([bpos[:63], jnp.nextafter(bpos[63:64], jnp.inf)])
    bneg = jnp.nextafter(-edges[0:64][::-1], jnp.inf)
    z = lambda n: jnp.zeros((n,), jnp.float32)
    inf161 = jnp.full((161,), jnp.inf, jnp.float32)
    rep = lambda v: jnp.broadcast_to(v, (153,))
    return jnp.concatenate([
        z(360), rep(bpos[0]), bpos[1:64], inf161,
        z(135), rep(bneg[0]), bneg[1:64], inf161,
        z(31),
    ])


def _sc_body(data_hbm, blut_hbm, rlut_hbm, hist_out,
             buf0, buf1, blut_v, rlut_v, hist_v, sem0, sem1):
    wid = lax.axis_index("s") * 2 + lax.axis_index("c")
    base_row = wid * ROWS_W

    pltpu.sync_copy(blut_hbm, blut_v)
    pltpu.sync_copy(rlut_hbm, rlut_v)
    z16 = jnp.zeros((16,), jnp.int32)
    for r in range(NROW):
        hist_v[pl.ds(r * 16, 16)] = z16

    lane = lax.iota(jnp.int32, 16)
    ones = jnp.ones((16,), jnp.int32)

    bufs = (buf0, buf1)
    sems = (sem0, sem1)

    def src(c):
        return data_hbm.at[pl.ds(base_row + (c // 2) * CHUNK_R, CHUNK_R),
                           pl.ds((c % 2) * CHUNK_C, CHUNK_C)]

    pltpu.make_async_copy(src(0), bufs[0], sems[0]).start()

    for c in range(NCHUNK):
        cur, csem = bufs[c % 2], sems[c % 2]
        if c + 1 < NCHUNK:
            nxt, nsem = bufs[(c + 1) % 2], sems[(c + 1) % 2]
            pltpu.make_async_copy(src(c + 1), nxt, nsem).start()
        pltpu.make_async_copy(src(c), cur, csem).wait()

        @plsc.parallel_loop(0, CHUNK // 16, unroll=UNROLL)
        def step(v):
            x = cur[v // (CHUNK_C // 16), pl.ds((v % (CHUNK_C // 16)) * 16, 16)]
            xi = plsc.bitcast(x, jnp.int32)
            ai = xi & 0x7FFFFFFF
            af = plsc.bitcast(ai, jnp.float32)
            fi = ai.astype(jnp.float32)
            kt = fi * C1 + KC
            ri = kt.astype(jnp.int32)
            sgn = lax.shift_right_logical(xi, 31)
            idx = ri + (sgn << 9)
            b = plsc.load_gather(blut_v, [idx])
            rb = plsc.load_gather(rlut_v, [idx])
            d16 = 16 - (sgn << 5)
            slot = rb + jnp.where(af >= b, d16, 0) + lane
            plsc.addupdate_scatter(hist_v, [slot], ones)

    pltpu.sync_copy(hist_v, hist_out.at[wid])


_sc_hist = functools.partial(
    pl.kernel,
    out_type=jax.ShapeDtypeStruct((NW, HSIZE), jnp.int32),
    mesh=plsc.VectorSubcoreMesh(core_axis_name="c", subcore_axis_name="s"),
    compiler_params=pltpu.CompilerParams(needs_layout_passes=False),
    scratch_types=[
        pltpu.VMEM((CHUNK_R, CHUNK_C), jnp.float32),
        pltpu.VMEM((CHUNK_R, CHUNK_C), jnp.float32),
        pltpu.VMEM((LUTN,), jnp.float32),
        pltpu.VMEM((LUTN,), jnp.int32),
        pltpu.VMEM((HSIZE,), jnp.int32),
        pltpu.SemaphoreType.DMA,
        pltpu.SemaphoreType.DMA,
    ],
)(_sc_body)

TC_BLOCK_ROWS = 256
TC_GRID = ROWS // TC_BLOCK_ROWS


def _tc_stats_body(data_ref, stats_ref):
    pi = pl.program_id(0)

    @pl.when(pi == 0)
    def _init():
        stats_ref[0] = jnp.inf
        stats_ref[1] = -jnp.inf
        stats_ref[2] = 0.0
        stats_ref[3] = 0.0

    block = data_ref[...]
    stats_ref[0] = jnp.minimum(stats_ref[0], jnp.min(block))
    stats_ref[1] = jnp.maximum(stats_ref[1], jnp.max(block))
    stats_ref[2] += jnp.sum(block)
    stats_ref[3] += jnp.sum(block * block)


def _tc_stats(data):
    return pl.pallas_call(
        _tc_stats_body,
        grid=(TC_GRID,),
        in_specs=[pl.BlockSpec((TC_BLOCK_ROWS, COLS), lambda i: (i, 0))],
        out_specs=pl.BlockSpec(memory_space=pltpu.SMEM),
        out_shape=jax.ShapeDtypeStruct((4,), jnp.float32),
    )(data)


def kernel(data):
    edges = _edges()
    hist_parts = _sc_hist(data, _blut(edges), jnp.asarray(_RLUT_NP))
    stats = _tc_stats(data)
    hist = hist_parts.reshape(NW, NROW, 16).sum((0, 2))
    counts = hist[1:129].astype(jnp.float32)
    num = jnp.asarray(data.size, jnp.int32)
    return (stats[0], stats[1], num, stats[2], stats[3], edges, counts)

# --- scband reference (transcript-rebuilt; emitter-appended) ---
"""Pipeline reference for scband-logit-histogram-23218593202771 (READ-ONLY COPY).

The authoritative reference and input builder live on the scoring server;
editing this copy changes nothing except your own understanding.
"""

import jax, jax.numpy as jnp
import numpy as np


def _logit_buckets():
    return jnp.concatenate([-jnp.logspace(6, -7, 64), jnp.array([0.0]), jnp.logspace(-7, 6, 64)])


def setup_inputs(seed: int = 0) -> dict:
    key = jax.random.key(seed)
    data = jax.random.normal(key, (2048, 8192), dtype=jnp.float32)
    return {"data": data}


def reference(data):
    # Faithful translation of LogitHistogram.init(data):
    #   sharded_histogram(data, edges=_logit_buckets()) -> (counts, edges)
    #   plus scalar stats min/max/num/sum/sum_squares
    edges = _logit_buckets()
    counts, edges_out = jnp.histogram(data, bins=edges)
    mn = data.min()
    mx = data.max()
    num = jnp.array(data.size, dtype=jnp.int32)
    sm = data.sum()
    ssq = (data ** 2).sum()
    # Histogram(min, max, num, sum, sum_squares, bucket_limits, bucket_counts)
    return (mn, mx, num, sm, ssq, edges_out, counts)

if __name__ == "__main__":
    import jax
    _d = setup_inputs()
    print(jax.jit(kernel)(*tuple(_d.values())))

</pallas_src>

<mosaic_0001>
#map = affine_map<(d0, d1) -> (0, 0)>
#map1 = affine_map<(d0, d1) -> (0)>
module attributes {stable_mosaic.version = 14 : i64} {
  func.func @_sc_body(%arg0: i32, %arg1: i32, %arg2: memref<2048x8192xf32, #tpu.memory_space<hbm>>, %arg3: memref<1280xf32, #tpu.memory_space<hbm>>, %arg4: memref<1280xi32, #tpu.memory_space<hbm>>, %arg5: memref<32x2080xi32, #tpu.memory_space<hbm>>, %arg6: memref<8x4096xf32, #tpu.memory_space<vmem>>, %arg7: memref<8x4096xf32, #tpu.memory_space<vmem>>, %arg8: memref<1280xf32, #tpu.memory_space<vmem>>, %arg9: memref<1280xi32, #tpu.memory_space<vmem>>, %arg10: memref<2080xi32, #tpu.memory_space<vmem>>, %arg11: memref<!tpu.dma_semaphore, #tpu.memory_space<semaphore_mem>>, %arg12: memref<!tpu.dma_semaphore, #tpu.memory_space<semaphore_mem>>) attributes {dimension_semantics = [#tpu.dimension_semantics<core_parallel>, #tpu.dimension_semantics<subcore_parallel>], iteration_bounds = array<i64: 2, 16>, scalar_prefetch = 0 : i64, scratch_operands = 7 : i64, tpu.core_type = #tpu.core_type<sc_vector_subcore>, window_params = [{transform_indices = #map}, {transform_indices = #map1}, {transform_indices = #map1}, {transform_indices = #map}]} {
    %mul3A = arith.constant 2 : i32
    %mul3A_0 = arith.muli %arg1, %mul3A : i32
    %add3A = arith.addi %mul3A_0, %arg0 : i32
    %mul3A_1 = arith.constant 64 : i32
    %mul3A_2 = arith.muli %add3A, %mul3A_1 : i32
    "tpu.region"() ({
      %run_scoped3A = tpu.sem_alloc : memref<!tpu.dma_semaphore, #tpu.memory_space<semaphore_mem>>
      tpu.enqueue_dma source(%arg3 : memref<1280xf32, #tpu.memory_space<hbm>>) target(%arg8 : memref<1280xf32, #tpu.memory_space<vmem>>) target_semaphore(%run_scoped3A : memref<!tpu.dma_semaphore, #tpu.memory_space<semaphore_mem>>)
      tpu.wait_dma2 semaphore(%run_scoped3A : memref<!tpu.dma_semaphore, #tpu.memory_space<semaphore_mem>>) src(%arg3 : memref<1280xf32, #tpu.memory_space<hbm>>) dst(%arg8 : memref<1280xf32, #tpu.memory_space<vmem>>)
      tpu.yield
    }) : () -> ()
    "tpu.region"() ({
      %run_scoped3A = tpu.sem_alloc : memref<!tpu.dma_semaphore, #tpu.memory_space<semaphore_mem>>
      tpu.enqueue_dma source(%arg4 : memref<1280xi32, #tpu.memory_space<hbm>>) target(%arg9 : memref<1280xi32, #tpu.memory_space<vmem>>) target_semaphore(%run_scoped3A : memref<!tpu.dma_semaphore, #tpu.memory_space<semaphore_mem>>)
      tpu.wait_dma2 semaphore(%run_scoped3A : memref<!tpu.dma_semaphore, #tpu.memory_space<semaphore_mem>>) src(%arg4 : memref<1280xi32, #tpu.memory_space<hbm>>) dst(%arg9 : memref<1280xi32, #tpu.memory_space<vmem>>)
      tpu.yield
    }) : () -> ()
    %broadcast_in_dim3A = arith.constant 0 : i32
    %broadcast_in_dim3A_3 = vector.broadcast %broadcast_in_dim3A : i32 to vector<16xi32>
    %swap3A = arith.constant 0 : index
    %swap3A_4 = tpu.vector_load %arg10[%swap3A] {strides = array<i32>} : memref<2080xi32, #tpu.memory_space<vmem>>, vector<16xi32>,
    tpu.vector_store %arg10[%swap3A], %broadcast_in_dim3A_3 {strides = array<i32>} : memref<2080xi32, #tpu.memory_space<vmem>>, vector<16xi32>,
    %swap3A_5 = arith.constant 16 : index
    %swap3A_6 = tpu.vector_load %arg10[%swap3A_5] {strides = array<i32>} : memref<2080xi32, #tpu.memory_space<vmem>>, vector<16xi32>,
    tpu.vector_store %arg10[%swap3A_5], %broadcast_in_dim3A_3 {strides = array<i32>} : memref<2080xi32, #tpu.memory_space<vmem>>, vector<16xi32>,
    %swap3A_7 = arith.constant 32 : index
    %swap3A_8 = tpu.vector_load %arg10[%swap3A_7] {strides = array<i32>} : memref<2080xi32, #tpu.memory_space<vmem>>, vector<16xi32>,
    tpu.vector_store %arg10[%swap3A_7], %broadcast_in_dim3A_3 {strides = array<i32>} : memref<2080xi32, #tpu.memory_space<vmem>>, vector<16xi32>,
    %swap3A_9 = arith.constant 48 : index
    %swap3A_10 = tpu.vector_load %arg10[%swap3A_9] {strides = array<i32>} : memref<2080xi32, #tpu.memory_space<vmem>>, vector<16xi32>,
    tpu.vector_store %arg10[%swap3A_9], %broadcast_in_dim3A_3 {strides = array<i32>} : memref<2080xi32, #tpu.memory_space<vmem>>, vector<16xi32>,
    %swap3A_11 = arith.constant 64 : index
    %swap3A_12 = tpu.vector_load %arg10[%swap3A_11] {strides = array<i32>} : memref<2080xi32, #tpu.memory_space<vmem>>, vector<16xi32>,
    tpu.vector_store %arg10[%swap3A_11], %broadcast_in_dim3A_3 {strides = array<i32>} : memref<2080xi32, #tpu.memory_space<vmem>>, vector<16xi32>,
    %swap3A_13 = arith.constant 80 : index
    %swap3A_14 = tpu.vector_load %arg10[%swap3A_13] {strides = array<i32>} : memref<2080xi32, #tpu.memory_space<vmem>>, vector<16xi32>,
    tpu.vector_store %arg10[%swap3A_13], %broadcast_in_dim3A_3 {strides = array<i32>} : memref<2080xi32, #tpu.memory_space<vmem>>, vector<16xi32>,
    %swap3A_15 = arith.constant 96 : index
    %swap3A_16 = tpu.vector_load %arg10[%swap3A_15] {strides = array<i32>} : memref<2080xi32, #tpu.memory_space<vmem>>, vector<16xi32>,
    tpu.vector_store %arg10[%swap3A_15], %broadcast_in_dim3A_3 {strides = array<i32>} : memref<2080xi32, #tpu.memory_space<vmem>>, vector<16xi32>,
    %swap3A_17 = arith.constant 112 : index
    %swap3A_18 = tpu.vector_load %arg10[%swap3A_17] {strides = array<i32>} : memref<2080xi32, #tpu.memory_space<vmem>>, vector<16xi32>,
    tpu.vector_store %arg10[%swap3A_17], %broadcast_in_dim3A_3 {strides = array<i32>} : memref<2080xi32, #tpu.memory_space<vmem>>, vector<16xi32>,
    %swap3A_19 = arith.constant 128 : index
    %swap3A_20 = tpu.vector_load %arg10[%swap3A_19] {strides = array<i32>} : memref<2080xi32, #tpu.memory_space<vmem>>, vector<16xi32>,
    tpu.vector_store %arg10[%swap3A_19], %broadcast_in_dim3A_3 {strides = array<i32>} : memref<2080xi32, #tpu.memory_space<vmem>>, vector<16xi32>,
    %swap3A_21 = arith.constant 144 : index
    %swap3A_22 = tpu.vector_load %arg10[%swap3A_21] {strides = array<i32>} : memref<2080xi32, #tpu.memory_space<vmem>>, vector<16xi32>,
    tpu.vector_store %arg10[%swap3A_21], %broadcast_in_dim3A_3 {strides = array<i32>} : memref<2080xi32, #tpu.memory_space<vmem>>, vector<16xi32>,
    %swap3A_23 = arith.constant 160 : index
    %swap3A_24 = tpu.vector_load %arg10[%swap3A_23] {strides = array<i32>} : memref<2080xi32, #tpu.memory_space<vmem>>, vector<16xi32>,
    tpu.vector_store %arg10[%swap3A_23], %broadcast_in_dim3A_3 {strides = array<i32>} : memref<2080xi32, #tpu.memory_space<vmem>>, vector<16xi32>,
    %swap3A_25 = arith.constant 176 : index
    %swap3A_26 = tpu.vector_load %arg10[%swap3A_25] {strides = array<i32>} : memref<2080xi32, #tpu.memory_space<vmem>>, vector<16xi32>,
    tpu.vector_store %arg10[%swap3A_25], %broadcast_in_dim3A_3 {strides = array<i32>} : memref<2080xi32, #tpu.memory_space<vmem>>, vector<16xi32>,
    %swap3A_27 = arith.constant 192 : index
    %swap3A_28 = tpu.vector_load %arg10[%swap3A_27] {strides = array<i32>} : memref<2080xi32, #tpu.memory_space<vmem>>, vector<16xi32>,
    tpu.vector_store %arg10[%swap3A_27], %broadcast_in_dim3A_3 {strides = array<i32>} : memref<2080xi32, #tpu.memory_space<vmem>>, vector<16xi32>,
    %swap3A_29 = arith.constant 208 : index
    %swap3A_30 = tpu.vector_load %arg10[%swap3A_29] {strides = array<i32>} : memref<2080xi32, #tpu.memory_space<vmem>>, vector<16xi32>,
    tpu.vector_store %arg10[%swap3A_29], %broadcast_in_dim3A_3 {strides = array<i32>} : memref<2080xi32, #tpu.memory_space<vmem>>, vector<16xi32>,
    %swap3A_31 = arith.constant 224 : index
    %swap3A_32 = tpu.vector_load %arg10[%swap3A_31] {strides = array<i32>} : memref<2080xi32, #tpu.memory_space<vmem>>, vector<16xi32>,
    tpu.vector_store %arg10[%swap3A_31], %broadcast_in_dim3A_3 {strides = array<i32>} : memref<2080xi32, #tpu.memory_space<vmem>>, vector<16xi32>,
    %swap3A_33 = arith.constant 240 : index
    %swap3A_34 = tpu.vector_load %arg10[%swap3A_33] {strides = array<i32>} : memref<2080xi32, #tpu.memory_space<vmem>>, vector<16xi32>,
    tpu.vector_store %arg10[%swap3A_33], %broadcast_in_dim3A_3 {strides = array<i32>} : memref<2080xi32, #tpu.memory_space<vmem>>, vector<16xi32>,
    %swap3A_35 = arith.constant 256 : index
    %swap3A_36 = tpu.vector_load %arg10[%swap3A_35] {strides = array<i32>} : memref<2080xi32, #tpu.memory_space<vmem>>, vector<16xi32>,
    tpu.vector_store %arg10[%swap3A_35], %broadcast_in_dim3A_3 {strides = array<i32>} : memref<2080xi32, #tpu.memory_space<vmem>>, vector<16xi32>,
    %swap3A_37 = arith.constant 272 : index
    %swap3A_38 = tpu.vector_load %arg10[%swap3A_37] {strides = array<i32>} : memref<2080xi32, #tpu.memory_space<vmem>>, vector<16xi32>,
    tpu.vector_store %arg10[%swap3A_37], %broadcast_in_dim3A_3 {strides = array<i32>} : memref<2080xi32, #tpu.memory_space<vmem>>, vector<16xi32>,
    %swap3A_39 = arith.constant 288 : index
    %swap3A_40 = tpu.vector_load %arg10[%swap3A_39] {strides = array<i32>} : memref<2080xi32, #tpu.memory_space<vmem>>, vector<16xi32>,
    tpu.vector_store %arg10[%swap3A_39], %broadcast_in_dim3A_3 {strides = array<i32>} : memref<2080xi32, #tpu.memory_space<vmem>>, vector<16xi32>,
    %swap3A_41 = arith.constant 304 : index
    %swap3A_42 = tpu.vector_load %arg10[%swap3A_41] {strides = array<i32>} : memref<2080xi32, #tpu.memory_space<vmem>>, vector<16xi32>,
    tpu.vector_store %arg10[%swap3A_41], %broadcast_in_dim3A_3 {strides = array<i32>} : memref<2080xi32, #tpu.memory_space<vmem>>, vector<16xi32>,
    %swap3A_43 = arith.constant 320 : index
    %swap3A_44 = tpu.vector_load %arg10[%swap3A_43] {strides = array<i32>} : memref<2080xi32, #tpu.memory_space<vmem>>, vector<16xi32>,
    tpu.vector_store %arg10[%swap3A_43], %broadcast_in_dim3A_3 {strides = array<i32>} : memref<2080xi32, #tpu.memory_space<vmem>>, vector<16xi32>,
    %swap3A_45 = arith.constant 336 : index
    %swap3A_46 = tpu.vector_load %arg10[%swap3A_45] {strides = array<i32>} : memref<2080xi32, #tpu.memory_space<vmem>>, vector<16xi32>,
    tpu.vector_store %arg10[%swap3A_45], %broadcast_in_dim3A_3 {strides = array<i32>} : memref<2080xi32, #tpu.memory_space<vmem>>, vector<16xi32>,
    %swap3A_47 = arith.constant 352 : index
    %swap3A_48 = tpu.vector_load %arg10[%swap3A_47] {strides = array<i32>} : memref<2080xi32, #tpu.memory_space<vmem>>, vector<16xi32>,
    tpu.vector_store %arg10[%swap3A_47], %broadcast_in_dim3A_3 {strides = array<i32>} : memref<2080xi32, #tpu.memory_space<vmem>>, vector<16xi32>,
    %swap3A_49 = arith.constant 368 : index
    %swap3A_50 = tpu.vector_load %arg10[%swap3A_49] {strides = array<i32>} : memref<2080xi32, #tpu.memory_space<vmem>>, vector<16xi32>,
    tpu.vector_store %arg10[%swap3A_49], %broadcast_in_dim3A_3 {strides = array<i32>} : memref<2080xi32, #tpu.memory_space<vmem>>, vector<16xi32>,
    %swap3A_51 = arith.constant 384 : index
    %swap3A_52 = tpu.vector_load %arg10[%swap3A_51] {strides = array<i32>} : memref<2080xi32, #tpu.memory_space<vmem>>, vector<16xi32>,
    tpu.vector_store %arg10[%swap3A_51], %broadcast_in_dim3A_3 {strides = array<i32>} : memref<2080xi32, #tpu.memory_space<vmem>>, vector<16xi32>,
    %swap3A_53 = arith.constant 400 : index
    %swap3A_54 = tpu.vector_load %arg10[%swap3A_53] {strides = array<i32>} : memref<2080xi32, #tpu.memory_space<vmem>>, vector<16xi32>,
    tpu.vector_store %arg10[%swap3A_53], %broadcast_in_dim3A_3 {strides = array<i32>} : memref<2080xi32, #tpu.memory_space<vmem>>, vector<16xi32>,
    %swap3A_55 = arith.constant 416 : index
    %swap3A_56 = tpu.vector_load %arg10[%swap3A_55] {strides = array<i32>} : memref<2080xi32, #tpu.memory_space<vmem>>, vector<16xi32>,
    tpu.vector_store %arg10[%swap3A_55], %broadcast_in_dim3A_3 {strides = array<i32>} : memref<2080xi32, #tpu.memory_space<vmem>>, vector<16xi32>,
    %swap3A_57 = arith.constant 432 : index
    %swap3A_58 = tpu.vector_load %arg10[%swap3A_57] {strides = array<i32>} : memref<2080xi32, #tpu.memory_space<vmem>>, vector<16xi32>,
    tpu.vector_store %arg10[%swap3A_57], %broadcast_in_dim3A_3 {strides = array<i32>} : memref<2080xi32, #tpu.memory_space<vmem>>, vector<16xi32>,
    %swap3A_59 = arith.constant 448 : index
    %swap3A_60 = tpu.vector_load %arg10[%swap3A_59] {strides = array<i32>} : memref<2080xi32, #tpu.memory_space<vmem>>, vector<16xi32>,
    tpu.vector_store %arg10[%swap3A_59], %broadcast_in_dim3A_3 {strides = array<i32>} : memref<2080xi32, #tpu.memory_space<vmem>>, vector<16xi32>,
    %swap3A_61 = arith.constant 464 : index
    %swap3A_62 = tpu.vector_load %arg10[%swap3A_61] {strides = array<i32>} : memref<2080xi32, #tpu.memory_space<vmem>>, vector<16xi32>,
    tpu.vector_store %arg10[%swap3A_61], %broadcast_in_dim3A_3 {strides = array<i32>} : memref<2080xi32, #tpu.memory_space<vmem>>, vector<16xi32>,
    %swap3A_63 = arith.constant 480 : index
    %swap3A_64 = tpu.vector_load %arg10[%swap3A_63] {strides = array<i32>} : memref<2080xi32, #tpu.memory_space<vmem>>, vector<16xi32>,
    tpu.vector_store %arg10[%swap3A_63], %broadcast_in_dim3A_3 {strides = array<i32>} : memref<2080xi32, #tpu.memory_space<vmem>>, vector<16xi32>,
    %swap3A_65 = arith.constant 496 : index
    %swap3A_66 = tpu.vector_load %arg10[%swap3A_65] {strides = array<i32>} : memref<2080xi32, #tpu.memory_space<vmem>>, vector<16xi32>,
    tpu.vector_store %arg10[%swap3A_65], %broadcast_in_dim3A_3 {strides = array<i32>} : memref<2080xi32, #tpu.memory_space<vmem>>, vector<16xi32>,
    %swap3A_67 = arith.constant 512 : index
    %swap3A_68 = tpu.vector_load %arg10[%swap3A_67] {strides = array<i32>} : memref<2080xi32, #tpu.memory_space<vmem>>, vector<16xi32>,
    tpu.vector_store %arg10[%swap3A_67], %broadcast_in_dim3A_3 {strides = array<i32>} : memref<2080xi32, #tpu.memory_space<vmem>>, vector<16xi32>,
    %swap3A_69 = arith.constant 528 : index
    %swap3A_70 = tpu.vector_load %arg10[%swap3A_69] {strides = array<i32>} : memref<2080xi32, #tpu.memory_space<vmem>>, vector<16xi32>,
    tpu.vector_store %arg10[%swap3A_69], %broadcast_in_dim3A_3 {strides = array<i32>} : memref<2080xi32, #tpu.memory_space<vmem>>, vector<16xi32>,
    %swap3A_71 = arith.constant 544 : index
    %swap3A_72 = tpu.vector_load %arg10[%swap3A_71] {strides = array<i32>} : memref<2080xi32, #tpu.memory_space<vmem>>, vector<16xi32>,
    tpu.vector_store %arg10[%swap3A_71], %broadcast_in_dim3A_3 {strides = array<i32>} : memref<2080xi32, #tpu.memory_space<vmem>>, vector<16xi32>,
    %swap3A_73 = arith.constant 560 : index
    %swap3A_74 = tpu.vector_load %arg10[%swap3A_73] {strides = array<i32>} : memref<2080xi32, #tpu.memory_space<vmem>>, vector<16xi32>,
    tpu.vector_store %arg10[%swap3A_73], %broadcast_in_dim3A_3 {strides = array<i32>} : memref<2080xi32, #tpu.memory_space<vmem>>, vector<16xi32>,
    %swap3A_75 = arith.constant 576 : index
    %swap3A_76 = tpu.vector_load %arg10[%swap3A_75] {strides = array<i32>} : memref<2080xi32, #tpu.memory_space<vmem>>, vector<16xi32>,
    tpu.vector_store %arg10[%swap3A_75], %broadcast_in_dim3A_3 {strides = array<i32>} : memref<2080xi32, #tpu.memory_space<vmem>>, vector<16xi32>,
    %swap3A_77 = arith.constant 592 : index
    %swap3A_78 = tpu.vector_load %arg10[%swap3A_77] {strides = array<i32>} : memref<2080xi32, #tpu.memory_space<vmem>>, vector<16xi32>,
    tpu.vector_store %arg10[%swap3A_77], %broadcast_in_dim3A_3 {strides = array<i32>} : memref<2080xi32, #tpu.memory_space<vmem>>, vector<16xi32>,
    %swap3A_79 = arith.constant 608 : index
    %swap3A_80 = tpu.vector_load %arg10[%swap3A_79] {strides = array<i32>} : memref<2080xi32, #tpu.memory_space<vmem>>, vector<16xi32>,
    tpu.vector_store %arg10[%swap3A_79], %broadcast_in_dim3A_3 {strides = array<i32>} : memref<2080xi32, #tpu.memory_space<vmem>>, vector<16xi32>,
    %swap3A_81 = arith.constant 624 : index
    %swap3A_82 = tpu.vector_load %arg10[%swap3A_81] {strides = array<i32>} : memref<2080xi32, #tpu.memory_space<vmem>>, vector<16xi32>,
    tpu.vector_store %arg10[%swap3A_81], %broadcast_in_dim3A_3 {strides = array<i32>} : memref<2080xi32, #tpu.memory_space<vmem>>, vector<16xi32>,
    %swap3A_83 = arith.constant 640 : index
    %swap3A_84 = tpu.vector_load %arg10[%swap3A_83] {strides = array<i32>} : memref<2080xi32, #tpu.memory_space<vmem>>, vector<16xi32>,
    tpu.vector_store %arg10[%swap3A_83], %broadcast_in_dim3A_3 {strides = array<i32>} : memref<2080xi32, #tpu.memory_space<vmem>>, vector<16xi32>,
    %swap3A_85 = arith.constant 656 : index
    %swap3A_86 = tpu.vector_load %arg10[%swap3A_85] {strides = array<i32>} : memref<2080xi32, #tpu.memory_space<vmem>>, vector<16xi32>,
    tpu.vector_store %arg10[%swap3A_85], %broadcast_in_dim3A_3 {strides = array<i32>} : memref<2080xi32, #tpu.memory_space<vmem>>, vector<16xi32>,
    %swap3A_87 = arith.constant 672 : index
    %swap3A_88 = tpu.vector_load %arg10[%swap3A_87] {strides = array<i32>} : memref<2080xi32, #tpu.memory_space<vmem>>, vector<16xi32>,
    tpu.vector_store %arg10[%swap3A_87], %broadcast_in_dim3A_3 {strides = array<i32>} : memref<2080xi32, #tpu.memory_space<vmem>>, vector<16xi32>,
    %swap3A_89 = arith.constant 688 : index
    %swap3A_90 = tpu.vector_load %arg10[%swap3A_89] {strides = array<i32>} : memref<2080xi32, #tpu.memory_space<vmem>>, vector<16xi32>,
    tpu.vector_store %arg10[%swap3A_89], %broadcast_in_dim3A_3 {strides = array<i32>} : memref<2080xi32, #tpu.memory_space<vmem>>, vector<16xi32>,
    %swap3A_91 = arith.constant 704 : index
    %swap3A_92 = tpu.vector_load %arg10[%swap3A_91] {strides = array<i32>} : memref<2080xi32, #tpu.memory_space<vmem>>, vector<16xi32>,
    tpu.vector_store %arg10[%swap3A_91], %broadcast_in_dim3A_3 {strides = array<i32>} : memref<2080xi32, #tpu.memory_space<vmem>>, vector<16xi32>,
    %swap3A_93 = arith.constant 720 : index
    %swap3A_94 = tpu.vector_load %arg10[%swap3A_93] {strides = array<i32>} : memref<2080xi32, #tpu.memory_space<vmem>>, vector<16xi32>,
    tpu.vector_store %arg10[%swap3A_93], %broadcast_in_dim3A_3 {strides = array<i32>} : memref<2080xi32, #tpu.memory_space<vmem>>, vector<16xi32>,
    %swap3A_95 = arith.constant 736 : index
    %swap3A_96 = tpu.vector_load %arg10[%swap3A_95] {strides = array<i32>} : memref<2080xi32, #tpu.memory_space<vmem>>, vector<16xi32>,
    tpu.vector_store %arg10[%swap3A_95], %broadcast_in_dim3A_3 {strides = array<i32>} : memref<2080xi32, #tpu.memory_space<vmem>>, vector<16xi32>,
    %swap3A_97 = arith.constant 752 : index
    %swap3A_98 = tpu.vector_load %arg10[%swap3A_97] {strides = array<i32>} : memref<2080xi32, #tpu.memory_space<vmem>>, vector<16xi32>,
    tpu.vector_store %arg10[%swap3A_97], %broadcast_in_dim3A_3 {strides = array<i32>} : memref<2080xi32, #tpu.memory_space<vmem>>, vector<16xi32>,
    %swap3A_99 = arith.constant 768 : index
    %swap3A_100 = tpu.vector_load %arg10[%swap3A_99] {strides = array<i32>} : memref<2080xi32, #tpu.memory_space<vmem>>, vector<16xi32>,
    tpu.vector_store %arg10[%swap3A_99], %broadcast_in_dim3A_3 {strides = array<i32>} : memref<2080xi32, #tpu.memory_space<vmem>>, vector<16xi32>,
    %swap3A_101 = arith.constant 784 : index
    %swap3A_102 = tpu.vector_load %arg10[%swap3A_101] {strides = array<i32>} : memref<2080xi32, #tpu.memory_space<vmem>>, vector<16xi32>,
    tpu.vector_store %arg10[%swap3A_101], %broadcast_in_dim3A_3 {strides = array<i32>} : memref<2080xi32, #tpu.memory_space<vmem>>, vector<16xi32>,
    %swap3A_103 = arith.constant 800 : index
    %swap3A_104 = tpu.vector_load %arg10[%swap3A_103] {strides = array<i32>} : memref<2080xi32, #tpu.memory_space<vmem>>, vector<16xi32>,
    tpu.vector_store %arg10[%swap3A_103], %broadcast_in_dim3A_3 {strides = array<i32>} : memref<2080xi32, #tpu.memory_space<vmem>>, vector<16xi32>,
    %swap3A_105 = arith.constant 816 : index
    %swap3A_106 = tpu.vector_load %arg10[%swap3A_105] {strides = array<i32>} : memref<2080xi32, #tpu.memory_space<vmem>>, vector<16xi32>,
    tpu.vector_store %arg10[%swap3A_105], %broadcast_in_dim3A_3 {strides = array<i32>} : memref<2080xi32, #tpu.memory_space<vmem>>, vector<16xi32>,
    %swap3A_107 = arith.constant 832 : index
    %swap3A_108 = tpu.vector_load %arg10[%swap3A_107] {strides = array<i32>} : memref<2080xi32, #tpu.memory_space<vmem>>, vector<16xi32>,
    tpu.vector_store %arg10[%swap3A_107], %broadcast_in_dim3A_3 {strides = array<i32>} : memref<2080xi32, #tpu.memory_space<vmem>>, vector<16xi32>,
    %swap3A_109 = arith.constant 848 : index
    %swap3A_110 = tpu.vector_load %arg10[%swap3A_109] {strides = array<i32>} : memref<2080xi32, #tpu.memory_space<vmem>>, vector<16xi32>,
    tpu.vector_store %arg10[%swap3A_109], %broadcast_in_dim3A_3 {strides = array<i32>} : memref<2080xi32, #tpu.memory_space<vmem>>, vector<16xi32>,
    %swap3A_111 = arith.constant 864 : index
    %swap3A_112 = tpu.vector_load %arg10[%swap3A_111] {strides = array<i32>} : memref<2080xi32, #tpu.memory_space<vmem>>, vector<16xi32>,
    tpu.vector_store %arg10[%swap3A_111], %broadcast_in_dim3A_3 {strides = array<i32>} : memref<2080xi32, #tpu.memory_space<vmem>>, vector<16xi32>,
    %swap3A_113 = arith.constant 880 : index
    %swap3A_114 = tpu.vector_load %arg10[%swap3A_113] {strides = array<i32>} : memref<2080xi32, #tpu.memory_space<vmem>>, vector<16xi32>,
    tpu.vector_store %arg10[%swap3A_113], %broadcast_in_dim3A_3 {strides = array<i32>} : memref<2080xi32, #tpu.memory_space<vmem>>, vector<16xi32>,
    %swap3A_115 = arith.constant 896 : index
    %swap3A_116 = tpu.vector_load %arg10[%swap3A_115] {strides = array<i32>} : memref<2080xi32, #tpu.memory_space<vmem>>, vector<16xi32>,
    tpu.vector_store %arg10[%swap3A_115], %broadcast_in_dim3A_3 {strides = array<i32>} : memref<2080xi32, #tpu.memory_space<vmem>>, vector<16xi32>,
    %swap3A_117 = arith.constant 912 : index
    %swap3A_118 = tpu.vector_load %arg10[%swap3A_117] {strides = array<i32>} : memref<2080xi32, #tpu.memory_space<vmem>>, vector<16xi32>,
    tpu.vector_store %arg10[%swap3A_117], %broadcast_in_dim3A_3 {strides = array<i32>} : memref<2080xi32, #tpu.memory_space<vmem>>, vector<16xi32>,
    %swap3A_119 = arith.constant 928 : index
    %swap3A_120 = tpu.vector_load %arg10[%swap3A_119] {strides = array<i32>} : memref<2080xi32, #tpu.memory_space<vmem>>, vector<16xi32>,
    tpu.vector_store %arg10[%swap3A_119], %broadcast_in_dim3A_3 {strides = array<i32>} : memref<2080xi32, #tpu.memory_space<vmem>>, vector<16xi32>,
    %swap3A_121 = arith.constant 944 : index
    %swap3A_122 = tpu.vector_load %arg10[%swap3A_121] {strides = array<i32>} : memref<2080xi32, #tpu.memory_space<vmem>>, vector<16xi32>,
    tpu.vector_store %arg10[%swap3A_121], %broadcast_in_dim3A_3 {strides = array<i32>} : memref<2080xi32, #tpu.memory_space<vmem>>, vector<16xi32>,
    %swap3A_123 = arith.constant 960 : index
    %swap3A_124 = tpu.vector_load %arg10[%swap3A_123] {strides = array<i32>} : memref<2080xi32, #tpu.memory_space<vmem>>, vector<16xi32>,
    tpu.vector_store %arg10[%swap3A_123], %broadcast_in_dim3A_3 {strides = array<i32>} : memref<2080xi32, #tpu.memory_space<vmem>>, vector<16xi32>,
    %swap3A_125 = arith.constant 976 : index
    %swap3A_126 = tpu.vector_load %arg10[%swap3A_125] {strides = array<i32>} : memref<2080xi32, #tpu.memory_space<vmem>>, vector<16xi32>,
    tpu.vector_store %arg10[%swap3A_125], %broadcast_in_dim3A_3 {strides = array<i32>} : memref<2080xi32, #tpu.memory_space<vmem>>, vector<16xi32>,
    %swap3A_127 = arith.constant 992 : index
    %swap3A_128 = tpu.vector_load %arg10[%swap3A_127] {strides = array<i32>} : memref<2080xi32, #tpu.memory_space<vmem>>, vector<16xi32>,
    tpu.vector_store %arg10[%swap3A_127], %broadcast_in_dim3A_3 {strides = array<i32>} : memref<2080xi32, #tpu.memory_space<vmem>>, vector<16xi32>,
    %swap3A_129 = arith.constant 1008 : index
    %swap3A_130 = tpu.vector_load %arg10[%swap3A_129] {strides = array<i32>} : memref<2080xi32, #tpu.memory_space<vmem>>, vector<16xi32>,
    tpu.vector_store %arg10[%swap3A_129], %broadcast_in_dim3A_3 {strides = array<i32>} : memref<2080xi32, #tpu.memory_space<vmem>>, vector<16xi32>,
    %swap3A_131 = arith.constant 1024 : index
    %swap3A_132 = tpu.vector_load %arg10[%swap3A_131] {strides = array<i32>} : memref<2080xi32, #tpu.memory_space<vmem>>, vector<16xi32>,
    tpu.vector_store %arg10[%swap3A_131], %broadcast_in_dim3A_3 {strides = array<i32>} : memref<2080xi32, #tpu.memory_space<vmem>>, vector<16xi32>,
    %swap3A_133 = arith.constant 1040 : index
    %swap3A_134 = tpu.vector_load %arg10[%swap3A_133] {strides = array<i32>} : memref<2080xi32, #tpu.memory_space<vmem>>, vector<16xi32>,
    tpu.vector_store %arg10[%swap3A_133], %broadcast_in_dim3A_3 {strides = array<i32>} : memref<2080xi32, #tpu.memory_space<vmem>>, vector<16xi32>,
    %swap3A_135 = arith.constant 1056 : index
    %swap3A_136 = tpu.vector_load %arg10[%swap3A_135] {strides = array<i32>} : memref<2080xi32, #tpu.memory_space<vmem>>, vector<16xi32>,
    tpu.vector_store %arg10[%swap3A_135], %broadcast_in_dim3A_3 {strides = array<i32>} : memref<2080xi32, #tpu.memory_space<vmem>>, vector<16xi32>,
    %swap3A_137 = arith.constant 1072 : index
    %swap3A_138 = tpu.vector_load %arg10[%swap3A_137] {strides = array<i32>} : memref<2080xi32, #tpu.memory_space<vmem>>, vector<16xi32>,
    tpu.vector_store %arg10[%swap3A_137], %broadcast_in_dim3A_3 {strides = array<i32>} : memref<2080xi32, #tpu.memory_space<vmem>>, vector<16xi32>,
    %swap3A_139 = arith.constant 1088 : index
    %swap3A_140 = tpu.vector_load %arg10[%swap3A_139] {strides = array<i32>} : memref<2080xi32, #tpu.memory_space<vmem>>, vector<16xi32>,
    tpu.vector_store %arg10[%swap3A_139], %broadcast_in_dim3A_3 {strides = array<i32>} : memref<2080xi32, #tpu.memory_space<vmem>>, vector<16xi32>,
    %swap3A_141 = arith.constant 1104 : index
    %swap3A_142 = tpu.vector_load %arg10[%swap3A_141] {strides = array<i32>} : memref<2080xi32, #tpu.memory_space<vmem>>, vector<16xi32>,
    tpu.vector_store %arg10[%swap3A_141], %broadcast_in_dim3A_3 {strides = array<i32>} : memref<2080xi32, #tpu.memory_space<vmem>>, vector<16xi32>,
    %swap3A_143 = arith.constant 1120 : index
    %swap3A_144 = tpu.vector_load %arg10[%swap3A_143] {strides = array<i32>} : memref<2080xi32, #tpu.memory_space<vmem>>, vector<16xi32>,
    tpu.vector_store %arg10[%swap3A_143], %broadcast_in_dim3A_3 {strides = array<i32>} : memref<2080xi32, #tpu.memory_space<vmem>>, vector<16xi32>,
    %swap3A_145 = arith.constant 1136 : index
    %swap3A_146 = tpu.vector_load %arg10[%swap3A_145] {strides = array<i32>} : memref<2080xi32, #tpu.memory_space<vmem>>, vector<16xi32>,
    tpu.vector_store %arg10[%swap3A_145], %broadcast_in_dim3A_3 {strides = array<i32>} : memref<2080xi32, #tpu.memory_space<vmem>>, vector<16xi32>,
    %swap3A_147 = arith.constant 1152 : index
    %swap3A_148 = tpu.vector_load %arg10[%swap3A_147] {strides = array<i32>} : memref<2080xi32, #tpu.memory_space<vmem>>, vector<16xi32>,
    tpu.vector_store %arg10[%swap3A_147], %broadcast_in_dim3A_3 {strides = array<i32>} : memref<2080xi32, #tpu.memory_space<vmem>>, vector<16xi32>,
    %swap3A_149 = arith.constant 1168 : index
    %swap3A_150 = tpu.vector_load %arg10[%swap3A_149] {strides = array<i32>} : memref<2080xi32, #tpu.memory_space<vmem>>, vector<16xi32>,
    tpu.vector_store %arg10[%swap3A_149], %broadcast_in_dim3A_3 {strides = array<i32>} : memref<2080xi32, #tpu.memory_space<vmem>>, vector<16xi32>,
    %swap3A_151 = arith.constant 1184 : index
    %swap3A_152 = tpu.vector_load %arg10[%swap3A_151] {strides = array<i32>} : memref<2080xi32, #tpu.memory_space<vmem>>, vector<16xi32>,
    tpu.vector_store %arg10[%swap3A_151], %broadcast_in_dim3A_3 {strides = array<i32>} : memref<2080xi32, #tpu.memory_space<vmem>>, vector<16xi32>,
    %swap3A_153 = arith.constant 1200 : index
    %swap3A_154 = tpu.vector_load %arg10[%swap3A_153] {strides = array<i32>} : memref<2080xi32, #tpu.memory_space<vmem>>, vector<16xi32>,
    tpu.vector_store %arg10[%swap3A_153], %broadcast_in_dim3A_3 {strides = array<i32>} : memref<2080xi32, #tpu.memory_space<vmem>>, vector<16xi32>,
    %swap3A_155 = arith.constant 1216 : index
    %swap3A_156 = tpu.vector_load %arg10[%swap3A_155] {strides = array<i32>} : memref<2080xi32, #tpu.memory_space<vmem>>, vector<16xi32>,
    tpu.vector_store %arg10[%swap3A_155], %broadcast_in_dim3A_3 {strides = array<i32>} : memref<2080xi32, #tpu.memory_space<vmem>>, vector<16xi32>,
    %swap3A_157 = arith.constant 1232 : index
    %swap3A_158 = tpu.vector_load %arg10[%swap3A_157] {strides = array<i32>} : memref<2080xi32, #tpu.memory_space<vmem>>, vector<16xi32>,
    tpu.vector_store %arg10[%swap3A_157], %broadcast_in_dim3A_3 {strides = array<i32>} : memref<2080xi32, #tpu.memory_space<vmem>>, vector<16xi32>,
    %swap3A_159 = arith.constant 1248 : index
    %swap3A_160 = tpu.vector_load %arg10[%swap3A_159] {strides = array<i32>} : memref<2080xi32, #tpu.memory_space<vmem>>, vector<16xi32>,
    tpu.vector_store %arg10[%swap3A_159], %broadcast_in_dim3A_3 {strides = array<i32>} : memref<2080xi32, #tpu.memory_space<vmem>>, vector<16xi32>,
    %swap3A_161 = arith.constant 1264 : index
    %swap3A_162 = tpu.vector_load %arg10[%swap3A_161] {strides = array<i32>} : memref<2080xi32, #tpu.memory_space<vmem>>, vector<16xi32>,
    tpu.vector_store %arg10[%swap3A_161], %broadcast_in_dim3A_3 {strides = array<i32>} : memref<2080xi32, #tpu.memory_space<vmem>>, vector<16xi32>,
    %swap3A_163 = arith.constant 1280 : index
    %swap3A_164 = tpu.vector_load %arg10[%swap3A_163] {strides = array<i32>} : memref<2080xi32, #tpu.memory_space<vmem>>, vector<16xi32>,
    tpu.vector_store %arg10[%swap3A_163], %broadcast_in_dim3A_3 {strides = array<i32>} : memref<2080xi32, #tpu.memory_space<vmem>>, vector<16xi32>,
    %swap3A_165 = arith.constant 1296 : index
    %swap3A_166 = tpu.vector_load %arg10[%swap3A_165] {strides = array<i32>} : memref<2080xi32, #tpu.memory_space<vmem>>, vector<16xi32>,
    tpu.vector_store %arg10[%swap3A_165], %broadcast_in_dim3A_3 {strides = array<i32>} : memref<2080xi32, #tpu.memory_space<vmem>>, vector<16xi32>,
    %swap3A_167 = arith.constant 1312 : index
    %swap3A_168 = tpu.vector_load %arg10[%swap3A_167] {strides = array<i32>} : memref<2080xi32, #tpu.memory_space<vmem>>, vector<16xi32>,
    tpu.vector_store %arg10[%swap3A_167], %broadcast_in_dim3A_3 {strides = array<i32>} : memref<2080xi32, #tpu.memory_space<vmem>>, vector<16xi32>,
    %swap3A_169 = arith.constant 1328 : index
    %swap3A_170 = tpu.vector_load %arg10[%swap3A_169] {strides = array<i32>} : memref<2080xi32, #tpu.memory_space<vmem>>, vector<16xi32>,
    tpu.vector_store %arg10[%swap3A_169], %broadcast_in_dim3A_3 {strides = array<i32>} : memref<2080xi32, #tpu.memory_space<vmem>>, vector<16xi32>,
    %swap3A_171 = arith.constant 1344 : index
    %swap3A_172 = tpu.vector_load %arg10[%swap3A_171] {strides = array<i32>} : memref<2080xi32, #tpu.memory_space<vmem>>, vector<16xi32>,
    tpu.vector_store %arg10[%swap3A_171], %broadcast_in_dim3A_3 {strides = array<i32>} : memref<2080xi32, #tpu.memory_space<vmem>>, vector<16xi32>,
    %swap3A_173 = arith.constant 1360 : index
    %swap3A_174 = tpu.vector_load %arg10[%swap3A_173] {strides = array<i32>} : memref<2080xi32, #tpu.memory_space<vmem>>, vector<16xi32>,
    tpu.vector_store %arg10[%swap3A_173], %broadcast_in_dim3A_3 {strides = array<i32>} : memref<2080xi32, #tpu.memory_space<vmem>>, vector<16xi32>,
    %swap3A_175 = arith.constant 1376 : index
    %swap3A_176 = tpu.vector_load %arg10[%swap3A_175] {strides = array<i32>} : memref<2080xi32, #tpu.memory_space<vmem>>, vector<16xi32>,
    tpu.vector_store %arg10[%swap3A_175], %broadcast_in_dim3A_3 {strides = array<i32>} : memref<2080xi32, #tpu.memory_space<vmem>>, vector<16xi32>,
    %swap3A_177 = arith.constant 1392 : index
    %swap3A_178 = tpu.vector_load %arg10[%swap3A_177] {strides = array<i32>} : memref<2080xi32, #tpu.memory_space<vmem>>, vector<16xi32>,
    tpu.vector_store %arg10[%swap3A_177], %broadcast_in_dim3A_3 {strides = array<i32>} : memref<2080xi32, #tpu.memory_space<vmem>>, vector<16xi32>,
    %swap3A_179 = arith.constant 1408 : index
    %swap3A_180 = tpu.vector_load %arg10[%swap3A_179] {strides = array<i32>} : memref<2080xi32, #tpu.memory_space<vmem>>, vector<16xi32>,
    tpu.vector_store %arg10[%swap3A_179], %broadcast_in_dim3A_3 {strides = array<i32>} : memref<2080xi32, #tpu.memory_space<vmem>>, vector<16xi32>,
    %swap3A_181 = arith.constant 1424 : index
    %swap3A_182 = tpu.vector_load %arg10[%swap3A_181] {strides = array<i32>} : memref<2080xi32, #tpu.memory_space<vmem>>, vector<16xi32>,
    tpu.vector_store %arg10[%swap3A_181], %broadcast_in_dim3A_3 {strides = array<i32>} : memref<2080xi32, #tpu.memory_space<vmem>>, vector<16xi32>,
    %swap3A_183 = arith.constant 1440 : index
    %swap3A_184 = tpu.vector_load %arg10[%swap3A_183] {strides = array<i32>} : memref<2080xi32, #tpu.memory_space<vmem>>, vector<16xi32>,
    tpu.vector_store %arg10[%swap3A_183], %broadcast_in_dim3A_3 {strides = array<i32>} : memref<2080xi32, #tpu.memory_space<vmem>>, vector<16xi32>,
    %swap3A_185 = arith.constant 1456 : index
    %swap3A_186 = tpu.vector_load %arg10[%swap3A_185] {strides = array<i32>} : memref<2080xi32, #tpu.memory_space<vmem>>, vector<16xi32>,
    tpu.vector_store %arg10[%swap3A_185], %broadcast_in_dim3A_3 {strides = array<i32>} : memref<2080xi32, #tpu.memory_space<vmem>>, vector<16xi32>,
    %swap3A_187 = arith.constant 1472 : index
    %swap3A_188 = tpu.vector_load %arg10[%swap3A_187] {strides = array<i32>} : memref<2080xi32, #tpu.memory_space<vmem>>, vector<16xi32>,
    tpu.vector_store %arg10[%swap3A_187], %broadcast_in_dim3A_3 {strides = array<i32>} : memref<2080xi32, #tpu.memory_space<vmem>>, vector<16xi32>,
    %swap3A_189 = arith.constant 1488 : index
    %swap3A_190 = tpu.vector_load %arg10[%swap3A_189] {strides = array<i32>} : memref<2080xi32, #tpu.memory_space<vmem>>, vector<16xi32>,
    tpu.vector_store %arg10[%swap3A_189], %broadcast_in_dim3A_3 {strides = array<i32>} : memref<2080xi32, #tpu.memory_space<vmem>>, vector<16xi32>,
    %swap3A_191 = arith.constant 1504 : index
    %swap3A_192 = tpu.vector_load %arg10[%swap3A_191] {strides = array<i32>} : memref<2080xi32, #tpu.memory_space<vmem>>, vector<16xi32>,
    tpu.vector_store %arg10[%swap3A_191], %broadcast_in_dim3A_3 {strides = array<i32>} : memref<2080xi32, #tpu.memory_space<vmem>>, vector<16xi32>,
    %swap3A_193 = arith.constant 1520 : index
    %swap3A_194 = tpu.vector_load %arg10[%swap3A_193] {strides = array<i32>} : memref<2080xi32, #tpu.memory_space<vmem>>, vector<16xi32>,
    tpu.vector_store %arg10[%swap3A_193], %broadcast_in_dim3A_3 {strides = array<i32>} : memref<2080xi32, #tpu.memory_space<vmem>>, vector<16xi32>,
    %swap3A_195 = arith.constant 1536 : index
    %swap3A_196 = tpu.vector_load %arg10[%swap3A_195] {strides = array<i32>} : memref<2080xi32, #tpu.memory_space<vmem>>, vector<16xi32>,
    tpu.vector_store %arg10[%swap3A_195], %broadcast_in_dim3A_3 {strides = array<i32>} : memref<2080xi32, #tpu.memory_space<vmem>>, vector<16xi32>,
    %swap3A_197 = arith.constant 1552 : index
    %swap3A_198 = tpu.vector_load %arg10[%swap3A_197] {strides = array<i32>} : memref<2080xi32, #tpu.memory_space<vmem>>, vector<16xi32>,
    tpu.vector_store %arg10[%swap3A_197], %broadcast_in_dim3A_3 {strides = array<i32>} : memref<2080xi32, #tpu.memory_space<vmem>>, vector<16xi32>,
    %swap3A_199 = arith.constant 1568 : index
    %swap3A_200 = tpu.vector_load %arg10[%swap3A_199] {strides = array<i32>} : memref<2080xi32, #tpu.memory_space<vmem>>, vector<16xi32>,
    tpu.vector_store %arg10[%swap3A_199], %broadcast_in_dim3A_3 {strides = array<i32>} : memref<2080xi32, #tpu.memory_space<vmem>>, vector<16xi32>,
    %swap3A_201 = arith.constant 1584 : index
    %swap3A_202 = tpu.vector_load %arg10[%swap3A_201] {strides = array<i32>} : memref<2080xi32, #tpu.memory_space<vmem>>, vector<16xi32>,
    tpu.vector_store %arg10[%swap3A_201], %broadcast_in_dim3A_3 {strides = array<i32>} : memref<2080xi32, #tpu.memory_space<vmem>>, vector<16xi32>,
    %swap3A_203 = arith.constant 1600 : index
    %swap3A_204 = tpu.vector_load %arg10[%swap3A_203] {strides = array<i32>} : memref<2080xi32, #tpu.memory_space<vmem>>, vector<16xi32>,
    tpu.vector_store %arg10[%swap3A_203], %broadcast_in_dim3A_3 {strides = array<i32>} : memref<2080xi32, #tpu.memory_space<vmem>>, vector<16xi32>,
    %swap3A_205 = arith.constant 1616 : index
    %swap3A_206 = tpu.vector_load %arg10[%swap3A_205] {strides = array<i32>} : memref<2080xi32, #tpu.memory_space<vmem>>, vector<16xi32>,
    tpu.vector_store %arg10[%swap3A_205], %broadcast_in_dim3A_3 {strides = array<i32>} : memref<2080xi32, #tpu.memory_space<vmem>>, vector<16xi32>,
    %swap3A_207 = arith.constant 1632 : index
    %swap3A_208 = tpu.vector_load %arg10[%swap3A_207] {strides = array<i32>} : memref<2080xi32, #tpu.memory_space<vmem>>, vector<16xi32>,
    tpu.vector_store %arg10[%swap3A_207], %broadcast_in_dim3A_3 {strides = array<i32>} : memref<2080xi32, #tpu.memory_space<vmem>>, vector<16xi32>,
    %swap3A_209 = arith.constant 1648 : index
    %swap3A_210 = tpu.vector_load %arg10[%swap3A_209] {strides = array<i32>} : memref<2080xi32, #tpu.memory_space<vmem>>, vector<16xi32>,
    tpu.vector_store %arg10[%swap3A_209], %broadcast_in_dim3A_3 {strides = array<i32>} : memref<2080xi32, #tpu.memory_space<vmem>>, vector<16xi32>,
    %swap3A_211 = arith.constant 1664 : index
    %swap3A_212 = tpu.vector_load %arg10[%swap3A_211] {strides = array<i32>} : memref<2080xi32, #tpu.memory_space<vmem>>, vector<16xi32>,
    tpu.vector_store %arg10[%swap3A_211], %broadcast_in_dim3A_3 {strides = array<i32>} : memref<2080xi32, #tpu.memory_space<vmem>>, vector<16xi32>,
    %swap3A_213 = arith.constant 1680 : index
    %swap3A_214 = tpu.vector_load %arg10[%swap3A_213] {strides = array<i32>} : memref<2080xi32, #tpu.memory_space<vmem>>, vector<16xi32>,
    tpu.vector_store %arg10[%swap3A_213], %broadcast_in_dim3A_3 {strides = array<i32>} : memref<2080xi32, #tpu.memory_space<vmem>>, vector<16xi32>,
    %swap3A_215 = arith.constant 1696 : index
    %swap3A_216 = tpu.vector_load %arg10[%swap3A_215] {strides = array<i32>} : memref<2080xi32, #tpu.memory_space<vmem>>, vector<16xi32>,
    tpu.vector_store %arg10[%swap3A_215], %broadcast_in_dim3A_3 {strides = array<i32>} : memref<2080xi32, #tpu.memory_space<vmem>>, vector<16xi32>,
    %swap3A_217 = arith.constant 1712 : index
    %swap3A_218 = tpu.vector_load %arg10[%swap3A_217] {strides = array<i32>} : memref<2080xi32, #tpu.memory_space<vmem>>, vector<16xi32>,
    tpu.vector_store %arg10[%swap3A_217], %broadcast_in_dim3A_3 {strides = array<i32>} : memref<2080xi32, #tpu.memory_space<vmem>>, vector<16xi32>,
    %swap3A_219 = arith.constant 1728 : index
    %swap3A_220 = tpu.vector_load %arg10[%swap3A_219] {strides = array<i32>} : memref<2080xi32, #tpu.memory_space<vmem>>, vector<16xi32>,
    tpu.vector_store %arg10[%swap3A_219], %broadcast_in_dim3A_3 {strides = array<i32>} : memref<2080xi32, #tpu.memory_space<vmem>>, vector<16xi32>,
    %swap3A_221 = arith.constant 1744 : index
    %swap3A_222 = tpu.vector_load %arg10[%swap3A_221] {strides = array<i32>} : memref<2080xi32, #tpu.memory_space<vmem>>, vector<16xi32>,
    tpu.vector_store %arg10[%swap3A_221], %broadcast_in_dim3A_3 {strides = array<i32>} : memref<2080xi32, #tpu.memory_space<vmem>>, vector<16xi32>,
    %swap3A_223 = arith.constant 1760 : index
    %swap3A_224 = tpu.vector_load %arg10[%swap3A_223] {strides = array<i32>} : memref<2080xi32, #tpu.memory_space<vmem>>, vector<16xi32>,
    tpu.vector_store %arg10[%swap3A_223], %broadcast_in_dim3A_3 {strides = array<i32>} : memref<2080xi32, #tpu.memory_space<vmem>>, vector<16xi32>,
    %swap3A_225 = arith.constant 1776 : index
    %swap3A_226 = tpu.vector_load %arg10[%swap3A_225] {strides = array<i32>} : memref<2080xi32, #tpu.memory_space<vmem>>, vector<16xi32>,
    tpu.vector_store %arg10[%swap3A_225], %broadcast_in_dim3A_3 {strides = array<i32>} : memref<2080xi32, #tpu.memory_space<vmem>>, vector<16xi32>,
    %swap3A_227 = arith.constant 1792 : index
    %swap3A_228 = tpu.vector_load %arg10[%swap3A_227] {strides = array<i32>} : memref<2080xi32, #tpu.memory_space<vmem>>, vector<16xi32>,
    tpu.vector_store %arg10[%swap3A_227], %broadcast_in_dim3A_3 {strides = array<i32>} : memref<2080xi32, #tpu.memory_space<vmem>>, vector<16xi32>,
    %swap3A_229 = arith.constant 1808 : index
    %swap3A_230 = tpu.vector_load %arg10[%swap3A_229] {strides = array<i32>} : memref<2080xi32, #tpu.memory_space<vmem>>, vector<16xi32>,
    tpu.vector_store %arg10[%swap3A_229], %broadcast_in_dim3A_3 {strides = array<i32>} : memref<2080xi32, #tpu.memory_space<vmem>>, vector<16xi32>,
    %swap3A_231 = arith.constant 1824 : index
    %swap3A_232 = tpu.vector_load %arg10[%swap3A_231] {strides = array<i32>} : memref<2080xi32, #tpu.memory_space<vmem>>, vector<16xi32>,
    tpu.vector_store %arg10[%swap3A_231], %broadcast_in_dim3A_3 {strides = array<i32>} : memref<2080xi32, #tpu.memory_space<vmem>>, vector<16xi32>,
    %swap3A_233 = arith.constant 1840 : index
    %swap3A_234 = tpu.vector_load %arg10[%swap3A_233] {strides = array<i32>} : memref<2080xi32, #tpu.memory_space<vmem>>, vector<16xi32>,
    tpu.vector_store %arg10[%swap3A_233], %broadcast_in_dim3A_3 {strides = array<i32>} : memref<2080xi32, #tpu.memory_space<vmem>>, vector<16xi32>,
    %swap3A_235 = arith.constant 1856 : index
    %swap3A_236 = tpu.vector_load %arg10[%swap3A_235] {strides = array<i32>} : memref<2080xi32, #tpu.memory_space<vmem>>, vector<16xi32>,
    tpu.vector_store %arg10[%swap3A_235], %broadcast_in_dim3A_3 {strides = array<i32>} : memref<2080xi32, #tpu.memory_space<vmem>>, vector<16xi32>,
    %swap3A_237 = arith.constant 1872 : index
    %swap3A_238 = tpu.vector_load %arg10[%swap3A_237] {strides = array<i32>} : memref<2080xi32, #tpu.memory_space<vmem>>, vector<16xi32>,
    tpu.vector_store %arg10[%swap3A_237], %broadcast_in_dim3A_3 {strides = array<i32>} : memref<2080xi32, #tpu.memory_space<vmem>>, vector<16xi32>,
    %swap3A_239 = arith.constant 1888 : index
    %swap3A_240 = tpu.vector_load %arg10[%swap3A_239] {strides = array<i32>} : memref<2080xi32, #tpu.memory_space<vmem>>, vector<16xi32>,
    tpu.vector_store %arg10[%swap3A_239], %broadcast_in_dim3A_3 {strides = array<i32>} : memref<2080xi32, #tpu.memory_space<vmem>>, vector<16xi32>,
    %swap3A_241 = arith.constant 1904 : index
    %swap3A_242 = tpu.vector_load %arg10[%swap3A_241] {strides = array<i32>} : memref<2080xi32, #tpu.memory_space<vmem>>, vector<16xi32>,
    tpu.vector_store %arg10[%swap3A_241], %broadcast_in_dim3A_3 {strides = array<i32>} : memref<2080xi32, #tpu.memory_space<vmem>>, vector<16xi32>,
    %swap3A_243 = arith.constant 1920 : index
    %swap3A_244 = tpu.vector_load %arg10[%swap3A_243] {strides = array<i32>} : memref<2080xi32, #tpu.memory_space<vmem>>, vector<16xi32>,
    tpu.vector_store %arg10[%swap3A_243], %broadcast_in_dim3A_3 {strides = array<i32>} : memref<2080xi32, #tpu.memory_space<vmem>>, vector<16xi32>,
    %swap3A_245 = arith.constant 1936 : index
    %swap3A_246 = tpu.vector_load %arg10[%swap3A_245] {strides = array<i32>} : memref<2080xi32, #tpu.memory_space<vmem>>, vector<16xi32>,
    tpu.vector_store %arg10[%swap3A_245], %broadcast_in_dim3A_3 {strides = array<i32>} : memref<2080xi32, #tpu.memory_space<vmem>>, vector<16xi32>,
    %swap3A_247 = arith.constant 1952 : index
    %swap3A_248 = tpu.vector_load %arg10[%swap3A_247] {strides = array<i32>} : memref<2080xi32, #tpu.memory_space<vmem>>, vector<16xi32>,
    tpu.vector_store %arg10[%swap3A_247], %broadcast_in_dim3A_3 {strides = array<i32>} : memref<2080xi32, #tpu.memory_space<vmem>>, vector<16xi32>,
    %swap3A_249 = arith.constant 1968 : index
    %swap3A_250 = tpu.vector_load %arg10[%swap3A_249] {strides = array<i32>} : memref<2080xi32, #tpu.memory_space<vmem>>, vector<16xi32>,
    tpu.vector_store %arg10[%swap3A_249], %broadcast_in_dim3A_3 {strides = array<i32>} : memref<2080xi32, #tpu.memory_space<vmem>>, vector<16xi32>,
    %swap3A_251 = arith.constant 1984 : index
    %swap3A_252 = tpu.vector_load %arg10[%swap3A_251] {strides = array<i32>} : memref<2080xi32, #tpu.memory_space<vmem>>, vector<16xi32>,
    tpu.vector_store %arg10[%swap3A_251], %broadcast_in_dim3A_3 {strides = array<i32>} : memref<2080xi32, #tpu.memory_space<vmem>>, vector<16xi32>,
    %swap3A_253 = arith.constant 2000 : index
    %swap3A_254 = tpu.vector_load %arg10[%swap3A_253] {strides = array<i32>} : memref<2080xi32, #tpu.memory_space<vmem>>, vector<16xi32>,
    tpu.vector_store %arg10[%swap3A_253], %broadcast_in_dim3A_3 {strides = array<i32>} : memref<2080xi32, #tpu.memory_space<vmem>>, vector<16xi32>,
    %swap3A_255 = arith.constant 2016 : index
    %swap3A_256 = tpu.vector_load %arg10[%swap3A_255] {strides = array<i32>} : memref<2080xi32, #tpu.memory_space<vmem>>, vector<16xi32>,
    tpu.vector_store %arg10[%swap3A_255], %broadcast_in_dim3A_3 {strides = array<i32>} : memref<2080xi32, #tpu.memory_space<vmem>>, vector<16xi32>,
    %swap3A_257 = arith.constant 2032 : index
    %swap3A_258 = tpu.vector_load %arg10[%swap3A_257] {strides = array<i32>} : memref<2080xi32, #tpu.memory_space<vmem>>, vector<16xi32>,
    tpu.vector_store %arg10[%swap3A_257], %broadcast_in_dim3A_3 {strides = array<i32>} : memref<2080xi32, #tpu.memory_space<vmem>>, vector<16xi32>,
    %swap3A_259 = arith.constant 2048 : index
    %swap3A_260 = tpu.vector_load %arg10[%swap3A_259] {strides = array<i32>} : memref<2080xi32, #tpu.memory_space<vmem>>, vector<16xi32>,
    tpu.vector_store %arg10[%swap3A_259], %broadcast_in_dim3A_3 {strides = array<i32>} : memref<2080xi32, #tpu.memory_space<vmem>>, vector<16xi32>,
    %swap3A_261 = arith.constant 2064 : index
    %swap3A_262 = tpu.vector_load %arg10[%swap3A_261] {strides = array<i32>} : memref<2080xi32, #tpu.memory_space<vmem>>, vector<16xi32>,
    tpu.vector_store %arg10[%swap3A_261], %broadcast_in_dim3A_3 {strides = array<i32>} : memref<2080xi32, #tpu.memory_space<vmem>>, vector<16xi32>,
    %iota3A = tpu.iota {dimensions = array<i32: 0>} : vector<16xi32>
    %broadcast_in_dim3A_263 = arith.constant 1 : i32
    %broadcast_in_dim3A_264 = vector.broadcast %broadcast_in_dim3A_263 : i32 to vector<16xi32>
    %add3A_265 = arith.constant 0 : i32
    %add3A_266 = arith.addi %mul3A_2, %add3A_265 : i32
    %dma_start3A = arith.constant 0 : i32
    %dma_start3A_267 = tpu.memref_slice %arg2[%add3A_266, %dma_start3A] : memref<2048x8192xf32, #tpu.memory_space<hbm>> -> memref<8x4096xf32, #tpu.memory_space<hbm>>
    %dma_start3A_268 = arith.constant 0 : i32
    %dma_start3A_269 = tpu.memref_slice %arg2[%add3A_266, %dma_start3A_268] : memref<2048x8192xf32, #tpu.memory_space<hbm>> -> memref<8x4096xf32, #tpu.memory_space<hbm>>
    tpu.enqueue_dma source(%dma_start3A_269 : memref<8x4096xf32, #tpu.memory_space<hbm>>) target(%arg6 : memref<8x4096xf32, #tpu.memory_space<vmem>>) target_semaphore(%arg11 : memref<!tpu.dma_semaphore, #tpu.memory_space<semaphore_mem>>)
    %add3A_270 = arith.constant 0 : i32
    %add3A_271 = arith.addi %mul3A_2, %add3A_270 : i32
    %dma_start3A_272 = arith.constant 4096 : i32
    %dma_start3A_273 = tpu.memref_slice %arg2[%add3A_271, %dma_start3A_272] : memref<2048x8192xf32, #tpu.memory_space<hbm>> -> memref<8x4096xf32, #tpu.memory_space<hbm>>
    %dma_start3A_274 = arith.constant 4096 : i32
    %dma_start3A_275 = tpu.memref_slice %arg2[%add3A_271, %dma_start3A_274] : memref<2048x8192xf32, #tpu.memory_space<hbm>> -> memref<8x4096xf32, #tpu.memory_space<hbm>>
    tpu.enqueue_dma source(%dma_start3A_275 : memref<8x4096xf32, #tpu.memory_space<hbm>>) target(%arg7 : memref<8x4096xf32, #tpu.memory_space<vmem>>) target_semaphore(%arg12 : memref<!tpu.dma_semaphore, #tpu.memory_space<semaphore_mem>>)
    %add3A_276 = arith.constant 0 : i32
    %add3A_277 = arith.addi %mul3A_2, %add3A_276 : i32
    %dma_wait3A = arith.constant 0 : i32
    %dma_wait3A_278 = tpu.memref_slice %arg2[%add3A_277, %dma_wait3A] : memref<2048x8192xf32, #tpu.memory_space<hbm>> -> memref<8x4096xf32, #tpu.memory_space<hbm>>
    %dma_wait3A_279 = arith.constant 0 : i32
    %dma_wait3A_280 = tpu.memref_slice %arg2[%add3A_277, %dma_wait3A_279] : memref<2048x8192xf32, #tpu.memory_space<hbm>> -> memref<8x4096xf32, #tpu.memory_space<hbm>>
    tpu.wait_dma2 semaphore(%arg11 : memref<!tpu.dma_semaphore, #tpu.memory_space<semaphore_mem>>) src(%dma_wait3A_280 : memref<8x4096xf32, #tpu.memory_space<hbm>>) dst(%arg6 : memref<8x4096xf32, #tpu.memory_space<vmem>>)
    %parallel_loop3A = arith.constant 0 : i32
    %parallel_loop3A_281 = arith.constant 2048 : i32
    %parallel_loop3A_282 = arith.constant 1 : i32
    scf.for %parallel_loop3A_502 = %parallel_loop3A to %parallel_loop3A_281 step %parallel_loop3A_282  : i32 {
      %parallel_loop3A_503 = arith.constant 256 : i32
      %parallel_loop3A_504 = arith.divsi %parallel_loop3A_502, %parallel_loop3A_503 : i32
      %parallel_loop3A_505 = arith.constant 0 : i32
      %parallel_loop3A_506 = arith.cmpi sgt, %parallel_loop3A_502, %parallel_loop3A_505 : i32
      %parallel_loop3A_507 = arith.extui %parallel_loop3A_506 : i1 to i32
      %parallel_loop3A_508 = arith.constant 0 : i32
      %parallel_loop3A_509 = arith.cmpi slt, %parallel_loop3A_502, %parallel_loop3A_508 : i32
      %parallel_loop3A_510 = arith.extui %parallel_loop3A_509 : i1 to i32
      %parallel_loop3A_511 = arith.subi %parallel_loop3A_507, %parallel_loop3A_510 : i32
      %parallel_loop3A_512 = arith.constant 0 : i32
      %parallel_loop3A_513 = arith.cmpi sgt, %parallel_loop3A_503, %parallel_loop3A_512 : i32
      %parallel_loop3A_514 = arith.extui %parallel_loop3A_513 : i1 to i32
      %parallel_loop3A_515 = arith.constant 0 : i32
      %parallel_loop3A_516 = arith.cmpi slt, %parallel_loop3A_503, %parallel_loop3A_515 : i32
      %parallel_loop3A_517 = arith.extui %parallel_loop3A_516 : i1 to i32
      %parallel_loop3A_518 = arith.subi %parallel_loop3A_514, %parallel_loop3A_517 : i32
      %parallel_loop3A_519 = arith.cmpi ne, %parallel_loop3A_511, %parallel_loop3A_518 : i32
      %parallel_loop3A_520 = arith.remsi %parallel_loop3A_502, %parallel_loop3A_503 : i32
      %parallel_loop3A_521 = arith.constant 0 : i32
      %parallel_loop3A_522 = arith.cmpi ne, %parallel_loop3A_520, %parallel_loop3A_521 : i32
      %parallel_loop3A_523 = arith.andi %parallel_loop3A_519, %parallel_loop3A_522 : i1
      %parallel_loop3A_524 = arith.constant 1 : i32
      %parallel_loop3A_525 = arith.subi %parallel_loop3A_504, %parallel_loop3A_524 : i32
      %parallel_loop3A_526 = arith.select %parallel_loop3A_523, %parallel_loop3A_525, %parallel_loop3A_504 : i32
      %parallel_loop3A_527 = arith.constant 256 : i32
      %parallel_loop3A_528 = arith.constant 0 : i32
      %parallel_loop3A_529 = arith.cmpi eq, %parallel_loop3A_527, %parallel_loop3A_528 : i32
      %parallel_loop3A_530 = arith.constant 1 : i32
      %parallel_loop3A_531 = arith.select %parallel_loop3A_529, %parallel_loop3A_530, %parallel_loop3A_527 : i32
      %parallel_loop3A_532 = arith.remsi %parallel_loop3A_502, %parallel_loop3A_531 : i32
      %parallel_loop3A_533 = arith.constant 0 : i32
      %parallel_loop3A_534 = arith.cmpi ne, %parallel_loop3A_532, %parallel_loop3A_533 : i32
      %parallel_loop3A_535 = arith.constant 0 : i32
      %parallel_loop3A_536 = arith.cmpi slt, %parallel_loop3A_532, %parallel_loop3A_535 : i32
      %parallel_loop3A_537 = arith.constant 0 : i32
      %parallel_loop3A_538 = arith.cmpi slt, %parallel_loop3A_531, %parallel_loop3A_537 : i32
      %parallel_loop3A_539 = arith.xori %parallel_loop3A_536, %parallel_loop3A_538 : i1
      %parallel_loop3A_540 = arith.andi %parallel_loop3A_539, %parallel_loop3A_534 : i1
      %parallel_loop3A_541 = arith.addi %parallel_loop3A_532, %parallel_loop3A_531 : i32
      %parallel_loop3A_542 = arith.select %parallel_loop3A_540, %parallel_loop3A_541, %parallel_loop3A_532 : i32
      %parallel_loop3A_543 = arith.constant 16 : i32
      %parallel_loop3A_544 = arith.muli %parallel_loop3A_542, %parallel_loop3A_543 : i32
      %parallel_loop3A_545 = arith.index_cast %parallel_loop3A_526 : i32 to index
      %parallel_loop3A_546 = arith.index_cast %parallel_loop3A_544 : i32 to index
      %parallel_loop3A_547 = tpu.vector_load %arg6[%parallel_loop3A_545, %parallel_loop3A_546] {strides = array<i32>} : memref<8x4096xf32, #tpu.memory_space<vmem>>, vector<16xf32>,
      %parallel_loop3A_548 = vector.bitcast %parallel_loop3A_547 : vector<16xf32> to vector<16xi32>
      %parallel_loop3A_549 = arith.constant 2147483647 : i32
      %parallel_loop3A_550 = vector.broadcast %parallel_loop3A_549 : i32 to vector<16xi32>
      %parallel_loop3A_551 = arith.andi %parallel_loop3A_548, %parallel_loop3A_550 : vector<16xi32>
      %parallel_loop3A_552 = vector.bitcast %parallel_loop3A_551 : vector<16xi32> to vector<16xf32>
      %parallel_loop3A_553 = arith.sitofp %parallel_loop3A_551 : vector<16xi32> to vector<16xf32>
      %parallel_loop3A_554 = arith.constant 1.739070e-07 : f32
      %parallel_loop3A_555 = vector.broadcast %parallel_loop3A_554 : f32 to vector<16xf32>
      %parallel_loop3A_556 = arith.mulf %parallel_loop3A_553, %parallel_loop3A_555 : vector<16xf32>
      %parallel_loop3A_557 = arith.constant 361.649689 : f32
      %parallel_loop3A_558 = vector.broadcast %parallel_loop3A_557 : f32 to vector<16xf32>
      %parallel_loop3A_559 = arith.addf %parallel_loop3A_556, %parallel_loop3A_558 : vector<16xf32>
      %parallel_loop3A_560 = arith.fptosi %parallel_loop3A_559 : vector<16xf32> to vector<16xi32>
      %parallel_loop3A_561 = arith.constant 31 : i32
      %parallel_loop3A_562 = vector.broadcast %parallel_loop3A_561 : i32 to vector<16xi32>
      %parallel_loop3A_563 = arith.shrui %parallel_loop3A_548, %parallel_loop3A_562 : vector<16xi32>
      %parallel_loop3A_564 = arith.constant 9 : i32
      %parallel_loop3A_565 = vector.broadcast %parallel_loop3A_564 : i32 to vector<16xi32>
      %parallel_loop3A_566 = arith.shli %parallel_loop3A_563, %parallel_loop3A_565 : vector<16xi32>
      %parallel_loop3A_567 = arith.addi %parallel_loop3A_560, %parallel_loop3A_566 : vector<16xi32>
      %parallel_loop3A_568 = tpu.vector_load_idx %arg8[%parallel_loop3A_567] : memref<1280xf32, #tpu.memory_space<vmem>>[vector<16xi32>], vector<16xf32>,
      %parallel_loop3A_569 = tpu.vector_load_idx %arg9[%parallel_loop3A_567] : memref<1280xi32, #tpu.memory_space<vmem>>[vector<16xi32>], vector<16xi32>,
      %parallel_loop3A_570 = arith.constant 5 : i32
      %parallel_loop3A_571 = vector.broadcast %parallel_loop3A_570 : i32 to vector<16xi32>
      %parallel_loop3A_572 = arith.shli %parallel_loop3A_563, %parallel_loop3A_571 : vector<16xi32>
      %parallel_loop3A_573 = arith.constant 16 : i32
      %parallel_loop3A_574 = vector.broadcast %parallel_loop3A_573 : i32 to vector<16xi32>
      %parallel_loop3A_575 = arith.subi %parallel_loop3A_574, %parallel_loop3A_572 : vector<16xi32>
      %parallel_loop3A_576 = arith.cmpf oge, %parallel_loop3A_552, %parallel_loop3A_568 : vector<16xf32>
      %parallel_loop3A_577 = arith.constant 0 : i32
      %parallel_loop3A_578 = vector.broadcast %parallel_loop3A_577 : i32 to vector<16xi32>
      %parallel_loop3A_579 = arith.select %parallel_loop3A_576, %parallel_loop3A_575, %parallel_loop3A_578 : vector<16xi1>, vector<16xi32>
      %parallel_loop3A_580 = arith.addi %parallel_loop3A_569, %parallel_loop3A_579 : vector<16xi32>
      %parallel_loop3A_581 = arith.addi %parallel_loop3A_580, %iota3A : vector<16xi32>
      tpu.vector_store_idx %arg10[%parallel_loop3A_581], %broadcast_in_dim3A_264 {add = true} : memref<2080xi32, #tpu.memory_space<vmem>>[vector<16xi32>], vector<16xi32>,
    } {sc.loop_unroll_factor = 4 : i64, sc.parallel_access}
    %add3A_283 = arith.constant 8 : i32
    %add3A_284 = arith.addi %mul3A_2, %add3A_283 : i32
    %dma_start3A_285 = arith.constant 0 : i32
    %dma_start3A_286 = tpu.memref_slice %arg2[%add3A_284, %dma_start3A_285] : memref<2048x8192xf32, #tpu.memory_space<hbm>> -> memref<8x4096xf32, #tpu.memory_space<hbm>>
    %dma_start3A_287 = arith.constant 0 : i32
    %dma_start3A_288 = tpu.memref_slice %arg2[%add3A_284, %dma_start3A_287] : memref<2048x8192xf32, #tpu.memory_space<hbm>> -> memref<8x4096xf32, #tpu.memory_space<hbm>>
    tpu.enqueue_dma source(%dma_start3A_288 : memref<8x4096xf32, #tpu.memory_space<hbm>>) target(%arg6 : memref<8x4096xf32, #tpu.memory_space<vmem>>) target_semaphore(%arg11 : memref<!tpu.dma_semaphore, #tpu.memory_space<semaphore_mem>>)
    %add3A_289 = arith.constant 0 : i32
    %add3A_290 = arith.addi %mul3A_2, %add3A_289 : i32
    %dma_wait3A_291 = arith.constant 4096 : i32
    %dma_wait3A_292 = tpu.memref_slice %arg2[%add3A_290, %dma_wait3A_291] : memref<2048x8192xf32, #tpu.memory_space<hbm>> -> memref<8x4096xf32, #tpu.memory_space<hbm>>
    %dma_wait3A_293 = arith.constant 4096 : i32
    %dma_wait3A_294 = tpu.memref_slice %arg2[%add3A_290, %dma_wait3A_293] : memref<2048x8192xf32, #tpu.memory_space<hbm>> -> memref<8x4096xf32, #tpu.memory_space<hbm>>
    tpu.wait_dma2 semaphore(%arg12 : memref<!tpu.dma_semaphore, #tpu.memory_space<semaphore_mem>>) src(%dma_wait3A_294 : memref<8x4096xf32, #tpu.memory_space<hbm>>) dst(%arg7 : memref<8x4096xf32, #tpu.memory_space<vmem>>)
    %parallel_loop3A_295 = arith.constant 0 : i32
    %parallel_loop3A_296 = arith.constant 2048 : i32
    %parallel_loop3A_297 = arith.constant 1 : i32
    scf.for %parallel_loop3A_502 = %parallel_loop3A_295 to %parallel_loop3A_296 step %parallel_loop3A_297  : i32 {
      %parallel_loop3A_503 = arith.constant 256 : i32
      %parallel_loop3A_504 = arith.divsi %parallel_loop3A_502, %parallel_loop3A_503 : i32
      %parallel_loop3A_505 = arith.constant 0 : i32
      %parallel_loop3A_506 = arith.cmpi sgt, %parallel_loop3A_502, %parallel_loop3A_505 : i32
      %parallel_loop3A_507 = arith.extui %parallel_loop3A_506 : i1 to i32
      %parallel_loop3A_508 = arith.constant 0 : i32
      %parallel_loop3A_509 = arith.cmpi slt, %parallel_loop3A_502, %parallel_loop3A_508 : i32
      %parallel_loop3A_510 = arith.extui %parallel_loop3A_509 : i1 to i32
      %parallel_loop3A_511 = arith.subi %parallel_loop3A_507, %parallel_loop3A_510 : i32
      %parallel_loop3A_512 = arith.constant 0 : i32
      %parallel_loop3A_513 = arith.cmpi sgt, %parallel_loop3A_503, %parallel_loop3A_512 : i32
      %parallel_loop3A_514 = arith.extui %parallel_loop3A_513 : i1 to i32
      %parallel_loop3A_515 = arith.constant 0 : i32
      %parallel_loop3A_516 = arith.cmpi slt, %parallel_loop3A_503, %parallel_loop3A_515 : i32
      %parallel_loop3A_517 = arith.extui %parallel_loop3A_516 : i1 to i32
      %parallel_loop3A_518 = arith.subi %parallel_loop3A_514, %parallel_loop3A_517 : i32
      %parallel_loop3A_519 = arith.cmpi ne, %parallel_loop3A_511, %parallel_loop3A_518 : i32
      %parallel_loop3A_520 = arith.remsi %parallel_loop3A_502, %parallel_loop3A_503 : i32
      %parallel_loop3A_521 = arith.constant 0 : i32
      %parallel_loop3A_522 = arith.cmpi ne, %parallel_loop3A_520, %parallel_loop3A_521 : i32
      %parallel_loop3A_523 = arith.andi %parallel_loop3A_519, %parallel_loop3A_522 : i1
      %parallel_loop3A_524 = arith.constant 1 : i32
      %parallel_loop3A_525 = arith.subi %parallel_loop3A_504, %parallel_loop3A_524 : i32
      %parallel_loop3A_526 = arith.select %parallel_loop3A_523, %parallel_loop3A_525, %parallel_loop3A_504 : i32
      %parallel_loop3A_527 = arith.constant 256 : i32
      %parallel_loop3A_528 = arith.constant 0 : i32
      %parallel_loop3A_529 = arith.cmpi eq, %parallel_loop3A_527, %parallel_loop3A_528 : i32
      %parallel_loop3A_530 = arith.constant 1 : i32
      %parallel_loop3A_531 = arith.select %parallel_loop3A_529, %parallel_loop3A_530, %parallel_loop3A_527 : i32
      %parallel_loop3A_532 = arith.remsi %parallel_loop3A_502, %parallel_loop3A_531 : i32
      %parallel_loop3A_533 = arith.constant 0 : i32
      %parallel_loop3A_534 = arith.cmpi ne, %parallel_loop3A_532, %parallel_loop3A_533 : i32
      %parallel_loop3A_535 = arith.constant 0 : i32
      %parallel_loop3A_536 = arith.cmpi slt, %parallel_loop3A_532, %parallel_loop3A_535 : i32
      %parallel_loop3A_537 = arith.constant 0 : i32
      %parallel_loop3A_538 = arith.cmpi slt, %parallel_loop3A_531, %parallel_loop3A_537 : i32
      %parallel_loop3A_539 = arith.xori %parallel_loop3A_536, %parallel_loop3A_538 : i1
      %parallel_loop3A_540 = arith.andi %parallel_loop3A_539, %parallel_loop3A_534 : i1
      %parallel_loop3A_541 = arith.addi %parallel_loop3A_532, %parallel_loop3A_531 : i32
      %parallel_loop3A_542 = arith.select %parallel_loop3A_540, %parallel_loop3A_541, %parallel_loop3A_532 : i32
      %parallel_loop3A_543 = arith.constant 16 : i32
      %parallel_loop3A_544 = arith.muli %parallel_loop3A_542, %parallel_loop3A_543 : i32
      %parallel_loop3A_545 = arith.index_cast %parallel_loop3A_526 : i32 to index
      %parallel_loop3A_546 = arith.index_cast %parallel_loop3A_544 : i32 to index
      %parallel_loop3A_547 = tpu.vector_load %arg7[%parallel_loop3A_545, %parallel_loop3A_546] {strides = array<i32>} : memref<8x4096xf32, #tpu.memory_space<vmem>>, vector<16xf32>,
      %parallel_loop3A_548 = vector.bitcast %parallel_loop3A_547 : vector<16xf32> to vector<16xi32>
      %parallel_loop3A_549 = arith.constant 2147483647 : i32
      %parallel_loop3A_550 = vector.broadcast %parallel_loop3A_549 : i32 to vector<16xi32>
      %parallel_loop3A_551 = arith.andi %parallel_loop3A_548, %parallel_loop3A_550 : vector<16xi32>
      %parallel_loop3A_552 = vector.bitcast %parallel_loop3A_551 : vector<16xi32> to vector<16xf32>
      %parallel_loop3A_553 = arith.sitofp %parallel_loop3A_551 : vector<16xi32> to vector<16xf32>
      %parallel_loop3A_554 = arith.constant 1.739070e-07 : f32
      %parallel_loop3A_555 = vector.broadcast %parallel_loop3A_554 : f32 to vector<16xf32>
      %parallel_loop3A_556 = arith.mulf %parallel_loop3A_553, %parallel_loop3A_555 : vector<16xf32>
      %parallel_loop3A_557 = arith.constant 361.649689 : f32
      %parallel_loop3A_558 = vector.broadcast %parallel_loop3A_557 : f32 to vector<16xf32>
      %parallel_loop3A_559 = arith.addf %parallel_loop3A_556, %parallel_loop3A_558 : vector<16xf32>
      %parallel_loop3A_560 = arith.fptosi %parallel_loop3A_559 : vector<16xf32> to vector<16xi32>
      %parallel_loop3A_561 = arith.constant 31 : i32
      %parallel_loop3A_562 = vector.broadcast %parallel_loop3A_561 : i32 to vector<16xi32>
      %parallel_loop3A_563 = arith.shrui %parallel_loop3A_548, %parallel_loop3A_562 : vector<16xi32>
      %parallel_loop3A_564 = arith.constant 9 : i32
      %parallel_loop3A_565 = vector.broadcast %parallel_loop3A_564 : i32 to vector<16xi32>
      %parallel_loop3A_566 = arith.shli %parallel_loop3A_563, %parallel_loop3A_565 : vector<16xi32>
      %parallel_loop3A_567 = arith.addi %parallel_loop3A_560, %parallel_loop3A_566 : vector<16xi32>
      %parallel_loop3A_568 = tpu.vector_load_idx %arg8[%parallel_loop3A_567] : memref<1280xf32, #tpu.memory_space<vmem>>[vector<16xi32>], vector<16xf32>,
      %parallel_loop3A_569 = tpu.vector_load_idx %arg9[%parallel_loop3A_567] : memref<1280xi32, #tpu.memory_space<vmem>>[vector<16xi32>], vector<16xi32>,
      %parallel_loop3A_570 = arith.constant 5 : i32
      %parallel_loop3A_571 = vector.broadcast %parallel_loop3A_570 : i32 to vector<16xi32>
      %parallel_loop3A_572 = arith.shli %parallel_loop3A_563, %parallel_loop3A_571 : vector<16xi32>
      %parallel_loop3A_573 = arith.constant 16 : i32
      %parallel_loop3A_574 = vector.broadcast %parallel_loop3A_573 : i32 to vector<16xi32>
      %parallel_loop3A_575 = arith.subi %parallel_loop3A_574, %parallel_loop3A_572 : vector<16xi32>
      %parallel_loop3A_576 = arith.cmpf oge, %parallel_loop3A_552, %parallel_loop3A_568 : vector<16xf32>
      %parallel_loop3A_577 = arith.constant 0 : i32
      %parallel_loop3A_578 = vector.broadcast %parallel_loop3A_577 : i32 to vector<16xi32>
      %parallel_loop3A_579 = arith.select %parallel_loop3A_576, %parallel_loop3A_575, %parallel_loop3A_578 : vector<16xi1>, vector<16xi32>
      %parallel_loop3A_580 = arith.addi %parallel_loop3A_569, %parallel_loop3A_579 : vector<16xi32>
      %parallel_loop3A_581 = arith.addi %parallel_loop3A_580, %iota3A : vector<16xi32>
      tpu.vector_store_idx %arg10[%parallel_loop3A_581], %broadcast_in_dim3A_264 {add = true} : memref<2080xi32, #tpu.memory_space<vmem>>[vector<16xi32>], vector<16xi32>,
    } {sc.loop_unroll_factor = 4 : i64, sc.parallel_access}
    %add3A_298 = arith.constant 8 : i32
    %add3A_299 = arith.addi %mul3A_2, %add3A_298 : i32
    %dma_start3A_300 = arith.constant 4096 : i32
    %dma_start3A_301 = tpu.memref_slice %arg2[%add3A_299, %dma_start3A_300] : memref<2048x8192xf32, #tpu.memory_space<hbm>> -> memref<8x4096xf32, #tpu.memory_space<hbm>>
    %dma_start3A_302 = arith.constant 4096 : i32
    %dma_start3A_303 = tpu.memref_slice %arg2[%add3A_299, %dma_start3A_302] : memref<2048x8192xf32, #tpu.memory_space<hbm>> -> memref<8x4096xf32, #tpu.memory_space<hbm>>
    tpu.enqueue_dma source(%dma_start3A_303 : memref<8x4096xf32, #tpu.memory_space<hbm>>) target(%arg7 : memref<8x4096xf32, #tpu.memory_space<vmem>>) target_semaphore(%arg12 : memref<!tpu.dma_semaphore, #tpu.memory_space<semaphore_mem>>)
    %add3A_304 = arith.constant 8 : i32
    %add3A_305 = arith.addi %mul3A_2, %add3A_304 : i32
    %dma_wait3A_306 = arith.constant 0 : i32
    %dma_wait3A_307 = tpu.memref_slice %arg2[%add3A_305, %dma_wait3A_306] : memref<2048x8192xf32, #tpu.memory_space<hbm>> -> memref<8x4096xf32, #tpu.memory_space<hbm>>
    %dma_wait3A_308 = arith.constant 0 : i32
    %dma_wait3A_309 = tpu.memref_slice %arg2[%add3A_305, %dma_wait3A_308] : memref<2048x8192xf32, #tpu.memory_space<hbm>> -> memref<8x4096xf32, #tpu.memory_space<hbm>>
    tpu.wait_dma2 semaphore(%arg11 : memref<!tpu.dma_semaphore, #tpu.memory_space<semaphore_mem>>) src(%dma_wait3A_309 : memref<8x4096xf32, #tpu.memory_space<hbm>>) dst(%arg6 : memref<8x4096xf32, #tpu.memory_space<vmem>>)
    %parallel_loop3A_310 = arith.constant 0 : i32
    %parallel_loop3A_311 = arith.constant 2048 : i32
    %parallel_loop3A_312 = arith.constant 1 : i32
    scf.for %parallel_loop3A_502 = %parallel_loop3A_310 to %parallel_loop3A_311 step %parallel_loop3A_312  : i32 {
      %parallel_loop3A_503 = arith.constant 256 : i32
      %parallel_loop3A_504 = arith.divsi %parallel_loop3A_502, %parallel_loop3A_503 : i32
      %parallel_loop3A_505 = arith.constant 0 : i32
      %parallel_loop3A_506 = arith.cmpi sgt, %parallel_loop3A_502, %parallel_loop3A_505 : i32
      %parallel_loop3A_507 = arith.extui %parallel_loop3A_506 : i1 to i32
      %parallel_loop3A_508 = arith.constant 0 : i32
      %parallel_loop3A_509 = arith.cmpi slt, %parallel_loop3A_502, %parallel_loop3A_508 : i32
      %parallel_loop3A_510 = arith.extui %parallel_loop3A_509 : i1 to i32
      %parallel_loop3A_511 = arith.subi %parallel_loop3A_507, %parallel_loop3A_510 : i32
      %parallel_loop3A_512 = arith.constant 0 : i32
      %parallel_loop3A_513 = arith.cmpi sgt, %parallel_loop3A_503, %parallel_loop3A_512 : i32
      %parallel_loop3A_514 = arith.extui %parallel_loop3A_513 : i1 to i32
      %parallel_loop3A_515 = arith.constant 0 : i32
      %parallel_loop3A_516 = arith.cmpi slt, %parallel_loop3A_503, %parallel_loop3A_515 : i32
      %parallel_loop3A_517 = arith.extui %parallel_loop3A_516 : i1 to i32
      %parallel_loop3A_518 = arith.subi %parallel_loop3A_514, %parallel_loop3A_517 : i32
      %parallel_loop3A_519 = arith.cmpi ne, %parallel_loop3A_511, %parallel_loop3A_518 : i32
      %parallel_loop3A_520 = arith.remsi %parallel_loop3A_502, %parallel_loop3A_503 : i32
      %parallel_loop3A_521 = arith.constant 0 : i32
      %parallel_loop3A_522 = arith.cmpi ne, %parallel_loop3A_520, %parallel_loop3A_521 : i32
      %parallel_loop3A_523 = arith.andi %parallel_loop3A_519, %parallel_loop3A_522 : i1
      %parallel_loop3A_524 = arith.constant 1 : i32
      %parallel_loop3A_525 = arith.subi %parallel_loop3A_504, %parallel_loop3A_524 : i32
      %parallel_loop3A_526 = arith.select %parallel_loop3A_523, %parallel_loop3A_525, %parallel_loop3A_504 : i32
      %parallel_loop3A_527 = arith.constant 256 : i32
      %parallel_loop3A_528 = arith.constant 0 : i32
      %parallel_loop3A_529 = arith.cmpi eq, %parallel_loop3A_527, %parallel_loop3A_528 : i32
      %parallel_loop3A_530 = arith.constant 1 : i32
      %parallel_loop3A_531 = arith.select %parallel_loop3A_529, %parallel_loop3A_530, %parallel_loop3A_527 : i32
      %parallel_loop3A_532 = arith.remsi %parallel_loop3A_502, %parallel_loop3A_531 : i32
      %parallel_loop3A_533 = arith.constant 0 : i32
      %parallel_loop3A_534 = arith.cmpi ne, %parallel_loop3A_532, %parallel_loop3A_533 : i32
      %parallel_loop3A_535 = arith.constant 0 : i32
      %parallel_loop3A_536 = arith.cmpi slt, %parallel_loop3A_532, %parallel_loop3A_535 : i32
      %parallel_loop3A_537 = arith.constant 0 : i32
      %parallel_loop3A_538 = arith.cmpi slt, %parallel_loop3A_531, %parallel_loop3A_537 : i32
      %parallel_loop3A_539 = arith.xori %parallel_loop3A_536, %parallel_loop3A_538 : i1
      %parallel_loop3A_540 = arith.andi %parallel_loop3A_539, %parallel_loop3A_534 : i1
      %parallel_loop3A_541 = arith.addi %parallel_loop3A_532, %parallel_loop3A_531 : i32
      %parallel_loop3A_542 = arith.select %parallel_loop3A_540, %parallel_loop3A_541, %parallel_loop3A_532 : i32
      %parallel_loop3A_543 = arith.constant 16 : i32
      %parallel_loop3A_544 = arith.muli %parallel_loop3A_542, %parallel_loop3A_543 : i32
      %parallel_loop3A_545 = arith.index_cast %parallel_loop3A_526 : i32 to index
      %parallel_loop3A_546 = arith.index_cast %parallel_loop3A_544 : i32 to index
      %parallel_loop3A_547 = tpu.vector_load %arg6[%parallel_loop3A_545, %parallel_loop3A_546] {strides = array<i32>} : memref<8x4096xf32, #tpu.memory_space<vmem>>, vector<16xf32>,
      %parallel_loop3A_548 = vector.bitcast %parallel_loop3A_547 : vector<16xf32> to vector<16xi32>
      %parallel_loop3A_549 = arith.constant 2147483647 : i32
      %parallel_loop3A_550 = vector.broadcast %parallel_loop3A_549 : i32 to vector<16xi32>
      %parallel_loop3A_551 = arith.andi %parallel_loop3A_548, %parallel_loop3A_550 : vector<16xi32>
      %parallel_loop3A_552 = vector.bitcast %parallel_loop3A_551 : vector<16xi32> to vector<16xf32>
      %parallel_loop3A_553 = arith.sitofp %parallel_loop3A_551 : vector<16xi32> to vector<16xf32>
      %parallel_loop3A_554 = arith.constant 1.739070e-07 : f32
      %parallel_loop3A_555 = vector.broadcast %parallel_loop3A_554 : f32 to vector<16xf32>
      %parallel_loop3A_556 = arith.mulf %parallel_loop3A_553, %parallel_loop3A_555 : vector<16xf32>
      %parallel_loop3A_557 = arith.constant 361.649689 : f32
      %parallel_loop3A_558 = vector.broadcast %parallel_loop3A_557 : f32 to vector<16xf32>
      %parallel_loop3A_559 = arith.addf %parallel_loop3A_556, %parallel_loop3A_558 : vector<16xf32>
      %parallel_loop3A_560 = arith.fptosi %parallel_loop3A_559 : vector<16xf32> to vector<16xi32>
      %parallel_loop3A_561 = arith.constant 31 : i32
      %parallel_loop3A_562 = vector.broadcast %parallel_loop3A_561 : i32 to vector<16xi32>
      %parallel_loop3A_563 = arith.shrui %parallel_loop3A_548, %parallel_loop3A_562 : vector<16xi32>
      %parallel_loop3A_564 = arith.constant 9 : i32
      %parallel_loop3A_565 = vector.broadcast %parallel_loop3A_564 : i32 to vector<16xi32>
      %parallel_loop3A_566 = arith.shli %parallel_loop3A_563, %parallel_loop3A_565 : vector<16xi32>
      %parallel_loop3A_567 = arith.addi %parallel_loop3A_560, %parallel_loop3A_566 : vector<16xi32>
      %parallel_loop3A_568 = tpu.vector_load_idx %arg8[%parallel_loop3A_567] : memref<1280xf32, #tpu.memory_space<vmem>>[vector<16xi32>], vector<16xf32>,
      %parallel_loop3A_569 = tpu.vector_load_idx %arg9[%parallel_loop3A_567] : memref<1280xi32, #tpu.memory_space<vmem>>[vector<16xi32>], vector<16xi32>,
      %parallel_loop3A_570 = arith.constant 5 : i32
      %parallel_loop3A_571 = vector.broadcast %parallel_loop3A_570 : i32 to vector<16xi32>
      %parallel_loop3A_572 = arith.shli %parallel_loop3A_563, %parallel_loop3A_571 : vector<16xi32>
      %parallel_loop3A_573 = arith.constant 16 : i32
      %parallel_loop3A_574 = vector.broadcast %parallel_loop3A_573 : i32 to vector<16xi32>
      %parallel_loop3A_575 = arith.subi %parallel_loop3A_574, %parallel_loop3A_572 : vector<16xi32>
      %parallel_loop3A_576 = arith.cmpf oge, %parallel_loop3A_552, %parallel_loop3A_568 : vector<16xf32>
      %parallel_loop3A_577 = arith.constant 0 : i32
      %parallel_loop3A_578 = vector.broadcast %parallel_loop3A_577 : i32 to vector<16xi32>
      %parallel_loop3A_579 = arith.select %parallel_loop3A_576, %parallel_loop3A_575, %parallel_loop3A_578 : vector<16xi1>, vector<16xi32>
      %parallel_loop3A_580 = arith.addi %parallel_loop3A_569, %parallel_loop3A_579 : vector<16xi32>
      %parallel_loop3A_581 = arith.addi %parallel_loop3A_580, %iota3A : vector<16xi32>
      tpu.vector_store_idx %arg10[%parallel_loop3A_581], %broadcast_in_dim3A_264 {add = true} : memref<2080xi32, #tpu.memory_space<vmem>>[vector<16xi32>], vector<16xi32>,
    } {sc.loop_unroll_factor = 4 : i64, sc.parallel_access}
    %add3A_313 = arith.constant 16 : i32
    %add3A_314 = arith.addi %mul3A_2, %add3A_313 : i32
    %dma_start3A_315 = arith.constant 0 : i32
    %dma_start3A_316 = tpu.memref_slice %arg2[%add3A_314, %dma_start3A_315] : memref<2048x8192xf32, #tpu.memory_space<hbm>> -> memref<8x4096xf32, #tpu.memory_space<hbm>>
    %dma_start3A_317 = arith.constant 0 : i32
    %dma_start3A_318 = tpu.memref_slice %arg2[%add3A_314, %dma_start3A_317] : memref<2048x8192xf32, #tpu.memory_space<hbm>> -> memref<8x4096xf32, #tpu.memory_space<hbm>>
    tpu.enqueue_dma source(%dma_start3A_318 : memref<8x4096xf32, #tpu.memory_space<hbm>>) target(%arg6 : memref<8x4096xf32, #tpu.memory_space<vmem>>) target_semaphore(%arg11 : memref<!tpu.dma_semaphore, #tpu.memory_space<semaphore_mem>>)
    %add3A_319 = arith.constant 8 : i32
    %add3A_320 = arith.addi %mul3A_2, %add3A_319 : i32
    %dma_wait3A_321 = arith.constant 4096 : i32
    %dma_wait3A_322 = tpu.memref_slice %arg2[%add3A_320, %dma_wait3A_321] : memref<2048x8192xf32, #tpu.memory_space<hbm>> -> memref<8x4096xf32, #tpu.memory_space<hbm>>
    %dma_wait3A_323 = arith.constant 4096 : i32
    %dma_wait3A_324 = tpu.memref_slice %arg2[%add3A_320, %dma_wait3A_323] : memref<2048x8192xf32, #tpu.memory_space<hbm>> -> memref<8x4096xf32, #tpu.memory_space<hbm>>
    tpu.wait_dma2 semaphore(%arg12 : memref<!tpu.dma_semaphore, #tpu.memory_space<semaphore_mem>>) src(%dma_wait3A_324 : memref<8x4096xf32, #tpu.memory_space<hbm>>) dst(%arg7 : memref<8x4096xf32, #tpu.memory_space<vmem>>)
    %parallel_loop3A_325 = arith.constant 0 : i32
    %parallel_loop3A_326 = arith.constant 2048 : i32
    %parallel_loop3A_327 = arith.constant 1 : i32
    scf.for %parallel_loop3A_502 = %parallel_loop3A_325 to %parallel_loop3A_326 step %parallel_loop3A_327  : i32 {
      %parallel_loop3A_503 = arith.constant 256 : i32
      %parallel_loop3A_504 = arith.divsi %parallel_loop3A_502, %parallel_loop3A_503 : i32
      %parallel_loop3A_505 = arith.constant 0 : i32
      %parallel_loop3A_506 = arith.cmpi sgt, %parallel_loop3A_502, %parallel_loop3A_505 : i32
      %parallel_loop3A_507 = arith.extui %parallel_loop3A_506 : i1 to i32
      %parallel_loop3A_508 = arith.constant 0 : i32
      %parallel_loop3A_509 = arith.cmpi slt, %parallel_loop3A_502, %parallel_loop3A_508 : i32
      %parallel_loop3A_510 = arith.extui %parallel_loop3A_509 : i1 to i32
      %parallel_loop3A_511 = arith.subi %parallel_loop3A_507, %parallel_loop3A_510 : i32
      %parallel_loop3A_512 = arith.constant 0 : i32
      %parallel_loop3A_513 = arith.cmpi sgt, %parallel_loop3A_503, %parallel_loop3A_512 : i32
      %parallel_loop3A_514 = arith.extui %parallel_loop3A_513 : i1 to i32
      %parallel_loop3A_515 = arith.constant 0 : i32
      %parallel_loop3A_516 = arith.cmpi slt, %parallel_loop3A_503, %parallel_loop3A_515 : i32
      %parallel_loop3A_517 = arith.extui %parallel_loop3A_516 : i1 to i32
      %parallel_loop3A_518 = arith.subi %parallel_loop3A_514, %parallel_loop3A_517 : i32
      %parallel_loop3A_519 = arith.cmpi ne, %parallel_loop3A_511, %parallel_loop3A_518 : i32
      %parallel_loop3A_520 = arith.remsi %parallel_loop3A_502, %parallel_loop3A_503 : i32
      %parallel_loop3A_521 = arith.constant 0 : i32
      %parallel_loop3A_522 = arith.cmpi ne, %parallel_loop3A_520, %parallel_loop3A_521 : i32
      %parallel_loop3A_523 = arith.andi %parallel_loop3A_519, %parallel_loop3A_522 : i1
      %parallel_loop3A_524 = arith.constant 1 : i32
      %parallel_loop3A_525 = arith.subi %parallel_loop3A_504, %parallel_loop3A_524 : i32
      %parallel_loop3A_526 = arith.select %parallel_loop3A_523, %parallel_loop3A_525, %parallel_loop3A_504 : i32
      %parallel_loop3A_527 = arith.constant 256 : i32
      %parallel_loop3A_528 = arith.constant 0 : i32
      %parallel_loop3A_529 = arith.cmpi eq, %parallel_loop3A_527, %parallel_loop3A_528 : i32
      %parallel_loop3A_530 = arith.constant 1 : i32
      %parallel_loop3A_531 = arith.select %parallel_loop3A_529, %parallel_loop3A_530, %parallel_loop3A_527 : i32
      %parallel_loop3A_532 = arith.remsi %parallel_loop3A_502, %parallel_loop3A_531 : i32
      %parallel_loop3A_533 = arith.constant 0 : i32
      %parallel_loop3A_534 = arith.cmpi ne, %parallel_loop3A_532, %parallel_loop3A_533 : i32
      %parallel_loop3A_535 = arith.constant 0 : i32
      %parallel_loop3A_536 = arith.cmpi slt, %parallel_loop3A_532, %parallel_loop3A_535 : i32
      %parallel_loop3A_537 = arith.constant 0 : i32
      %parallel_loop3A_538 = arith.cmpi slt, %parallel_loop3A_531, %parallel_loop3A_537 : i32
      %parallel_loop3A_539 = arith.xori %parallel_loop3A_536, %parallel_loop3A_538 : i1
      %parallel_loop3A_540 = arith.andi %parallel_loop3A_539, %parallel_loop3A_534 : i1
      %parallel_loop3A_541 = arith.addi %parallel_loop3A_532, %parallel_loop3A_531 : i32
      %parallel_loop3A_542 = arith.select %parallel_loop3A_540, %parallel_loop3A_541, %parallel_loop3A_532 : i32
      %parallel_loop3A_543 = arith.constant 16 : i32
      %parallel_loop3A_544 = arith.muli %parallel_loop3A_542, %parallel_loop3A_543 : i32
      %parallel_loop3A_545 = arith.index_cast %parallel_loop3A_526 : i32 to index
      %parallel_loop3A_546 = arith.index_cast %parallel_loop3A_544 : i32 to index
      %parallel_loop3A_547 = tpu.vector_load %arg7[%parallel_loop3A_545, %parallel_loop3A_546] {strides = array<i32>} : memref<8x4096xf32, #tpu.memory_space<vmem>>, vector<16xf32>,
      %parallel_loop3A_548 = vector.bitcast %parallel_loop3A_547 : vector<16xf32> to vector<16xi32>
      %parallel_loop3A_549 = arith.constant 2147483647 : i32
      %parallel_loop3A_550 = vector.broadcast %parallel_loop3A_549 : i32 to vector<16xi32>
      %parallel_loop3A_551 = arith.andi %parallel_loop3A_548, %parallel_loop3A_550 : vector<16xi32>
      %parallel_loop3A_552 = vector.bitcast %parallel_loop3A_551 : vector<16xi32> to vector<16xf32>
      %parallel_loop3A_553 = arith.sitofp %parallel_loop3A_551 : vector<16xi32> to vector<16xf32>
      %parallel_loop3A_554 = arith.constant 1.739070e-07 : f32
      %parallel_loop3A_555 = vector.broadcast %parallel_loop3A_554 : f32 to vector<16xf32>
      %parallel_loop3A_556 = arith.mulf %parallel_loop3A_553, %parallel_loop3A_555 : vector<16xf32>
      %parallel_loop3A_557 = arith.constant 361.649689 : f32
      %parallel_loop3A_558 = vector.broadcast %parallel_loop3A_557 : f32 to vector<16xf32>
      %parallel_loop3A_559 = arith.addf %parallel_loop3A_556, %parallel_loop3A_558 : vector<16xf32>
      %parallel_loop3A_560 = arith.fptosi %parallel_loop3A_559 : vector<16xf32> to vector<16xi32>
      %parallel_loop3A_561 = arith.constant 31 : i32
      %parallel_loop3A_562 = vector.broadcast %parallel_loop3A_561 : i32 to vector<16xi32>
      %parallel_loop3A_563 = arith.shrui %parallel_loop3A_548, %parallel_loop3A_562 : vector<16xi32>
      %parallel_loop3A_564 = arith.constant 9 : i32
      %parallel_loop3A_565 = vector.broadcast %parallel_loop3A_564 : i32 to vector<16xi32>
      %parallel_loop3A_566 = arith.shli %parallel_loop3A_563, %parallel_loop3A_565 : vector<16xi32>
      %parallel_loop3A_567 = arith.addi %parallel_loop3A_560, %parallel_loop3A_566 : vector<16xi32>
      %parallel_loop3A_568 = tpu.vector_load_idx %arg8[%parallel_loop3A_567] : memref<1280xf32, #tpu.memory_space<vmem>>[vector<16xi32>], vector<16xf32>,
      %parallel_loop3A_569 = tpu.vector_load_idx %arg9[%parallel_loop3A_567] : memref<1280xi32, #tpu.memory_space<vmem>>[vector<16xi32>], vector<16xi32>,
      %parallel_loop3A_570 = arith.constant 5 : i32
      %parallel_loop3A_571 = vector.broadcast %parallel_loop3A_570 : i32 to vector<16xi32>
      %parallel_loop3A_572 = arith.shli %parallel_loop3A_563, %parallel_loop3A_571 : vector<16xi32>
      %parallel_loop3A_573 = arith.constant 16 : i32
      %parallel_loop3A_574 = vector.broadcast %parallel_loop3A_573 : i32 to vector<16xi32>
      %parallel_loop3A_575 = arith.subi %parallel_loop3A_574, %parallel_loop3A_572 : vector<16xi32>
      %parallel_loop3A_576 = arith.cmpf oge, %parallel_loop3A_552, %parallel_loop3A_568 : vector<16xf32>
      %parallel_loop3A_577 = arith.constant 0 : i32
      %parallel_loop3A_578 = vector.broadcast %parallel_loop3A_577 : i32 to vector<16xi32>
      %parallel_loop3A_579 = arith.select %parallel_loop3A_576, %parallel_loop3A_575, %parallel_loop3A_578 : vector<16xi1>, vector<16xi32>
      %parallel_loop3A_580 = arith.addi %parallel_loop3A_569, %parallel_loop3A_579 : vector<16xi32>
      %parallel_loop3A_581 = arith.addi %parallel_loop3A_580, %iota3A : vector<16xi32>
      tpu.vector_store_idx %arg10[%parallel_loop3A_581], %broadcast_in_dim3A_264 {add = true} : memref<2080xi32, #tpu.memory_space<vmem>>[vector<16xi32>], vector<16xi32>,
    } {sc.loop_unroll_factor = 4 : i64, sc.parallel_access}
    %add3A_328 = arith.constant 16 : i32
    %add3A_329 = arith.addi %mul3A_2, %add3A_328 : i32
    %dma_start3A_330 = arith.constant 4096 : i32
    %dma_start3A_331 = tpu.memref_slice %arg2[%add3A_329, %dma_start3A_330] : memref<2048x8192xf32, #tpu.memory_space<hbm>> -> memref<8x4096xf32, #tpu.memory_space<hbm>>
    %dma_start3A_332 = arith.constant 4096 : i32
    %dma_start3A_333 = tpu.memref_slice %arg2[%add3A_329, %dma_start3A_332] : memref<2048x8192xf32, #tpu.memory_space<hbm>> -> memref<8x4096xf32, #tpu.memory_space<hbm>>
    tpu.enqueue_dma source(%dma_start3A_333 : memref<8x4096xf32, #tpu.memory_space<hbm>>) target(%arg7 : memref<8x4096xf32, #tpu.memory_space<vmem>>) target_semaphore(%arg12 : memref<!tpu.dma_semaphore, #tpu.memory_space<semaphore_mem>>)
    %add3A_334 = arith.constant 16 : i32
    %add3A_335 = arith.addi %mul3A_2, %add3A_334 : i32
    %dma_wait3A_336 = arith.constant 0 : i32
    %dma_wait3A_337 = tpu.memref_slice %arg2[%add3A_335, %dma_wait3A_336] : memref<2048x8192xf32, #tpu.memory_space<hbm>> -> memref<8x4096xf32, #tpu.memory_space<hbm>>
    %dma_wait3A_338 = arith.constant 0 : i32
    %dma_wait3A_339 = tpu.memref_slice %arg2[%add3A_335, %dma_wait3A_338] : memref<2048x8192xf32, #tpu.memory_space<hbm>> -> memref<8x4096xf32, #tpu.memory_space<hbm>>
    tpu.wait_dma2 semaphore(%arg11 : memref<!tpu.dma_semaphore, #tpu.memory_space<semaphore_mem>>) src(%dma_wait3A_339 : memref<8x4096xf32, #tpu.memory_space<hbm>>) dst(%arg6 : memref<8x4096xf32, #tpu.memory_space<vmem>>)
    %parallel_loop3A_340 = arith.constant 0 : i32
    %parallel_loop3A_341 = arith.constant 2048 : i32
    %parallel_loop3A_342 = arith.constant 1 : i32
    scf.for %parallel_loop3A_502 = %parallel_loop3A_340 to %parallel_loop3A_341 step %parallel_loop3A_342  : i32 {
      %parallel_loop3A_503 = arith.constant 256 : i32
      %parallel_loop3A_504 = arith.divsi %parallel_loop3A_502, %parallel_loop3A_503 : i32
      %parallel_loop3A_505 = arith.constant 0 : i32
      %parallel_loop3A_506 = arith.cmpi sgt, %parallel_loop3A_502, %parallel_loop3A_505 : i32
      %parallel_loop3A_507 = arith.extui %parallel_loop3A_506 : i1 to i32
      %parallel_loop3A_508 = arith.constant 0 : i32
      %parallel_loop3A_509 = arith.cmpi slt, %parallel_loop3A_502, %parallel_loop3A_508 : i32
      %parallel_loop3A_510 = arith.extui %parallel_loop3A_509 : i1 to i32
      %parallel_loop3A_511 = arith.subi %parallel_loop3A_507, %parallel_loop3A_510 : i32
      %parallel_loop3A_512 = arith.constant 0 : i32
      %parallel_loop3A_513 = arith.cmpi sgt, %parallel_loop3A_503, %parallel_loop3A_512 : i32
      %parallel_loop3A_514 = arith.extui %parallel_loop3A_513 : i1 to i32
      %parallel_loop3A_515 = arith.constant 0 : i32
      %parallel_loop3A_516 = arith.cmpi slt, %parallel_loop3A_503, %parallel_loop3A_515 : i32
      %parallel_loop3A_517 = arith.extui %parallel_loop3A_516 : i1 to i32
      %parallel_loop3A_518 = arith.subi %parallel_loop3A_514, %parallel_loop3A_517 : i32
      %parallel_loop3A_519 = arith.cmpi ne, %parallel_loop3A_511, %parallel_loop3A_518 : i32
      %parallel_loop3A_520 = arith.remsi %parallel_loop3A_502, %parallel_loop3A_503 : i32
      %parallel_loop3A_521 = arith.constant 0 : i32
      %parallel_loop3A_522 = arith.cmpi ne, %parallel_loop3A_520, %parallel_loop3A_521 : i32
      %parallel_loop3A_523 = arith.andi %parallel_loop3A_519, %parallel_loop3A_522 : i1
      %parallel_loop3A_524 = arith.constant 1 : i32
      %parallel_loop3A_525 = arith.subi %parallel_loop3A_504, %parallel_loop3A_524 : i32
      %parallel_loop3A_526 = arith.select %parallel_loop3A_523, %parallel_loop3A_525, %parallel_loop3A_504 : i32
      %parallel_loop3A_527 = arith.constant 256 : i32
      %parallel_loop3A_528 = arith.constant 0 : i32
      %parallel_loop3A_529 = arith.cmpi eq, %parallel_loop3A_527, %parallel_loop3A_528 : i32
      %parallel_loop3A_530 = arith.constant 1 : i32
      %parallel_loop3A_531 = arith.select %parallel_loop3A_529, %parallel_loop3A_530, %parallel_loop3A_527 : i32
      %parallel_loop3A_532 = arith.remsi %parallel_loop3A_502, %parallel_loop3A_531 : i32
      %parallel_loop3A_533 = arith.constant 0 : i32
      %parallel_loop3A_534 = arith.cmpi ne, %parallel_loop3A_532, %parallel_loop3A_533 : i32
      %parallel_loop3A_535 = arith.constant 0 : i32
      %parallel_loop3A_536 = arith.cmpi slt, %parallel_loop3A_532, %parallel_loop3A_535 : i32
      %parallel_loop3A_537 = arith.constant 0 : i32
      %parallel_loop3A_538 = arith.cmpi slt, %parallel_loop3A_531, %parallel_loop3A_537 : i32
      %parallel_loop3A_539 = arith.xori %parallel_loop3A_536, %parallel_loop3A_538 : i1
      %parallel_loop3A_540 = arith.andi %parallel_loop3A_539, %parallel_loop3A_534 : i1
      %parallel_loop3A_541 = arith.addi %parallel_loop3A_532, %parallel_loop3A_531 : i32
      %parallel_loop3A_542 = arith.select %parallel_loop3A_540, %parallel_loop3A_541, %parallel_loop3A_532 : i32
      %parallel_loop3A_543 = arith.constant 16 : i32
      %parallel_loop3A_544 = arith.muli %parallel_loop3A_542, %parallel_loop3A_543 : i32
      %parallel_loop3A_545 = arith.index_cast %parallel_loop3A_526 : i32 to index
      %parallel_loop3A_546 = arith.index_cast %parallel_loop3A_544 : i32 to index
      %parallel_loop3A_547 = tpu.vector_load %arg6[%parallel_loop3A_545, %parallel_loop3A_546] {strides = array<i32>} : memref<8x4096xf32, #tpu.memory_space<vmem>>, vector<16xf32>,
      %parallel_loop3A_548 = vector.bitcast %parallel_loop3A_547 : vector<16xf32> to vector<16xi32>
      %parallel_loop3A_549 = arith.constant 2147483647 : i32
      %parallel_loop3A_550 = vector.broadcast %parallel_loop3A_549 : i32 to vector<16xi32>
      %parallel_loop3A_551 = arith.andi %parallel_loop3A_548, %parallel_loop3A_550 : vector<16xi32>
      %parallel_loop3A_552 = vector.bitcast %parallel_loop3A_551 : vector<16xi32> to vector<16xf32>
      %parallel_loop3A_553 = arith.sitofp %parallel_loop3A_551 : vector<16xi32> to vector<16xf32>
      %parallel_loop3A_554 = arith.constant 1.739070e-07 : f32
      %parallel_loop3A_555 = vector.broadcast %parallel_loop3A_554 : f32 to vector<16xf32>
      %parallel_loop3A_556 = arith.mulf %parallel_loop3A_553, %parallel_loop3A_555 : vector<16xf32>
      %parallel_loop3A_557 = arith.constant 361.649689 : f32
      %parallel_loop3A_558 = vector.broadcast %parallel_loop3A_557 : f32 to vector<16xf32>
      %parallel_loop3A_559 = arith.addf %parallel_loop3A_556, %parallel_loop3A_558 : vector<16xf32>
      %parallel_loop3A_560 = arith.fptosi %parallel_loop3A_559 : vector<16xf32> to vector<16xi32>
      %parallel_loop3A_561 = arith.constant 31 : i32
      %parallel_loop3A_562 = vector.broadcast %parallel_loop3A_561 : i32 to vector<16xi32>
      %parallel_loop3A_563 = arith.shrui %parallel_loop3A_548, %parallel_loop3A_562 : vector<16xi32>
      %parallel_loop3A_564 = arith.constant 9 : i32
      %parallel_loop3A_565 = vector.broadcast %parallel_loop3A_564 : i32 to vector<16xi32>
      %parallel_loop3A_566 = arith.shli %parallel_loop3A_563, %parallel_loop3A_565 : vector<16xi32>
      %parallel_loop3A_567 = arith.addi %parallel_loop3A_560, %parallel_loop3A_566 : vector<16xi32>
      %parallel_loop3A_568 = tpu.vector_load_idx %arg8[%parallel_loop3A_567] : memref<1280xf32, #tpu.memory_space<vmem>>[vector<16xi32>], vector<16xf32>,
      %parallel_loop3A_569 = tpu.vector_load_idx %arg9[%parallel_loop3A_567] : memref<1280xi32, #tpu.memory_space<vmem>>[vector<16xi32>], vector<16xi32>,
      %parallel_loop3A_570 = arith.constant 5 : i32
      %parallel_loop3A_571 = vector.broadcast %parallel_loop3A_570 : i32 to vector<16xi32>
      %parallel_loop3A_572 = arith.shli %parallel_loop3A_563, %parallel_loop3A_571 : vector<16xi32>
      %parallel_loop3A_573 = arith.constant 16 : i32
      %parallel_loop3A_574 = vector.broadcast %parallel_loop3A_573 : i32 to vector<16xi32>
      %parallel_loop3A_575 = arith.subi %parallel_loop3A_574, %parallel_loop3A_572 : vector<16xi32>
      %parallel_loop3A_576 = arith.cmpf oge, %parallel_loop3A_552, %parallel_loop3A_568 : vector<16xf32>
      %parallel_loop3A_577 = arith.constant 0 : i32
      %parallel_loop3A_578 = vector.broadcast %parallel_loop3A_577 : i32 to vector<16xi32>
      %parallel_loop3A_579 = arith.select %parallel_loop3A_576, %parallel_loop3A_575, %parallel_loop3A_578 : vector<16xi1>, vector<16xi32>
      %parallel_loop3A_580 = arith.addi %parallel_loop3A_569, %parallel_loop3A_579 : vector<16xi32>
      %parallel_loop3A_581 = arith.addi %parallel_loop3A_580, %iota3A : vector<16xi32>
      tpu.vector_store_idx %arg10[%parallel_loop3A_581], %broadcast_in_dim3A_264 {add = true} : memref<2080xi32, #tpu.memory_space<vmem>>[vector<16xi32>], vector<16xi32>,
    } {sc.loop_unroll_factor = 4 : i64, sc.parallel_access}
    %add3A_343 = arith.constant 24 : i32
    %add3A_344 = arith.addi %mul3A_2, %add3A_343 : i32
    %dma_start3A_345 = arith.constant 0 : i32
    %dma_start3A_346 = tpu.memref_slice %arg2[%add3A_344, %dma_start3A_345] : memref<2048x8192xf32, #tpu.memory_space<hbm>> -> memref<8x4096xf32, #tpu.memory_space<hbm>>
    %dma_start3A_347 = arith.constant 0 : i32
    %dma_start3A_348 = tpu.memref_slice %arg2[%add3A_344, %dma_start3A_347] : memref<2048x8192xf32, #tpu.memory_space<hbm>> -> memref<8x4096xf32, #tpu.memory_space<hbm>>
    tpu.enqueue_dma source(%dma_start3A_348 : memref<8x4096xf32, #tpu.memory_space<hbm>>) target(%arg6 : memref<8x4096xf32, #tpu.memory_space<vmem>>) target_semaphore(%arg11 : memref<!tpu.dma_semaphore, #tpu.memory_space<semaphore_mem>>)
    %add3A_349 = arith.constant 16 : i32
    %add3A_350 = arith.addi %mul3A_2, %add3A_349 : i32
    %dma_wait3A_351 = arith.constant 4096 : i32
    %dma_wait3A_352 = tpu.memref_slice %arg2[%add3A_350, %dma_wait3A_351] : memref<2048x8192xf32, #tpu.memory_space<hbm>> -> memref<8x4096xf32, #tpu.memory_space<hbm>>
    %dma_wait3A_353 = arith.constant 4096 : i32
    %dma_wait3A_354 = tpu.memref_slice %arg2[%add3A_350, %dma_wait3A_353] : memref<2048x8192xf32, #tpu.memory_space<hbm>> -> memref<8x4096xf32, #tpu.memory_space<hbm>>
    tpu.wait_dma2 semaphore(%arg12 : memref<!tpu.dma_semaphore, #tpu.memory_space<semaphore_mem>>) src(%dma_wait3A_354 : memref<8x4096xf32, #tpu.memory_space<hbm>>) dst(%arg7 : memref<8x4096xf32, #tpu.memory_space<vmem>>)
    %parallel_loop3A_355 = arith.constant 0 : i32
    %parallel_loop3A_356 = arith.constant 2048 : i32
    %parallel_loop3A_357 = arith.constant 1 : i32
    scf.for %parallel_loop3A_502 = %parallel_loop3A_355 to %parallel_loop3A_356 step %parallel_loop3A_357  : i32 {
      %parallel_loop3A_503 = arith.constant 256 : i32
      %parallel_loop3A_504 = arith.divsi %parallel_loop3A_502, %parallel_loop3A_503 : i32
      %parallel_loop3A_505 = arith.constant 0 : i32
      %parallel_loop3A_506 = arith.cmpi sgt, %parallel_loop3A_502, %parallel_loop3A_505 : i32
      %parallel_loop3A_507 = arith.extui %parallel_loop3A_506 : i1 to i32
      %parallel_loop3A_508 = arith.constant 0 : i32
      %parallel_loop3A_509 = arith.cmpi slt, %parallel_loop3A_502, %parallel_loop3A_508 : i32
      %parallel_loop3A_510 = arith.extui %parallel_loop3A_509 : i1 to i32
      %parallel_loop3A_511 = arith.subi %parallel_loop3A_507, %parallel_loop3A_510 : i32
      %parallel_loop3A_512 = arith.constant 0 : i32
      %parallel_loop3A_513 = arith.cmpi sgt, %parallel_loop3A_503, %parallel_loop3A_512 : i32
      %parallel_loop3A_514 = arith.extui %parallel_loop3A_513 : i1 to i32
      %parallel_loop3A_515 = arith.constant 0 : i32
      %parallel_loop3A_516 = arith.cmpi slt, %parallel_loop3A_503, %parallel_loop3A_515 : i32
      %parallel_loop3A_517 = arith.extui %parallel_loop3A_516 : i1 to i32
      %parallel_loop3A_518 = arith.subi %parallel_loop3A_514, %parallel_loop3A_517 : i32
      %parallel_loop3A_519 = arith.cmpi ne, %parallel_loop3A_511, %parallel_loop3A_518 : i32
      %parallel_loop3A_520 = arith.remsi %parallel_loop3A_502, %parallel_loop3A_503 : i32
      %parallel_loop3A_521 = arith.constant 0 : i32
      %parallel_loop3A_522 = arith.cmpi ne, %parallel_loop3A_520, %parallel_loop3A_521 : i32
      %parallel_loop3A_523 = arith.andi %parallel_loop3A_519, %parallel_loop3A_522 : i1
      %parallel_loop3A_524 = arith.constant 1 : i32
      %parallel_loop3A_525 = arith.subi %parallel_loop3A_504, %parallel_loop3A_524 : i32
      %parallel_loop3A_526 = arith.select %parallel_loop3A_523, %parallel_loop3A_525, %parallel_loop3A_504 : i32
      %parallel_loop3A_527 = arith.constant 256 : i32
      %parallel_loop3A_528 = arith.constant 0 : i32
      %parallel_loop3A_529 = arith.cmpi eq, %parallel_loop3A_527, %parallel_loop3A_528 : i32
      %parallel_loop3A_530 = arith.constant 1 : i32
      %parallel_loop3A_531 = arith.select %parallel_loop3A_529, %parallel_loop3A_530, %parallel_loop3A_527 : i32
      %parallel_loop3A_532 = arith.remsi %parallel_loop3A_502, %parallel_loop3A_531 : i32
      %parallel_loop3A_533 = arith.constant 0 : i32
      %parallel_loop3A_534 = arith.cmpi ne, %parallel_loop3A_532, %parallel_loop3A_533 : i32
      %parallel_loop3A_535 = arith.constant 0 : i32
      %parallel_loop3A_536 = arith.cmpi slt, %parallel_loop3A_532, %parallel_loop3A_535 : i32
      %parallel_loop3A_537 = arith.constant 0 : i32
      %parallel_loop3A_538 = arith.cmpi slt, %parallel_loop3A_531, %parallel_loop3A_537 : i32
      %parallel_loop3A_539 = arith.xori %parallel_loop3A_536, %parallel_loop3A_538 : i1
      %parallel_loop3A_540 = arith.andi %parallel_loop3A_539, %parallel_loop3A_534 : i1
      %parallel_loop3A_541 = arith.addi %parallel_loop3A_532, %parallel_loop3A_531 : i32
      %parallel_loop3A_542 = arith.select %parallel_loop3A_540, %parallel_loop3A_541, %parallel_loop3A_532 : i32
      %parallel_loop3A_543 = arith.constant 16 : i32
      %parallel_loop3A_544 = arith.muli %parallel_loop3A_542, %parallel_loop3A_543 : i32
      %parallel_loop3A_545 = arith.index_cast %parallel_loop3A_526 : i32 to index
      %parallel_loop3A_546 = arith.index_cast %parallel_loop3A_544 : i32 to index
      %parallel_loop3A_547 = tpu.vector_load %arg7[%parallel_loop3A_545, %parallel_loop3A_546] {strides = array<i32>} : memref<8x4096xf32, #tpu.memory_space<vmem>>, vector<16xf32>,
      %parallel_loop3A_548 = vector.bitcast %parallel_loop3A_547 : vector<16xf32> to vector<16xi32>
      %parallel_loop3A_549 = arith.constant 2147483647 : i32
      %parallel_loop3A_550 = vector.broadcast %parallel_loop3A_549 : i32 to vector<16xi32>
      %parallel_loop3A_551 = arith.andi %parallel_loop3A_548, %parallel_loop3A_550 : vector<16xi32>
      %parallel_loop3A_552 = vector.bitcast %parallel_loop3A_551 : vector<16xi32> to vector<16xf32>
      %parallel_loop3A_553 = arith.sitofp %parallel_loop3A_551 : vector<16xi32> to vector<16xf32>
      %parallel_loop3A_554 = arith.constant 1.739070e-07 : f32
      %parallel_loop3A_555 = vector.broadcast %parallel_loop3A_554 : f32 to vector<16xf32>
      %parallel_loop3A_556 = arith.mulf %parallel_loop3A_553, %parallel_loop3A_555 : vector<16xf32>
      %parallel_loop3A_557 = arith.constant 361.649689 : f32
      %parallel_loop3A_558 = vector.broadcast %parallel_loop3A_557 : f32 to vector<16xf32>
      %parallel_loop3A_559 = arith.addf %parallel_loop3A_556, %parallel_loop3A_558 : vector<16xf32>
      %parallel_loop3A_560 = arith.fptosi %parallel_loop3A_559 : vector<16xf32> to vector<16xi32>
      %parallel_loop3A_561 = arith.constant 31 : i32
      %parallel_loop3A_562 = vector.broadcast %parallel_loop3A_561 : i32 to vector<16xi32>
      %parallel_loop3A_563 = arith.shrui %parallel_loop3A_548, %parallel_loop3A_562 : vector<16xi32>
      %parallel_loop3A_564 = arith.constant 9 : i32
      %parallel_loop3A_565 = vector.broadcast %parallel_loop3A_564 : i32 to vector<16xi32>
      %parallel_loop3A_566 = arith.shli %parallel_loop3A_563, %parallel_loop3A_565 : vector<16xi32>
      %parallel_loop3A_567 = arith.addi %parallel_loop3A_560, %parallel_loop3A_566 : vector<16xi32>
      %parallel_loop3A_568 = tpu.vector_load_idx %arg8[%parallel_loop3A_567] : memref<1280xf32, #tpu.memory_space<vmem>>[vector<16xi32>], vector<16xf32>,
      %parallel_loop3A_569 = tpu.vector_load_idx %arg9[%parallel_loop3A_567] : memref<1280xi32, #tpu.memory_space<vmem>>[vector<16xi32>], vector<16xi32>,
      %parallel_loop3A_570 = arith.constant 5 : i32
      %parallel_loop3A_571 = vector.broadcast %parallel_loop3A_570 : i32 to vector<16xi32>
      %parallel_loop3A_572 = arith.shli %parallel_loop3A_563, %parallel_loop3A_571 : vector<16xi32>
      %parallel_loop3A_573 = arith.constant 16 : i32
      %parallel_loop3A_574 = vector.broadcast %parallel_loop3A_573 : i32 to vector<16xi32>
      %parallel_loop3A_575 = arith.subi %parallel_loop3A_574, %parallel_loop3A_572 : vector<16xi32>
      %parallel_loop3A_576 = arith.cmpf oge, %parallel_loop3A_552, %parallel_loop3A_568 : vector<16xf32>
      %parallel_loop3A_577 = arith.constant 0 : i32
      %parallel_loop3A_578 = vector.broadcast %parallel_loop3A_577 : i32 to vector<16xi32>
      %parallel_loop3A_579 = arith.select %parallel_loop3A_576, %parallel_loop3A_575, %parallel_loop3A_578 : vector<16xi1>, vector<16xi32>
      %parallel_loop3A_580 = arith.addi %parallel_loop3A_569, %parallel_loop3A_579 : vector<16xi32>
      %parallel_loop3A_581 = arith.addi %parallel_loop3A_580, %iota3A : vector<16xi32>
      tpu.vector_store_idx %arg10[%parallel_loop3A_581], %broadcast_in_dim3A_264 {add = true} : memref<2080xi32, #tpu.memory_space<vmem>>[vector<16xi32>], vector<16xi32>,
    } {sc.loop_unroll_factor = 4 : i64, sc.parallel_access}
    %add3A_358 = arith.constant 24 : i32
    %add3A_359 = arith.addi %mul3A_2, %add3A_358 : i32
    %dma_start3A_360 = arith.constant 4096 : i32
    %dma_start3A_361 = tpu.memref_slice %arg2[%add3A_359, %dma_start3A_360] : memref<2048x8192xf32, #tpu.memory_space<hbm>> -> memref<8x4096xf32, #tpu.memory_space<hbm>>
    %dma_start3A_362 = arith.constant 4096 : i32
    %dma_start3A_363 = tpu.memref_slice %arg2[%add3A_359, %dma_start3A_362] : memref<2048x8192xf32, #tpu.memory_space<hbm>> -> memref<8x4096xf32, #tpu.memory_space<hbm>>
    tpu.enqueue_dma source(%dma_start3A_363 : memref<8x4096xf32, #tpu.memory_space<hbm>>) target(%arg7 : memref<8x4096xf32, #tpu.memory_space<vmem>>) target_semaphore(%arg12 : memref<!tpu.dma_semaphore, #tpu.memory_space<semaphore_mem>>)
    %add3A_364 = arith.constant 24 : i32
    %add3A_365 = arith.addi %mul3A_2, %add3A_364 : i32
    %dma_wait3A_366 = arith.constant 0 : i32
    %dma_wait3A_367 = tpu.memref_slice %arg2[%add3A_365, %dma_wait3A_366] : memref<2048x8192xf32, #tpu.memory_space<hbm>> -> memref<8x4096xf32, #tpu.memory_space<hbm>>
    %dma_wait3A_368 = arith.constant 0 : i32
    %dma_wait3A_369 = tpu.memref_slice %arg2[%add3A_365, %dma_wait3A_368] : memref<2048x8192xf32, #tpu.memory_space<hbm>> -> memref<8x4096xf32, #tpu.memory_space<hbm>>
    tpu.wait_dma2 semaphore(%arg11 : memref<!tpu.dma_semaphore, #tpu.memory_space<semaphore_mem>>) src(%dma_wait3A_369 : memref<8x4096xf32, #tpu.memory_space<hbm>>) dst(%arg6 : memref<8x4096xf32, #tpu.memory_space<vmem>>)
    %parallel_loop3A_370 = arith.constant 0 : i32
    %parallel_loop3A_371 = arith.constant 2048 : i32
    %parallel_loop3A_372 = arith.constant 1 : i32
    scf.for %parallel_loop3A_502 = %parallel_loop3A_370 to %parallel_loop3A_371 step %parallel_loop3A_372  : i32 {
      %parallel_loop3A_503 = arith.constant 256 : i32
      %parallel_loop3A_504 = arith.divsi %parallel_loop3A_502, %parallel_loop3A_503 : i32
      %parallel_loop3A_505 = arith.constant 0 : i32
      %parallel_loop3A_506 = arith.cmpi sgt, %parallel_loop3A_502, %parallel_loop3A_505 : i32
      %parallel_loop3A_507 = arith.extui %parallel_loop3A_506 : i1 to i32
      %parallel_loop3A_508 = arith.constant 0 : i32
      %parallel_loop3A_509 = arith.cmpi slt, %parallel_loop3A_502, %parallel_loop3A_508 : i32
      %parallel_loop3A_510 = arith.extui %parallel_loop3A_509 : i1 to i32
      %parallel_loop3A_511 = arith.subi %parallel_loop3A_507, %parallel_loop3A_510 : i32
      %parallel_loop3A_512 = arith.constant 0 : i32
      %parallel_loop3A_513 = arith.cmpi sgt, %parallel_loop3A_503, %parallel_loop3A_512 : i32
      %parallel_loop3A_514 = arith.extui %parallel_loop3A_513 : i1 to i32
      %parallel_loop3A_515 = arith.constant 0 : i32
      %parallel_loop3A_516 = arith.cmpi slt, %parallel_loop3A_503, %parallel_loop3A_515 : i32
      %parallel_loop3A_517 = arith.extui %parallel_loop3A_516 : i1 to i32
      %parallel_loop3A_518 = arith.subi %parallel_loop3A_514, %parallel_loop3A_517 : i32
      %parallel_loop3A_519 = arith.cmpi ne, %parallel_loop3A_511, %parallel_loop3A_518 : i32
      %parallel_loop3A_520 = arith.remsi %parallel_loop3A_502, %parallel_loop3A_503 : i32
      %parallel_loop3A_521 = arith.constant 0 : i32
      %parallel_loop3A_522 = arith.cmpi ne, %parallel_loop3A_520, %parallel_loop3A_521 : i32
      %parallel_loop3A_523 = arith.andi %parallel_loop3A_519, %parallel_loop3A_522 : i1
      %parallel_loop3A_524 = arith.constant 1 : i32
      %parallel_loop3A_525 = arith.subi %parallel_loop3A_504, %parallel_loop3A_524 : i32
      %parallel_loop3A_526 = arith.select %parallel_loop3A_523, %parallel_loop3A_525, %parallel_loop3A_504 : i32
      %parallel_loop3A_527 = arith.constant 256 : i32
      %parallel_loop3A_528 = arith.constant 0 : i32
      %parallel_loop3A_529 = arith.cmpi eq, %parallel_loop3A_527, %parallel_loop3A_528 : i32
      %parallel_loop3A_530 = arith.constant 1 : i32
      %parallel_loop3A_531 = arith.select %parallel_loop3A_529, %parallel_loop3A_530, %parallel_loop3A_527 : i32
      %parallel_loop3A_532 = arith.remsi %parallel_loop3A_502, %parallel_loop3A_531 : i32
      %parallel_loop3A_533 = arith.constant 0 : i32
      %parallel_loop3A_534 = arith.cmpi ne, %parallel_loop3A_532, %parallel_loop3A_533 : i32
      %parallel_loop3A_535 = arith.constant 0 : i32
      %parallel_loop3A_536 = arith.cmpi slt, %parallel_loop3A_532, %parallel_loop3A_535 : i32
      %parallel_loop3A_537 = arith.constant 0 : i32
      %parallel_loop3A_538 = arith.cmpi slt, %parallel_loop3A_531, %parallel_loop3A_537 : i32
      %parallel_loop3A_539 = arith.xori %parallel_loop3A_536, %parallel_loop3A_538 : i1
      %parallel_loop3A_540 = arith.andi %parallel_loop3A_539, %parallel_loop3A_534 : i1
      %parallel_loop3A_541 = arith.addi %parallel_loop3A_532, %parallel_loop3A_531 : i32
      %parallel_loop3A_542 = arith.select %parallel_loop3A_540, %parallel_loop3A_541, %parallel_loop3A_532 : i32
      %parallel_loop3A_543 = arith.constant 16 : i32
      %parallel_loop3A_544 = arith.muli %parallel_loop3A_542, %parallel_loop3A_543 : i32
      %parallel_loop3A_545 = arith.index_cast %parallel_loop3A_526 : i32 to index
      %parallel_loop3A_546 = arith.index_cast %parallel_loop3A_544 : i32 to index
      %parallel_loop3A_547 = tpu.vector_load %arg6[%parallel_loop3A_545, %parallel_loop3A_546] {strides = array<i32>} : memref<8x4096xf32, #tpu.memory_space<vmem>>, vector<16xf32>,
      %parallel_loop3A_548 = vector.bitcast %parallel_loop3A_547 : vector<16xf32> to vector<16xi32>
      %parallel_loop3A_549 = arith.constant 2147483647 : i32
      %parallel_loop3A_550 = vector.broadcast %parallel_loop3A_549 : i32 to vector<16xi32>
      %parallel_loop3A_551 = arith.andi %parallel_loop3A_548, %parallel_loop3A_550 : vector<16xi32>
      %parallel_loop3A_552 = vector.bitcast %parallel_loop3A_551 : vector<16xi32> to vector<16xf32>
      %parallel_loop3A_553 = arith.sitofp %parallel_loop3A_551 : vector<16xi32> to vector<16xf32>
      %parallel_loop3A_554 = arith.constant 1.739070e-07 : f32
      %parallel_loop3A_555 = vector.broadcast %parallel_loop3A_554 : f32 to vector<16xf32>
      %parallel_loop3A_556 = arith.mulf %parallel_loop3A_553, %parallel_loop3A_555 : vector<16xf32>
      %parallel_loop3A_557 = arith.constant 361.649689 : f32
      %parallel_loop3A_558 = vector.broadcast %parallel_loop3A_557 : f32 to vector<16xf32>
      %parallel_loop3A_559 = arith.addf %parallel_loop3A_556, %parallel_loop3A_558 : vector<16xf32>
      %parallel_loop3A_560 = arith.fptosi %parallel_loop3A_559 : vector<16xf32> to vector<16xi32>
      %parallel_loop3A_561 = arith.constant 31 : i32
      %parallel_loop3A_562 = vector.broadcast %parallel_loop3A_561 : i32 to vector<16xi32>
      %parallel_loop3A_563 = arith.shrui %parallel_loop3A_548, %parallel_loop3A_562 : vector<16xi32>
      %parallel_loop3A_564 = arith.constant 9 : i32
      %parallel_loop3A_565 = vector.broadcast %parallel_loop3A_564 : i32 to vector<16xi32>
      %parallel_loop3A_566 = arith.shli %parallel_loop3A_563, %parallel_loop3A_565 : vector<16xi32>
      %parallel_loop3A_567 = arith.addi %parallel_loop3A_560, %parallel_loop3A_566 : vector<16xi32>
      %parallel_loop3A_568 = tpu.vector_load_idx %arg8[%parallel_loop3A_567] : memref<1280xf32, #tpu.memory_space<vmem>>[vector<16xi32>], vector<16xf32>,
      %parallel_loop3A_569 = tpu.vector_load_idx %arg9[%parallel_loop3A_567] : memref<1280xi32, #tpu.memory_space<vmem>>[vector<16xi32>], vector<16xi32>,
      %parallel_loop3A_570 = arith.constant 5 : i32
      %parallel_loop3A_571 = vector.broadcast %parallel_loop3A_570 : i32 to vector<16xi32>
      %parallel_loop3A_572 = arith.shli %parallel_loop3A_563, %parallel_loop3A_571 : vector<16xi32>
      %parallel_loop3A_573 = arith.constant 16 : i32
      %parallel_loop3A_574 = vector.broadcast %parallel_loop3A_573 : i32 to vector<16xi32>
      %parallel_loop3A_575 = arith.subi %parallel_loop3A_574, %parallel_loop3A_572 : vector<16xi32>
      %parallel_loop3A_576 = arith.cmpf oge, %parallel_loop3A_552, %parallel_loop3A_568 : vector<16xf32>
      %parallel_loop3A_577 = arith.constant 0 : i32
      %parallel_loop3A_578 = vector.broadcast %parallel_loop3A_577 : i32 to vector<16xi32>
      %parallel_loop3A_579 = arith.select %parallel_loop3A_576, %parallel_loop3A_575, %parallel_loop3A_578 : vector<16xi1>, vector<16xi32>
      %parallel_loop3A_580 = arith.addi %parallel_loop3A_569, %parallel_loop3A_579 : vector<16xi32>
      %parallel_loop3A_581 = arith.addi %parallel_loop3A_580, %iota3A : vector<16xi32>
      tpu.vector_store_idx %arg10[%parallel_loop3A_581], %broadcast_in_dim3A_264 {add = true} : memref<2080xi32, #tpu.memory_space<vmem>>[vector<16xi32>], vector<16xi32>,
    } {sc.loop_unroll_factor = 4 : i64, sc.parallel_access}
    %add3A_373 = arith.constant 32 : i32
    %add3A_374 = arith.addi %mul3A_2, %add3A_373 : i32
    %dma_start3A_375 = arith.constant 0 : i32
    %dma_start3A_376 = tpu.memref_slice %arg2[%add3A_374, %dma_start3A_375] : memref<2048x8192xf32, #tpu.memory_space<hbm>> -> memref<8x4096xf32, #tpu.memory_space<hbm>>
    %dma_start3A_377 = arith.constant 0 : i32
    %dma_start3A_378 = tpu.memref_slice %arg2[%add3A_374, %dma_start3A_377] : memref<2048x8192xf32, #tpu.memory_space<hbm>> -> memref<8x4096xf32, #tpu.memory_space<hbm>>
    tpu.enqueue_dma source(%dma_start3A_378 : memref<8x4096xf32, #tpu.memory_space<hbm>>) target(%arg6 : memref<8x4096xf32, #tpu.memory_space<vmem>>) target_semaphore(%arg11 : memref<!tpu.dma_semaphore, #tpu.memory_space<semaphore_mem>>)
    %add3A_379 = arith.constant 24 : i32
    %add3A_380 = arith.addi %mul3A_2, %add3A_379 : i32
    %dma_wait3A_381 = arith.constant 4096 : i32
    %dma_wait3A_382 = tpu.memref_slice %arg2[%add3A_380, %dma_wait3A_381] : memref<2048x8192xf32, #tpu.memory_space<hbm>> -> memref<8x4096xf32, #tpu.memory_space<hbm>>
    %dma_wait3A_383 = arith.constant 4096 : i32
    %dma_wait3A_384 = tpu.memref_slice %arg2[%add3A_380, %dma_wait3A_383] : memref<2048x8192xf32, #tpu.memory_space<hbm>> -> memref<8x4096xf32, #tpu.memory_space<hbm>>
    tpu.wait_dma2 semaphore(%arg12 : memref<!tpu.dma_semaphore, #tpu.memory_space<semaphore_mem>>) src(%dma_wait3A_384 : memref<8x4096xf32, #tpu.memory_space<hbm>>) dst(%arg7 : memref<8x4096xf32, #tpu.memory_space<vmem>>)
    %parallel_loop3A_385 = arith.constant 0 : i32
    %parallel_loop3A_386 = arith.constant 2048 : i32
    %parallel_loop3A_387 = arith.constant 1 : i32
    scf.for %parallel_loop3A_502 = %parallel_loop3A_385 to %parallel_loop3A_386 step %parallel_loop3A_387  : i32 {
      %parallel_loop3A_503 = arith.constant 256 : i32
      %parallel_loop3A_504 = arith.divsi %parallel_loop3A_502, %parallel_loop3A_503 : i32
      %parallel_loop3A_505 = arith.constant 0 : i32
      %parallel_loop3A_506 = arith.cmpi sgt, %parallel_loop3A_502, %parallel_loop3A_505 : i32
      %parallel_loop3A_507 = arith.extui %parallel_loop3A_506 : i1 to i32
      %parallel_loop3A_508 = arith.constant 0 : i32
      %parallel_loop3A_509 = arith.cmpi slt, %parallel_loop3A_502, %parallel_loop3A_508 : i32
      %parallel_loop3A_510 = arith.extui %parallel_loop3A_509 : i1 to i32
      %parallel_loop3A_511 = arith.subi %parallel_loop3A_507, %parallel_loop3A_510 : i32
      %parallel_loop3A_512 = arith.constant 0 : i32
      %parallel_loop3A_513 = arith.cmpi sgt, %parallel_loop3A_503, %parallel_loop3A_512 : i32
      %parallel_loop3A_514 = arith.extui %parallel_loop3A_513 : i1 to i32
      %parallel_loop3A_515 = arith.constant 0 : i32
      %parallel_loop3A_516 = arith.cmpi slt, %parallel_loop3A_503, %parallel_loop3A_515 : i32
      %parallel_loop3A_517 = arith.extui %parallel_loop3A_516 : i1 to i32
      %parallel_loop3A_518 = arith.subi %parallel_loop3A_514, %parallel_loop3A_517 : i32
      %parallel_loop3A_519 = arith.cmpi ne, %parallel_loop3A_511, %parallel_loop3A_518 : i32
      %parallel_loop3A_520 = arith.remsi %parallel_loop3A_502, %parallel_loop3A_503 : i32
      %parallel_loop3A_521 = arith.constant 0 : i32
      %parallel_loop3A_522 = arith.cmpi ne, %parallel_loop3A_520, %parallel_loop3A_521 : i32
      %parallel_loop3A_523 = arith.andi %parallel_loop3A_519, %parallel_loop3A_522 : i1
      %parallel_loop3A_524 = arith.constant 1 : i32
      %parallel_loop3A_525 = arith.subi %parallel_loop3A_504, %parallel_loop3A_524 : i32
      %parallel_loop3A_526 = arith.select %parallel_loop3A_523, %parallel_loop3A_525, %parallel_loop3A_504 : i32
      %parallel_loop3A_527 = arith.constant 256 : i32
      %parallel_loop3A_528 = arith.constant 0 : i32
      %parallel_loop3A_529 = arith.cmpi eq, %parallel_loop3A_527, %parallel_loop3A_528 : i32
      %parallel_loop3A_530 = arith.constant 1 : i32
      %parallel_loop3A_531 = arith.select %parallel_loop3A_529, %parallel_loop3A_530, %parallel_loop3A_527 : i32
      %parallel_loop3A_532 = arith.remsi %parallel_loop3A_502, %parallel_loop3A_531 : i32
      %parallel_loop3A_533 = arith.constant 0 : i32
      %parallel_loop3A_534 = arith.cmpi ne, %parallel_loop3A_532, %parallel_loop3A_533 : i32
      %parallel_loop3A_535 = arith.constant 0 : i32
      %parallel_loop3A_536 = arith.cmpi slt, %parallel_loop3A_532, %parallel_loop3A_535 : i32
      %parallel_loop3A_537 = arith.constant 0 : i32
      %parallel_loop3A_538 = arith.cmpi slt, %parallel_loop3A_531, %parallel_loop3A_537 : i32
      %parallel_loop3A_539 = arith.xori %parallel_loop3A_536, %parallel_loop3A_538 : i1
      %parallel_loop3A_540 = arith.andi %parallel_loop3A_539, %parallel_loop3A_534 : i1
      %parallel_loop3A_541 = arith.addi %parallel_loop3A_532, %parallel_loop3A_531 : i32
      %parallel_loop3A_542 = arith.select %parallel_loop3A_540, %parallel_loop3A_541, %parallel_loop3A_532 : i32
      %parallel_loop3A_543 = arith.constant 16 : i32
      %parallel_loop3A_544 = arith.muli %parallel_loop3A_542, %parallel_loop3A_543 : i32
      %parallel_loop3A_545 = arith.index_cast %parallel_loop3A_526 : i32 to index
      %parallel_loop3A_546 = arith.index_cast %parallel_loop3A_544 : i32 to index
      %parallel_loop3A_547 = tpu.vector_load %arg7[%parallel_loop3A_545, %parallel_loop3A_546] {strides = array<i32>} : memref<8x4096xf32, #tpu.memory_space<vmem>>, vector<16xf32>,
      %parallel_loop3A_548 = vector.bitcast %parallel_loop3A_547 : vector<16xf32> to vector<16xi32>
      %parallel_loop3A_549 = arith.constant 2147483647 : i32
      %parallel_loop3A_550 = vector.broadcast %parallel_loop3A_549 : i32 to vector<16xi32>
      %parallel_loop3A_551 = arith.andi %parallel_loop3A_548, %parallel_loop3A_550 : vector<16xi32>
      %parallel_loop3A_552 = vector.bitcast %parallel_loop3A_551 : vector<16xi32> to vector<16xf32>
      %parallel_loop3A_553 = arith.sitofp %parallel_loop3A_551 : vector<16xi32> to vector<16xf32>
      %parallel_loop3A_554 = arith.constant 1.739070e-07 : f32
      %parallel_loop3A_555 = vector.broadcast %parallel_loop3A_554 : f32 to vector<16xf32>
      %parallel_loop3A_556 = arith.mulf %parallel_loop3A_553, %parallel_loop3A_555 : vector<16xf32>
      %parallel_loop3A_557 = arith.constant 361.649689 : f32
      %parallel_loop3A_558 = vector.broadcast %parallel_loop3A_557 : f32 to vector<16xf32>
      %parallel_loop3A_559 = arith.addf %parallel_loop3A_556, %parallel_loop3A_558 : vector<16xf32>
      %parallel_loop3A_560 = arith.fptosi %parallel_loop3A_559 : vector<16xf32> to vector<16xi32>
      %parallel_loop3A_561 = arith.constant 31 : i32
      %parallel_loop3A_562 = vector.broadcast %parallel_loop3A_561 : i32 to vector<16xi32>
      %parallel_loop3A_563 = arith.shrui %parallel_loop3A_548, %parallel_loop3A_562 : vector<16xi32>
      %parallel_loop3A_564 = arith.constant 9 : i32
      %parallel_loop3A_565 = vector.broadcast %parallel_loop3A_564 : i32 to vector<16xi32>
      %parallel_loop3A_566 = arith.shli %parallel_loop3A_563, %parallel_loop3A_565 : vector<16xi32>
      %parallel_loop3A_567 = arith.addi %parallel_loop3A_560, %parallel_loop3A_566 : vector<16xi32>
      %parallel_loop3A_568 = tpu.vector_load_idx %arg8[%parallel_loop3A_567] : memref<1280xf32, #tpu.memory_space<vmem>>[vector<16xi32>], vector<16xf32>,
      %parallel_loop3A_569 = tpu.vector_load_idx %arg9[%parallel_loop3A_567] : memref<1280xi32, #tpu.memory_space<vmem>>[vector<16xi32>], vector<16xi32>,
      %parallel_loop3A_570 = arith.constant 5 : i32
      %parallel_loop3A_571 = vector.broadcast %parallel_loop3A_570 : i32 to vector<16xi32>
      %parallel_loop3A_572 = arith.shli %parallel_loop3A_563, %parallel_loop3A_571 : vector<16xi32>
      %parallel_loop3A_573 = arith.constant 16 : i32
      %parallel_loop3A_574 = vector.broadcast %parallel_loop3A_573 : i32 to vector<16xi32>
      %parallel_loop3A_575 = arith.subi %parallel_loop3A_574, %parallel_loop3A_572 : vector<16xi32>
      %parallel_loop3A_576 = arith.cmpf oge, %parallel_loop3A_552, %parallel_loop3A_568 : vector<16xf32>
      %parallel_loop3A_577 = arith.constant 0 : i32
      %parallel_loop3A_578 = vector.broadcast %parallel_loop3A_577 : i32 to vector<16xi32>
      %parallel_loop3A_579 = arith.select %parallel_loop3A_576, %parallel_loop3A_575, %parallel_loop3A_578 : vector<16xi1>, vector<16xi32>
      %parallel_loop3A_580 = arith.addi %parallel_loop3A_569, %parallel_loop3A_579 : vector<16xi32>
      %parallel_loop3A_581 = arith.addi %parallel_loop3A_580, %iota3A : vector<16xi32>
      tpu.vector_store_idx %arg10[%parallel_loop3A_581], %broadcast_in_dim3A_264 {add = true} : memref<2080xi32, #tpu.memory_space<vmem>>[vector<16xi32>], vector<16xi32>,
    } {sc.loop_unroll_factor = 4 : i64, sc.parallel_access}
    %add3A_388 = arith.constant 32 : i32
    %add3A_389 = arith.addi %mul3A_2, %add3A_388 : i32
    %dma_start3A_390 = arith.constant 4096 : i32
    %dma_start3A_391 = tpu.memref_slice %arg2[%add3A_389, %dma_start3A_390] : memref<2048x8192xf32, #tpu.memory_space<hbm>> -> memref<8x4096xf32, #tpu.memory_space<hbm>>
    %dma_start3A_392 = arith.constant 4096 : i32
    %dma_start3A_393 = tpu.memref_slice %arg2[%add3A_389, %dma_start3A_392] : memref<2048x8192xf32, #tpu.memory_space<hbm>> -> memref<8x4096xf32, #tpu.memory_space<hbm>>
    tpu.enqueue_dma source(%dma_start3A_393 : memref<8x4096xf32, #tpu.memory_space<hbm>>) target(%arg7 : memref<8x4096xf32, #tpu.memory_space<vmem>>) target_semaphore(%arg12 : memref<!tpu.dma_semaphore, #tpu.memory_space<semaphore_mem>>)
    %add3A_394 = arith.constant 32 : i32
    %add3A_395 = arith.addi %mul3A_2, %add3A_394 : i32
    %dma_wait3A_396 = arith.constant 0 : i32
    %dma_wait3A_397 = tpu.memref_slice %arg2[%add3A_395, %dma_wait3A_396] : memref<2048x8192xf32, #tpu.memory_space<hbm>> -> memref<8x4096xf32, #tpu.memory_space<hbm>>
    %dma_wait3A_398 = arith.constant 0 : i32
    %dma_wait3A_399 = tpu.memref_slice %arg2[%add3A_395, %dma_wait3A_398] : memref<2048x8192xf32, #tpu.memory_space<hbm>> -> memref<8x4096xf32, #tpu.memory_space<hbm>>
    tpu.wait_dma2 semaphore(%arg11 : memref<!tpu.dma_semaphore, #tpu.memory_space<semaphore_mem>>) src(%dma_wait3A_399 : memref<8x4096xf32, #tpu.memory_space<hbm>>) dst(%arg6 : memref<8x4096xf32, #tpu.memory_space<vmem>>)
    %parallel_loop3A_400 = arith.constant 0 : i32
    %parallel_loop3A_401 = arith.constant 2048 : i32
    %parallel_loop3A_402 = arith.constant 1 : i32
    scf.for %parallel_loop3A_502 = %parallel_loop3A_400 to %parallel_loop3A_401 step %parallel_loop3A_402  : i32 {
      %parallel_loop3A_503 = arith.constant 256 : i32
      %parallel_loop3A_504 = arith.divsi %parallel_loop3A_502, %parallel_loop3A_503 : i32
      %parallel_loop3A_505 = arith.constant 0 : i32
      %parallel_loop3A_506 = arith.cmpi sgt, %parallel_loop3A_502, %parallel_loop3A_505 : i32
      %parallel_loop3A_507 = arith.extui %parallel_loop3A_506 : i1 to i32
      %parallel_loop3A_508 = arith.constant 0 : i32
      %parallel_loop3A_509 = arith.cmpi slt, %parallel_loop3A_502, %parallel_loop3A_508 : i32
      %parallel_loop3A_510 = arith.extui %parallel_loop3A_509 : i1 to i32
      %parallel_loop3A_511 = arith.subi %parallel_loop3A_507, %parallel_loop3A_510 : i32
      %parallel_loop3A_512 = arith.constant 0 : i32
      %parallel_loop3A_513 = arith.cmpi sgt, %parallel_loop3A_503, %parallel_loop3A_512 : i32
      %parallel_loop3A_514 = arith.extui %parallel_loop3A_513 : i1 to i32
      %parallel_loop3A_515 = arith.constant 0 : i32
      %parallel_loop3A_516 = arith.cmpi slt, %parallel_loop3A_503, %parallel_loop3A_515 : i32
      %parallel_loop3A_517 = arith.extui %parallel_loop3A_516 : i1 to i32
      %parallel_loop3A_518 = arith.subi %parallel_loop3A_514, %parallel_loop3A_517 : i32
      %parallel_loop3A_519 = arith.cmpi ne, %parallel_loop3A_511, %parallel_loop3A_518 : i32
      %parallel_loop3A_520 = arith.remsi %parallel_loop3A_502, %parallel_loop3A_503 : i32
      %parallel_loop3A_521 = arith.constant 0 : i32
      %parallel_loop3A_522 = arith.cmpi ne, %parallel_loop3A_520, %parallel_loop3A_521 : i32
      %parallel_loop3A_523 = arith.andi %parallel_loop3A_519, %parallel_loop3A_522 : i1
      %parallel_loop3A_524 = arith.constant 1 : i32
      %parallel_loop3A_525 = arith.subi %parallel_loop3A_504, %parallel_loop3A_524 : i32
      %parallel_loop3A_526 = arith.select %parallel_loop3A_523, %parallel_loop3A_525, %parallel_loop3A_504 : i32
      %parallel_loop3A_527 = arith.constant 256 : i32
      %parallel_loop3A_528 = arith.constant 0 : i32
      %parallel_loop3A_529 = arith.cmpi eq, %parallel_loop3A_527, %parallel_loop3A_528 : i32
      %parallel_loop3A_530 = arith.constant 1 : i32
      %parallel_loop3A_531 = arith.select %parallel_loop3A_529, %parallel_loop3A_530, %parallel_loop3A_527 : i32
      %parallel_loop3A_532 = arith.remsi %parallel_loop3A_502, %parallel_loop3A_531 : i32
      %parallel_loop3A_533 = arith.constant 0 : i32
      %parallel_loop3A_534 = arith.cmpi ne, %parallel_loop3A_532, %parallel_loop3A_533 : i32
      %parallel_loop3A_535 = arith.constant 0 : i32
      %parallel_loop3A_536 = arith.cmpi slt, %parallel_loop3A_532, %parallel_loop3A_535 : i32
      %parallel_loop3A_537 = arith.constant 0 : i32
      %parallel_loop3A_538 = arith.cmpi slt, %parallel_loop3A_531, %parallel_loop3A_537 : i32
      %parallel_loop3A_539 = arith.xori %parallel_loop3A_536, %parallel_loop3A_538 : i1
      %parallel_loop3A_540 = arith.andi %parallel_loop3A_539, %parallel_loop3A_534 : i1
      %parallel_loop3A_541 = arith.addi %parallel_loop3A_532, %parallel_loop3A_531 : i32
      %parallel_loop3A_542 = arith.select %parallel_loop3A_540, %parallel_loop3A_541, %parallel_loop3A_532 : i32
      %parallel_loop3A_543 = arith.constant 16 : i32
      %parallel_loop3A_544 = arith.muli %parallel_loop3A_542, %parallel_loop3A_543 : i32
      %parallel_loop3A_545 = arith.index_cast %parallel_loop3A_526 : i32 to index
      %parallel_loop3A_546 = arith.index_cast %parallel_loop3A_544 : i32 to index
      %parallel_loop3A_547 = tpu.vector_load %arg6[%parallel_loop3A_545, %parallel_loop3A_546] {strides = array<i32>} : memref<8x4096xf32, #tpu.memory_space<vmem>>, vector<16xf32>,
      %parallel_loop3A_548 = vector.bitcast %parallel_loop3A_547 : vector<16xf32> to vector<16xi32>
      %parallel_loop3A_549 = arith.constant 2147483647 : i32
      %parallel_loop3A_550 = vector.broadcast %parallel_loop3A_549 : i32 to vector<16xi32>
      %parallel_loop3A_551 = arith.andi %parallel_loop3A_548, %parallel_loop3A_550 : vector<16xi32>
      %parallel_loop3A_552 = vector.bitcast %parallel_loop3A_551 : vector<16xi32> to vector<16xf32>
      %parallel_loop3A_553 = arith.sitofp %parallel_loop3A_551 : vector<16xi32> to vector<16xf32>
      %parallel_loop3A_554 = arith.constant 1.739070e-07 : f32
      %parallel_loop3A_555 = vector.broadcast %parallel_loop3A_554 : f32 to vector<16xf32>
      %parallel_loop3A_556 = arith.mulf %parallel_loop3A_553, %parallel_loop3A_555 : vector<16xf32>
      %parallel_loop3A_557 = arith.constant 361.649689 : f32
      %parallel_loop3A_558 = vector.broadcast %parallel_loop3A_557 : f32 to vector<16xf32>
      %parallel_loop3A_559 = arith.addf %parallel_loop3A_556, %parallel_loop3A_558 : vector<16xf32>
      %parallel_loop3A_560 = arith.fptosi %parallel_loop3A_559 : vector<16xf32> to vector<16xi32>
      %parallel_loop3A_561 = arith.constant 31 : i32
      %parallel_loop3A_562 = vector.broadcast %parallel_loop3A_561 : i32 to vector<16xi32>
      %parallel_loop3A_563 = arith.shrui %parallel_loop3A_548, %parallel_loop3A_562 : vector<16xi32>
      %parallel_loop3A_564 = arith.constant 9 : i32
      %parallel_loop3A_565 = vector.broadcast %parallel_loop3A_564 : i32 to vector<16xi32>
      %parallel_loop3A_566 = arith.shli %parallel_loop3A_563, %parallel_loop3A_565 : vector<16xi32>
      %parallel_loop3A_567 = arith.addi %parallel_loop3A_560, %parallel_loop3A_566 : vector<16xi32>
      %parallel_loop3A_568 = tpu.vector_load_idx %arg8[%parallel_loop3A_567] : memref<1280xf32, #tpu.memory_space<vmem>>[vector<16xi32>], vector<16xf32>,
      %parallel_loop3A_569 = tpu.vector_load_idx %arg9[%parallel_loop3A_567] : memref<1280xi32, #tpu.memory_space<vmem>>[vector<16xi32>], vector<16xi32>,
      %parallel_loop3A_570 = arith.constant 5 : i32
      %parallel_loop3A_571 = vector.broadcast %parallel_loop3A_570 : i32 to vector<16xi32>
      %parallel_loop3A_572 = arith.shli %parallel_loop3A_563, %parallel_loop3A_571 : vector<16xi32>
      %parallel_loop3A_573 = arith.constant 16 : i32
      %parallel_loop3A_574 = vector.broadcast %parallel_loop3A_573 : i32 to vector<16xi32>
      %parallel_loop3A_575 = arith.subi %parallel_loop3A_574, %parallel_loop3A_572 : vector<16xi32>
      %parallel_loop3A_576 = arith.cmpf oge, %parallel_loop3A_552, %parallel_loop3A_568 : vector<16xf32>
      %parallel_loop3A_577 = arith.constant 0 : i32
      %parallel_loop3A_578 = vector.broadcast %parallel_loop3A_577 : i32 to vector<16xi32>
      %parallel_loop3A_579 = arith.select %parallel_loop3A_576, %parallel_loop3A_575, %parallel_loop3A_578 : vector<16xi1>, vector<16xi32>
      %parallel_loop3A_580 = arith.addi %parallel_loop3A_569, %parallel_loop3A_579 : vector<16xi32>
      %parallel_loop3A_581 = arith.addi %parallel_loop3A_580, %iota3A : vector<16xi32>
      tpu.vector_store_idx %arg10[%parallel_loop3A_581], %broadcast_in_dim3A_264 {add = true} : memref<2080xi32, #tpu.memory_space<vmem>>[vector<16xi32>], vector<16xi32>,
    } {sc.loop_unroll_factor = 4 : i64, sc.parallel_access}
    %add3A_403 = arith.constant 40 : i32
    %add3A_404 = arith.addi %mul3A_2, %add3A_403 : i32
    %dma_start3A_405 = arith.constant 0 : i32
    %dma_start3A_406 = tpu.memref_slice %arg2[%add3A_404, %dma_start3A_405] : memref<2048x8192xf32, #tpu.memory_space<hbm>> -> memref<8x4096xf32, #tpu.memory_space<hbm>>
    %dma_start3A_407 = arith.constant 0 : i32
    %dma_start3A_408 = tpu.memref_slice %arg2[%add3A_404, %dma_start3A_407] : memref<2048x8192xf32, #tpu.memory_space<hbm>> -> memref<8x4096xf32, #tpu.memory_space<hbm>>
    tpu.enqueue_dma source(%dma_start3A_408 : memref<8x4096xf32, #tpu.memory_space<hbm>>) target(%arg6 : memref<8x4096xf32, #tpu.memory_space<vmem>>) target_semaphore(%arg11 : memref<!tpu.dma_semaphore, #tpu.memory_space<semaphore_mem>>)
    %add3A_409 = arith.constant 32 : i32
    %add3A_410 = arith.addi %mul3A_2, %add3A_409 : i32
    %dma_wait3A_411 = arith.constant 4096 : i32
    %dma_wait3A_412 = tpu.memref_slice %arg2[%add3A_410, %dma_wait3A_411] : memref<2048x8192xf32, #tpu.memory_space<hbm>> -> memref<8x4096xf32, #tpu.memory_space<hbm>>
    %dma_wait3A_413 = arith.constant 4096 : i32
    %dma_wait3A_414 = tpu.memref_slice %arg2[%add3A_410, %dma_wait3A_413] : memref<2048x8192xf32, #tpu.memory_space<hbm>> -> memref<8x4096xf32, #tpu.memory_space<hbm>>
    tpu.wait_dma2 semaphore(%arg12 : memref<!tpu.dma_semaphore, #tpu.memory_space<semaphore_mem>>) src(%dma_wait3A_414 : memref<8x4096xf32, #tpu.memory_space<hbm>>) dst(%arg7 : memref<8x4096xf32, #tpu.memory_space<vmem>>)
    %parallel_loop3A_415 = arith.constant 0 : i32
    %parallel_loop3A_416 = arith.constant 2048 : i32
    %parallel_loop3A_417 = arith.constant 1 : i32
    scf.for %parallel_loop3A_502 = %parallel_loop3A_415 to %parallel_loop3A_416 step %parallel_loop3A_417  : i32 {
      %parallel_loop3A_503 = arith.constant 256 : i32
      %parallel_loop3A_504 = arith.divsi %parallel_loop3A_502, %parallel_loop3A_503 : i32
      %parallel_loop3A_505 = arith.constant 0 : i32
      %parallel_loop3A_506 = arith.cmpi sgt, %parallel_loop3A_502, %parallel_loop3A_505 : i32
      %parallel_loop3A_507 = arith.extui %parallel_loop3A_506 : i1 to i32
      %parallel_loop3A_508 = arith.constant 0 : i32
      %parallel_loop3A_509 = arith.cmpi slt, %parallel_loop3A_502, %parallel_loop3A_508 : i32
      %parallel_loop3A_510 = arith.extui %parallel_loop3A_509 : i1 to i32
      %parallel_loop3A_511 = arith.subi %parallel_loop3A_507, %parallel_loop3A_510 : i32
      %parallel_loop3A_512 = arith.constant 0 : i32
      %parallel_loop3A_513 = arith.cmpi sgt, %parallel_loop3A_503, %parallel_loop3A_512 : i32
      %parallel_loop3A_514 = arith.extui %parallel_loop3A_513 : i1 to i32
      %parallel_loop3A_515 = arith.constant 0 : i32
      %parallel_loop3A_516 = arith.cmpi slt, %parallel_loop3A_503, %parallel_loop3A_515 : i32
      %parallel_loop3A_517 = arith.extui %parallel_loop3A_516 : i1 to i32
      %parallel_loop3A_518 = arith.subi %parallel_loop3A_514, %parallel_loop3A_517 : i32
      %parallel_loop3A_519 = arith.cmpi ne, %parallel_loop3A_511, %parallel_loop3A_518 : i32
      %parallel_loop3A_520 = arith.remsi %parallel_loop3A_502, %parallel_loop3A_503 : i32
      %parallel_loop3A_521 = arith.constant 0 : i32
      %parallel_loop3A_522 = arith.cmpi ne, %parallel_loop3A_520, %parallel_loop3A_521 : i32
      %parallel_loop3A_523 = arith.andi %parallel_loop3A_519, %parallel_loop3A_522 : i1
      %parallel_loop3A_524 = arith.constant 1 : i32
      %parallel_loop3A_525 = arith.subi %parallel_loop3A_504, %parallel_loop3A_524 : i32
      %parallel_loop3A_526 = arith.select %parallel_loop3A_523, %parallel_loop3A_525, %parallel_loop3A_504 : i32
      %parallel_loop3A_527 = arith.constant 256 : i32
      %parallel_loop3A_528 = arith.constant 0 : i32
      %parallel_loop3A_529 = arith.cmpi eq, %parallel_loop3A_527, %parallel_loop3A_528 : i32
      %parallel_loop3A_530 = arith.constant 1 : i32
      %parallel_loop3A_531 = arith.select %parallel_loop3A_529, %parallel_loop3A_530, %parallel_loop3A_527 : i32
      %parallel_loop3A_532 = arith.remsi %parallel_loop3A_502, %parallel_loop3A_531 : i32
      %parallel_loop3A_533 = arith.constant 0 : i32
      %parallel_loop3A_534 = arith.cmpi ne, %parallel_loop3A_532, %parallel_loop3A_533 : i32
      %parallel_loop3A_535 = arith.constant 0 : i32
      %parallel_loop3A_536 = arith.cmpi slt, %parallel_loop3A_532, %parallel_loop3A_535 : i32
      %parallel_loop3A_537 = arith.constant 0 : i32
      %parallel_loop3A_538 = arith.cmpi slt, %parallel_loop3A_531, %parallel_loop3A_537 : i32
      %parallel_loop3A_539 = arith.xori %parallel_loop3A_536, %parallel_loop3A_538 : i1
      %parallel_loop3A_540 = arith.andi %parallel_loop3A_539, %parallel_loop3A_534 : i1
      %parallel_loop3A_541 = arith.addi %parallel_loop3A_532, %parallel_loop3A_531 : i32
      %parallel_loop3A_542 = arith.select %parallel_loop3A_540, %parallel_loop3A_541, %parallel_loop3A_532 : i32
      %parallel_loop3A_543 = arith.constant 16 : i32
      %parallel_loop3A_544 = arith.muli %parallel_loop3A_542, %parallel_loop3A_543 : i32
      %parallel_loop3A_545 = arith.index_cast %parallel_loop3A_526 : i32 to index
      %parallel_loop3A_546 = arith.index_cast %parallel_loop3A_544 : i32 to index
      %parallel_loop3A_547 = tpu.vector_load %arg7[%parallel_loop3A_545, %parallel_loop3A_546] {strides = array<i32>} : memref<8x4096xf32, #tpu.memory_space<vmem>>, vector<16xf32>,
      %parallel_loop3A_548 = vector.bitcast %parallel_loop3A_547 : vector<16xf32> to vector<16xi32>
      %parallel_loop3A_549 = arith.constant 2147483647 : i32
      %parallel_loop3A_550 = vector.broadcast %parallel_loop3A_549 : i32 to vector<16xi32>
      %parallel_loop3A_551 = arith.andi %parallel_loop3A_548, %parallel_loop3A_550 : vector<16xi32>
      %parallel_loop3A_552 = vector.bitcast %parallel_loop3A_551 : vector<16xi32> to vector<16xf32>
      %parallel_loop3A_553 = arith.sitofp %parallel_loop3A_551 : vector<16xi32> to vector<16xf32>
      %parallel_loop3A_554 = arith.constant 1.739070e-07 : f32
      %parallel_loop3A_555 = vector.broadcast %parallel_loop3A_554 : f32 to vector<16xf32>
      %parallel_loop3A_556 = arith.mulf %parallel_loop3A_553, %parallel_loop3A_555 : vector<16xf32>
      %parallel_loop3A_557 = arith.constant 361.649689 : f32
      %parallel_loop3A_558 = vector.broadcast %parallel_loop3A_557 : f32 to vector<16xf32>
      %parallel_loop3A_559 = arith.addf %parallel_loop3A_556, %parallel_loop3A_558 : vector<16xf32>
      %parallel_loop3A_560 = arith.fptosi %parallel_loop3A_559 : vector<16xf32> to vector<16xi32>
      %parallel_loop3A_561 = arith.constant 31 : i32
      %parallel_loop3A_562 = vector.broadcast %parallel_loop3A_561 : i32 to vector<16xi32>
      %parallel_loop3A_563 = arith.shrui %parallel_loop3A_548, %parallel_loop3A_562 : vector<16xi32>
      %parallel_loop3A_564 = arith.constant 9 : i32
      %parallel_loop3A_565 = vector.broadcast %parallel_loop3A_564 : i32 to vector<16xi32>
      %parallel_loop3A_566 = arith.shli %parallel_loop3A_563, %parallel_loop3A_565 : vector<16xi32>
      %parallel_loop3A_567 = arith.addi %parallel_loop3A_560, %parallel_loop3A_566 : vector<16xi32>
      %parallel_loop3A_568 = tpu.vector_load_idx %arg8[%parallel_loop3A_567] : memref<1280xf32, #tpu.memory_space<vmem>>[vector<16xi32>], vector<16xf32>,
      %parallel_loop3A_569 = tpu.vector_load_idx %arg9[%parallel_loop3A_567] : memref<1280xi32, #tpu.memory_space<vmem>>[vector<16xi32>], vector<16xi32>,
      %parallel_loop3A_570 = arith.constant 5 : i32
      %parallel_loop3A_571 = vector.broadcast %parallel_loop3A_570 : i32 to vector<16xi32>
      %parallel_loop3A_572 = arith.shli %parallel_loop3A_563, %parallel_loop3A_571 : vector<16xi32>
      %parallel_loop3A_573 = arith.constant 16 : i32
      %parallel_loop3A_574 = vector.broadcast %parallel_loop3A_573 : i32 to vector<16xi32>
      %parallel_loop3A_575 = arith.subi %parallel_loop3A_574, %parallel_loop3A_572 : vector<16xi32>
      %parallel_loop3A_576 = arith.cmpf oge, %parallel_loop3A_552, %parallel_loop3A_568 : vector<16xf32>
      %parallel_loop3A_577 = arith.constant 0 : i32
      %parallel_loop3A_578 = vector.broadcast %parallel_loop3A_577 : i32 to vector<16xi32>
      %parallel_loop3A_579 = arith.select %parallel_loop3A_576, %parallel_loop3A_575, %parallel_loop3A_578 : vector<16xi1>, vector<16xi32>
      %parallel_loop3A_580 = arith.addi %parallel_loop3A_569, %parallel_loop3A_579 : vector<16xi32>
      %parallel_loop3A_581 = arith.addi %parallel_loop3A_580, %iota3A : vector<16xi32>
      tpu.vector_store_idx %arg10[%parallel_loop3A_581], %broadcast_in_dim3A_264 {add = true} : memref<2080xi32, #tpu.memory_space<vmem>>[vector<16xi32>], vector<16xi32>,
    } {sc.loop_unroll_factor = 4 : i64, sc.parallel_access}
    %add3A_418 = arith.constant 40 : i32
    %add3A_419 = arith.addi %mul3A_2, %add3A_418 : i32
    %dma_start3A_420 = arith.constant 4096 : i32
    %dma_start3A_421 = tpu.memref_slice %arg2[%add3A_419, %dma_start3A_420] : memref<2048x8192xf32, #tpu.memory_space<hbm>> -> memref<8x4096xf32, #tpu.memory_space<hbm>>
    %dma_start3A_422 = arith.constant 4096 : i32
    %dma_start3A_423 = tpu.memref_slice %arg2[%add3A_419, %dma_start3A_422] : memref<2048x8192xf32, #tpu.memory_space<hbm>> -> memref<8x4096xf32, #tpu.memory_space<hbm>>
    tpu.enqueue_dma source(%dma_start3A_423 : memref<8x4096xf32, #tpu.memory_space<hbm>>) target(%arg7 : memref<8x4096xf32, #tpu.memory_space<vmem>>) target_semaphore(%arg12 : memref<!tpu.dma_semaphore, #tpu.memory_space<semaphore_mem>>)
    %add3A_424 = arith.constant 40 : i32
    %add3A_425 = arith.addi %mul3A_2, %add3A_424 : i32
    %dma_wait3A_426 = arith.constant 0 : i32
    %dma_wait3A_427 = tpu.memref_slice %arg2[%add3A_425, %dma_wait3A_426] : memref<2048x8192xf32, #tpu.memory_space<hbm>> -> memref<8x4096xf32, #tpu.memory_space<hbm>>
    %dma_wait3A_428 = arith.constant 0 : i32
    %dma_wait3A_429 = tpu.memref_slice %arg2[%add3A_425, %dma_wait3A_428] : memref<2048x8192xf32, #tpu.memory_space<hbm>> -> memref<8x4096xf32, #tpu.memory_space<hbm>>
    tpu.wait_dma2 semaphore(%arg11 : memref<!tpu.dma_semaphore, #tpu.memory_space<semaphore_mem>>) src(%dma_wait3A_429 : memref<8x4096xf32, #tpu.memory_space<hbm>>) dst(%arg6 : memref<8x4096xf32, #tpu.memory_space<vmem>>)
    %parallel_loop3A_430 = arith.constant 0 : i32
    %parallel_loop3A_431 = arith.constant 2048 : i32
    %parallel_loop3A_432 = arith.constant 1 : i32
    scf.for %parallel_loop3A_502 = %parallel_loop3A_430 to %parallel_loop3A_431 step %parallel_loop3A_432  : i32 {
      %parallel_loop3A_503 = arith.constant 256 : i32
      %parallel_loop3A_504 = arith.divsi %parallel_loop3A_502, %parallel_loop3A_503 : i32
      %parallel_loop3A_505 = arith.constant 0 : i32
      %parallel_loop3A_506 = arith.cmpi sgt, %parallel_loop3A_502, %parallel_loop3A_505 : i32
      %parallel_loop3A_507 = arith.extui %parallel_loop3A_506 : i1 to i32
      %parallel_loop3A_508 = arith.constant 0 : i32
      %parallel_loop3A_509 = arith.cmpi slt, %parallel_loop3A_502, %parallel_loop3A_508 : i32
      %parallel_loop3A_510 = arith.extui %parallel_loop3A_509 : i1 to i32
      %parallel_loop3A_511 = arith.subi %parallel_loop3A_507, %parallel_loop3A_510 : i32
      %parallel_loop3A_512 = arith.constant 0 : i32
      %parallel_loop3A_513 = arith.cmpi sgt, %parallel_loop3A_503, %parallel_loop3A_512 : i32
      %parallel_loop3A_514 = arith.extui %parallel_loop3A_513 : i1 to i32
      %parallel_loop3A_515 = arith.constant 0 : i32
      %parallel_loop3A_516 = arith.cmpi slt, %parallel_loop3A_503, %parallel_loop3A_515 : i32
      %parallel_loop3A_517 = arith.extui %parallel_loop3A_516 : i1 to i32
      %parallel_loop3A_518 = arith.subi %parallel_loop3A_514, %parallel_loop3A_517 : i32
      %parallel_loop3A_519 = arith.cmpi ne, %parallel_loop3A_511, %parallel_loop3A_518 : i32
      %parallel_loop3A_520 = arith.remsi %parallel_loop3A_502, %parallel_loop3A_503 : i32
      %parallel_loop3A_521 = arith.constant 0 : i32
      %parallel_loop3A_522 = arith.cmpi ne, %parallel_loop3A_520, %parallel_loop3A_521 : i32
      %parallel_loop3A_523 = arith.andi %parallel_loop3A_519, %parallel_loop3A_522 : i1
      %parallel_loop3A_524 = arith.constant 1 : i32
      %parallel_loop3A_525 = arith.subi %parallel_loop3A_504, %parallel_loop3A_524 : i32
      %parallel_loop3A_526 = arith.select %parallel_loop3A_523, %parallel_loop3A_525, %parallel_loop3A_504 : i32
      %parallel_loop3A_527 = arith.constant 256 : i32
      %parallel_loop3A_528 = arith.constant 0 : i32
      %parallel_loop3A_529 = arith.cmpi eq, %parallel_loop3A_527, %parallel_loop3A_528 : i32
      %parallel_loop3A_530 = arith.constant 1 : i32
      %parallel_loop3A_531 = arith.select %parallel_loop3A_529, %parallel_loop3A_530, %parallel_loop3A_527 : i32
      %parallel_loop3A_532 = arith.remsi %parallel_loop3A_502, %parallel_loop3A_531 : i32
      %parallel_loop3A_533 = arith.constant 0 : i32
      %parallel_loop3A_534 = arith.cmpi ne, %parallel_loop3A_532, %parallel_loop3A_533 : i32
      %parallel_loop3A_535 = arith.constant 0 : i32
      %parallel_loop3A_536 = arith.cmpi slt, %parallel_loop3A_532, %parallel_loop3A_535 : i32
      %parallel_loop3A_537 = arith.constant 0 : i32
      %parallel_loop3A_538 = arith.cmpi slt, %parallel_loop3A_531, %parallel_loop3A_537 : i32
      %parallel_loop3A_539 = arith.xori %parallel_loop3A_536, %parallel_loop3A_538 : i1
      %parallel_loop3A_540 = arith.andi %parallel_loop3A_539, %parallel_loop3A_534 : i1
      %parallel_loop3A_541 = arith.addi %parallel_loop3A_532, %parallel_loop3A_531 : i32
      %parallel_loop3A_542 = arith.select %parallel_loop3A_540, %parallel_loop3A_541, %parallel_loop3A_532 : i32
      %parallel_loop3A_543 = arith.constant 16 : i32
      %parallel_loop3A_544 = arith.muli %parallel_loop3A_542, %parallel_loop3A_543 : i32
      %parallel_loop3A_545 = arith.index_cast %parallel_loop3A_526 : i32 to index
      %parallel_loop3A_546 = arith.index_cast %parallel_loop3A_544 : i32 to index
      %parallel_loop3A_547 = tpu.vector_load %arg6[%parallel_loop3A_545, %parallel_loop3A_546] {strides = array<i32>} : memref<8x4096xf32, #tpu.memory_space<vmem>>, vector<16xf32>,
      %parallel_loop3A_548 = vector.bitcast %parallel_loop3A_547 : vector<16xf32> to vector<16xi32>
      %parallel_loop3A_549 = arith.constant 2147483647 : i32
      %parallel_loop3A_550 = vector.broadcast %parallel_loop3A_549 : i32 to vector<16xi32>
      %parallel_loop3A_551 = arith.andi %parallel_loop3A_548, %parallel_loop3A_550 : vector<16xi32>
      %parallel_loop3A_552 = vector.bitcast %parallel_loop3A_551 : vector<16xi32> to vector<16xf32>
      %parallel_loop3A_553 = arith.sitofp %parallel_loop3A_551 : vector<16xi32> to vector<16xf32>
      %parallel_loop3A_554 = arith.constant 1.739070e-07 : f32
      %parallel_loop3A_555 = vector.broadcast %parallel_loop3A_554 : f32 to vector<16xf32>
      %parallel_loop3A_556 = arith.mulf %parallel_loop3A_553, %parallel_loop3A_555 : vector<16xf32>
      %parallel_loop3A_557 = arith.constant 361.649689 : f32
      %parallel_loop3A_558 = vector.broadcast %parallel_loop3A_557 : f32 to vector<16xf32>
      %parallel_loop3A_559 = arith.addf %parallel_loop3A_556, %parallel_loop3A_558 : vector<16xf32>
      %parallel_loop3A_560 = arith.fptosi %parallel_loop3A_559 : vector<16xf32> to vector<16xi32>
      %parallel_loop3A_561 = arith.constant 31 : i32
      %parallel_loop3A_562 = vector.broadcast %parallel_loop3A_561 : i32 to vector<16xi32>
      %parallel_loop3A_563 = arith.shrui %parallel_loop3A_548, %parallel_loop3A_562 : vector<16xi32>
      %parallel_loop3A_564 = arith.constant 9 : i32
      %parallel_loop3A_565 = vector.broadcast %parallel_loop3A_564 : i32 to vector<16xi32>
      %parallel_loop3A_566 = arith.shli %parallel_loop3A_563, %parallel_loop3A_565 : vector<16xi32>
      %parallel_loop3A_567 = arith.addi %parallel_loop3A_560, %parallel_loop3A_566 : vector<16xi32>
      %parallel_loop3A_568 = tpu.vector_load_idx %arg8[%parallel_loop3A_567] : memref<1280xf32, #tpu.memory_space<vmem>>[vector<16xi32>], vector<16xf32>,
      %parallel_loop3A_569 = tpu.vector_load_idx %arg9[%parallel_loop3A_567] : memref<1280xi32, #tpu.memory_space<vmem>>[vector<16xi32>], vector<16xi32>,
      %parallel_loop3A_570 = arith.constant 5 : i32
      %parallel_loop3A_571 = vector.broadcast %parallel_loop3A_570 : i32 to vector<16xi32>
      %parallel_loop3A_572 = arith.shli %parallel_loop3A_563, %parallel_loop3A_571 : vector<16xi32>
      %parallel_loop3A_573 = arith.constant 16 : i32
      %parallel_loop3A_574 = vector.broadcast %parallel_loop3A_573 : i32 to vector<16xi32>
      %parallel_loop3A_575 = arith.subi %parallel_loop3A_574, %parallel_loop3A_572 : vector<16xi32>
      %parallel_loop3A_576 = arith.cmpf oge, %parallel_loop3A_552, %parallel_loop3A_568 : vector<16xf32>
      %parallel_loop3A_577 = arith.constant 0 : i32
      %parallel_loop3A_578 = vector.broadcast %parallel_loop3A_577 : i32 to vector<16xi32>
      %parallel_loop3A_579 = arith.select %parallel_loop3A_576, %parallel_loop3A_575, %parallel_loop3A_578 : vector<16xi1>, vector<16xi32>
      %parallel_loop3A_580 = arith.addi %parallel_loop3A_569, %parallel_loop3A_579 : vector<16xi32>
      %parallel_loop3A_581 = arith.addi %parallel_loop3A_580, %iota3A : vector<16xi32>
      tpu.vector_store_idx %arg10[%parallel_loop3A_581], %broadcast_in_dim3A_264 {add = true} : memref<2080xi32, #tpu.memory_space<vmem>>[vector<16xi32>], vector<16xi32>,
    } {sc.loop_unroll_factor = 4 : i64, sc.parallel_access}
    %add3A_433 = arith.constant 48 : i32
    %add3A_434 = arith.addi %mul3A_2, %add3A_433 : i32
    %dma_start3A_435 = arith.constant 0 : i32
    %dma_start3A_436 = tpu.memref_slice %arg2[%add3A_434, %dma_start3A_435] : memref<2048x8192xf32, #tpu.memory_space<hbm>> -> memref<8x4096xf32, #tpu.memory_space<hbm>>
    %dma_start3A_437 = arith.constant 0 : i32
    %dma_start3A_438 = tpu.memref_slice %arg2[%add3A_434, %dma_start3A_437] : memref<2048x8192xf32, #tpu.memory_space<hbm>> -> memref<8x4096xf32, #tpu.memory_space<hbm>>
    tpu.enqueue_dma source(%dma_start3A_438 : memref<8x4096xf32, #tpu.memory_space<hbm>>) target(%arg6 : memref<8x4096xf32, #tpu.memory_space<vmem>>) target_semaphore(%arg11 : memref<!tpu.dma_semaphore, #tpu.memory_space<semaphore_mem>>)
    %add3A_439 = arith.constant 40 : i32
    %add3A_440 = arith.addi %mul3A_2, %add3A_439 : i32
    %dma_wait3A_441 = arith.constant 4096 : i32
    %dma_wait3A_442 = tpu.memref_slice %arg2[%add3A_440, %dma_wait3A_441] : memref<2048x8192xf32, #tpu.memory_space<hbm>> -> memref<8x4096xf32, #tpu.memory_space<hbm>>
    %dma_wait3A_443 = arith.constant 4096 : i32
    %dma_wait3A_444 = tpu.memref_slice %arg2[%add3A_440, %dma_wait3A_443] : memref<2048x8192xf32, #tpu.memory_space<hbm>> -> memref<8x4096xf32, #tpu.memory_space<hbm>>
    tpu.wait_dma2 semaphore(%arg12 : memref<!tpu.dma_semaphore, #tpu.memory_space<semaphore_mem>>) src(%dma_wait3A_444 : memref<8x4096xf32, #tpu.memory_space<hbm>>) dst(%arg7 : memref<8x4096xf32, #tpu.memory_space<vmem>>)
    %parallel_loop3A_445 = arith.constant 0 : i32
    %parallel_loop3A_446 = arith.constant 2048 : i32
    %parallel_loop3A_447 = arith.constant 1 : i32
    scf.for %parallel_loop3A_502 = %parallel_loop3A_445 to %parallel_loop3A_446 step %parallel_loop3A_447  : i32 {
      %parallel_loop3A_503 = arith.constant 256 : i32
      %parallel_loop3A_504 = arith.divsi %parallel_loop3A_502, %parallel_loop3A_503 : i32
      %parallel_loop3A_505 = arith.constant 0 : i32
      %parallel_loop3A_506 = arith.cmpi sgt, %parallel_loop3A_502, %parallel_loop3A_505 : i32
      %parallel_loop3A_507 = arith.extui %parallel_loop3A_506 : i1 to i32
      %parallel_loop3A_508 = arith.constant 0 : i32
      %parallel_loop3A_509 = arith.cmpi slt, %parallel_loop3A_502, %parallel_loop3A_508 : i32
      %parallel_loop3A_510 = arith.extui %parallel_loop3A_509 : i1 to i32
      %parallel_loop3A_511 = arith.subi %parallel_loop3A_507, %parallel_loop3A_510 : i32
      %parallel_loop3A_512 = arith.constant 0 : i32
      %parallel_loop3A_513 = arith.cmpi sgt, %parallel_loop3A_503, %parallel_loop3A_512 : i32
      %parallel_loop3A_514 = arith.extui %parallel_loop3A_513 : i1 to i32
      %parallel_loop3A_515 = arith.constant 0 : i32
      %parallel_loop3A_516 = arith.cmpi slt, %parallel_loop3A_503, %parallel_loop3A_515 : i32
      %parallel_loop3A_517 = arith.extui %parallel_loop3A_516 : i1 to i32
      %parallel_loop3A_518 = arith.subi %parallel_loop3A_514, %parallel_loop3A_517 : i32
      %parallel_loop3A_519 = arith.cmpi ne, %parallel_loop3A_511, %parallel_loop3A_518 : i32
      %parallel_loop3A_520 = arith.remsi %parallel_loop3A_502, %parallel_loop3A_503 : i32
      %parallel_loop3A_521 = arith.constant 0 : i32
      %parallel_loop3A_522 = arith.cmpi ne, %parallel_loop3A_520, %parallel_loop3A_521 : i32
      %parallel_loop3A_523 = arith.andi %parallel_loop3A_519, %parallel_loop3A_522 : i1
      %parallel_loop3A_524 = arith.constant 1 : i32
      %parallel_loop3A_525 = arith.subi %parallel_loop3A_504, %parallel_loop3A_524 : i32
      %parallel_loop3A_526 = arith.select %parallel_loop3A_523, %parallel_loop3A_525, %parallel_loop3A_504 : i32
      %parallel_loop3A_527 = arith.constant 256 : i32
      %parallel_loop3A_528 = arith.constant 0 : i32
      %parallel_loop3A_529 = arith.cmpi eq, %parallel_loop3A_527, %parallel_loop3A_528 : i32
      %parallel_loop3A_530 = arith.constant 1 : i32
      %parallel_loop3A_531 = arith.select %parallel_loop3A_529, %parallel_loop3A_530, %parallel_loop3A_527 : i32
      %parallel_loop3A_532 = arith.remsi %parallel_loop3A_502, %parallel_loop3A_531 : i32
      %parallel_loop3A_533 = arith.constant 0 : i32
      %parallel_loop3A_534 = arith.cmpi ne, %parallel_loop3A_532, %parallel_loop3A_533 : i32
      %parallel_loop3A_535 = arith.constant 0 : i32
      %parallel_loop3A_536 = arith.cmpi slt, %parallel_loop3A_532, %parallel_loop3A_535 : i32
      %parallel_loop3A_537 = arith.constant 0 : i32
      %parallel_loop3A_538 = arith.cmpi slt, %parallel_loop3A_531, %parallel_loop3A_537 : i32
      %parallel_loop3A_539 = arith.xori %parallel_loop3A_536, %parallel_loop3A_538 : i1
      %parallel_loop3A_540 = arith.andi %parallel_loop3A_539, %parallel_loop3A_534 : i1
      %parallel_loop3A_541 = arith.addi %parallel_loop3A_532, %parallel_loop3A_531 : i32
      %parallel_loop3A_542 = arith.select %parallel_loop3A_540, %parallel_loop3A_541, %parallel_loop3A_532 : i32
      %parallel_loop3A_543 = arith.constant 16 : i32
      %parallel_loop3A_544 = arith.muli %parallel_loop3A_542, %parallel_loop3A_543 : i32
      %parallel_loop3A_545 = arith.index_cast %parallel_loop3A_526 : i32 to index
      %parallel_loop3A_546 = arith.index_cast %parallel_loop3A_544 : i32 to index
      %parallel_loop3A_547 = tpu.vector_load %arg7[%parallel_loop3A_545, %parallel_loop3A_546] {strides = array<i32>} : memref<8x4096xf32, #tpu.memory_space<vmem>>, vector<16xf32>,
      %parallel_loop3A_548 = vector.bitcast %parallel_loop3A_547 : vector<16xf32> to vector<16xi32>
      %parallel_loop3A_549 = arith.constant 2147483647 : i32
      %parallel_loop3A_550 = vector.broadcast %parallel_loop3A_549 : i32 to vector<16xi32>
      %parallel_loop3A_551 = arith.andi %parallel_loop3A_548, %parallel_loop3A_550 : vector<16xi32>
      %parallel_loop3A_552 = vector.bitcast %parallel_loop3A_551 : vector<16xi32> to vector<16xf32>
      %parallel_loop3A_553 = arith.sitofp %parallel_loop3A_551 : vector<16xi32> to vector<16xf32>
      %parallel_loop3A_554 = arith.constant 1.739070e-07 : f32
      %parallel_loop3A_555 = vector.broadcast %parallel_loop3A_554 : f32 to vector<16xf32>
      %parallel_loop3A_556 = arith.mulf %parallel_loop3A_553, %parallel_loop3A_555 : vector<16xf32>
      %parallel_loop3A_557 = arith.constant 361.649689 : f32
      %parallel_loop3A_558 = vector.broadcast %parallel_loop3A_557 : f32 to vector<16xf32>
      %parallel_loop3A_559 = arith.addf %parallel_loop3A_556, %parallel_loop3A_558 : vector<16xf32>
      %parallel_loop3A_560 = arith.fptosi %parallel_loop3A_559 : vector<16xf32> to vector<16xi32>
      %parallel_loop3A_561 = arith.constant 31 : i32
      %parallel_loop3A_562 = vector.broadcast %parallel_loop3A_561 : i32 to vector<16xi32>
      %parallel_loop3A_563 = arith.shrui %parallel_loop3A_548, %parallel_loop3A_562 : vector<16xi32>
      %parallel_loop3A_564 = arith.constant 9 : i32
      %parallel_loop3A_565 = vector.broadcast %parallel_loop3A_564 : i32 to vector<16xi32>
      %parallel_loop3A_566 = arith.shli %parallel_loop3A_563, %parallel_loop3A_565 : vector<16xi32>
      %parallel_loop3A_567 = arith.addi %parallel_loop3A_560, %parallel_loop3A_566 : vector<16xi32>
      %parallel_loop3A_568 = tpu.vector_load_idx %arg8[%parallel_loop3A_567] : memref<1280xf32, #tpu.memory_space<vmem>>[vector<16xi32>], vector<16xf32>,
      %parallel_loop3A_569 = tpu.vector_load_idx %arg9[%parallel_loop3A_567] : memref<1280xi32, #tpu.memory_space<vmem>>[vector<16xi32>], vector<16xi32>,
      %parallel_loop3A_570 = arith.constant 5 : i32
      %parallel_loop3A_571 = vector.broadcast %parallel_loop3A_570 : i32 to vector<16xi32>
      %parallel_loop3A_572 = arith.shli %parallel_loop3A_563, %parallel_loop3A_571 : vector<16xi32>
      %parallel_loop3A_573 = arith.constant 16 : i32
      %parallel_loop3A_574 = vector.broadcast %parallel_loop3A_573 : i32 to vector<16xi32>
      %parallel_loop3A_575 = arith.subi %parallel_loop3A_574, %parallel_loop3A_572 : vector<16xi32>
      %parallel_loop3A_576 = arith.cmpf oge, %parallel_loop3A_552, %parallel_loop3A_568 : vector<16xf32>
      %parallel_loop3A_577 = arith.constant 0 : i32
      %parallel_loop3A_578 = vector.broadcast %parallel_loop3A_577 : i32 to vector<16xi32>
      %parallel_loop3A_579 = arith.select %parallel_loop3A_576, %parallel_loop3A_575, %parallel_loop3A_578 : vector<16xi1>, vector<16xi32>
      %parallel_loop3A_580 = arith.addi %parallel_loop3A_569, %parallel_loop3A_579 : vector<16xi32>
      %parallel_loop3A_581 = arith.addi %parallel_loop3A_580, %iota3A : vector<16xi32>
      tpu.vector_store_idx %arg10[%parallel_loop3A_581], %broadcast_in_dim3A_264 {add = true} : memref<2080xi32, #tpu.memory_space<vmem>>[vector<16xi32>], vector<16xi32>,
    } {sc.loop_unroll_factor = 4 : i64, sc.parallel_access}
    %add3A_448 = arith.constant 48 : i32
    %add3A_449 = arith.addi %mul3A_2, %add3A_448 : i32
    %dma_start3A_450 = arith.constant 4096 : i32
    %dma_start3A_451 = tpu.memref_slice %arg2[%add3A_449, %dma_start3A_450] : memref<2048x8192xf32, #tpu.memory_space<hbm>> -> memref<8x4096xf32, #tpu.memory_space<hbm>>
    %dma_start3A_452 = arith.constant 4096 : i32
    %dma_start3A_453 = tpu.memref_slice %arg2[%add3A_449, %dma_start3A_452] : memref<2048x8192xf32, #tpu.memory_space<hbm>> -> memref<8x4096xf32, #tpu.memory_space<hbm>>
    tpu.enqueue_dma source(%dma_start3A_453 : memref<8x4096xf32, #tpu.memory_space<hbm>>) target(%arg7 : memref<8x4096xf32, #tpu.memory_space<vmem>>) target_semaphore(%arg12 : memref<!tpu.dma_semaphore, #tpu.memory_space<semaphore_mem>>)
    %add3A_454 = arith.constant 48 : i32
    %add3A_455 = arith.addi %mul3A_2, %add3A_454 : i32
    %dma_wait3A_456 = arith.constant 0 : i32
    %dma_wait3A_457 = tpu.memref_slice %arg2[%add3A_455, %dma_wait3A_456] : memref<2048x8192xf32, #tpu.memory_space<hbm>> -> memref<8x4096xf32, #tpu.memory_space<hbm>>
    %dma_wait3A_458 = arith.constant 0 : i32
    %dma_wait3A_459 = tpu.memref_slice %arg2[%add3A_455, %dma_wait3A_458] : memref<2048x8192xf32, #tpu.memory_space<hbm>> -> memref<8x4096xf32, #tpu.memory_space<hbm>>
    tpu.wait_dma2 semaphore(%arg11 : memref<!tpu.dma_semaphore, #tpu.memory_space<semaphore_mem>>) src(%dma_wait3A_459 : memref<8x4096xf32, #tpu.memory_space<hbm>>) dst(%arg6 : memref<8x4096xf32, #tpu.memory_space<vmem>>)
    %parallel_loop3A_460 = arith.constant 0 : i32
    %parallel_loop3A_461 = arith.constant 2048 : i32
    %parallel_loop3A_462 = arith.constant 1 : i32
    scf.for %parallel_loop3A_502 = %parallel_loop3A_460 to %parallel_loop3A_461 step %parallel_loop3A_462  : i32 {
      %parallel_loop3A_503 = arith.constant 256 : i32
      %parallel_loop3A_504 = arith.divsi %parallel_loop3A_502, %parallel_loop3A_503 : i32
      %parallel_loop3A_505 = arith.constant 0 : i32
      %parallel_loop3A_506 = arith.cmpi sgt, %parallel_loop3A_502, %parallel_loop3A_505 : i32
      %parallel_loop3A_507 = arith.extui %parallel_loop3A_506 : i1 to i32
      %parallel_loop3A_508 = arith.constant 0 : i32
      %parallel_loop3A_509 = arith.cmpi slt, %parallel_loop3A_502, %parallel_loop3A_508 : i32
      %parallel_loop3A_510 = arith.extui %parallel_loop3A_509 : i1 to i32
      %parallel_loop3A_511 = arith.subi %parallel_loop3A_507, %parallel_loop3A_510 : i32
      %parallel_loop3A_512 = arith.constant 0 : i32
      %parallel_loop3A_513 = arith.cmpi sgt, %parallel_loop3A_503, %parallel_loop3A_512 : i32
      %parallel_loop3A_514 = arith.extui %parallel_loop3A_513 : i1 to i32
      %parallel_loop3A_515 = arith.constant 0 : i32
      %parallel_loop3A_516 = arith.cmpi slt, %parallel_loop3A_503, %parallel_loop3A_515 : i32
      %parallel_loop3A_517 = arith.extui %parallel_loop3A_516 : i1 to i32
      %parallel_loop3A_518 = arith.subi %parallel_loop3A_514, %parallel_loop3A_517 : i32
      %parallel_loop3A_519 = arith.cmpi ne, %parallel_loop3A_511, %parallel_loop3A_518 : i32
      %parallel_loop3A_520 = arith.remsi %parallel_loop3A_502, %parallel_loop3A_503 : i32
      %parallel_loop3A_521 = arith.constant 0 : i32
      %parallel_loop3A_522 = arith.cmpi ne, %parallel_loop3A_520, %parallel_loop3A_521 : i32
      %parallel_loop3A_523 = arith.andi %parallel_loop3A_519, %parallel_loop3A_522 : i1
      %parallel_loop3A_524 = arith.constant 1 : i32
      %parallel_loop3A_525 = arith.subi %parallel_loop3A_504, %parallel_loop3A_524 : i32
      %parallel_loop3A_526 = arith.select %parallel_loop3A_523, %parallel_loop3A_525, %parallel_loop3A_504 : i32
      %parallel_loop3A_527 = arith.constant 256 : i32
      %parallel_loop3A_528 = arith.constant 0 : i32
      %parallel_loop3A_529 = arith.cmpi eq, %parallel_loop3A_527, %parallel_loop3A_528 : i32
      %parallel_loop3A_530 = arith.constant 1 : i32
      %parallel_loop3A_531 = arith.select %parallel_loop3A_529, %parallel_loop3A_530, %parallel_loop3A_527 : i32
      %parallel_loop3A_532 = arith.remsi %parallel_loop3A_502, %parallel_loop3A_531 : i32
      %parallel_loop3A_533 = arith.constant 0 : i32
      %parallel_loop3A_534 = arith.cmpi ne, %parallel_loop3A_532, %parallel_loop3A_533 : i32
      %parallel_loop3A_535 = arith.constant 0 : i32
      %parallel_loop3A_536 = arith.cmpi slt, %parallel_loop3A_532, %parallel_loop3A_535 : i32
      %parallel_loop3A_537 = arith.constant 0 : i32
      %parallel_loop3A_538 = arith.cmpi slt, %parallel_loop3A_531, %parallel_loop3A_537 : i32
      %parallel_loop3A_539 = arith.xori %parallel_loop3A_536, %parallel_loop3A_538 : i1
      %parallel_loop3A_540 = arith.andi %parallel_loop3A_539, %parallel_loop3A_534 : i1
      %parallel_loop3A_541 = arith.addi %parallel_loop3A_532, %parallel_loop3A_531 : i32
      %parallel_loop3A_542 = arith.select %parallel_loop3A_540, %parallel_loop3A_541, %parallel_loop3A_532 : i32
      %parallel_loop3A_543 = arith.constant 16 : i32
      %parallel_loop3A_544 = arith.muli %parallel_loop3A_542, %parallel_loop3A_543 : i32
      %parallel_loop3A_545 = arith.index_cast %parallel_loop3A_526 : i32 to index
      %parallel_loop3A_546 = arith.index_cast %parallel_loop3A_544 : i32 to index
      %parallel_loop3A_547 = tpu.vector_load %arg6[%parallel_loop3A_545, %parallel_loop3A_546] {strides = array<i32>} : memref<8x4096xf32, #tpu.memory_space<vmem>>, vector<16xf32>,
      %parallel_loop3A_548 = vector.bitcast %parallel_loop3A_547 : vector<16xf32> to vector<16xi32>
      %parallel_loop3A_549 = arith.constant 2147483647 : i32
      %parallel_loop3A_550 = vector.broadcast %parallel_loop3A_549 : i32 to vector<16xi32>
      %parallel_loop3A_551 = arith.andi %parallel_loop3A_548, %parallel_loop3A_550 : vector<16xi32>
      %parallel_loop3A_552 = vector.bitcast %parallel_loop3A_551 : vector<16xi32> to vector<16xf32>
      %parallel_loop3A_553 = arith.sitofp %parallel_loop3A_551 : vector<16xi32> to vector<16xf32>
      %parallel_loop3A_554 = arith.constant 1.739070e-07 : f32
      %parallel_loop3A_555 = vector.broadcast %parallel_loop3A_554 : f32 to vector<16xf32>
      %parallel_loop3A_556 = arith.mulf %parallel_loop3A_553, %parallel_loop3A_555 : vector<16xf32>
      %parallel_loop3A_557 = arith.constant 361.649689 : f32
      %parallel_loop3A_558 = vector.broadcast %parallel_loop3A_557 : f32 to vector<16xf32>
      %parallel_loop3A_559 = arith.addf %parallel_loop3A_556, %parallel_loop3A_558 : vector<16xf32>
      %parallel_loop3A_560 = arith.fptosi %parallel_loop3A_559 : vector<16xf32> to vector<16xi32>
      %parallel_loop3A_561 = arith.constant 31 : i32
      %parallel_loop3A_562 = vector.broadcast %parallel_loop3A_561 : i32 to vector<16xi32>
      %parallel_loop3A_563 = arith.shrui %parallel_loop3A_548, %parallel_loop3A_562 : vector<16xi32>
      %parallel_loop3A_564 = arith.constant 9 : i32
      %parallel_loop3A_565 = vector.broadcast %parallel_loop3A_564 : i32 to vector<16xi32>
      %parallel_loop3A_566 = arith.shli %parallel_loop3A_563, %parallel_loop3A_565 : vector<16xi32>
      %parallel_loop3A_567 = arith.addi %parallel_loop3A_560, %parallel_loop3A_566 : vector<16xi32>
      %parallel_loop3A_568 = tpu.vector_load_idx %arg8[%parallel_loop3A_567] : memref<1280xf32, #tpu.memory_space<vmem>>[vector<16xi32>], vector<16xf32>,
      %parallel_loop3A_569 = tpu.vector_load_idx %arg9[%parallel_loop3A_567] : memref<1280xi32, #tpu.memory_space<vmem>>[vector<16xi32>], vector<16xi32>,
      %parallel_loop3A_570 = arith.constant 5 : i32
      %parallel_loop3A_571 = vector.broadcast %parallel_loop3A_570 : i32 to vector<16xi32>
      %parallel_loop3A_572 = arith.shli %parallel_loop3A_563, %parallel_loop3A_571 : vector<16xi32>
      %parallel_loop3A_573 = arith.constant 16 : i32
      %parallel_loop3A_574 = vector.broadcast %parallel_loop3A_573 : i32 to vector<16xi32>
      %parallel_loop3A_575 = arith.subi %parallel_loop3A_574, %parallel_loop3A_572 : vector<16xi32>
      %parallel_loop3A_576 = arith.cmpf oge, %parallel_loop3A_552, %parallel_loop3A_568 : vector<16xf32>
      %parallel_loop3A_577 = arith.constant 0 : i32
      %parallel_loop3A_578 = vector.broadcast %parallel_loop3A_577 : i32 to vector<16xi32>
      %parallel_loop3A_579 = arith.select %parallel_loop3A_576, %parallel_loop3A_575, %parallel_loop3A_578 : vector<16xi1>, vector<16xi32>
      %parallel_loop3A_580 = arith.addi %parallel_loop3A_569, %parallel_loop3A_579 : vector<16xi32>
      %parallel_loop3A_581 = arith.addi %parallel_loop3A_580, %iota3A : vector<16xi32>
      tpu.vector_store_idx %arg10[%parallel_loop3A_581], %broadcast_in_dim3A_264 {add = true} : memref<2080xi32, #tpu.memory_space<vmem>>[vector<16xi32>], vector<16xi32>,
    } {sc.loop_unroll_factor = 4 : i64, sc.parallel_access}
    %add3A_463 = arith.constant 56 : i32
    %add3A_464 = arith.addi %mul3A_2, %add3A_463 : i32
    %dma_start3A_465 = arith.constant 0 : i32
    %dma_start3A_466 = tpu.memref_slice %arg2[%add3A_464, %dma_start3A_465] : memref<2048x8192xf32, #tpu.memory_space<hbm>> -> memref<8x4096xf32, #tpu.memory_space<hbm>>
    %dma_start3A_467 = arith.constant 0 : i32
    %dma_start3A_468 = tpu.memref_slice %arg2[%add3A_464, %dma_start3A_467] : memref<2048x8192xf32, #tpu.memory_space<hbm>> -> memref<8x4096xf32, #tpu.memory_space<hbm>>
    tpu.enqueue_dma source(%dma_start3A_468 : memref<8x4096xf32, #tpu.memory_space<hbm>>) target(%arg6 : memref<8x4096xf32, #tpu.memory_space<vmem>>) target_semaphore(%arg11 : memref<!tpu.dma_semaphore, #tpu.memory_space<semaphore_mem>>)
    %add3A_469 = arith.constant 48 : i32
    %add3A_470 = arith.addi %mul3A_2, %add3A_469 : i32
    %dma_wait3A_471 = arith.constant 4096 : i32
    %dma_wait3A_472 = tpu.memref_slice %arg2[%add3A_470, %dma_wait3A_471] : memref<2048x8192xf32, #tpu.memory_space<hbm>> -> memref<8x4096xf32, #tpu.memory_space<hbm>>
    %dma_wait3A_473 = arith.constant 4096 : i32
    %dma_wait3A_474 = tpu.memref_slice %arg2[%add3A_470, %dma_wait3A_473] : memref<2048x8192xf32, #tpu.memory_space<hbm>> -> memref<8x4096xf32, #tpu.memory_space<hbm>>
    tpu.wait_dma2 semaphore(%arg12 : memref<!tpu.dma_semaphore, #tpu.memory_space<semaphore_mem>>) src(%dma_wait3A_474 : memref<8x4096xf32, #tpu.memory_space<hbm>>) dst(%arg7 : memref<8x4096xf32, #tpu.memory_space<vmem>>)
    %parallel_loop3A_475 = arith.constant 0 : i32
    %parallel_loop3A_476 = arith.constant 2048 : i32
    %parallel_loop3A_477 = arith.constant 1 : i32
    scf.for %parallel_loop3A_502 = %parallel_loop3A_475 to %parallel_loop3A_476 step %parallel_loop3A_477  : i32 {
      %parallel_loop3A_503 = arith.constant 256 : i32
      %parallel_loop3A_504 = arith.divsi %parallel_loop3A_502, %parallel_loop3A_503 : i32
      %parallel_loop3A_505 = arith.constant 0 : i32
      %parallel_loop3A_506 = arith.cmpi sgt, %parallel_loop3A_502, %parallel_loop3A_505 : i32
      %parallel_loop3A_507 = arith.extui %parallel_loop3A_506 : i1 to i32
      %parallel_loop3A_508 = arith.constant 0 : i32
      %parallel_loop3A_509 = arith.cmpi slt, %parallel_loop3A_502, %parallel_loop3A_508 : i32
      %parallel_loop3A_510 = arith.extui %parallel_loop3A_509 : i1 to i32
      %parallel_loop3A_511 = arith.subi %parallel_loop3A_507, %parallel_loop3A_510 : i32
      %parallel_loop3A_512 = arith.constant 0 : i32
      %parallel_loop3A_513 = arith.cmpi sgt, %parallel_loop3A_503, %parallel_loop3A_512 : i32
      %parallel_loop3A_514 = arith.extui %parallel_loop3A_513 : i1 to i32
      %parallel_loop3A_515 = arith.constant 0 : i32
      %parallel_loop3A_516 = arith.cmpi slt, %parallel_loop3A_503, %parallel_loop3A_515 : i32
      %parallel_loop3A_517 = arith.extui %parallel_loop3A_516 : i1 to i32
      %parallel_loop3A_518 = arith.subi %parallel_loop3A_514, %parallel_loop3A_517 : i32
      %parallel_loop3A_519 = arith.cmpi ne, %parallel_loop3A_511, %parallel_loop3A_518 : i32
      %parallel_loop3A_520 = arith.remsi %parallel_loop3A_502, %parallel_loop3A_503 : i32
      %parallel_loop3A_521 = arith.constant 0 : i32
      %parallel_loop3A_522 = arith.cmpi ne, %parallel_loop3A_520, %parallel_loop3A_521 : i32
      %parallel_loop3A_523 = arith.andi %parallel_loop3A_519, %parallel_loop3A_522 : i1
      %parallel_loop3A_524 = arith.constant 1 : i32
      %parallel_loop3A_525 = arith.subi %parallel_loop3A_504, %parallel_loop3A_524 : i32
      %parallel_loop3A_526 = arith.select %parallel_loop3A_523, %parallel_loop3A_525, %parallel_loop3A_504 : i32
      %parallel_loop3A_527 = arith.constant 256 : i32
      %parallel_loop3A_528 = arith.constant 0 : i32
      %parallel_loop3A_529 = arith.cmpi eq, %parallel_loop3A_527, %parallel_loop3A_528 : i32
      %parallel_loop3A_530 = arith.constant 1 : i32
      %parallel_loop3A_531 = arith.select %parallel_loop3A_529, %parallel_loop3A_530, %parallel_loop3A_527 : i32
      %parallel_loop3A_532 = arith.remsi %parallel_loop3A_502, %parallel_loop3A_531 : i32
      %parallel_loop3A_533 = arith.constant 0 : i32
      %parallel_loop3A_534 = arith.cmpi ne, %parallel_loop3A_532, %parallel_loop3A_533 : i32
      %parallel_loop3A_535 = arith.constant 0 : i32
      %parallel_loop3A_536 = arith.cmpi slt, %parallel_loop3A_532, %parallel_loop3A_535 : i32
      %parallel_loop3A_537 = arith.constant 0 : i32
      %parallel_loop3A_538 = arith.cmpi slt, %parallel_loop3A_531, %parallel_loop3A_537 : i32
      %parallel_loop3A_539 = arith.xori %parallel_loop3A_536, %parallel_loop3A_538 : i1
      %parallel_loop3A_540 = arith.andi %parallel_loop3A_539, %parallel_loop3A_534 : i1
      %parallel_loop3A_541 = arith.addi %parallel_loop3A_532, %parallel_loop3A_531 : i32
      %parallel_loop3A_542 = arith.select %parallel_loop3A_540, %parallel_loop3A_541, %parallel_loop3A_532 : i32
      %parallel_loop3A_543 = arith.constant 16 : i32
      %parallel_loop3A_544 = arith.muli %parallel_loop3A_542, %parallel_loop3A_543 : i32
      %parallel_loop3A_545 = arith.index_cast %parallel_loop3A_526 : i32 to index
      %parallel_loop3A_546 = arith.index_cast %parallel_loop3A_544 : i32 to index
      %parallel_loop3A_547 = tpu.vector_load %arg7[%parallel_loop3A_545, %parallel_loop3A_546] {strides = array<i32>} : memref<8x4096xf32, #tpu.memory_space<vmem>>, vector<16xf32>,
      %parallel_loop3A_548 = vector.bitcast %parallel_loop3A_547 : vector<16xf32> to vector<16xi32>
      %parallel_loop3A_549 = arith.constant 2147483647 : i32
      %parallel_loop3A_550 = vector.broadcast %parallel_loop3A_549 : i32 to vector<16xi32>
      %parallel_loop3A_551 = arith.andi %parallel_loop3A_548, %parallel_loop3A_550 : vector<16xi32>
      %parallel_loop3A_552 = vector.bitcast %parallel_loop3A_551 : vector<16xi32> to vector<16xf32>
      %parallel_loop3A_553 = arith.sitofp %parallel_loop3A_551 : vector<16xi32> to vector<16xf32>
      %parallel_loop3A_554 = arith.constant 1.739070e-07 : f32
      %parallel_loop3A_555 = vector.broadcast %parallel_loop3A_554 : f32 to vector<16xf32>
      %parallel_loop3A_556 = arith.mulf %parallel_loop3A_553, %parallel_loop3A_555 : vector<16xf32>
      %parallel_loop3A_557 = arith.constant 361.649689 : f32
      %parallel_loop3A_558 = vector.broadcast %parallel_loop3A_557 : f32 to vector<16xf32>
      %parallel_loop3A_559 = arith.addf %parallel_loop3A_556, %parallel_loop3A_558 : vector<16xf32>
      %parallel_loop3A_560 = arith.fptosi %parallel_loop3A_559 : vector<16xf32> to vector<16xi32>
      %parallel_loop3A_561 = arith.constant 31 : i32
      %parallel_loop3A_562 = vector.broadcast %parallel_loop3A_561 : i32 to vector<16xi32>
      %parallel_loop3A_563 = arith.shrui %parallel_loop3A_548, %parallel_loop3A_562 : vector<16xi32>
      %parallel_loop3A_564 = arith.constant 9 : i32
      %parallel_loop3A_565 = vector.broadcast %parallel_loop3A_564 : i32 to vector<16xi32>
      %parallel_loop3A_566 = arith.shli %parallel_loop3A_563, %parallel_loop3A_565 : vector<16xi32>
      %parallel_loop3A_567 = arith.addi %parallel_loop3A_560, %parallel_loop3A_566 : vector<16xi32>
      %parallel_loop3A_568 = tpu.vector_load_idx %arg8[%parallel_loop3A_567] : memref<1280xf32, #tpu.memory_space<vmem>>[vector<16xi32>], vector<16xf32>,
      %parallel_loop3A_569 = tpu.vector_load_idx %arg9[%parallel_loop3A_567] : memref<1280xi32, #tpu.memory_space<vmem>>[vector<16xi32>], vector<16xi32>,
      %parallel_loop3A_570 = arith.constant 5 : i32
      %parallel_loop3A_571 = vector.broadcast %parallel_loop3A_570 : i32 to vector<16xi32>
      %parallel_loop3A_572 = arith.shli %parallel_loop3A_563, %parallel_loop3A_571 : vector<16xi32>
      %parallel_loop3A_573 = arith.constant 16 : i32
      %parallel_loop3A_574 = vector.broadcast %parallel_loop3A_573 : i32 to vector<16xi32>
      %parallel_loop3A_575 = arith.subi %parallel_loop3A_574, %parallel_loop3A_572 : vector<16xi32>
      %parallel_loop3A_576 = arith.cmpf oge, %parallel_loop3A_552, %parallel_loop3A_568 : vector<16xf32>
      %parallel_loop3A_577 = arith.constant 0 : i32
      %parallel_loop3A_578 = vector.broadcast %parallel_loop3A_577 : i32 to vector<16xi32>
      %parallel_loop3A_579 = arith.select %parallel_loop3A_576, %parallel_loop3A_575, %parallel_loop3A_578 : vector<16xi1>, vector<16xi32>
      %parallel_loop3A_580 = arith.addi %parallel_loop3A_569, %parallel_loop3A_579 : vector<16xi32>
      %parallel_loop3A_581 = arith.addi %parallel_loop3A_580, %iota3A : vector<16xi32>
      tpu.vector_store_idx %arg10[%parallel_loop3A_581], %broadcast_in_dim3A_264 {add = true} : memref<2080xi32, #tpu.memory_space<vmem>>[vector<16xi32>], vector<16xi32>,
    } {sc.loop_unroll_factor = 4 : i64, sc.parallel_access}
    %add3A_478 = arith.constant 56 : i32
    %add3A_479 = arith.addi %mul3A_2, %add3A_478 : i32
    %dma_start3A_480 = arith.constant 4096 : i32
    %dma_start3A_481 = tpu.memref_slice %arg2[%add3A_479, %dma_start3A_480] : memref<2048x8192xf32, #tpu.memory_space<hbm>> -> memref<8x4096xf32, #tpu.memory_space<hbm>>
    %dma_start3A_482 = arith.constant 4096 : i32
    %dma_start3A_483 = tpu.memref_slice %arg2[%add3A_479, %dma_start3A_482] : memref<2048x8192xf32, #tpu.memory_space<hbm>> -> memref<8x4096xf32, #tpu.memory_space<hbm>>
    tpu.enqueue_dma source(%dma_start3A_483 : memref<8x4096xf32, #tpu.memory_space<hbm>>) target(%arg7 : memref<8x4096xf32, #tpu.memory_space<vmem>>) target_semaphore(%arg12 : memref<!tpu.dma_semaphore, #tpu.memory_space<semaphore_mem>>)
    %add3A_484 = arith.constant 56 : i32
    %add3A_485 = arith.addi %mul3A_2, %add3A_484 : i32
    %dma_wait3A_486 = arith.constant 0 : i32
    %dma_wait3A_487 = tpu.memref_slice %arg2[%add3A_485, %dma_wait3A_486] : memref<2048x8192xf32, #tpu.memory_space<hbm>> -> memref<8x4096xf32, #tpu.memory_space<hbm>>
    %dma_wait3A_488 = arith.constant 0 : i32
    %dma_wait3A_489 = tpu.memref_slice %arg2[%add3A_485, %dma_wait3A_488] : memref<2048x8192xf32, #tpu.memory_space<hbm>> -> memref<8x4096xf32, #tpu.memory_space<hbm>>
    tpu.wait_dma2 semaphore(%arg11 : memref<!tpu.dma_semaphore, #tpu.memory_space<semaphore_mem>>) src(%dma_wait3A_489 : memref<8x4096xf32, #tpu.memory_space<hbm>>) dst(%arg6 : memref<8x4096xf32, #tpu.memory_space<vmem>>)
    %parallel_loop3A_490 = arith.constant 0 : i32
    %parallel_loop3A_491 = arith.constant 2048 : i32
    %parallel_loop3A_492 = arith.constant 1 : i32
    scf.for %parallel_loop3A_502 = %parallel_loop3A_490 to %parallel_loop3A_491 step %parallel_loop3A_492  : i32 {
      %parallel_loop3A_503 = arith.constant 256 : i32
      %parallel_loop3A_504 = arith.divsi %parallel_loop3A_502, %parallel_loop3A_503 : i32
      %parallel_loop3A_505 = arith.constant 0 : i32
      %parallel_loop3A_506 = arith.cmpi sgt, %parallel_loop3A_502, %parallel_loop3A_505 : i32
      %parallel_loop3A_507 = arith.extui %parallel_loop3A_506 : i1 to i32
      %parallel_loop3A_508 = arith.constant 0 : i32
      %parallel_loop3A_509 = arith.cmpi slt, %parallel_loop3A_502, %parallel_loop3A_508 : i32
      %parallel_loop3A_510 = arith.extui %parallel_loop3A_509 : i1 to i32
      %parallel_loop3A_511 = arith.subi %parallel_loop3A_507, %parallel_loop3A_510 : i32
      %parallel_loop3A_512 = arith.constant 0 : i32
      %parallel_loop3A_513 = arith.cmpi sgt, %parallel_loop3A_503, %parallel_loop3A_512 : i32
      %parallel_loop3A_514 = arith.extui %parallel_loop3A_513 : i1 to i32
      %parallel_loop3A_515 = arith.constant 0 : i32
      %parallel_loop3A_516 = arith.cmpi slt, %parallel_loop3A_503, %parallel_loop3A_515 : i32
      %parallel_loop3A_517 = arith.extui %parallel_loop3A_516 : i1 to i32
      %parallel_loop3A_518 = arith.subi %parallel_loop3A_514, %parallel_loop3A_517 : i32
      %parallel_loop3A_519 = arith.cmpi ne, %parallel_loop3A_511, %parallel_loop3A_518 : i32
      %parallel_loop3A_520 = arith.remsi %parallel_loop3A_502, %parallel_loop3A_503 : i32
      %parallel_loop3A_521 = arith.constant 0 : i32
      %parallel_loop3A_522 = arith.cmpi ne, %parallel_loop3A_520, %parallel_loop3A_521 : i32
      %parallel_loop3A_523 = arith.andi %parallel_loop3A_519, %parallel_loop3A_522 : i1
      %parallel_loop3A_524 = arith.constant 1 : i32
      %parallel_loop3A_525 = arith.subi %parallel_loop3A_504, %parallel_loop3A_524 : i32
      %parallel_loop3A_526 = arith.select %parallel_loop3A_523, %parallel_loop3A_525, %parallel_loop3A_504 : i32
      %parallel_loop3A_527 = arith.constant 256 : i32
      %parallel_loop3A_528 = arith.constant 0 : i32
      %parallel_loop3A_529 = arith.cmpi eq, %parallel_loop3A_527, %parallel_loop3A_528 : i32
      %parallel_loop3A_530 = arith.constant 1 : i32
      %parallel_loop3A_531 = arith.select %parallel_loop3A_529, %parallel_loop3A_530, %parallel_loop3A_527 : i32
      %parallel_loop3A_532 = arith.remsi %parallel_loop3A_502, %parallel_loop3A_531 : i32
      %parallel_loop3A_533 = arith.constant 0 : i32
      %parallel_loop3A_534 = arith.cmpi ne, %parallel_loop3A_532, %parallel_loop3A_533 : i32
      %parallel_loop3A_535 = arith.constant 0 : i32
      %parallel_loop3A_536 = arith.cmpi slt, %parallel_loop3A_532, %parallel_loop3A_535 : i32
      %parallel_loop3A_537 = arith.constant 0 : i32
      %parallel_loop3A_538 = arith.cmpi slt, %parallel_loop3A_531, %parallel_loop3A_537 : i32
      %parallel_loop3A_539 = arith.xori %parallel_loop3A_536, %parallel_loop3A_538 : i1
      %parallel_loop3A_540 = arith.andi %parallel_loop3A_539, %parallel_loop3A_534 : i1
      %parallel_loop3A_541 = arith.addi %parallel_loop3A_532, %parallel_loop3A_531 : i32
      %parallel_loop3A_542 = arith.select %parallel_loop3A_540, %parallel_loop3A_541, %parallel_loop3A_532 : i32
      %parallel_loop3A_543 = arith.constant 16 : i32
      %parallel_loop3A_544 = arith.muli %parallel_loop3A_542, %parallel_loop3A_543 : i32
      %parallel_loop3A_545 = arith.index_cast %parallel_loop3A_526 : i32 to index
      %parallel_loop3A_546 = arith.index_cast %parallel_loop3A_544 : i32 to index
      %parallel_loop3A_547 = tpu.vector_load %arg6[%parallel_loop3A_545, %parallel_loop3A_546] {strides = array<i32>} : memref<8x4096xf32, #tpu.memory_space<vmem>>, vector<16xf32>,
      %parallel_loop3A_548 = vector.bitcast %parallel_loop3A_547 : vector<16xf32> to vector<16xi32>
      %parallel_loop3A_549 = arith.constant 2147483647 : i32
      %parallel_loop3A_550 = vector.broadcast %parallel_loop3A_549 : i32 to vector<16xi32>
      %parallel_loop3A_551 = arith.andi %parallel_loop3A_548, %parallel_loop3A_550 : vector<16xi32>
      %parallel_loop3A_552 = vector.bitcast %parallel_loop3A_551 : vector<16xi32> to vector<16xf32>
      %parallel_loop3A_553 = arith.sitofp %parallel_loop3A_551 : vector<16xi32> to vector<16xf32>
      %parallel_loop3A_554 = arith.constant 1.739070e-07 : f32
      %parallel_loop3A_555 = vector.broadcast %parallel_loop3A_554 : f32 to vector<16xf32>
      %parallel_loop3A_556 = arith.mulf %parallel_loop3A_553, %parallel_loop3A_555 : vector<16xf32>
      %parallel_loop3A_557 = arith.constant 361.649689 : f32
      %parallel_loop3A_558 = vector.broadcast %parallel_loop3A_557 : f32 to vector<16xf32>
      %parallel_loop3A_559 = arith.addf %parallel_loop3A_556, %parallel_loop3A_558 : vector<16xf32>
      %parallel_loop3A_560 = arith.fptosi %parallel_loop3A_559 : vector<16xf32> to vector<16xi32>
      %parallel_loop3A_561 = arith.constant 31 : i32
      %parallel_loop3A_562 = vector.broadcast %parallel_loop3A_561 : i32 to vector<16xi32>
      %parallel_loop3A_563 = arith.shrui %parallel_loop3A_548, %parallel_loop3A_562 : vector<16xi32>
      %parallel_loop3A_564 = arith.constant 9 : i32
      %parallel_loop3A_565 = vector.broadcast %parallel_loop3A_564 : i32 to vector<16xi32>
      %parallel_loop3A_566 = arith.shli %parallel_loop3A_563, %parallel_loop3A_565 : vector<16xi32>
      %parallel_loop3A_567 = arith.addi %parallel_loop3A_560, %parallel_loop3A_566 : vector<16xi32>
      %parallel_loop3A_568 = tpu.vector_load_idx %arg8[%parallel_loop3A_567] : memref<1280xf32, #tpu.memory_space<vmem>>[vector<16xi32>], vector<16xf32>,
      %parallel_loop3A_569 = tpu.vector_load_idx %arg9[%parallel_loop3A_567] : memref<1280xi32, #tpu.memory_space<vmem>>[vector<16xi32>], vector<16xi32>,
      %parallel_loop3A_570 = arith.constant 5 : i32
      %parallel_loop3A_571 = vector.broadcast %parallel_loop3A_570 : i32 to vector<16xi32>
      %parallel_loop3A_572 = arith.shli %parallel_loop3A_563, %parallel_loop3A_571 : vector<16xi32>
      %parallel_loop3A_573 = arith.constant 16 : i32
      %parallel_loop3A_574 = vector.broadcast %parallel_loop3A_573 : i32 to vector<16xi32>
      %parallel_loop3A_575 = arith.subi %parallel_loop3A_574, %parallel_loop3A_572 : vector<16xi32>
      %parallel_loop3A_576 = arith.cmpf oge, %parallel_loop3A_552, %parallel_loop3A_568 : vector<16xf32>
      %parallel_loop3A_577 = arith.constant 0 : i32
      %parallel_loop3A_578 = vector.broadcast %parallel_loop3A_577 : i32 to vector<16xi32>
      %parallel_loop3A_579 = arith.select %parallel_loop3A_576, %parallel_loop3A_575, %parallel_loop3A_578 : vector<16xi1>, vector<16xi32>
      %parallel_loop3A_580 = arith.addi %parallel_loop3A_569, %parallel_loop3A_579 : vector<16xi32>
      %parallel_loop3A_581 = arith.addi %parallel_loop3A_580, %iota3A : vector<16xi32>
      tpu.vector_store_idx %arg10[%parallel_loop3A_581], %broadcast_in_dim3A_264 {add = true} : memref<2080xi32, #tpu.memory_space<vmem>>[vector<16xi32>], vector<16xi32>,
    } {sc.loop_unroll_factor = 4 : i64, sc.parallel_access}
    %add3A_493 = arith.constant 56 : i32
    %add3A_494 = arith.addi %mul3A_2, %add3A_493 : i32
    %dma_wait3A_495 = arith.constant 4096 : i32
    %dma_wait3A_496 = tpu.memref_slice %arg2[%add3A_494, %dma_wait3A_495] : memref<2048x8192xf32, #tpu.memory_space<hbm>> -> memref<8x4096xf32, #tpu.memory_space<hbm>>
    %dma_wait3A_497 = arith.constant 4096 : i32
    %dma_wait3A_498 = tpu.memref_slice %arg2[%add3A_494, %dma_wait3A_497] : memref<2048x8192xf32, #tpu.memory_space<hbm>> -> memref<8x4096xf32, #tpu.memory_space<hbm>>
    tpu.wait_dma2 semaphore(%arg12 : memref<!tpu.dma_semaphore, #tpu.memory_space<semaphore_mem>>) src(%dma_wait3A_498 : memref<8x4096xf32, #tpu.memory_space<hbm>>) dst(%arg7 : memref<8x4096xf32, #tpu.memory_space<vmem>>)
    %parallel_loop3A_499 = arith.constant 0 : i32
    %parallel_loop3A_500 = arith.constant 2048 : i32
    %parallel_loop3A_501 = arith.constant 1 : i32
    scf.for %parallel_loop3A_502 = %parallel_loop3A_499 to %parallel_loop3A_500 step %parallel_loop3A_501  : i32 {
      %parallel_loop3A_503 = arith.constant 256 : i32
      %parallel_loop3A_504 = arith.divsi %parallel_loop3A_502, %parallel_loop3A_503 : i32
      %parallel_loop3A_505 = arith.constant 0 : i32
      %parallel_loop3A_506 = arith.cmpi sgt, %parallel_loop3A_502, %parallel_loop3A_505 : i32
      %parallel_loop3A_507 = arith.extui %parallel_loop3A_506 : i1 to i32
      %parallel_loop3A_508 = arith.constant 0 : i32
      %parallel_loop3A_509 = arith.cmpi slt, %parallel_loop3A_502, %parallel_loop3A_508 : i32
      %parallel_loop3A_510 = arith.extui %parallel_loop3A_509 : i1 to i32
      %parallel_loop3A_511 = arith.subi %parallel_loop3A_507, %parallel_loop3A_510 : i32
      %parallel_loop3A_512 = arith.constant 0 : i32
      %parallel_loop3A_513 = arith.cmpi sgt, %parallel_loop3A_503, %parallel_loop3A_512 : i32
      %parallel_loop3A_514 = arith.extui %parallel_loop3A_513 : i1 to i32
      %parallel_loop3A_515 = arith.constant 0 : i32
      %parallel_loop3A_516 = arith.cmpi slt, %parallel_loop3A_503, %parallel_loop3A_515 : i32
      %parallel_loop3A_517 = arith.extui %parallel_loop3A_516 : i1 to i32
      %parallel_loop3A_518 = arith.subi %parallel_loop3A_514, %parallel_loop3A_517 : i32
      %parallel_loop3A_519 = arith.cmpi ne, %parallel_loop3A_511, %parallel_loop3A_518 : i32
      %parallel_loop3A_520 = arith.remsi %parallel_loop3A_502, %parallel_loop3A_503 : i32
      %parallel_loop3A_521 = arith.constant 0 : i32
      %parallel_loop3A_522 = arith.cmpi ne, %parallel_loop3A_520, %parallel_loop3A_521 : i32
      %parallel_loop3A_523 = arith.andi %parallel_loop3A_519, %parallel_loop3A_522 : i1
      %parallel_loop3A_524 = arith.constant 1 : i32
      %parallel_loop3A_525 = arith.subi %parallel_loop3A_504, %parallel_loop3A_524 : i32
      %parallel_loop3A_526 = arith.select %parallel_loop3A_523, %parallel_loop3A_525, %parallel_loop3A_504 : i32
      %parallel_loop3A_527 = arith.constant 256 : i32
      %parallel_loop3A_528 = arith.constant 0 : i32
      %parallel_loop3A_529 = arith.cmpi eq, %parallel_loop3A_527, %parallel_loop3A_528 : i32
      %parallel_loop3A_530 = arith.constant 1 : i32
      %parallel_loop3A_531 = arith.select %parallel_loop3A_529, %parallel_loop3A_530, %parallel_loop3A_527 : i32
      %parallel_loop3A_532 = arith.remsi %parallel_loop3A_502, %parallel_loop3A_531 : i32
      %parallel_loop3A_533 = arith.constant 0 : i32
      %parallel_loop3A_534 = arith.cmpi ne, %parallel_loop3A_532, %parallel_loop3A_533 : i32
      %parallel_loop3A_535 = arith.constant 0 : i32
      %parallel_loop3A_536 = arith.cmpi slt, %parallel_loop3A_532, %parallel_loop3A_535 : i32
      %parallel_loop3A_537 = arith.constant 0 : i32
      %parallel_loop3A_538 = arith.cmpi slt, %parallel_loop3A_531, %parallel_loop3A_537 : i32
      %parallel_loop3A_539 = arith.xori %parallel_loop3A_536, %parallel_loop3A_538 : i1
      %parallel_loop3A_540 = arith.andi %parallel_loop3A_539, %parallel_loop3A_534 : i1
      %parallel_loop3A_541 = arith.addi %parallel_loop3A_532, %parallel_loop3A_531 : i32
      %parallel_loop3A_542 = arith.select %parallel_loop3A_540, %parallel_loop3A_541, %parallel_loop3A_532 : i32
      %parallel_loop3A_543 = arith.constant 16 : i32
      %parallel_loop3A_544 = arith.muli %parallel_loop3A_542, %parallel_loop3A_543 : i32
      %parallel_loop3A_545 = arith.index_cast %parallel_loop3A_526 : i32 to index
      %parallel_loop3A_546 = arith.index_cast %parallel_loop3A_544 : i32 to index
      %parallel_loop3A_547 = tpu.vector_load %arg7[%parallel_loop3A_545, %parallel_loop3A_546] {strides = array<i32>} : memref<8x4096xf32, #tpu.memory_space<vmem>>, vector<16xf32>,
      %parallel_loop3A_548 = vector.bitcast %parallel_loop3A_547 : vector<16xf32> to vector<16xi32>
      %parallel_loop3A_549 = arith.constant 2147483647 : i32
      %parallel_loop3A_550 = vector.broadcast %parallel_loop3A_549 : i32 to vector<16xi32>
      %parallel_loop3A_551 = arith.andi %parallel_loop3A_548, %parallel_loop3A_550 : vector<16xi32>
      %parallel_loop3A_552 = vector.bitcast %parallel_loop3A_551 : vector<16xi32> to vector<16xf32>
      %parallel_loop3A_553 = arith.sitofp %parallel_loop3A_551 : vector<16xi32> to vector<16xf32>
      %parallel_loop3A_554 = arith.constant 1.739070e-07 : f32
      %parallel_loop3A_555 = vector.broadcast %parallel_loop3A_554 : f32 to vector<16xf32>
      %parallel_loop3A_556 = arith.mulf %parallel_loop3A_553, %parallel_loop3A_555 : vector<16xf32>
      %parallel_loop3A_557 = arith.constant 361.649689 : f32
      %parallel_loop3A_558 = vector.broadcast %parallel_loop3A_557 : f32 to vector<16xf32>
      %parallel_loop3A_559 = arith.addf %parallel_loop3A_556, %parallel_loop3A_558 : vector<16xf32>
      %parallel_loop3A_560 = arith.fptosi %parallel_loop3A_559 : vector<16xf32> to vector<16xi32>
      %parallel_loop3A_561 = arith.constant 31 : i32
      %parallel_loop3A_562 = vector.broadcast %parallel_loop3A_561 : i32 to vector<16xi32>
      %parallel_loop3A_563 = arith.shrui %parallel_loop3A_548, %parallel_loop3A_562 : vector<16xi32>
      %parallel_loop3A_564 = arith.constant 9 : i32
      %parallel_loop3A_565 = vector.broadcast %parallel_loop3A_564 : i32 to vector<16xi32>
      %parallel_loop3A_566 = arith.shli %parallel_loop3A_563, %parallel_loop3A_565 : vector<16xi32>
      %parallel_loop3A_567 = arith.addi %parallel_loop3A_560, %parallel_loop3A_566 : vector<16xi32>
      %parallel_loop3A_568 = tpu.vector_load_idx %arg8[%parallel_loop3A_567] : memref<1280xf32, #tpu.memory_space<vmem>>[vector<16xi32>], vector<16xf32>,
      %parallel_loop3A_569 = tpu.vector_load_idx %arg9[%parallel_loop3A_567] : memref<1280xi32, #tpu.memory_space<vmem>>[vector<16xi32>], vector<16xi32>,
      %parallel_loop3A_570 = arith.constant 5 : i32
      %parallel_loop3A_571 = vector.broadcast %parallel_loop3A_570 : i32 to vector<16xi32>
      %parallel_loop3A_572 = arith.shli %parallel_loop3A_563, %parallel_loop3A_571 : vector<16xi32>
      %parallel_loop3A_573 = arith.constant 16 : i32
      %parallel_loop3A_574 = vector.broadcast %parallel_loop3A_573 : i32 to vector<16xi32>
      %parallel_loop3A_575 = arith.subi %parallel_loop3A_574, %parallel_loop3A_572 : vector<16xi32>
      %parallel_loop3A_576 = arith.cmpf oge, %parallel_loop3A_552, %parallel_loop3A_568 : vector<16xf32>
      %parallel_loop3A_577 = arith.constant 0 : i32
      %parallel_loop3A_578 = vector.broadcast %parallel_loop3A_577 : i32 to vector<16xi32>
      %parallel_loop3A_579 = arith.select %parallel_loop3A_576, %parallel_loop3A_575, %parallel_loop3A_578 : vector<16xi1>, vector<16xi32>
      %parallel_loop3A_580 = arith.addi %parallel_loop3A_569, %parallel_loop3A_579 : vector<16xi32>
      %parallel_loop3A_581 = arith.addi %parallel_loop3A_580, %iota3A : vector<16xi32>
      tpu.vector_store_idx %arg10[%parallel_loop3A_581], %broadcast_in_dim3A_264 {add = true} : memref<2080xi32, #tpu.memory_space<vmem>>[vector<16xi32>], vector<16xi32>,
    } {sc.loop_unroll_factor = 4 : i64, sc.parallel_access}
    "tpu.region"() ({
      %run_scoped3A = tpu.sem_alloc : memref<!tpu.dma_semaphore, #tpu.memory_space<semaphore_mem>>
      %dma_start3A_502 = arith.constant 0 : i32
      %dma_start3A_503 = tpu.memref_slice %arg5[%add3A, %dma_start3A_502] : memref<32x2080xi32, #tpu.memory_space<hbm>> -> memref<1x2080xi32, #tpu.memory_space<hbm>>
      %dma_start3A_504 = tpu.memref_squeeze %dma_start3A_503 : memref<1x2080xi32, #tpu.memory_space<hbm>> -> memref<2080xi32, #tpu.memory_space<hbm>>
      %dma_start3A_505 = arith.constant 0 : i32
      %dma_start3A_506 = tpu.memref_slice %arg5[%add3A, %dma_start3A_505] : memref<32x2080xi32, #tpu.memory_space<hbm>> -> memref<1x2080xi32, #tpu.memory_space<hbm>>
      %dma_start3A_507 = tpu.memref_squeeze %dma_start3A_506 : memref<1x2080xi32, #tpu.memory_space<hbm>> -> memref<2080xi32, #tpu.memory_space<hbm>>
      tpu.enqueue_dma source(%arg10 : memref<2080xi32, #tpu.memory_space<vmem>>) target(%dma_start3A_507 : memref<2080xi32, #tpu.memory_space<hbm>>) target_semaphore(%run_scoped3A : memref<!tpu.dma_semaphore, #tpu.memory_space<semaphore_mem>>)
      %dma_wait3A_508 = arith.constant 0 : i32
      %dma_wait3A_509 = tpu.memref_slice %arg5[%add3A, %dma_wait3A_508] : memref<32x2080xi32, #tpu.memory_space<hbm>> -> memref<1x2080xi32, #tpu.memory_space<hbm>>
      %dma_wait3A_510 = tpu.memref_squeeze %dma_wait3A_509 : memref<1x2080xi32, #tpu.memory_space<hbm>> -> memref<2080xi32, #tpu.memory_space<hbm>>
      %dma_wait3A_511 = arith.constant 0 : i32
      %dma_wait3A_512 = tpu.memref_slice %arg5[%add3A, %dma_wait3A_511] : memref<32x2080xi32, #tpu.memory_space<hbm>> -> memref<1x2080xi32, #tpu.memory_space<hbm>>
      %dma_wait3A_513 = tpu.memref_squeeze %dma_wait3A_512 : memref<1x2080xi32, #tpu.memory_space<hbm>> -> memref<2080xi32, #tpu.memory_space<hbm>>
      tpu.wait_dma2 semaphore(%run_scoped3A : memref<!tpu.dma_semaphore, #tpu.memory_space<semaphore_mem>>) src(%arg10 : memref<2080xi32, #tpu.memory_space<vmem>>) dst(%dma_wait3A_513 : memref<2080xi32, #tpu.memory_space<hbm>>)
      tpu.yield
    }) : () -> ()
    return
  }
}

module attributes {stable_mosaic.version = 14 : i64} {
  func.func @_tc_stats_body(%arg0: i32, %arg1: memref<256x8192xf32, #tpu.memory_space<vmem>>, %arg2: memref<4xf32, #tpu.memory_space<smem>>) attributes {dimension_semantics = [#tpu.dimension_semantics<arbitrary>], iteration_bounds = array<i64: 8>, scalar_prefetch = 0 : i64, scratch_operands = 0 : i64, tpu.core_type = #tpu.core_type<tc>, window_params = [{transform_indices = @transform_0, window_bounds = array<i64: 256, 8192>}, {transform_indices = @transform_1, window_bounds = array<i64: 4>}]} {
    %eq3A = arith.constant 0 : i32
    %eq3A_0 = arith.cmpi eq, %arg0, %eq3A : i32
    %convert_element_type3A = arith.extui %eq3A_0 : i1 to i32
    %cond3A = arith.constant 0 : i32
    %cond3A_1 = arith.cmpi ne, %convert_element_type3A, %cond3A : i32
    scf.if %cond3A_1 {
      %swap3A_37 = arith.constant 0x7F800000 : f32
      %swap3A_38 = arith.constant 0 : index
      %swap3A_39 = memref.load %arg2[%swap3A_38] : memref<4xf32, #tpu.memory_space<smem>>
      memref.store %swap3A_37, %arg2[%swap3A_38] : memref<4xf32, #tpu.memory_space<smem>>
      %swap3A_40 = arith.constant 0xFF800000 : f32
      %swap3A_41 = arith.constant 1 : index
      %swap3A_42 = memref.load %arg2[%swap3A_41] : memref<4xf32, #tpu.memory_space<smem>>
      memref.store %swap3A_40, %arg2[%swap3A_41] : memref<4xf32, #tpu.memory_space<smem>>
      %swap3A_43 = arith.constant 0.000000e+00 : f32
      %swap3A_44 = arith.constant 2 : index
      %swap3A_45 = memref.load %arg2[%swap3A_44] : memref<4xf32, #tpu.memory_space<smem>>
      memref.store %swap3A_43, %arg2[%swap3A_44] : memref<4xf32, #tpu.memory_space<smem>>
      %swap3A_46 = arith.constant 0.000000e+00 : f32
      %swap3A_47 = arith.constant 3 : index
      %swap3A_48 = memref.load %arg2[%swap3A_47] : memref<4xf32, #tpu.memory_space<smem>>
      memref.store %swap3A_46, %arg2[%swap3A_47] : memref<4xf32, #tpu.memory_space<smem>>
    } else {
    }
    %get3A = arith.constant 0 : index
    %get3A_2 = arith.constant 0 : index
    %get3A_3 = vector.load %arg1[%get3A, %get3A_2] : memref<256x8192xf32, #tpu.memory_space<vmem>>, vector<256x8192xf32>
    %get3A_4 = arith.constant 0 : index
    %get3A_5 = memref.load %arg2[%get3A_4] : memref<4xf32, #tpu.memory_space<smem>>
    %reduce_min3A = vector.shape_cast %get3A_3 : vector<256x8192xf32> to vector<1x256x8192xf32>
    %reduce_min3A_6 = arith.constant dense<0x7F800000> : vector<1xf32>
    %reduce_min3A_7 = vector.multi_reduction <minimumf>, %reduce_min3A, %reduce_min3A_6 [1, 2] : vector<1x256x8192xf32> to vector<1xf32>
    %reduce_min3A_8 = vector.shape_cast %reduce_min3A_7 : vector<1xf32> to vector<1x1x1xf32>
    %reduce_min3A_9 = vector.extract %reduce_min3A_8[0, 0, 0] : f32 from vector<1x1x1xf32>
    %min3A = arith.minimumf %get3A_5, %reduce_min3A_9 : f32
    %swap3A = arith.constant 0 : index
    %swap3A_10 = memref.load %arg2[%swap3A] : memref<4xf32, #tpu.memory_space<smem>>
    memref.store %min3A, %arg2[%swap3A] : memref<4xf32, #tpu.memory_space<smem>>
    %get3A_11 = arith.constant 1 : index
    %get3A_12 = memref.load %arg2[%get3A_11] : memref<4xf32, #tpu.memory_space<smem>>
    %reduce_max3A = vector.shape_cast %get3A_3 : vector<256x8192xf32> to vector<1x256x8192xf32>
    %reduce_max3A_13 = arith.constant dense<0xFF800000> : vector<1xf32>
    %reduce_max3A_14 = vector.multi_reduction <maximumf>, %reduce_max3A, %reduce_max3A_13 [1, 2] : vector<1x256x8192xf32> to vector<1xf32>
    %reduce_max3A_15 = vector.shape_cast %reduce_max3A_14 : vector<1xf32> to vector<1x1x1xf32>
    %reduce_max3A_16 = vector.extract %reduce_max3A_15[0, 0, 0] : f32 from vector<1x1x1xf32>
    %max3A = arith.maximumf %get3A_12, %reduce_max3A_16 : f32
    %swap3A_17 = arith.constant 1 : index
    %swap3A_18 = memref.load %arg2[%swap3A_17] : memref<4xf32, #tpu.memory_space<smem>>
    memref.store %max3A, %arg2[%swap3A_17] : memref<4xf32, #tpu.memory_space<smem>>
    %get3A_19 = arith.constant 2 : index
    %get3A_20 = memref.load %arg2[%get3A_19] : memref<4xf32, #tpu.memory_space<smem>>
    %reduce_sum3A = vector.shape_cast %get3A_3 : vector<256x8192xf32> to vector<1x256x8192xf32>
    %reduce_sum3A_21 = arith.constant dense<0.000000e+00> : vector<1xf32>
    %reduce_sum3A_22 = vector.multi_reduction <add>, %reduce_sum3A, %reduce_sum3A_21 [1, 2] : vector<1x256x8192xf32> to vector<1xf32>
    %reduce_sum3A_23 = vector.shape_cast %reduce_sum3A_22 : vector<1xf32> to vector<1x1x1xf32>
    %reduce_sum3A_24 = vector.extract %reduce_sum3A_23[0, 0, 0] : f32 from vector<1x1x1xf32>
    %add3A = arith.addf %get3A_20, %reduce_sum3A_24 : f32
    %swap3A_25 = arith.constant 2 : index
    %swap3A_26 = memref.load %arg2[%swap3A_25] : memref<4xf32, #tpu.memory_space<smem>>
    memref.store %add3A, %arg2[%swap3A_25] : memref<4xf32, #tpu.memory_space<smem>>
    %get3A_27 = arith.constant 3 : index
    %get3A_28 = memref.load %arg2[%get3A_27] : memref<4xf32, #tpu.memory_space<smem>>
    %mul3A = arith.mulf %get3A_3, %get3A_3 : vector<256x8192xf32>
    %reduce_sum3A_29 = vector.shape_cast %mul3A : vector<256x8192xf32> to vector<1x256x8192xf32>
    %reduce_sum3A_30 = arith.constant dense<0.000000e+00> : vector<1xf32>
    %reduce_sum3A_31 = vector.multi_reduction <add>, %reduce_sum3A_29, %reduce_sum3A_30 [1, 2] : vector<1x256x8192xf32> to vector<1xf32>
    %reduce_sum3A_32 = vector.shape_cast %reduce_sum3A_31 : vector<1xf32> to vector<1x1x1xf32>
    %reduce_sum3A_33 = vector.extract %reduce_sum3A_32[0, 0, 0] : f32 from vector<1x1x1xf32>
    %add3A_34 = arith.addf %get3A_28, %reduce_sum3A_33 : f32
    %swap3A_35 = arith.constant 3 : index
    %swap3A_36 = memref.load %arg2[%swap3A_35] : memref<4xf32, #tpu.memory_space<smem>>
    memref.store %add3A_34, %arg2[%swap3A_35] : memref<4xf32, #tpu.memory_space<smem>>
    return
  }
  func.func @transform_0(%arg0: i32) -> (i32, i32) {
    %c0_i32 = arith.constant 0 : i32
    %c0_i32_0 = arith.constant 0 : i32
    return %arg0, %c0_i32 : i32, i32
  }
  func.func @transform_1(%arg0: i32) -> i32 {
    %c0_i32 = arith.constant 0 : i32
    %c0_i32_0 = arith.constant 0 : i32
    return %c0_i32 : i32
  }
}

</mosaic_0001>

<sc_bundles>
// kernel: kernel.4.cloned.1.call-start
scs
__scs_entry_jumppad:
0x0: {  	(pc) =	sbr.rel $0x88, $3  }
0x1: {  	(tag) =	ssettag $0x0;
	lr =	simm.s32 $0x1  }
0x2: {  	[smem:$0x3FA0] =	sst lr;
	_ =	strace $0xD0000000  }
0x3: {  	_ = 	snop  }
0x4: {  	_ = 	snop  }
0x5: {  	_ = 	snop  }
0x6: {  	_ = 	snop  }
0x7: {  	_ = 	snop  }
__scs_overlays_trampoline_lowered:
0x8: {  	[smem:$0x3FAF] =	sst s0  }
0x9: {  	[smem:$0x3FB0] =	sst s1  }
0xa: {  	[smem:$0x3FB1] =	sst s2  }
0xb: {  	[smem:$0x3FB2] =	sst s3  }
0xc: {  	[smem:$0x3FB3] =	sst s4  }
0xd: {  	[smem:$0x3FB4] =	sst s5  }
0xe: {  	[smem:$0x3FB5] =	sst s6  }
0xf: {  	[smem:$0x3FB6] =	sst s7  }
0x10: {  	[smem:$0x3FB7] =	sst s8  }
0x11: {  	[smem:$0x3FB8] =	sst s9;
	s0 =	simm.s32 @!p0 $0x0  }
0x12: {  	s1 =	sld [smem:$0x3F9E];
	s0 =	simm.s32 @p0 $0x1  }
0x13: {  	[smem:$0x3FB9] =	sst s0;
	s0 =	simm.s32 @!p1 $0x0  }
0x14: {  	s2 =	sld [smem:$0x3F9D];
	s0 =	simm.s32 @p1 $0x1  }
0x15: {  	[smem:$0x3FBA] =	sst s0;
	s0 =	simm.s32 @!p2 $0x0  }
0x16: {  	s3 =	sld [smem:$0x3FDB];
	s0 =	simm.s32 @p2 $0x1  }
0x17: {  	s4 =	simm.s32 $0x1BF5;
	[smem:$0x3FBC] =	sst s0  }
0x18: {  	s0 =	sld [smem:$0x3F9F];
	_ =	swait.ge [sflag:s4], $0x0  }
0x19: {  	s7 =	sld [smem:$0x3FA0]  }
0x1a: {  	s8 =	sadd.s32 $0xFFFFE003, lr  }
0x1b: {  	s9 =	sadd.s32 $0xFFFFFEF7, lr;
	s5 =	simm.s32 $0xFFFFFFFF;
	p2 =	slt.u32 s8, $0xFFFFF086  }
0x1c: {  	p1 =	slt.u32 s9, $0xF7A;
	s5 =	simm.s32 @!p2 $0x0  }
0x1d: {  	s5 =	simm.s32 @p1 $0x1;
	p0 =	seq.s32 s7, s2  }
0x1e: {  	s7 =	smul.u32 @!p0 $0xF7A, s2;
	p2 =	seq.s32 @!p0 s5, $0x0  }
0x1f: {  	s9 =	smul.u32 $0xF7A, s1;
	s8 =	simm.s32 @!p0 $0x1BF5;
	p2 =	por !p2, p0  }
0x20: {  	[sflag:s8] =	ssyncset.s32 @!p0 $0xFFFFF086;
	s6 =	sadd.s32 @!p0 s3, s7;
	s7 =	simm.s32 @!p0 $0x108  }
0x21: {  	s3 =	sadd.s32 s3, s9;
	s6 =	sadd.s32 @!p0 $0x88, s6;
	s7 =	simm.s32 @p2 $0x1082  }
0x22: {  	[simem:s7], [sflag:s8] =	dma.local @!p0 [hbm:s6], $0xF7A  }
0x23: {  	s9 =	sor.u32 $0xD0000000, s2;
	s6 =	simm.s32 $0x108;
	_ =	swait.ge @!p0 [sflag:s8], $0x0  }
0x24: {  	s3 =	sadd.s32 $0x88, s3;
	s6 =	simm.s32 @!p1 $0x1082;
	[sflag:s4] =	ssyncset.s32 $0xFFFFF086  }
0x25: {  	[simem:s6], [sflag:s4] =	dma.local [hbm:s3], $0xF7A  }
0x26: {  	[smem:$0x3FA0] =	sst s1;
	(tag) =	ssettag s2;
	_ =	strace s9  }
0x27: {  	s1 =	sld [smem:$0x3FB0]  }
0x28: {  	s2 =	sld [smem:$0x3FB1]  }
0x29: {  	s4 =	sld [smem:$0x3FB3]  }
0x2a: {  	p0 =	seq.s32 s5, $0x0;
	s5 =	sld [smem:$0x3FB4]  }
0x2b: {  	s6 =	sld [smem:$0x3FB5]  }
0x2c: {  	s7 =	sld [smem:$0x3FB6]  }
0x2d: {  	s3 =	simm.s32 $0x108;
	s8 =	sld [smem:$0x3FB7]  }
0x2e: {  	s3 =	simm.s32 @!p0 $0x1082;
	s9 =	sld [smem:$0x3FB8]  }
0x2f: {  	lr =	sadd.s32 s0, s3;
	s0 =	sld [smem:$0x3FAF]  }
0x30: {  	s3 =	sld [smem:$0x3FB2]  }
0x31: {  	[smem:$0x3FBB] =	sst s10  }
0x32: {  	s10 =	sld [smem:$0x3FB9];
	_ =	sdelay $0x3  }
0x33: {  	p0 =	seq.s32 s10, $0x1;
	s10 =	sld [smem:$0x3FBB];
	_ =	sdelay $0x3  }
0x34: {  	[smem:$0x3FBB] =	sst s10  }
0x35: {  	s10 =	sld [smem:$0x3FBA];
	_ =	sdelay $0x3  }
0x36: {  	p1 =	seq.s32 s10, $0x1;
	s10 =	sld [smem:$0x3FBB];
	_ =	sdelay $0x3  }
0x37: {  	[smem:$0x3FBB] =	sst s10  }
0x38: {  	s10 =	sld [smem:$0x3FBC]  }
0x39: {  	_ = 	snop;
	(pc) =	sbr.ind lr, $3  }
0x3a: {  	_ = 	snop  }
0x3b: {  	_ = 	snop  }
0x3c: {  	p2 =	seq.s32 s10, $0x1;
	s10 =	sld [smem:$0x3FBB]  }
0x3d: {  	_ =	shalt  }
0x3e: {  	_ =	shalt  }
0x3f: {  	_ =	shalt  }
0x40: {  	_ =	shalt  }
0x41: {  	_ =	shalt  }
0x42: {  	_ =	shalt  }
0x43: {  	_ =	shalt  }
0x44: {  	_ =	shalt  }
0x45: {  	_ =	shalt  }
0x46: {  	_ =	shalt  }
0x47: {  	_ =	shalt  }
0x48: {  	_ =	shalt  }
0x49: {  	_ =	shalt  }
0x4a: {  	_ =	shalt  }
0x4b: {  	_ =	shalt  }
0x4c: {  	_ =	shalt  }
0x4d: {  	_ =	shalt  }
0x4e: {  	_ =	shalt  }
0x4f: {  	_ =	shalt  }
0x50: {  	_ =	shalt  }
0x51: {  	_ =	shalt  }
0x52: {  	_ =	shalt  }
0x53: {  	_ =	shalt  }
0x54: {  	_ =	shalt  }
0x55: {  	_ =	shalt  }
0x56: {  	_ =	shalt  }
0x57: {  	_ =	shalt  }
0x58: {  	_ =	shalt  }
0x59: {  	_ =	shalt  }
0x5a: {  	_ =	shalt  }
0x5b: {  	_ =	shalt  }
0x5c: {  	_ =	shalt  }
0x5d: {  	_ =	shalt  }
0x5e: {  	_ =	shalt  }
0x5f: {  	_ =	shalt  }
0x60: {  	_ =	shalt  }
0x61: {  	_ =	shalt  }
0x62: {  	_ =	shalt  }
0x63: {  	_ =	shalt  }
0x64: {  	_ =	shalt  }
0x65: {  	_ =	shalt  }
0x66: {  	_ =	shalt  }
0x67: {  	_ =	shalt  }
0x68: {  	_ =	shalt  }
0x69: {  	_ =	shalt  }
0x6a: {  	_ =	shalt  }
0x6b: {  	_ =	shalt  }
0x6c: {  	_ =	shalt  }
0x6d: {  	_ =	shalt  }
0x6e: {  	_ =	shalt  }
0x6f: {  	_ =	shalt  }
0x70: {  	_ =	shalt  }
0x71: {  	_ =	shalt  }
0x72: {  	_ =	shalt  }
0x73: {  	_ =	shalt  }
0x74: {  	_ =	shalt  }
0x75: {  	_ =	shalt  }
0x76: {  	_ =	shalt  }
0x77: {  	_ =	shalt  }
0x78: {  	_ =	shalt  }
0x79: {  	_ =	shalt  }
0x7a: {  	_ =	shalt  }
0x7b: {  	_ =	shalt  }
0x7c: {  	_ =	shalt  }
0x7d: {  	_ =	shalt  }
0x7e: {  	_ =	shalt  }
0x7f: {  	_ =	shalt  }
0x80: {  	_ =	shalt  }
0x81: {  	_ =	shalt  }
0x82: {  	_ =	shalt  }
0x83: {  	_ =	shalt  }
0x84: {  	_ =	shalt  }
0x85: {  	_ =	shalt  }
0x86: {  	_ =	shalt  }
0x87: {  	_ =	shalt  }
.Lfunc_end0:
.L_simem_size_0:
called_computation_lowered:
.L_overlay_start_0:
0x88: {  	s2 =	sld [smem:$0x3FD9]  }
0x89: {  	s3 =	sld [smem:$0x3FFE];
	_ =	sdelay $0x1  }
0x8a: {  	s1 =	srdreg.scid  }
0x8b: {  	s0 =	sand.u32 $0x1, s1  }
0x8c: {  	s17 =	sshll.u32 s0, $0xA;
	s2 =	sadd.s32 s3, s2  }
0x8d: {  	s2 =	sadd.s32 s2, s17  }
0x8e: {  	[smem:$0x3FC7] =	sst s2  }
0x8f: {  	_ = 	snop  }
0x90: {  	s2 =	sld [smem:$0x3FC9];
	(tm) =	ssettm $0x1  }
0x91: {  	s18 =	sld [smem:$0x3FFB];
	_ =	sdelay $0x3  }
0x92: {  	_ =	strace s18  }
0x93: {  	s3 =	sld [smem:$0x3FFC];
	_ =	sdelay $0x3  }
0x94: {  	_ =	strace s3  }
0x95: {  	s3 =	sld [smem:$0x3FFD];
	_ =	sdelay $0x3  }
0x96: {  	_ =	strace s3  }
0x97: {  	_ =	strace $0x8FFFFFFF  }
0x98: {  	s19 =	sld [smem:$0x3FDB];
	_ =	sdelay $0x1  }
0x99: {  	s4 =	simm.s32 $_scs_section_size  }
0x9a: {  	s5 =	simm.s32 $_size__tile_overlayer_lowered;
	s6 =	simm.s32 $_tile_overlayer_lowered  }
0x9b: {  	s22 =	simm.s32 $0x1BFF;
	s21 =	sshll.u32 s6, $0x1;
	s3 =	sadd.s32 s4, s19  }
0x9c: {  	s7 =	simm.s32 $0x0;
	s20 =	sshll.u32 s5, $0x1;
	s5 =	sadd.s32 s21, s3  }
0x9d: {  	[timem:s7], [sflag:s22] =	dma.local [hbm:s5], s20  }
0x9e: {  	_ =	swait.ge [sflag:s22], s20  }
0x9f: {  	s4 =	ssub.s32 $0x0, s20;
	[sflag:s22] =	ssyncset.done $0x0  }
0xa0: {  	[sflag:s22] =	ssyncadd.s32 s4;
	_ =	sdelay $0x1  }
0xa1: {  	s23 =	simm.s32 $0x1B8B  }
0xa2: {  	_ =	swait.ge [sflag:s23], $0x1  }
0xa3: {  	[sflag:s23] =	ssyncset.done $0x0  }
0xa4: {  	s25 =	simm.s32 $0x1B8E;
	s24 =	sld [smem:$0x3FFE];
	[sflag:s23] =	ssyncadd.s32 $0xFFFFFFFF  }
0xa5: {  	s26 =	simm.s32 $execute0_lowered;
	[smem:$0x3FD2] =	sst s25  }
0xa6: {  	s5 =	sshll.u32 s26, $0x1;
	_ =	strace $0x80000046;
	[dreg:$0x1] =	wrdreg $0xFFFFFFFF  }
0xa7: {  	s28 =	simm.s32 $_size_execute0_lowered;
	s3 =	sadd.s32 s3, s5;
	[dreg:$0x0] =	wrdreg $0x0  }
0xa8: {  	s5 =	sshll.u32 s28, $0x1;
	[dreg:$0x2] =	wrdreg s3  }
0xa9: {  	[dreg:$0x3] =	wrdreg s5  }
0xaa: {  	[dreg:$0x4] =	wrdreg $0xC0  }
0xab: {  	_ =	task [dreg:s7], $0x5FFFF  }
0xac: {  	[dreg:$0x1] =	wrdreg $0xFFFFFFFF  }
0xad: {  	[dreg:$0x0] =	wrdreg $0x60  }
0xae: {  	[dreg:$0x2] =	wrdreg s2  }
0xaf: {  	[dreg:$0x3] =	wrdreg s24  }
0xb0: {  	[dreg:$0x4] =	wrdreg $0x9  }
0xb1: {  	_ =	task.clear_ibuf [dreg:s7], $0x5FFFF;
	_ =	strace $0x90000046  }
0xb2: {  	s29 =	simm.s32 $0x9;
	_ =	strace $0x80000048  }
0xb3: {  	_ =	swait.ge [sflag:s29], $0x1  }
0xb4: {  	[sflag:s29] =	ssyncadd.s32 $0xFFFFFFFF  }
0xb5: {  	_ =	strace $0x90000048  }
0xb6: {  	_ =	sfence  }
0xb7: {  	s30 =	sld [smem:$0x0];
	_ =	sdelay $0x2  }
0xb8: {  	s31 =	sshll.u32 s1, $0xD;
	s1 =	sshrl.u32 s1, $0x2  }
0xb9: {  	s3 =	sand.u32 $0x4000, s31;
	s1 =	sadd.s32 s1, s30  }
0xba: {  	s0 =	sor.u32 s3, s0;
	s1 =	sshll.u32 s1, $0x11  }
0xbb: {  	s0 =	sor.u32 s1, s0  }
0xbc: {  	s0 =	sadd.s32 $0x8F2B, s0  }
0xbd: {  	[sflag:s0] =	ssyncadd.remote.s32 $0x1  }
0xbe: {  	_ =	sfence.sel $0xFFFF  }
0xbf: {  	[dreg:$0x0] =	wrdreg $0xFFFFFFFF;
	(pc) =	sbr.abs _section_cstart, $3  }
0xc0: {  	[dreg:$0x1] =	wrdreg $0xFFFFFFFF  }
0xc1: {  	_ =	task.clear_ibuf [dreg:s7], $0x2FFFF;
	_ =	strace $0x9FFFFFFF  }
0xc2: {  	(tm) =	ssettm $0x7FFFFFFF  }
0xc3: {  	_ =	shalt  }
tec
execute0_lowered:
.L_overlay_start_1:
0x0: {  	(tag) =	ssettag $0x1  }
0x1: {  	s0 =	rddreg [dreg:$0x0]  }
0x2: {  	s6 =	rddreg [dreg:$0x1]  }
0x3: {  	s1 =	srdreg.scid;
	s4 =	stileid.u32  }
0x4: {  	s3 =	simm.s32 $0x0;
	s23 =	simm.s32 $0x10000;
	s24 =	simm.s32 $0x3  }
0x5: {  	s28 =	simm.s32 $0x1;
	s29 =	simm.s32 $0x10A00;
	s30 =	simm.s32 $0x2  }
0x6: {  	s1 =	sand.u32 $0x1, s1;
	s2 =	sshll.u32 s4, $0x1;
	s4 =	sshrl.u32 s4, $0x2  }
0x7: {  	[smem:$0x7FF] =	sst s3;
	s7 =	sadd.s32 $0x200, s6;
	s2 =	sor.u32 s1, s2  }
0x8: {  	s4 =	smul.u32 $0x4400, s4;
	_ =	strace $0x80000047;
	s1 =	ssub.s32 $0x2, s1  }
0x9: {  	[dreg:$0x3] =	wrdreg s7;
	s5 =	sshll.u32 s2, $0x7;
	s25 =	sshrl.u32 s1, $0x1  }
0xa: {  	s2 =	sshll.u32 s2, $0x10;
	s5 =	sand.u32 $0x380, s5;
	s1 =	ssub.s32 s1, s25  }
0xb: {  	s25 =	simm.s32 $0x10500;
	s4 =	sor.u32 s4, s5;
	s5 =	sadd.s32 s0, s2  }
0xc: {  	s22 =	smax.u32 s1, $0x1;
	s1 =	simm.s32 $0x0;
	s4 =	sshrl.u32 s4, $0x3  }
0xd: {  	s0 =	sadd.s32 $0x1000, s5;
	s26 =	sadd.s32 $0x2000, s5;
	s31 =	sadd.s32 $0x3000, s5  }
0xe: {  	s9 =	sadd.s32 $0x4000, s5;
	s10 =	sadd.s32 $0x5000, s5;
	s11 =	sadd.s32 $0x6000, s5  }
0xf: {  	s12 =	sadd.s32 $0x7000, s5;
	s13 =	sadd.s32 $0x8000, s5;
	s14 =	sadd.s32 $0x9000, s5  }
0x10: {  	s15 =	sadd.s32 $0xA000, s5;
	s16 =	sadd.s32 $0xB000, s5;
	s17 =	sadd.s32 $0xC000, s5  }
0x11: {  	s18 =	sadd.s32 $0xD000, s5;
	s19 =	sadd.s32 $0xE000, s5;
	[dreg:$0x4] =	wrdreg s0  }
0x12: {  	s20 =	sadd.s32 $0xF000, s5;
	s4 =	sadd.s32 s4, s6;
	[dreg:$0x5] =	wrdreg s26  }
0x13: {  	v0 =	vimm.s32 $0x0;
	v1 =	vlaneseq.u32;
	v2 =	vimm.s32 $0x1;
	[dreg:$0x6] =	wrdreg s31;
	s26 =	simm.s32 $0x8000;
	s21 =	sadd.s32 $0x400, s4  }
.LBB2_1:
0x14: {  	s0 =	rddreg [dreg:$0x1]  }
0x15: {  	[tilespmem:s23], [sflag:$0x3] =	stream.linear.gather [hbm4b:s0+s3], $0x500, $0x38;
	[tilespmem:$0x11280] =	vst v63  }
0x16: {  	_ =	swait.ge [sflag:s24], $0x500  }
0x17: {  	[sflag:s24] =	ssyncset.done $0x0  }
0x18: {  	s6 =	rddreg [dreg:$0x3];
	[sflag:s24] =	ssyncadd.s32 $0xFFFFFB00  }
0x19: {  	[tilespmem:s25], [sflag:$0x3] =	stream.linear.gather [hbm4b:s6+s3], $0x500, $0x38;
	[tilespmem:$0x11280] =	vst v63  }
0x1a: {  	_ =	swait.ge [sflag:s24], $0x500  }
0x1b: {  	[sflag:s24] =	ssyncset.done $0x0  }
0x1c: {  	[sflag:s24] =	ssyncadd.s32 $0xFFFFFB00  }
0x1d: {  	[tilespmem:$0x10A00] =	vst v0  }
0x1e: {  	[tilespmem:$0x10A10] =	vst v0  }
0x1f: {  	[tilespmem:$0x10A20] =	vst v0  }
0x20: {  	[tilespmem:$0x10A30] =	vst v0  }
0x21: {  	[tilespmem:$0x10A40] =	vst v0  }
0x22: {  	[tilespmem:$0x10A50] =	vst v0  }
0x23: {  	[tilespmem:$0x10A60] =	vst v0  }
0x24: {  	[tilespmem:$0x10A70] =	vst v0  }
0x25: {  	[tilespmem:$0x10A80] =	vst v0  }
0x26: {  	[tilespmem:$0x10A90] =	vst v0  }
0x27: {  	[tilespmem:$0x10AA0] =	vst v0  }
0x28: {  	[tilespmem:$0x10AB0] =	vst v0  }
0x29: {  	[tilespmem:$0x10AC0] =	vst v0  }
0x2a: {  	[tilespmem:$0x10AD0] =	vst v0  }
0x2b: {  	[tilespmem:$0x10AE0] =	vst v0  }
0x2c: {  	[tilespmem:$0x10AF0] =	vst v0  }
0x2d: {  	[tilespmem:$0x10B00] =	vst v0  }
0x2e: {  	[tilespmem:$0x10B10] =	vst v0  }
0x2f: {  	[tilespmem:$0x10B20] =	vst v0  }
0x30: {  	[tilespmem:$0x10B30] =	vst v0  }
0x31: {  	[tilespmem:$0x10B40] =	vst v0  }
0x32: {  	[tilespmem:$0x10B50] =	vst v0  }
0x33: {  	[tilespmem:$0x10B60] =	vst v0  }
0x34: {  	[tilespmem:$0x10B70] =	vst v0  }
0x35: {  	[tilespmem:$0x10B80] =	vst v0  }
0x36: {  	[tilespmem:$0x10B90] =	vst v0  }
0x37: {  	[tilespmem:$0x10BA0] =	vst v0  }
0x38: {  	[tilespmem:$0x10BB0] =	vst v0  }
0x39: {  	[tilespmem:$0x10BC0] =	vst v0  }
0x3a: {  	[tilespmem:$0x10BD0] =	vst v0  }
0x3b: {  	[tilespmem:$0x10BE0] =	vst v0  }
0x3c: {  	[tilespmem:$0x10BF0] =	vst v0  }
0x3d: {  	[tilespmem:$0x10C00] =	vst v0  }
0x3e: {  	[tilespmem:$0x10C10] =	vst v0  }
0x3f: {  	[tilespmem:$0x10C20] =	vst v0  }
0x40: {  	[tilespmem:$0x10C30] =	vst v0  }
0x41: {  	[tilespmem:$0x10C40] =	vst v0  }
0x42: {  	[tilespmem:$0x10C50] =	vst v0  }
0x43: {  	[tilespmem:$0x10C60] =	vst v0  }
0x44: {  	[tilespmem:$0x10C70] =	vst v0  }
0x45: {  	[tilespmem:$0x10C80] =	vst v0  }
0x46: {  	[tilespmem:$0x10C90] =	vst v0  }
0x47: {  	[tilespmem:$0x10CA0] =	vst v0  }
0x48: {  	[tilespmem:$0x10CB0] =	vst v0  }
0x49: {  	[tilespmem:$0x10CC0] =	vst v0  }
0x4a: {  	[tilespmem:$0x10CD0] =	vst v0  }
0x4b: {  	[tilespmem:$0x10CE0] =	vst v0  }
0x4c: {  	[tilespmem:$0x10CF0] =	vst v0  }
0x4d: {  	[tilespmem:$0x10D00] =	vst v0  }
0x4e: {  	[tilespmem:$0x10D10] =	vst v0  }
0x4f: {  	[tilespmem:$0x10D20] =	vst v0  }
0x50: {  	[tilespmem:$0x10D30] =	vst v0  }
0x51: {  	[tilespmem:$0x10D40] =	vst v0  }
0x52: {  	[tilespmem:$0x10D50] =	vst v0  }
0x53: {  	[tilespmem:$0x10D60] =	vst v0  }
0x54: {  	[tilespmem:$0x10D70] =	vst v0  }
0x55: {  	[tilespmem:$0x10D80] =	vst v0  }
0x56: {  	[tilespmem:$0x10D90] =	vst v0  }
0x57: {  	[tilespmem:$0x10DA0] =	vst v0  }
0x58: {  	[tilespmem:$0x10DB0] =	vst v0  }
0x59: {  	[tilespmem:$0x10DC0] =	vst v0  }
0x5a: {  	[tilespmem:$0x10DD0] =	vst v0  }
0x5b: {  	[tilespmem:$0x10DE0] =	vst v0  }
0x5c: {  	[tilespmem:$0x10DF0] =	vst v0  }
0x5d: {  	[tilespmem:$0x10E00] =	vst v0  }
0x5e: {  	[tilespmem:$0x10E10] =	vst v0  }
0x5f: {  	[tilespmem:$0x10E20] =	vst v0  }
0x60: {  	[tilespmem:$0x10E30] =	vst v0  }
0x61: {  	[tilespmem:$0x10E40] =	vst v0  }
0x62: {  	[tilespmem:$0x10E50] =	vst v0  }
0x63: {  	[tilespmem:$0x10E60] =	vst v0  }
0x64: {  	[tilespmem:$0x10E70] =	vst v0  }
0x65: {  	[tilespmem:$0x10E80] =	vst v0  }
0x66: {  	[tilespmem:$0x10E90] =	vst v0  }
0x67: {  	[tilespmem:$0x10EA0] =	vst v0  }
0x68: {  	[tilespmem:$0x10EB0] =	vst v0  }
0x69: {  	[tilespmem:$0x10EC0] =	vst v0  }
0x6a: {  	[tilespmem:$0x10ED0] =	vst v0  }
0x6b: {  	[tilespmem:$0x10EE0] =	vst v0  }
0x6c: {  	[tilespmem:$0x10EF0] =	vst v0  }
0x6d: {  	[tilespmem:$0x10F00] =	vst v0  }
0x6e: {  	[tilespmem:$0x10F10] =	vst v0  }
0x6f: {  	[tilespmem:$0x10F20] =	vst v0  }
0x70: {  	[tilespmem:$0x10F30] =	vst v0  }
0x71: {  	[tilespmem:$0x10F40] =	vst v0  }
0x72: {  	[tilespmem:$0x10F50] =	vst v0  }
0x73: {  	[tilespmem:$0x10F60] =	vst v0  }
0x74: {  	[tilespmem:$0x10F70] =	vst v0  }
0x75: {  	[tilespmem:$0x10F80] =	vst v0  }
0x76: {  	[tilespmem:$0x10F90] =	vst v0  }
0x77: {  	[tilespmem:$0x10FA0] =	vst v0  }
0x78: {  	[tilespmem:$0x10FB0] =	vst v0  }
0x79: {  	[tilespmem:$0x10FC0] =	vst v0  }
0x7a: {  	[tilespmem:$0x10FD0] =	vst v0  }
0x7b: {  	[tilespmem:$0x10FE0] =	vst v0  }
0x7c: {  	[tilespmem:$0x10FF0] =	vst v0  }
0x7d: {  	[tilespmem:$0x11000] =	vst v0  }
0x7e: {  	[tilespmem:$0x11010] =	vst v0  }
0x7f: {  	[tilespmem:$0x11020] =	vst v0  }
0x80: {  	[tilespmem:$0x11030] =	vst v0  }
0x81: {  	[tilespmem:$0x11040] =	vst v0  }
0x82: {  	[tilespmem:$0x11050] =	vst v0  }
0x83: {  	[tilespmem:$0x11060] =	vst v0  }
0x84: {  	[tilespmem:$0x11070] =	vst v0  }
0x85: {  	[tilespmem:$0x11080] =	vst v0  }
0x86: {  	[tilespmem:$0x11090] =	vst v0  }
0x87: {  	[tilespmem:$0x110A0] =	vst v0  }
0x88: {  	[tilespmem:$0x110B0] =	vst v0  }
0x89: {  	[tilespmem:$0x110C0] =	vst v0  }
0x8a: {  	[tilespmem:$0x110D0] =	vst v0  }
0x8b: {  	[tilespmem:$0x110E0] =	vst v0  }
0x8c: {  	[tilespmem:$0x110F0] =	vst v0  }
0x8d: {  	[tilespmem:$0x11100] =	vst v0  }
0x8e: {  	[tilespmem:$0x11110] =	vst v0  }
0x8f: {  	[tilespmem:$0x11120] =	vst v0  }
0x90: {  	[tilespmem:$0x11130] =	vst v0  }
0x91: {  	[tilespmem:$0x11140] =	vst v0  }
0x92: {  	[tilespmem:$0x11150] =	vst v0  }
0x93: {  	[tilespmem:$0x11160] =	vst v0  }
0x94: {  	[tilespmem:$0x11170] =	vst v0  }
0x95: {  	[tilespmem:$0x11180] =	vst v0  }
0x96: {  	[tilespmem:$0x11190] =	vst v0  }
0x97: {  	[tilespmem:$0x111A0] =	vst v0  }
0x98: {  	[tilespmem:$0x111B0] =	vst v0  }
0x99: {  	[tilespmem:$0x111C0] =	vst v0  }
0x9a: {  	[tilespmem:$0x111D0] =	vst v0  }
0x9b: {  	[tilespmem:$0x111E0] =	vst v0  }
0x9c: {  	[tilespmem:$0x111F0] =	vst v0  }
0x9d: {  	[tilespmem:$0x11200] =	vst v0  }
0x9e: {  	[tilespmem:$0x11210] =	vst v0  }
0x9f: {  	[tilespmem:s3], [sflag:$0x1] =	stream.linear.gather [hbm4b:s5+s3], $0x8000, $0x38;
	[tilespmem:$0x11280] =	vst v63  }
0xa0: {  	s7 =	rddreg [dreg:$0x4]  }
0xa1: {  	[tilespmem:s26], [sflag:$0x2] =	stream.linear.gather [hbm4b:s7+s3], $0x8000, $0x38;
	[tilespmem:$0x11280] =	vst v63  }
0xa2: {  	s8 =	sand.u32 $0x7C00, s3;
	s2 =	sand.u32 $0x380, s3;
	_ =	swait.ge [sflag:s28], $0x8000  }
0xa3: {  	s4 =	sand.u32 $0x40, s3;
	s0 =	sor.u32 s2, s8;
	[sflag:s28] =	ssyncset.done $0x0  }
0xa4: {  	s0 =	sor.u32 s4, s0;
	[sflag:s28] =	ssyncadd.s32 $0xFFFF8000  }
0xa5: {  	v4 =	vld [tilespmem:s0+$0x30];
	_ =	sdelay $0x2  }
0xa6: {  	v7 =	vld [tilespmem:s0+$0x10];
	_ =	sdelay $0x1  }
0xa7: {  	v10 =	vand.u32 $0x7FFFFFFF, v4  }
0xa8: {  	v6 =	vld [tilespmem:s0+$0x0];
	v3 =	vcvt.s32.f32 v10  }
0xa9: {  	v8 =	vld [tilespmem:s0+$0x20]  }
0xaa: {  	v5 =	vand.u32 $0x7FFFFFFF, v7;
	v3 =	vmul.f32 $1.739069970e-07, v3  }
0xab: {  	v13 =	vcvt.s32.f32 v5  }
0xac: {  	v9 =	vadd.f32 $3.616496890e+02, v3  }
0xad: {  	v12 =	vshrl.u32 v4, $0x1F;
	v13 =	vmul.f32 $1.739069970e-07, v13;
	v3 =	vand.u32 $0x7FFFFFFF, v6  }
0xae: {  	v4 =	vand.u32 $0x7FFFFFFF, v8;
	v11 =	vcvt.s32.f32 v3;
	v9 =	vtrunc.f32 v9  }
0xaf: {  	s6 =	simm.s32 $0x200;
	s7 =	simm.s32 $0x2;
	v7 =	vshrl.u32 v7, $0x1F;
	v13 =	vadd.f32 $3.616496890e+02, v13;
	v9 =	vcvt.f32.s32 v9  }
0xb0: {  	s31 =	simm.s32 $0x40;
	s2 =	sand.u32 $0x380, s7;
	s0 =	sand.u32 $0x7C00, s6;
	v14 =	vshll.u32 v12, $0x9;
	v15 =	vcvt.s32.f32 v4;
	v11 =	vmul.f32 $1.739069970e-07, v11  }
0xb1: {  	s8 =	sand.u32 $0x40, s31;
	s0 =	sor.u32 s2, s0;
	v8 =	vshrl.u32 v8, $0x1F;
	v13 =	vtrunc.f32 v13;
	v9 =	vadd.s32 v9, v14  }
0xb2: {  	s0 =	sor.u32 s8, s0;
	v13 =	vcvt.f32.s32 v13;
	v14 =	vmul.f32 $1.739069970e-07, v15;
	v11 =	vadd.f32 $3.616496890e+02, v11  }
0xb3: {  	v19 =	vld [tilespmem:s0+$0x30];
	v16 =	vshll.u32 v7, $0x9;
	v18 =	vshll.u32 v8, $0x9  }
0xb4: {  	v24 =	vadd.s32 v13, v16;
	v13 =	vld [tilespmem:s0+$0x10];
	v14 =	vadd.f32 $3.616496890e+02, v14;
	v11 =	vtrunc.f32 v11  }
0xb5: {  	v20 =	vld [tilespmem:s0+$0x0];
	v7 =	vshll.u32 v7, $0x5;
	v6 =	vshrl.u32 v6, $0x1F;
	v11 =	vcvt.f32.s32 v11  }
0xb6: {  	v15 =	vshll.u32 v6, $0x9;
	v6 =	vshll.u32 v6, $0x5;
	v14 =	vtrunc.f32 v14;
	v17 =	vld.idx.msk [tilespmem:v9+s23+$0x0], $0xffff  }
0xb7: {  	v25 =	vld [tilespmem:s0+$0x20];
	v14 =	vcvt.f32.s32 v14;
	v23 =	vadd.s32 v11, v15;
	v11 =	vshll.u32 v8, $0x5  }
0xb8: {  	v21 =	vld.idx.msk [tilespmem:v9+s25+$0x0], $0xffff;
	v9 =	vsub.s32 $0x10, v6;
	v8 =	vsub.s32 $0x10, v7;
	v6 =	vand.u32 $0x7FFFFFFF, v19  }
0xb9: {  	v22 =	vshrl.u32 v13, $0x1F;
	v19 =	vshrl.u32 v19, $0x1F;
	v7 =	vsub.s32 $0x10, v11  }
0xba: {  	v11 =	vshll.u32 v12, $0x5;
	v12 =	vcvt.s32.f32 v6;
	v14 =	vadd.s32 v14, v18  }
0xbb: {  	v15 =	vsub.s32 $0x10, v11;
	v11 =	vand.u32 $0x7FFFFFFF, v20;
	vm0 =	vle.f32 v17, v10  }
0xbc: {  	v10 =	vand.u32 $0x7FFFFFFF, v13;
	v17 =	vmul.f32 $1.739069970e-07, v12;
	v15 =	vnsel vm0, $0x0, v15  }
0xbd: {  	v12 =	vand.u32 $0x7FFFFFFF, v25;
	v13 =	vld.idx.msk [tilespmem:v23+s25+$0x0], $0xffff;
	v16 =	vadd.s32 v15, v21;
	v21 =	vcvt.s32.f32 v11  }
0xbe: {  	v27 =	vcvt.s32.f32 v10;
	v15 =	vld.idx.msk [tilespmem:v23+s23+$0x0], $0xffff;
	v17 =	vadd.f32 $3.616496890e+02, v17;
	v26 =	vadd.s32 v1, v16  }
0xbf: {  	v20 =	vshrl.u32 v20, $0x1F;
	v28 =	vcvt.s32.f32 v12;
	v18 =	vld.idx.msk [tilespmem:v14+s23+$0x0], $0xffff;
	v29 =	vmul.f32 $1.739069970e-07, v21  }
0xc0: {  	v16 =	vld.idx.msk [tilespmem:v24+s23+$0x0], $0xffff;
	v21 =	vshrl.u32 v25, $0x1F;
	v25 =	vmul.f32 $1.739069970e-07, v27;
	v27 =	vtrunc.f32 v17  }
0xc1: {  	v23 =	vshll.u32 v20, $0x9;
	v17 =	vld.idx.msk [tilespmem:v24+s25+$0x0], $0xffff;
	v24 =	vmul.f32 $1.739069970e-07, v28;
	v30 =	vcvt.f32.s32 v27  }
0xc2: {  	v14 =	vld.idx.msk [tilespmem:v14+s25+$0x0], $0xffff;
	v27 =	vadd.f32 $3.616496890e+02, v29;
	v28 =	vadd.f32 $3.616496890e+02, v25;
	v29 =	vshll.u32 v19, $0x9  }
0xc3: {  	s4 =	simm.s32 $0x4;
	s2 =	simm.s32 $0x400;
	s0 =	simm.s32 $0x4;
	v25 =	vshll.u32 v22, $0x9;
	[tilespmem:v26+s29+$0x0] =	vst.idx.add.s32.msk $0xffff, v2;
	v26 =	vadd.f32 $3.616496890e+02, v24;
	v24 =	vadd.s32 v30, v29  }
.LBB2_2:
0xc4: {  	s6 =	sand.u32 $0x7C00, s2;
	s7 =	sand.u32 $0x380, s4;
	v27 =	vtrunc.f32 v27;
	v28 =	vtrunc.f32 v28;
	v29 =	vshll.u32 v21, $0x9;
	s31 =	sadd.s32 $0x40, s31  }
0xc5: {  	s0 =	sadd.s32 $0x4, s0;
	v20 =	vshll.u32 v20, $0x5;
	s8 =	sand.u32 $0x40, s31;
	s6 =	sor.u32 s7, s6;
	v27 =	vcvt.f32.s32 v27;
	v26 =	vtrunc.f32 v26  }
0xc6: {  	v22 =	vshll.u32 v22, $0x5;
	p0 =	slt.u32 s0, $0x7FC;
	v28 =	vcvt.f32.s32 v28;
	s6 =	sor.u32 s8, s6;
	v26 =	vcvt.f32.s32 v26  }
0xc7: {  	v21 =	vshll.u32 v21, $0x5;
	vm0 =	vle.f32 v15, v3;
	v3 =	vmovc v11;
	v30 =	vld [tilespmem:s6+$0x30];
	v23 =	vadd.s32 v27, v23  }
0xc8: {  	vm1 =	vle.f32 v16, v5;
	v25 =	vadd.s32 v28, v25;
	v26 =	vadd.s32 v26, v29;
	v11 =	vld.idx.msk [tilespmem:v24+s23+$0x0], $0xffff  }
0xc9: {  	vm2 =	vle.f32 v18, v4;
	v5 =	vmovc v10;
	v4 =	vmovc v12;
	v15 =	vsub.s32 $0x10, v20;
	v16 =	vsub.s32 $0x10, v22;
	v27 =	vld [tilespmem:s6+$0x0]  }
0xca: {  	v10 =	vsub.s32 $0x10, v21;
	v18 =	vnsel vm0, $0x0, v9;
	v20 =	vnsel vm1, $0x0, v8;
	v9 =	vmovc v15;
	v8 =	vmovc v16;
	v12 =	vld.idx.msk [tilespmem:v24+s25+$0x0], $0xffff  }
0xcb: {  	v13 =	vadd.s32 v18, v13;
	v15 =	vadd.s32 v20, v17;
	v16 =	vnsel vm2, $0x0, v7;
	v7 =	vmovc v10;
	v21 =	vld [tilespmem:s6+$0x10]  }
0xcc: {  	v28 =	vadd.s32 v1, v13;
	v10 =	vadd.s32 v16, v14;
	v29 =	vadd.s32 v1, v15;
	v24 =	vld [tilespmem:s6+$0x20]  }
0xcd: {  	v14 =	vshll.u32 v19, $0x5;
	v31 =	vadd.s32 v1, v10;
	v13 =	vand.u32 $0x7FFFFFFF, v30;
	v15 =	vld.idx.msk [tilespmem:v23+s23+$0x0], $0xffff  }
0xce: {  	v10 =	vsub.s32 $0x10, v14;
	v17 =	vcvt.s32.f32 v13;
	vm0 =	vle.f32 v11, v6;
	v6 =	vmovc v13;
	v16 =	vld.idx.msk [tilespmem:v25+s23+$0x0], $0xffff  }
0xcf: {  	v11 =	vand.u32 $0x7FFFFFFF, v27;
	v20 =	vshrl.u32 v27, $0x1F;
	v14 =	vnsel vm0, $0x0, v10;
	v18 =	vld.idx.msk [tilespmem:v26+s23+$0x0], $0xffff  }
0xd0: {  	v19 =	vmul.f32 $1.739069970e-07, v17;
	v14 =	vadd.s32 v14, v12;
	v10 =	vand.u32 $0x7FFFFFFF, v21;
	v13 =	vld.idx.msk [tilespmem:v23+s25+$0x0], $0xffff  }
0xd1: {  	v22 =	vcvt.s32.f32 v11;
	v12 =	vand.u32 $0x7FFFFFFF, v24;
	v17 =	vld.idx.msk [tilespmem:v25+s25+$0x0], $0xffff;
	v25 =	vadd.s32 v1, v14  }
0xd2: {  	v27 =	vcvt.s32.f32 v10;
	v19 =	vadd.f32 $3.616496890e+02, v19;
	v32 =	vcvt.s32.f32 v12;
	v14 =	vld.idx.msk [tilespmem:v26+s25+$0x0], $0xffff  }
.Ltmp0:
0xd3: {  	v26 =	vmul.f32 $1.739069970e-07, v22;
	v22 =	vshrl.u32 v21, $0x1F;
	v21 =	vshrl.u32 v24, $0x1F;
	[tilespmem:v28+s29+$0x0] =	vst.idx.add.s32.msk $0xffff, v2;
	(pc) =	sbr.rel @p0 .LBB2_2-.Ltmp0, $4  }
0xd4: {  	v23 =	vshll.u32 v20, $0x9;
	v24 =	vmul.f32 $1.739069970e-07, v27;
	v19 =	vtrunc.f32 v19;
	[tilespmem:v29+s29+$0x0] =	vst.idx.add.s32.msk $0xffff, v2  }
0xd5: {  	v29 =	vmul.f32 $1.739069970e-07, v32;
	v32 =	vcvt.f32.s32 v19;
	v19 =	vshrl.u32 v30, $0x1F;
	[tilespmem:v31+s29+$0x0] =	vst.idx.add.s32.msk $0xffff, v2  }
0xd6: {  	v27 =	vadd.f32 $3.616496890e+02, v26;
	v28 =	vadd.f32 $3.616496890e+02, v24;
	v24 =	vshll.u32 v19, $0x9;
	[tilespmem:v25+s29+$0x0] =	vst.idx.add.s32.msk $0xffff, v2  }
0xd7: {  	s2 =	sadd.s32 $0x200, s2;
	s4 =	sadd.s32 $0x2, s4;
	v25 =	vshll.u32 v22, $0x9;
	v26 =	vadd.f32 $3.616496890e+02, v29;
	v24 =	vadd.s32 v32, v24  }
0xd8: {  	v27 =	vtrunc.f32 v27  }
0xd9: {  	v28 =	vtrunc.f32 v28;
	v27 =	vcvt.f32.s32 v27  }
0xda: {  	v28 =	vcvt.f32.s32 v28  }
0xdb: {  	v26 =	vtrunc.f32 v26;
	v23 =	vadd.s32 v27, v23  }
0xdc: {  	v26 =	vcvt.f32.s32 v26;
	v25 =	vadd.s32 v28, v25  }
0xdd: {  	v27 =	vshll.u32 v21, $0x9  }
0xde: {  	v26 =	vadd.s32 v26, v27;
	v27 =	vld.idx.msk [tilespmem:v24+s23+$0x0], $0xffff  }
0xdf: {  	v20 =	vshll.u32 v20, $0x5;
	v22 =	vshll.u32 v22, $0x5;
	vm0 =	vle.f32 v15, v3;
	v24 =	vld.idx.msk [tilespmem:v24+s25+$0x0], $0xffff  }
0xe0: {  	vm1 =	vle.f32 v16, v5;
	vm2 =	vle.f32 v18, v4;
	v3 =	vsub.s32 $0x10, v20;
	v5 =	vld.idx.msk [tilespmem:v23+s23+$0x0], $0xffff  }
0xe1: {  	v15 =	vsub.s32 $0x10, v22;
	v4 =	vnsel vm0, $0x0, v9;
	v8 =	vnsel vm1, $0x0, v8;
	v9 =	vld.idx.msk [tilespmem:v25+s23+$0x0], $0xffff  }
0xe2: {  	v7 =	vnsel vm2, $0x0, v7;
	v4 =	vadd.s32 v4, v13;
	v8 =	vadd.s32 v8, v17;
	v18 =	vld.idx.msk [tilespmem:v23+s25+$0x0], $0xffff  }
0xe3: {  	v17 =	vshll.u32 v19, $0x5;
	v7 =	vadd.s32 v7, v14;
	v21 =	vshll.u32 v21, $0x5;
	v13 =	vld.idx.msk [tilespmem:v26+s23+$0x0], $0xffff  }
0xe4: {  	v4 =	vadd.s32 v1, v4;
	v17 =	vsub.s32 $0x10, v17;
	vm11 =	vle.f32 v27, v6;
	v6 =	vld.idx.msk [tilespmem:v25+s25+$0x0], $0xffff  }
0xe5: {  	v8 =	vadd.s32 v1, v8;
	v7 =	vadd.s32 v1, v7;
	v14 =	vnsel vm11, $0x0, v17;
	v17 =	vld.idx.msk [tilespmem:v26+s25+$0x0], $0xffff  }
0xe6: {  	v16 =	vsub.s32 $0x10, v21;
	v14 =	vadd.s32 v14, v24;
	vm12 =	vle.f32 v5, v11  }
0xe7: {  	v5 =	vadd.s32 v1, v14;
	vm13 =	vle.f32 v9, v10;
	v3 =	vnsel vm12, $0x0, v3  }
0xe8: {  	vm14 =	vle.f32 v13, v12;
	v9 =	vnsel vm13, $0x0, v15;
	v3 =	vadd.s32 v3, v18  }
0xe9: {  	v6 =	vadd.s32 v9, v6;
	v9 =	vnsel vm14, $0x0, v16;
	v3 =	vadd.s32 v1, v3  }
0xea: {  	[tilespmem:v4+s29+$0x0] =	vst.idx.add.s32.msk $0xffff, v2;
	v4 =	vadd.s32 v1, v6;
	v6 =	vadd.s32 v9, v17  }
0xeb: {  	[tilespmem:v8+s29+$0x0] =	vst.idx.add.s32.msk $0xffff, v2;
	v6 =	vadd.s32 v1, v6  }
0xec: {  	[tilespmem:v7+s29+$0x0] =	vst.idx.add.s32.msk $0xffff, v2  }
0xed: {  	[tilespmem:v5+s29+$0x0] =	vst.idx.add.s32.msk $0xffff, v2  }
0xee: {  	[tilespmem:v3+s29+$0x0] =	vst.idx.add.s32.msk $0xffff, v2  }
0xef: {  	[tilespmem:v4+s29+$0x0] =	vst.idx.add.s32.msk $0xffff, v2  }
0xf0: {  	[tilespmem:v6+s29+$0x0] =	vst.idx.add.s32.msk $0xffff, v2  }
0xf1: {  	s0 =	simm.s32 $0x0;
	s2 =	rddreg [dreg:$0x5]  }
0xf2: {  	[tilespmem:s0], [sflag:$0x1] =	stream.linear.gather [hbm4b:s2+s0], $0x8000, $0x38;
	[tilespmem:$0x11280] =	vst v63  }
0xf3: {  	s8 =	sand.u32 $0x7C00, s0;
	s4 =	sand.u32 $0x380, s0;
	_ =	swait.ge [sflag:s30], $0x8000  }
0xf4: {  	s0 =	sand.u32 $0x40, s0;
	s2 =	sor.u32 s4, s8;
	[sflag:s30] =	ssyncset.done $0x0  }
0xf5: {  	s0 =	sor.u32 s0, s2;
	[sflag:s30] =	ssyncadd.s32 $0xFFFF8000  }
0xf6: {  	v4 =	vld [tilespmem:s0+$0x8030];
	_ =	sdelay $0x2  }
0xf7: {  	v7 =	vld [tilespmem:s0+$0x8010];
	_ =	sdelay $0x1  }
0xf8: {  	v10 =	vand.u32 $0x7FFFFFFF, v4  }
0xf9: {  	v6 =	vld [tilespmem:s0+$0x8000];
	v3 =	vcvt.s32.f32 v10  }
0xfa: {  	v8 =	vld [tilespmem:s0+$0x8020]  }
0xfb: {  	v5 =	vand.u32 $0x7FFFFFFF, v7;
	v3 =	vmul.f32 $1.739069970e-07, v3  }
0xfc: {  	v13 =	vcvt.s32.f32 v5  }
0xfd: {  	v9 =	vadd.f32 $3.616496890e+02, v3  }
0xfe: {  	v12 =	vshrl.u32 v4, $0x1F;
	v13 =	vmul.f32 $1.739069970e-07, v13;
	v3 =	vand.u32 $0x7FFFFFFF, v6  }
0xff: {  	v4 =	vand.u32 $0x7FFFFFFF, v8;
	v11 =	vcvt.s32.f32 v3;
	v9 =	vtrunc.f32 v9  }
0x100: {  	s6 =	simm.s32 $0x200;
	s7 =	simm.s32 $0x2;
	v7 =	vshrl.u32 v7, $0x1F;
	v13 =	vadd.f32 $3.616496890e+02, v13;
	v9 =	vcvt.f32.s32 v9  }
0x101: {  	s31 =	simm.s32 $0x40;
	s2 =	sand.u32 $0x380, s7;
	s0 =	sand.u32 $0x7C00, s6;
	v14 =	vshll.u32 v12, $0x9;
	v15 =	vcvt.s32.f32 v4;
	v11 =	vmul.f32 $1.739069970e-07, v11  }
0x102: {  	s8 =	sand.u32 $0x40, s31;
	s0 =	sor.u32 s2, s0;
	v8 =	vshrl.u32 v8, $0x1F;
	v13 =	vtrunc.f32 v13;
	v9 =	vadd.s32 v9, v14  }
0x103: {  	s0 =	sor.u32 s8, s0;
	v13 =	vcvt.f32.s32 v13;
	v14 =	vmul.f32 $1.739069970e-07, v15;
	v11 =	vadd.f32 $3.616496890e+02, v11  }
0x104: {  	v19 =	vld [tilespmem:s0+$0x8030];
	v16 =	vshll.u32 v7, $0x9;
	v18 =	vshll.u32 v8, $0x9  }
0x105: {  	v24 =	vadd.s32 v13, v16;
	v13 =	vld [tilespmem:s0+$0x8010];
	v14 =	vadd.f32 $3.616496890e+02, v14;
	v11 =	vtrunc.f32 v11  }
0x106: {  	v20 =	vld [tilespmem:s0+$0x8000];
	v7 =	vshll.u32 v7, $0x5;
	v6 =	vshrl.u32 v6, $0x1F;
	v11 =	vcvt.f32.s32 v11  }
0x107: {  	v15 =	vshll.u32 v6, $0x9;
	v6 =	vshll.u32 v6, $0x5;
	v14 =	vtrunc.f32 v14;
	v17 =	vld.idx.msk [tilespmem:v9+s23+$0x0], $0xffff  }
0x108: {  	v25 =	vld [tilespmem:s0+$0x8020];
	v14 =	vcvt.f32.s32 v14;
	v23 =	vadd.s32 v11, v15;
	v11 =	vshll.u32 v8, $0x5  }
0x109: {  	v21 =	vld.idx.msk [tilespmem:v9+s25+$0x0], $0xffff;
	v9 =	vsub.s32 $0x10, v6;
	v8 =	vsub.s32 $0x10, v7;
	v6 =	vand.u32 $0x7FFFFFFF, v19  }
0x10a: {  	v22 =	vshrl.u32 v13, $0x1F;
	v19 =	vshrl.u32 v19, $0x1F;
	v7 =	vsub.s32 $0x10, v11  }
0x10b: {  	v11 =	vshll.u32 v12, $0x5;
	v12 =	vcvt.s32.f32 v6;
	v14 =	vadd.s32 v14, v18  }
0x10c: {  	v15 =	vsub.s32 $0x10, v11;
	v11 =	vand.u32 $0x7FFFFFFF, v20;
	vm15 =	vle.f32 v17, v10  }
0x10d: {  	v10 =	vand.u32 $0x7FFFFFFF, v13;
	v17 =	vmul.f32 $1.739069970e-07, v12;
	v15 =	vnsel vm15, $0x0, v15  }
0x10e: {  	v12 =	vand.u32 $0x7FFFFFFF, v25;
	v13 =	vld.idx.msk [tilespmem:v23+s25+$0x0], $0xffff;
	v16 =	vadd.s32 v15, v21;
	v21 =	vcvt.s32.f32 v11  }
0x10f: {  	v27 =	vcvt.s32.f32 v10;
	v15 =	vld.idx.msk [tilespmem:v23+s23+$0x0], $0xffff;
	v17 =	vadd.f32 $3.616496890e+02, v17;
	v26 =	vadd.s32 v1, v16  }
0x110: {  	v20 =	vshrl.u32 v20, $0x1F;
	v28 =	vcvt.s32.f32 v12;
	v18 =	vld.idx.msk [tilespmem:v14+s23+$0x0], $0xffff;
	v29 =	vmul.f32 $1.739069970e-07, v21  }
0x111: {  	v16 =	vld.idx.msk [tilespmem:v24+s23+$0x0], $0xffff;
	v21 =	vshrl.u32 v25, $0x1F;
	v25 =	vmul.f32 $1.739069970e-07, v27;
	v27 =	vtrunc.f32 v17  }
0x112: {  	v23 =	vshll.u32 v20, $0x9;
	v17 =	vld.idx.msk [tilespmem:v24+s25+$0x0], $0xffff;
	v24 =	vmul.f32 $1.739069970e-07, v28;
	v30 =	vcvt.f32.s32 v27  }
0x113: {  	v14 =	vld.idx.msk [tilespmem:v14+s25+$0x0], $0xffff;
	v27 =	vadd.f32 $3.616496890e+02, v29;
	v28 =	vadd.f32 $3.616496890e+02, v25;
	v29 =	vshll.u32 v19, $0x9  }
0x114: {  	s4 =	simm.s32 $0x4;
	s2 =	simm.s32 $0x400;
	s0 =	simm.s32 $0x4;
	v25 =	vshll.u32 v22, $0x9;
	[tilespmem:v26+s29+$0x0] =	vst.idx.add.s32.msk $0xffff, v2;
	v26 =	vadd.f32 $3.616496890e+02, v24;
	v24 =	vadd.s32 v30, v29  }
.LBB2_4:
0x115: {  	s6 =	sand.u32 $0x7C00, s2;
	s7 =	sand.u32 $0x380, s4;
	v27 =	vtrunc.f32 v27;
	v28 =	vtrunc.f32 v28;
	v29 =	vshll.u32 v21, $0x9;
	s31 =	sadd.s32 $0x40, s31  }
0x116: {  	s0 =	sadd.s32 $0x4, s0;
	v20 =	vshll.u32 v20, $0x5;
	s8 =	sand.u32 $0x40, s31;
	s6 =	sor.u32 s7, s6;
	v27 =	vcvt.f32.s32 v27;
	v26 =	vtrunc.f32 v26  }
0x117: {  	v22 =	vshll.u32 v22, $0x5;
	p0 =	slt.u32 s0, $0x7FC;
	v28 =	vcvt.f32.s32 v28;
	s6 =	sor.u32 s8, s6;
	v26 =	vcvt.f32.s32 v26  }
0x118: {  	v21 =	vshll.u32 v21, $0x5;
	vm0 =	vle.f32 v15, v3;
	v3 =	vmovc v11;
	v30 =	vld [tilespmem:s6+$0x8030];
	v23 =	vadd.s32 v27, v23  }
0x119: {  	vm1 =	vle.f32 v16, v5;
	v25 =	vadd.s32 v28, v25;
	v26 =	vadd.s32 v26, v29;
	v11 =	vld.idx.msk [tilespmem:v24+s23+$0x0], $0xffff  }
0x11a: {  	vm2 =	vle.f32 v18, v4;
	v5 =	vmovc v10;
	v4 =	vmovc v12;
	v15 =	vsub.s32 $0x10, v20;
	v16 =	vsub.s32 $0x10, v22;
	v27 =	vld [tilespmem:s6+$0x8000]  }
0x11b: {  	v10 =	vsub.s32 $0x10, v21;
	v18 =	vnsel vm0, $0x0, v9;
	v20 =	vnsel vm1, $0x0, v8;
	v9 =	vmovc v15;
	v8 =	vmovc v16;
	v12 =	vld.idx.msk [tilespmem:v24+s25+$0x0], $0xffff  }
0x11c: {  	v13 =	vadd.s32 v18, v13;
	v15 =	vadd.s32 v20, v17;
	v16 =	vnsel vm2, $0x0, v7;
	v7 =	vmovc v10;
	v21 =	vld [tilespmem:s6+$0x8010]  }
0x11d: {  	v28 =	vadd.s32 v1, v13;
	v10 =	vadd.s32 v16, v14;
	v29 =	vadd.s32 v1, v15;
	v24 =	vld [tilespmem:s6+$0x8020]  }
0x11e: {  	v14 =	vshll.u32 v19, $0x5;
	v31 =	vadd.s32 v1, v10;
	v13 =	vand.u32 $0x7FFFFFFF, v30;
	v15 =	vld.idx.msk [tilespmem:v23+s23+$0x0], $0xffff  }
0x11f: {  	v10 =	vsub.s32 $0x10, v14;
	v17 =	vcvt.s32.f32 v13;
	vm0 =	vle.f32 v11, v6;
	v6 =	vmovc v13;
	v16 =	vld.idx.msk [tilespmem:v25+s23+$0x0], $0xffff  }
0x120: {  	v11 =	vand.u32 $0x7FFFFFFF, v27;
	v20 =	vshrl.u32 v27, $0x1F;
	v14 =	vnsel vm0, $0x0, v10;
	v18 =	vld.idx.msk [tilespmem:v26+s23+$0x0], $0xffff  }
0x121: {  	v19 =	vmul.f32 $1.739069970e-07, v17;
	v14 =	vadd.s32 v14, v12;
	v10 =	vand.u32 $0x7FFFFFFF, v21;
	v13 =	vld.idx.msk [tilespmem:v23+s25+$0x0], $0xffff  }
0x122: {  	v22 =	vcvt.s32.f32 v11;
	v12 =	vand.u32 $0x7FFFFFFF, v24;
	v17 =	vld.idx.msk [tilespmem:v25+s25+$0x0], $0xffff;
	v25 =	vadd.s32 v1, v14  }
0x123: {  	v27 =	vcvt.s32.f32 v10;
	v19 =	vadd.f32 $3.616496890e+02, v19;
	v32 =	vcvt.s32.f32 v12;
	v14 =	vld.idx.msk [tilespmem:v26+s25+$0x0], $0xffff  }
.Ltmp1:
0x124: {  	v26 =	vmul.f32 $1.739069970e-07, v22;
	v22 =	vshrl.u32 v21, $0x1F;
	v21 =	vshrl.u32 v24, $0x1F;
	[tilespmem:v28+s29+$0x0] =	vst.idx.add.s32.msk $0xffff, v2;
	(pc) =	sbr.rel @p0 .LBB2_4-.Ltmp1, $4  }
0x125: {  	v23 =	vshll.u32 v20, $0x9;
	v24 =	vmul.f32 $1.739069970e-07, v27;
	v19 =	vtrunc.f32 v19;
	[tilespmem:v29+s29+$0x0] =	vst.idx.add.s32.msk $0xffff, v2  }
0x126: {  	v29 =	vmul.f32 $1.739069970e-07, v32;
	v32 =	vcvt.f32.s32 v19;
	v19 =	vshrl.u32 v30, $0x1F;
	[tilespmem:v31+s29+$0x0] =	vst.idx.add.s32.msk $0xffff, v2  }
0x127: {  	v27 =	vadd.f32 $3.616496890e+02, v26;
	v28 =	vadd.f32 $3.616496890e+02, v24;
	v24 =	vshll.u32 v19, $0x9;
	[tilespmem:v25+s29+$0x0] =	vst.idx.add.s32.msk $0xffff, v2  }
0x128: {  	s2 =	sadd.s32 $0x200, s2;
	s4 =	sadd.s32 $0x2, s4;
	v25 =	vshll.u32 v22, $0x9;
	v26 =	vadd.f32 $3.616496890e+02, v29;
	v24 =	vadd.s32 v32, v24  }
0x129: {  	v27 =	vtrunc.f32 v27  }
0x12a: {  	v28 =	vtrunc.f32 v28;
	v27 =	vcvt.f32.s32 v27  }
0x12b: {  	v28 =	vcvt.f32.s32 v28  }
0x12c: {  	v26 =	vtrunc.f32 v26;
	v23 =	vadd.s32 v27, v23  }
0x12d: {  	v26 =	vcvt.f32.s32 v26;
	v25 =	vadd.s32 v28, v25  }
0x12e: {  	v27 =	vshll.u32 v21, $0x9  }
0x12f: {  	v26 =	vadd.s32 v26, v27;
	v27 =	vld.idx.msk [tilespmem:v24+s23+$0x0], $0xffff  }
0x130: {  	v20 =	vshll.u32 v20, $0x5;
	v22 =	vshll.u32 v22, $0x5;
	vm0 =	vle.f32 v15, v3;
	v24 =	vld.idx.msk [tilespmem:v24+s25+$0x0], $0xffff  }
0x131: {  	vm1 =	vle.f32 v16, v5;
	vm2 =	vle.f32 v18, v4;
	v3 =	vsub.s32 $0x10, v20;
	v5 =	vld.idx.msk [tilespmem:v23+s23+$0x0], $0xffff  }
0x132: {  	v15 =	vsub.s32 $0x10, v22;
	v4 =	vnsel vm0, $0x0, v9;
	v8 =	vnsel vm1, $0x0, v8;
	v9 =	vld.idx.msk [tilespmem:v25+s23+$0x0], $0xffff  }
0x133: {  	v7 =	vnsel vm2, $0x0, v7;
	v4 =	vadd.s32 v4, v13;
	v8 =	vadd.s32 v8, v17;
	v18 =	vld.idx.msk [tilespmem:v23+s25+$0x0], $0xffff  }
0x134: {  	v17 =	vshll.u32 v19, $0x5;
	v7 =	vadd.s32 v7, v14;
	v21 =	vshll.u32 v21, $0x5;
	v13 =	vld.idx.msk [tilespmem:v26+s23+$0x0], $0xffff  }
0x135: {  	v4 =	vadd.s32 v1, v4;
	v17 =	vsub.s32 $0x10, v17;
	vm11 =	vle.f32 v27, v6;
	v6 =	vld.idx.msk [tilespmem:v25+s25+$0x0], $0xffff  }
0x136: {  	v8 =	vadd.s32 v1, v8;
	v7 =	vadd.s32 v1, v7;
	v14 =	vnsel vm11, $0x0, v17;
	v17 =	vld.idx.msk [tilespmem:v26+s25+$0x0], $0xffff  }
0x137: {  	v16 =	vsub.s32 $0x10, v21;
	v14 =	vadd.s32 v14, v24;
	vm12 =	vle.f32 v5, v11  }
0x138: {  	v5 =	vadd.s32 v1, v14;
	vm13 =	vle.f32 v9, v10;
	v3 =	vnsel vm12, $0x0, v3  }
0x139: {  	vm14 =	vle.f32 v13, v12;
	v9 =	vnsel vm13, $0x0, v15;
	v3 =	vadd.s32 v3, v18  }
0x13a: {  	v6 =	vadd.s32 v9, v6;
	v9 =	vnsel vm14, $0x0, v16;
	v3 =	vadd.s32 v1, v3  }
0x13b: {  	[tilespmem:v4+s29+$0x0] =	vst.idx.add.s32.msk $0xffff, v2;
	v4 =	vadd.s32 v1, v6;
	v6 =	vadd.s32 v9, v17  }
0x13c: {  	[tilespmem:v8+s29+$0x0] =	vst.idx.add.s32.msk $0xffff, v2;
	v6 =	vadd.s32 v1, v6  }
0x13d: {  	[tilespmem:v7+s29+$0x0] =	vst.idx.add.s32.msk $0xffff, v2  }
0x13e: {  	[tilespmem:v5+s29+$0x0] =	vst.idx.add.s32.msk $0xffff, v2  }
0x13f: {  	[tilespmem:v3+s29+$0x0] =	vst.idx.add.s32.msk $0xffff, v2  }
0x140: {  	[tilespmem:v4+s29+$0x0] =	vst.idx.add.s32.msk $0xffff, v2  }
0x141: {  	[tilespmem:v6+s29+$0x0] =	vst.idx.add.s32.msk $0xffff, v2  }
0x142: {  	s0 =	simm.s32 $0x0;
	s2 =	rddreg [dreg:$0x6]  }
0x143: {  	[tilespmem:s26], [sflag:$0x2] =	stream.linear.gather [hbm4b:s2+s0], $0x8000, $0x38;
	[tilespmem:$0x11280] =	vst v63  }
0x144: {  	s8 =	sand.u32 $0x7C00, s0;
	s4 =	sand.u32 $0x380, s0;
	_ =	swait.ge [sflag:s28], $0x8000  }
0x145: {  	s0 =	sand.u32 $0x40, s0;
	s2 =	sor.u32 s4, s8;
	[sflag:s28] =	ssyncset.done $0x0  }
0x146: {  	s0 =	sor.u32 s0, s2;
	[sflag:s28] =	ssyncadd.s32 $0xFFFF8000  }
0x147: {  	v4 =	vld [tilespmem:s0+$0x30];
	_ =	sdelay $0x2  }
0x148: {  	v7 =	vld [tilespmem:s0+$0x10];
	_ =	sdelay $0x1  }
0x149: {  	v10 =	vand.u32 $0x7FFFFFFF, v4  }
0x14a: {  	v6 =	vld [tilespmem:s0+$0x0];
	v3 =	vcvt.s32.f32 v10  }
0x14b: {  	v8 =	vld [tilespmem:s0+$0x20]  }
0x14c: {  	v5 =	vand.u32 $0x7FFFFFFF, v7;
	v3 =	vmul.f32 $1.739069970e-07, v3  }
0x14d: {  	v13 =	vcvt.s32.f32 v5  }
0x14e: {  	v9 =	vadd.f32 $3.616496890e+02, v3  }
0x14f: {  	v12 =	vshrl.u32 v4, $0x1F;
	v13 =	vmul.f32 $1.739069970e-07, v13;
	v3 =	vand.u32 $0x7FFFFFFF, v6  }
0x150: {  	v4 =	vand.u32 $0x7FFFFFFF, v8;
	v11 =	vcvt.s32.f32 v3;
	v9 =	vtrunc.f32 v9  }
0x151: {  	s6 =	simm.s32 $0x200;
	s7 =	simm.s32 $0x2;
	v7 =	vshrl.u32 v7, $0x1F;
	v13 =	vadd.f32 $3.616496890e+02, v13;
	v9 =	vcvt.f32.s32 v9  }
0x152: {  	s31 =	simm.s32 $0x40;
	s2 =	sand.u32 $0x380, s7;
	s0 =	sand.u32 $0x7C00, s6;
	v14 =	vshll.u32 v12, $0x9;
	v15 =	vcvt.s32.f32 v4;
	v11 =	vmul.f32 $1.739069970e-07, v11  }
0x153: {  	s8 =	sand.u32 $0x40, s31;
	s0 =	sor.u32 s2, s0;
	v8 =	vshrl.u32 v8, $0x1F;
	v13 =	vtrunc.f32 v13;
	v9 =	vadd.s32 v9, v14  }
0x154: {  	s0 =	sor.u32 s8, s0;
	v13 =	vcvt.f32.s32 v13;
	v14 =	vmul.f32 $1.739069970e-07, v15;
	v11 =	vadd.f32 $3.616496890e+02, v11  }
0x155: {  	v19 =	vld [tilespmem:s0+$0x30];
	v16 =	vshll.u32 v7, $0x9;
	v18 =	vshll.u32 v8, $0x9  }
0x156: {  	v24 =	vadd.s32 v13, v16;
	v13 =	vld [tilespmem:s0+$0x10];
	v14 =	vadd.f32 $3.616496890e+02, v14;
	v11 =	vtrunc.f32 v11  }
0x157: {  	v20 =	vld [tilespmem:s0+$0x0];
	v7 =	vshll.u32 v7, $0x5;
	v6 =	vshrl.u32 v6, $0x1F;
	v11 =	vcvt.f32.s32 v11  }
0x158: {  	v15 =	vshll.u32 v6, $0x9;
	v6 =	vshll.u32 v6, $0x5;
	v14 =	vtrunc.f32 v14;
	v17 =	vld.idx.msk [tilespmem:v9+s23+$0x0], $0xffff  }
0x159: {  	v25 =	vld [tilespmem:s0+$0x20];
	v14 =	vcvt.f32.s32 v14;
	v23 =	vadd.s32 v11, v15;
	v11 =	vshll.u32 v8, $0x5  }
0x15a: {  	v21 =	vld.idx.msk [tilespmem:v9+s25+$0x0], $0xffff;
	v9 =	vsub.s32 $0x10, v6;
	v8 =	vsub.s32 $0x10, v7;
	v6 =	vand.u32 $0x7FFFFFFF, v19  }
0x15b: {  	v22 =	vshrl.u32 v13, $0x1F;
	v19 =	vshrl.u32 v19, $0x1F;
	v7 =	vsub.s32 $0x10, v11  }
0x15c: {  	v11 =	vshll.u32 v12, $0x5;
	v12 =	vcvt.s32.f32 v6;
	v14 =	vadd.s32 v14, v18  }
0x15d: {  	v15 =	vsub.s32 $0x10, v11;
	v11 =	vand.u32 $0x7FFFFFFF, v20;
	vm15 =	vle.f32 v17, v10  }
0x15e: {  	v10 =	vand.u32 $0x7FFFFFFF, v13;
	v17 =	vmul.f32 $1.739069970e-07, v12;
	v15 =	vnsel vm15, $0x0, v15  }
0x15f: {  	v12 =	vand.u32 $0x7FFFFFFF, v25;
	v13 =	vld.idx.msk [tilespmem:v23+s25+$0x0], $0xffff;
	v16 =	vadd.s32 v15, v21;
	v21 =	vcvt.s32.f32 v11  }
0x160: {  	v27 =	vcvt.s32.f32 v10;
	v15 =	vld.idx.msk [tilespmem:v23+s23+$0x0], $0xffff;
	v17 =	vadd.f32 $3.616496890e+02, v17;
	v26 =	vadd.s32 v1, v16  }
0x161: {  	v20 =	vshrl.u32 v20, $0x1F;
	v28 =	vcvt.s32.f32 v12;
	v18 =	vld.idx.msk [tilespmem:v14+s23+$0x0], $0xffff;
	v29 =	vmul.f32 $1.739069970e-07, v21  }
0x162: {  	v16 =	vld.idx.msk [tilespmem:v24+s23+$0x0], $0xffff;
	v21 =	vshrl.u32 v25, $0x1F;
	v25 =	vmul.f32 $1.739069970e-07, v27;
	v27 =	vtrunc.f32 v17  }
0x163: {  	v23 =	vshll.u32 v20, $0x9;
	v17 =	vld.idx.msk [tilespmem:v24+s25+$0x0], $0xffff;
	v24 =	vmul.f32 $1.739069970e-07, v28;
	v30 =	vcvt.f32.s32 v27  }
0x164: {  	v14 =	vld.idx.msk [tilespmem:v14+s25+$0x0], $0xffff;
	v27 =	vadd.f32 $3.616496890e+02, v29;
	v28 =	vadd.f32 $3.616496890e+02, v25;
	v29 =	vshll.u32 v19, $0x9  }
0x165: {  	s4 =	simm.s32 $0x4;
	s2 =	simm.s32 $0x400;
	s0 =	simm.s32 $0x4;
	v25 =	vshll.u32 v22, $0x9;
	[tilespmem:v26+s29+$0x0] =	vst.idx.add.s32.msk $0xffff, v2;
	v26 =	vadd.f32 $3.616496890e+02, v24;
	v24 =	vadd.s32 v30, v29  }
.LBB2_6:
0x166: {  	s6 =	sand.u32 $0x7C00, s2;
	s7 =	sand.u32 $0x380, s4;
	v27 =	vtrunc.f32 v27;
	v28 =	vtrunc.f32 v28;
	v29 =	vshll.u32 v21, $0x9;
	s31 =	sadd.s32 $0x40, s31  }
0x167: {  	s0 =	sadd.s32 $0x4, s0;
	v20 =	vshll.u32 v20, $0x5;
	s8 =	sand.u32 $0x40, s31;
	s6 =	sor.u32 s7, s6;
	v27 =	vcvt.f32.s32 v27;
	v26 =	vtrunc.f32 v26  }
0x168: {  	v22 =	vshll.u32 v22, $0x5;
	p0 =	slt.u32 s0, $0x7FC;
	v28 =	vcvt.f32.s32 v28;
	s6 =	sor.u32 s8, s6;
	v26 =	vcvt.f32.s32 v26  }
0x169: {  	v21 =	vshll.u32 v21, $0x5;
	vm0 =	vle.f32 v15, v3;
	v3 =	vmovc v11;
	v30 =	vld [tilespmem:s6+$0x30];
	v23 =	vadd.s32 v27, v23  }
0x16a: {  	vm1 =	vle.f32 v16, v5;
	v25 =	vadd.s32 v28, v25;
	v26 =	vadd.s32 v26, v29;
	v11 =	vld.idx.msk [tilespmem:v24+s23+$0x0], $0xffff  }
0x16b: {  	vm2 =	vle.f32 v18, v4;
	v5 =	vmovc v10;
	v4 =	vmovc v12;
	v15 =	vsub.s32 $0x10, v20;
	v16 =	vsub.s32 $0x10, v22;
	v27 =	vld [tilespmem:s6+$0x0]  }
0x16c: {  	v10 =	vsub.s32 $0x10, v21;
	v18 =	vnsel vm0, $0x0, v9;
	v20 =	vnsel vm1, $0x0, v8;
	v9 =	vmovc v15;
	v8 =	vmovc v16;
	v12 =	vld.idx.msk [tilespmem:v24+s25+$0x0], $0xffff  }
0x16d: {  	v13 =	vadd.s32 v18, v13;
	v15 =	vadd.s32 v20, v17;
	v16 =	vnsel vm2, $0x0, v7;
	v7 =	vmovc v10;
	v21 =	vld [tilespmem:s6+$0x10]  }
0x16e: {  	v28 =	vadd.s32 v1, v13;
	v10 =	vadd.s32 v16, v14;
	v29 =	vadd.s32 v1, v15;
	v24 =	vld [tilespmem:s6+$0x20]  }
0x16f: {  	v14 =	vshll.u32 v19, $0x5;
	v31 =	vadd.s32 v1, v10;
	v13 =	vand.u32 $0x7FFFFFFF, v30;
	v15 =	vld.idx.msk [tilespmem:v23+s23+$0x0], $0xffff  }
0x170: {  	v10 =	vsub.s32 $0x10, v14;
	v17 =	vcvt.s32.f32 v13;
	vm0 =	vle.f32 v11, v6;
	v6 =	vmovc v13;
	v16 =	vld.idx.msk [tilespmem:v25+s23+$0x0], $0xffff  }
0x171: {  	v11 =	vand.u32 $0x7FFFFFFF, v27;
	v20 =	vshrl.u32 v27, $0x1F;
	v14 =	vnsel vm0, $0x0, v10;
	v18 =	vld.idx.msk [tilespmem:v26+s23+$0x0], $0xffff  }
0x172: {  	v19 =	vmul.f32 $1.739069970e-07, v17;
	v14 =	vadd.s32 v14, v12;
	v10 =	vand.u32 $0x7FFFFFFF, v21;
	v13 =	vld.idx.msk [tilespmem:v23+s25+$0x0], $0xffff  }
0x173: {  	v22 =	vcvt.s32.f32 v11;
	v12 =	vand.u32 $0x7FFFFFFF, v24;
	v17 =	vld.idx.msk [tilespmem:v25+s25+$0x0], $0xffff;
	v25 =	vadd.s32 v1, v14  }
0x174: {  	v27 =	vcvt.s32.f32 v10;
	v19 =	vadd.f32 $3.616496890e+02, v19;
	v32 =	vcvt.s32.f32 v12;
	v14 =	vld.idx.msk [tilespmem:v26+s25+$0x0], $0xffff  }
.Ltmp2:
0x175: {  	v26 =	vmul.f32 $1.739069970e-07, v22;
	v22 =	vshrl.u32 v21, $0x1F;
	v21 =	vshrl.u32 v24, $0x1F;
	[tilespmem:v28+s29+$0x0] =	vst.idx.add.s32.msk $0xffff, v2;
	(pc) =	sbr.rel @p0 .LBB2_6-.Ltmp2, $4  }
0x176: {  	v23 =	vshll.u32 v20, $0x9;
	v24 =	vmul.f32 $1.739069970e-07, v27;
	v19 =	vtrunc.f32 v19;
	[tilespmem:v29+s29+$0x0] =	vst.idx.add.s32.msk $0xffff, v2  }
0x177: {  	v29 =	vmul.f32 $1.739069970e-07, v32;
	v32 =	vcvt.f32.s32 v19;
	v19 =	vshrl.u32 v30, $0x1F;
	[tilespmem:v31+s29+$0x0] =	vst.idx.add.s32.msk $0xffff, v2  }
0x178: {  	v27 =	vadd.f32 $3.616496890e+02, v26;
	v28 =	vadd.f32 $3.616496890e+02, v24;
	v24 =	vshll.u32 v19, $0x9;
	[tilespmem:v25+s29+$0x0] =	vst.idx.add.s32.msk $0xffff, v2  }
0x179: {  	s2 =	sadd.s32 $0x200, s2;
	s4 =	sadd.s32 $0x2, s4;
	v25 =	vshll.u32 v22, $0x9;
	v26 =	vadd.f32 $3.616496890e+02, v29;
	v24 =	vadd.s32 v32, v24  }
0x17a: {  	v27 =	vtrunc.f32 v27  }
0x17b: {  	v28 =	vtrunc.f32 v28;
	v27 =	vcvt.f32.s32 v27  }
0x17c: {  	v28 =	vcvt.f32.s32 v28  }
0x17d: {  	v26 =	vtrunc.f32 v26;
	v23 =	vadd.s32 v27, v23  }
0x17e: {  	v26 =	vcvt.f32.s32 v26;
	v25 =	vadd.s32 v28, v25  }
0x17f: {  	v27 =	vshll.u32 v21, $0x9  }
0x180: {  	v26 =	vadd.s32 v26, v27;
	v27 =	vld.idx.msk [tilespmem:v24+s23+$0x0], $0xffff  }
0x181: {  	v20 =	vshll.u32 v20, $0x5;
	v22 =	vshll.u32 v22, $0x5;
	vm0 =	vle.f32 v15, v3;
	v24 =	vld.idx.msk [tilespmem:v24+s25+$0x0], $0xffff  }
0x182: {  	vm1 =	vle.f32 v16, v5;
	vm2 =	vle.f32 v18, v4;
	v3 =	vsub.s32 $0x10, v20;
	v5 =	vld.idx.msk [tilespmem:v23+s23+$0x0], $0xffff  }
0x183: {  	v15 =	vsub.s32 $0x10, v22;
	v4 =	vnsel vm0, $0x0, v9;
	v8 =	vnsel vm1, $0x0, v8;
	v9 =	vld.idx.msk [tilespmem:v25+s23+$0x0], $0xffff  }
0x184: {  	v7 =	vnsel vm2, $0x0, v7;
	v4 =	vadd.s32 v4, v13;
	v8 =	vadd.s32 v8, v17;
	v18 =	vld.idx.msk [tilespmem:v23+s25+$0x0], $0xffff  }
0x185: {  	v17 =	vshll.u32 v19, $0x5;
	v7 =	vadd.s32 v7, v14;
	v21 =	vshll.u32 v21, $0x5;
	v13 =	vld.idx.msk [tilespmem:v26+s23+$0x0], $0xffff  }
0x186: {  	v4 =	vadd.s32 v1, v4;
	v17 =	vsub.s32 $0x10, v17;
	vm11 =	vle.f32 v27, v6;
	v6 =	vld.idx.msk [tilespmem:v25+s25+$0x0], $0xffff  }
0x187: {  	v8 =	vadd.s32 v1, v8;
	v7 =	vadd.s32 v1, v7;
	v14 =	vnsel vm11, $0x0, v17;
	v17 =	vld.idx.msk [tilespmem:v26+s25+$0x0], $0xffff  }
0x188: {  	v16 =	vsub.s32 $0x10, v21;
	v14 =	vadd.s32 v14, v24;
	vm12 =	vle.f32 v5, v11  }
0x189: {  	v5 =	vadd.s32 v1, v14;
	vm13 =	vle.f32 v9, v10;
	v3 =	vnsel vm12, $0x0, v3  }
0x18a: {  	vm14 =	vle.f32 v13, v12;
	v9 =	vnsel vm13, $0x0, v15;
	v3 =	vadd.s32 v3, v18  }
0x18b: {  	v6 =	vadd.s32 v9, v6;
	v9 =	vnsel vm14, $0x0, v16;
	v3 =	vadd.s32 v1, v3  }
0x18c: {  	[tilespmem:v4+s29+$0x0] =	vst.idx.add.s32.msk $0xffff, v2;
	v4 =	vadd.s32 v1, v6;
	v6 =	vadd.s32 v9, v17  }
0x18d: {  	[tilespmem:v8+s29+$0x0] =	vst.idx.add.s32.msk $0xffff, v2;
	v6 =	vadd.s32 v1, v6  }
0x18e: {  	[tilespmem:v7+s29+$0x0] =	vst.idx.add.s32.msk $0xffff, v2  }
0x18f: {  	[tilespmem:v5+s29+$0x0] =	vst.idx.add.s32.msk $0xffff, v2  }
0x190: {  	[tilespmem:v3+s29+$0x0] =	vst.idx.add.s32.msk $0xffff, v2  }
0x191: {  	[tilespmem:v4+s29+$0x0] =	vst.idx.add.s32.msk $0xffff, v2  }
0x192: {  	s0 =	simm.s32 $0x0;
	[tilespmem:v6+s29+$0x0] =	vst.idx.add.s32.msk $0xffff, v2  }
0x193: {  	[tilespmem:s0], [sflag:$0x1] =	stream.linear.gather [hbm4b:s9+s0], $0x8000, $0x38;
	[tilespmem:$0x11280] =	vst v63  }
0x194: {  	s2 =	sand.u32 $0x7C00, s0;
	s4 =	sand.u32 $0x380, s0;
	_ =	swait.ge [sflag:s30], $0x8000  }
0x195: {  	s2 =	sor.u32 s4, s2;
	s0 =	sand.u32 $0x40, s0;
	[sflag:s30] =	ssyncset.done $0x0  }
0x196: {  	s0 =	sor.u32 s0, s2;
	[sflag:s30] =	ssyncadd.s32 $0xFFFF8000  }
0x197: {  	v4 =	vld [tilespmem:s0+$0x8030];
	_ =	sdelay $0x2  }
0x198: {  	v7 =	vld [tilespmem:s0+$0x8010];
	_ =	sdelay $0x1  }
0x199: {  	v10 =	vand.u32 $0x7FFFFFFF, v4  }
0x19a: {  	v6 =	vld [tilespmem:s0+$0x8000];
	v3 =	vcvt.s32.f32 v10  }
0x19b: {  	v8 =	vld [tilespmem:s0+$0x8020]  }
0x19c: {  	v5 =	vand.u32 $0x7FFFFFFF, v7;
	v3 =	vmul.f32 $1.739069970e-07, v3  }
0x19d: {  	v13 =	vcvt.s32.f32 v5  }
0x19e: {  	v9 =	vadd.f32 $3.616496890e+02, v3  }
0x19f: {  	v12 =	vshrl.u32 v4, $0x1F;
	v13 =	vmul.f32 $1.739069970e-07, v13;
	v3 =	vand.u32 $0x7FFFFFFF, v6  }
0x1a0: {  	v4 =	vand.u32 $0x7FFFFFFF, v8;
	v11 =	vcvt.s32.f32 v3;
	v9 =	vtrunc.f32 v9  }
0x1a1: {  	s6 =	simm.s32 $0x200;
	s7 =	simm.s32 $0x2;
	v7 =	vshrl.u32 v7, $0x1F;
	v13 =	vadd.f32 $3.616496890e+02, v13;
	v9 =	vcvt.f32.s32 v9  }
0x1a2: {  	s31 =	simm.s32 $0x40;
	s2 =	sand.u32 $0x380, s7;
	s0 =	sand.u32 $0x7C00, s6;
	v14 =	vshll.u32 v12, $0x9;
	v15 =	vcvt.s32.f32 v4;
	v11 =	vmul.f32 $1.739069970e-07, v11  }
0x1a3: {  	s8 =	sand.u32 $0x40, s31;
	s0 =	sor.u32 s2, s0;
	v8 =	vshrl.u32 v8, $0x1F;
	v13 =	vtrunc.f32 v13;
	v9 =	vadd.s32 v9, v14  }
0x1a4: {  	s0 =	sor.u32 s8, s0;
	v13 =	vcvt.f32.s32 v13;
	v14 =	vmul.f32 $1.739069970e-07, v15;
	v11 =	vadd.f32 $3.616496890e+02, v11  }
0x1a5: {  	v19 =	vld [tilespmem:s0+$0x8030];
	v16 =	vshll.u32 v7, $0x9;
	v18 =	vshll.u32 v8, $0x9  }
0x1a6: {  	v24 =	vadd.s32 v13, v16;
	v13 =	vld [tilespmem:s0+$0x8010];
	v14 =	vadd.f32 $3.616496890e+02, v14;
	v11 =	vtrunc.f32 v11  }
0x1a7: {  	v20 =	vld [tilespmem:s0+$0x8000];
	v7 =	vshll.u32 v7, $0x5;
	v6 =	vshrl.u32 v6, $0x1F;
	v11 =	vcvt.f32.s32 v11  }
0x1a8: {  	v15 =	vshll.u32 v6, $0x9;
	v6 =	vshll.u32 v6, $0x5;
	v14 =	vtrunc.f32 v14;
	v17 =	vld.idx.msk [tilespmem:v9+s23+$0x0], $0xffff  }
0x1a9: {  	v25 =	vld [tilespmem:s0+$0x8020];
	v14 =	vcvt.f32.s32 v14;
	v23 =	vadd.s32 v11, v15;
	v11 =	vshll.u32 v8, $0x5  }
0x1aa: {  	v21 =	vld.idx.msk [tilespmem:v9+s25+$0x0], $0xffff;
	v9 =	vsub.s32 $0x10, v6;
	v8 =	vsub.s32 $0x10, v7;
	v6 =	vand.u32 $0x7FFFFFFF, v19  }
0x1ab: {  	v22 =	vshrl.u32 v13, $0x1F;
	v19 =	vshrl.u32 v19, $0x1F;
	v7 =	vsub.s32 $0x10, v11  }
0x1ac: {  	v11 =	vshll.u32 v12, $0x5;
	v12 =	vcvt.s32.f32 v6;
	v14 =	vadd.s32 v14, v18  }
0x1ad: {  	v15 =	vsub.s32 $0x10, v11;
	v11 =	vand.u32 $0x7FFFFFFF, v20;
	vm15 =	vle.f32 v17, v10  }
0x1ae: {  	v10 =	vand.u32 $0x7FFFFFFF, v13;
	v17 =	vmul.f32 $1.739069970e-07, v12;
	v15 =	vnsel vm15, $0x0, v15  }
0x1af: {  	v12 =	vand.u32 $0x7FFFFFFF, v25;
	v13 =	vld.idx.msk [tilespmem:v23+s25+$0x0], $0xffff;
	v16 =	vadd.s32 v15, v21;
	v21 =	vcvt.s32.f32 v11  }
0x1b0: {  	v27 =	vcvt.s32.f32 v10;
	v15 =	vld.idx.msk [tilespmem:v23+s23+$0x0], $0xffff;
	v17 =	vadd.f32 $3.616496890e+02, v17;
	v26 =	vadd.s32 v1, v16  }
0x1b1: {  	v20 =	vshrl.u32 v20, $0x1F;
	v28 =	vcvt.s32.f32 v12;
	v18 =	vld.idx.msk [tilespmem:v14+s23+$0x0], $0xffff;
	v29 =	vmul.f32 $1.739069970e-07, v21  }
0x1b2: {  	v16 =	vld.idx.msk [tilespmem:v24+s23+$0x0], $0xffff;
	v21 =	vshrl.u32 v25, $0x1F;
	v25 =	vmul.f32 $1.739069970e-07, v27;
	v27 =	vtrunc.f32 v17  }
0x1b3: {  	v23 =	vshll.u32 v20, $0x9;
	v17 =	vld.idx.msk [tilespmem:v24+s25+$0x0], $0xffff;
	v24 =	vmul.f32 $1.739069970e-07, v28;
	v30 =	vcvt.f32.s32 v27  }
0x1b4: {  	v14 =	vld.idx.msk [tilespmem:v14+s25+$0x0], $0xffff;
	v27 =	vadd.f32 $3.616496890e+02, v29;
	v28 =	vadd.f32 $3.616496890e+02, v25;
	v29 =	vshll.u32 v19, $0x9  }
0x1b5: {  	s4 =	simm.s32 $0x4;
	s2 =	simm.s32 $0x400;
	s0 =	simm.s32 $0x4;
	v25 =	vshll.u32 v22, $0x9;
	[tilespmem:v26+s29+$0x0] =	vst.idx.add.s32.msk $0xffff, v2;
	v26 =	vadd.f32 $3.616496890e+02, v24;
	v24 =	vadd.s32 v30, v29  }
.LBB2_8:
0x1b6: {  	s6 =	sand.u32 $0x7C00, s2;
	s7 =	sand.u32 $0x380, s4;
	v27 =	vtrunc.f32 v27;
	v28 =	vtrunc.f32 v28;
	v29 =	vshll.u32 v21, $0x9;
	s31 =	sadd.s32 $0x40, s31  }
0x1b7: {  	s0 =	sadd.s32 $0x4, s0;
	v20 =	vshll.u32 v20, $0x5;
	s8 =	sand.u32 $0x40, s31;
	s6 =	sor.u32 s7, s6;
	v27 =	vcvt.f32.s32 v27;
	v26 =	vtrunc.f32 v26  }
0x1b8: {  	v22 =	vshll.u32 v22, $0x5;
	p0 =	slt.u32 s0, $0x7FC;
	v28 =	vcvt.f32.s32 v28;
	s6 =	sor.u32 s8, s6;
	v26 =	vcvt.f32.s32 v26  }
0x1b9: {  	v21 =	vshll.u32 v21, $0x5;
	vm0 =	vle.f32 v15, v3;
	v3 =	vmovc v11;
	v30 =	vld [tilespmem:s6+$0x8030];
	v23 =	vadd.s32 v27, v23  }
0x1ba: {  	vm1 =	vle.f32 v16, v5;
	v25 =	vadd.s32 v28, v25;
	v26 =	vadd.s32 v26, v29;
	v11 =	vld.idx.msk [tilespmem:v24+s23+$0x0], $0xffff  }
0x1bb: {  	vm2 =	vle.f32 v18, v4;
	v5 =	vmovc v10;
	v4 =	vmovc v12;
	v15 =	vsub.s32 $0x10, v20;
	v16 =	vsub.s32 $0x10, v22;
	v27 =	vld [tilespmem:s6+$0x8000]  }
0x1bc: {  	v10 =	vsub.s32 $0x10, v21;
	v18 =	vnsel vm0, $0x0, v9;
	v20 =	vnsel vm1, $0x0, v8;
	v9 =	vmovc v15;
	v8 =	vmovc v16;
	v12 =	vld.idx.msk [tilespmem:v24+s25+$0x0], $0xffff  }
0x1bd: {  	v13 =	vadd.s32 v18, v13;
	v15 =	vadd.s32 v20, v17;
	v16 =	vnsel vm2, $0x0, v7;
	v7 =	vmovc v10;
	v21 =	vld [tilespmem:s6+$0x8010]  }
0x1be: {  	v28 =	vadd.s32 v1, v13;
	v10 =	vadd.s32 v16, v14;
	v29 =	vadd.s32 v1, v15;
	v24 =	vld [tilespmem:s6+$0x8020]  }
0x1bf: {  	v14 =	vshll.u32 v19, $0x5;
	v31 =	vadd.s32 v1, v10;
	v13 =	vand.u32 $0x7FFFFFFF, v30;
	v15 =	vld.idx.msk [tilespmem:v23+s23+$0x0], $0xffff  }
0x1c0: {  	v10 =	vsub.s32 $0x10, v14;
	v17 =	vcvt.s32.f32 v13;
	vm0 =	vle.f32 v11, v6;
	v6 =	vmovc v13;
	v16 =	vld.idx.msk [tilespmem:v25+s23+$0x0], $0xffff  }
0x1c1: {  	v11 =	vand.u32 $0x7FFFFFFF, v27;
	v20 =	vshrl.u32 v27, $0x1F;
	v14 =	vnsel vm0, $0x0, v10;
	v18 =	vld.idx.msk [tilespmem:v26+s23+$0x0], $0xffff  }
0x1c2: {  	v19 =	vmul.f32 $1.739069970e-07, v17;
	v14 =	vadd.s32 v14, v12;
	v10 =	vand.u32 $0x7FFFFFFF, v21;
	v13 =	vld.idx.msk [tilespmem:v23+s25+$0x0], $0xffff  }
0x1c3: {  	v22 =	vcvt.s32.f32 v11;
	v12 =	vand.u32 $0x7FFFFFFF, v24;
	v17 =	vld.idx.msk [tilespmem:v25+s25+$0x0], $0xffff;
	v25 =	vadd.s32 v1, v14  }
0x1c4: {  	v27 =	vcvt.s32.f32 v10;
	v19 =	vadd.f32 $3.616496890e+02, v19;
	v32 =	vcvt.s32.f32 v12;
	v14 =	vld.idx.msk [tilespmem:v26+s25+$0x0], $0xffff  }
.Ltmp3:
0x1c5: {  	v26 =	vmul.f32 $1.739069970e-07, v22;
	v22 =	vshrl.u32 v21, $0x1F;
	v21 =	vshrl.u32 v24, $0x1F;
	[tilespmem:v28+s29+$0x0] =	vst.idx.add.s32.msk $0xffff, v2;
	(pc) =	sbr.rel @p0 .LBB2_8-.Ltmp3, $4  }
0x1c6: {  	v23 =	vshll.u32 v20, $0x9;
	v24 =	vmul.f32 $1.739069970e-07, v27;
	v19 =	vtrunc.f32 v19;
	[tilespmem:v29+s29+$0x0] =	vst.idx.add.s32.msk $0xffff, v2  }
0x1c7: {  	v29 =	vmul.f32 $1.739069970e-07, v32;
	v32 =	vcvt.f32.s32 v19;
	v19 =	vshrl.u32 v30, $0x1F;
	[tilespmem:v31+s29+$0x0] =	vst.idx.add.s32.msk $0xffff, v2  }
0x1c8: {  	v27 =	vadd.f32 $3.616496890e+02, v26;
	v28 =	vadd.f32 $3.616496890e+02, v24;
	v24 =	vshll.u32 v19, $0x9;
	[tilespmem:v25+s29+$0x0] =	vst.idx.add.s32.msk $0xffff, v2  }
0x1c9: {  	s2 =	sadd.s32 $0x200, s2;
	s4 =	sadd.s32 $0x2, s4;
	v25 =	vshll.u32 v22, $0x9;
	v26 =	vadd.f32 $3.616496890e+02, v29;
	v24 =	vadd.s32 v32, v24  }
0x1ca: {  	v27 =	vtrunc.f32 v27  }
0x1cb: {  	v28 =	vtrunc.f32 v28;
	v27 =	vcvt.f32.s32 v27  }
0x1cc: {  	v28 =	vcvt.f32.s32 v28  }
0x1cd: {  	v26 =	vtrunc.f32 v26;
	v23 =	vadd.s32 v27, v23  }
0x1ce: {  	v26 =	vcvt.f32.s32 v26;
	v25 =	vadd.s32 v28, v25  }
0x1cf: {  	v27 =	vshll.u32 v21, $0x9  }
0x1d0: {  	v26 =	vadd.s32 v26, v27;
	v27 =	vld.idx.msk [tilespmem:v24+s23+$0x0], $0xffff  }
0x1d1: {  	v20 =	vshll.u32 v20, $0x5;
	v22 =	vshll.u32 v22, $0x5;
	vm0 =	vle.f32 v15, v3;
	v24 =	vld.idx.msk [tilespmem:v24+s25+$0x0], $0xffff  }
0x1d2: {  	vm1 =	vle.f32 v16, v5;
	vm2 =	vle.f32 v18, v4;
	v3 =	vsub.s32 $0x10, v20;
	v5 =	vld.idx.msk [tilespmem:v23+s23+$0x0], $0xffff  }
0x1d3: {  	v15 =	vsub.s32 $0x10, v22;
	v4 =	vnsel vm0, $0x0, v9;
	v8 =	vnsel vm1, $0x0, v8;
	v9 =	vld.idx.msk [tilespmem:v25+s23+$0x0], $0xffff  }
0x1d4: {  	v7 =	vnsel vm2, $0x0, v7;
	v4 =	vadd.s32 v4, v13;
	v8 =	vadd.s32 v8, v17;
	v18 =	vld.idx.msk [tilespmem:v23+s25+$0x0], $0xffff  }
0x1d5: {  	v17 =	vshll.u32 v19, $0x5;
	v7 =	vadd.s32 v7, v14;
	v21 =	vshll.u32 v21, $0x5;
	v13 =	vld.idx.msk [tilespmem:v26+s23+$0x0], $0xffff  }
0x1d6: {  	v4 =	vadd.s32 v1, v4;
	v17 =	vsub.s32 $0x10, v17;
	vm11 =	vle.f32 v27, v6;
	v6 =	vld.idx.msk [tilespmem:v25+s25+$0x0], $0xffff  }
0x1d7: {  	v8 =	vadd.s32 v1, v8;
	v7 =	vadd.s32 v1, v7;
	v14 =	vnsel vm11, $0x0, v17;
	v17 =	vld.idx.msk [tilespmem:v26+s25+$0x0], $0xffff  }
0x1d8: {  	v16 =	vsub.s32 $0x10, v21;
	v14 =	vadd.s32 v14, v24;
	vm12 =	vle.f32 v5, v11  }
0x1d9: {  	v5 =	vadd.s32 v1, v14;
	vm13 =	vle.f32 v9, v10;
	v3 =	vnsel vm12, $0x0, v3  }
0x1da: {  	vm14 =	vle.f32 v13, v12;
	v9 =	vnsel vm13, $0x0, v15;
	v3 =	vadd.s32 v3, v18  }
0x1db: {  	v6 =	vadd.s32 v9, v6;
	v9 =	vnsel vm14, $0x0, v16;
	v3 =	vadd.s32 v1, v3  }
0x1dc: {  	[tilespmem:v4+s29+$0x0] =	vst.idx.add.s32.msk $0xffff, v2;
	v4 =	vadd.s32 v1, v6;
	v6 =	vadd.s32 v9, v17  }
0x1dd: {  	[tilespmem:v8+s29+$0x0] =	vst.idx.add.s32.msk $0xffff, v2;
	v6 =	vadd.s32 v1, v6  }
0x1de: {  	[tilespmem:v7+s29+$0x0] =	vst.idx.add.s32.msk $0xffff, v2  }
0x1df: {  	[tilespmem:v5+s29+$0x0] =	vst.idx.add.s32.msk $0xffff, v2  }
0x1e0: {  	[tilespmem:v3+s29+$0x0] =	vst.idx.add.s32.msk $0xffff, v2  }
0x1e1: {  	[tilespmem:v4+s29+$0x0] =	vst.idx.add.s32.msk $0xffff, v2  }
0x1e2: {  	s0 =	simm.s32 $0x0;
	[tilespmem:v6+s29+$0x0] =	vst.idx.add.s32.msk $0xffff, v2  }
0x1e3: {  	[tilespmem:s26], [sflag:$0x2] =	stream.linear.gather [hbm4b:s10+s0], $0x8000, $0x38;
	[tilespmem:$0x11280] =	vst v63  }
0x1e4: {  	s2 =	sand.u32 $0x7C00, s0;
	s4 =	sand.u32 $0x380, s0;
	_ =	swait.ge [sflag:s28], $0x8000  }
0x1e5: {  	s2 =	sor.u32 s4, s2;
	s0 =	sand.u32 $0x40, s0;
	[sflag:s28] =	ssyncset.done $0x0  }
0x1e6: {  	s0 =	sor.u32 s0, s2;
	[sflag:s28] =	ssyncadd.s32 $0xFFFF8000  }
0x1e7: {  	v4 =	vld [tilespmem:s0+$0x30];
	_ =	sdelay $0x2  }
0x1e8: {  	v7 =	vld [tilespmem:s0+$0x10];
	_ =	sdelay $0x1  }
0x1e9: {  	v10 =	vand.u32 $0x7FFFFFFF, v4  }
0x1ea: {  	v6 =	vld [tilespmem:s0+$0x0];
	v3 =	vcvt.s32.f32 v10  }
0x1eb: {  	v8 =	vld [tilespmem:s0+$0x20]  }
0x1ec: {  	v5 =	vand.u32 $0x7FFFFFFF, v7;
	v3 =	vmul.f32 $1.739069970e-07, v3  }
0x1ed: {  	v13 =	vcvt.s32.f32 v5  }
0x1ee: {  	v9 =	vadd.f32 $3.616496890e+02, v3  }
0x1ef: {  	v12 =	vshrl.u32 v4, $0x1F;
	v13 =	vmul.f32 $1.739069970e-07, v13;
	v3 =	vand.u32 $0x7FFFFFFF, v6  }
0x1f0: {  	v4 =	vand.u32 $0x7FFFFFFF, v8;
	v11 =	vcvt.s32.f32 v3;
	v9 =	vtrunc.f32 v9  }
0x1f1: {  	s6 =	simm.s32 $0x200;
	s7 =	simm.s32 $0x2;
	v7 =	vshrl.u32 v7, $0x1F;
	v13 =	vadd.f32 $3.616496890e+02, v13;
	v9 =	vcvt.f32.s32 v9  }
0x1f2: {  	s31 =	simm.s32 $0x40;
	s2 =	sand.u32 $0x380, s7;
	s0 =	sand.u32 $0x7C00, s6;
	v14 =	vshll.u32 v12, $0x9;
	v15 =	vcvt.s32.f32 v4;
	v11 =	vmul.f32 $1.739069970e-07, v11  }
0x1f3: {  	s8 =	sand.u32 $0x40, s31;
	s0 =	sor.u32 s2, s0;
	v8 =	vshrl.u32 v8, $0x1F;
	v13 =	vtrunc.f32 v13;
	v9 =	vadd.s32 v9, v14  }
0x1f4: {  	s0 =	sor.u32 s8, s0;
	v13 =	vcvt.f32.s32 v13;
	v14 =	vmul.f32 $1.739069970e-07, v15;
	v11 =	vadd.f32 $3.616496890e+02, v11  }
0x1f5: {  	v19 =	vld [tilespmem:s0+$0x30];
	v16 =	vshll.u32 v7, $0x9;
	v18 =	vshll.u32 v8, $0x9  }
0x1f6: {  	v24 =	vadd.s32 v13, v16;
	v13 =	vld [tilespmem:s0+$0x10];
	v14 =	vadd.f32 $3.616496890e+02, v14;
	v11 =	vtrunc.f32 v11  }
0x1f7: {  	v20 =	vld [tilespmem:s0+$0x0];
	v7 =	vshll.u32 v7, $0x5;
	v6 =	vshrl.u32 v6, $0x1F;
	v11 =	vcvt.f32.s32 v11  }
0x1f8: {  	v15 =	vshll.u32 v6, $0x9;
	v6 =	vshll.u32 v6, $0x5;
	v14 =	vtrunc.f32 v14;
	v17 =	vld.idx.msk [tilespmem:v9+s23+$0x0], $0xffff  }
0x1f9: {  	v25 =	vld [tilespmem:s0+$0x20];
	v14 =	vcvt.f32.s32 v14;
	v23 =	vadd.s32 v11, v15;
	v11 =	vshll.u32 v8, $0x5  }
0x1fa: {  	v21 =	vld.idx.msk [tilespmem:v9+s25+$0x0], $0xffff;
	v9 =	vsub.s32 $0x10, v6;
	v8 =	vsub.s32 $0x10, v7;
	v6 =	vand.u32 $0x7FFFFFFF, v19  }
0x1fb: {  	v22 =	vshrl.u32 v13, $0x1F;
	v19 =	vshrl.u32 v19, $0x1F;
	v7 =	vsub.s32 $0x10, v11  }
0x1fc: {  	v11 =	vshll.u32 v12, $0x5;
	v12 =	vcvt.s32.f32 v6;
	v14 =	vadd.s32 v14, v18  }
0x1fd: {  	v15 =	vsub.s32 $0x10, v11;
	v11 =	vand.u32 $0x7FFFFFFF, v20;
	vm15 =	vle.f32 v17, v10  }
0x1fe: {  	v10 =	vand.u32 $0x7FFFFFFF, v13;
	v17 =	vmul.f32 $1.739069970e-07, v12;
	v15 =	vnsel vm15, $0x0, v15  }
0x1ff: {  	v12 =	vand.u32 $0x7FFFFFFF, v25;
	v13 =	vld.idx.msk [tilespmem:v23+s25+$0x0], $0xffff;
	v16 =	vadd.s32 v15, v21;
	v21 =	vcvt.s32.f32 v11  }
0x200: {  	v27 =	vcvt.s32.f32 v10;
	v15 =	vld.idx.msk [tilespmem:v23+s23+$0x0], $0xffff;
	v17 =	vadd.f32 $3.616496890e+02, v17;
	v26 =	vadd.s32 v1, v16  }
0x201: {  	v20 =	vshrl.u32 v20, $0x1F;
	v28 =	vcvt.s32.f32 v12;
	v18 =	vld.idx.msk [tilespmem:v14+s23+$0x0], $0xffff;
	v29 =	vmul.f32 $1.739069970e-07, v21  }
0x202: {  	v16 =	vld.idx.msk [tilespmem:v24+s23+$0x0], $0xffff;
	v21 =	vshrl.u32 v25, $0x1F;
	v25 =	vmul.f32 $1.739069970e-07, v27;
	v27 =	vtrunc.f32 v17  }
0x203: {  	v23 =	vshll.u32 v20, $0x9;
	v17 =	vld.idx.msk [tilespmem:v24+s25+$0x0], $0xffff;
	v24 =	vmul.f32 $1.739069970e-07, v28;
	v30 =	vcvt.f32.s32 v27  }
0x204: {  	v14 =	vld.idx.msk [tilespmem:v14+s25+$0x0], $0xffff;
	v27 =	vadd.f32 $3.616496890e+02, v29;
	v28 =	vadd.f32 $3.616496890e+02, v25;
	v29 =	vshll.u32 v19, $0x9  }
0x205: {  	s4 =	simm.s32 $0x4;
	s2 =	simm.s32 $0x400;
	s0 =	simm.s32 $0x4;
	v25 =	vshll.u32 v22, $0x9;
	[tilespmem:v26+s29+$0x0] =	vst.idx.add.s32.msk $0xffff, v2;
	v26 =	vadd.f32 $3.616496890e+02, v24;
	v24 =	vadd.s32 v30, v29  }
.LBB2_10:
0x206: {  	s6 =	sand.u32 $0x7C00, s2;
	s7 =	sand.u32 $0x380, s4;
	v27 =	vtrunc.f32 v27;
	v28 =	vtrunc.f32 v28;
	v29 =	vshll.u32 v21, $0x9;
	s31 =	sadd.s32 $0x40, s31  }
0x207: {  	s0 =	sadd.s32 $0x4, s0;
	v20 =	vshll.u32 v20, $0x5;
	s8 =	sand.u32 $0x40, s31;
	s6 =	sor.u32 s7, s6;
	v27 =	vcvt.f32.s32 v27;
	v26 =	vtrunc.f32 v26  }
0x208: {  	v22 =	vshll.u32 v22, $0x5;
	p0 =	slt.u32 s0, $0x7FC;
	v28 =	vcvt.f32.s32 v28;
	s6 =	sor.u32 s8, s6;
	v26 =	vcvt.f32.s32 v26  }
0x209: {  	v21 =	vshll.u32 v21, $0x5;
	vm0 =	vle.f32 v15, v3;
	v3 =	vmovc v11;
	v30 =	vld [tilespmem:s6+$0x30];
	v23 =	vadd.s32 v27, v23  }
0x20a: {  	vm1 =	vle.f32 v16, v5;
	v25 =	vadd.s32 v28, v25;
	v26 =	vadd.s32 v26, v29;
	v11 =	vld.idx.msk [tilespmem:v24+s23+$0x0], $0xffff  }
0x20b: {  	vm2 =	vle.f32 v18, v4;
	v5 =	vmovc v10;
	v4 =	vmovc v12;
	v15 =	vsub.s32 $0x10, v20;
	v16 =	vsub.s32 $0x10, v22;
	v27 =	vld [tilespmem:s6+$0x0]  }
0x20c: {  	v10 =	vsub.s32 $0x10, v21;
	v18 =	vnsel vm0, $0x0, v9;
	v20 =	vnsel vm1, $0x0, v8;
	v9 =	vmovc v15;
	v8 =	vmovc v16;
	v12 =	vld.idx.msk [tilespmem:v24+s25+$0x0], $0xffff  }
0x20d: {  	v13 =	vadd.s32 v18, v13;
	v15 =	vadd.s32 v20, v17;
	v16 =	vnsel vm2, $0x0, v7;
	v7 =	vmovc v10;
	v21 =	vld [tilespmem:s6+$0x10]  }
0x20e: {  	v28 =	vadd.s32 v1, v13;
	v10 =	vadd.s32 v16, v14;
	v29 =	vadd.s32 v1, v15;
	v24 =	vld [tilespmem:s6+$0x20]  }
0x20f: {  	v14 =	vshll.u32 v19, $0x5;
	v31 =	vadd.s32 v1, v10;
	v13 =	vand.u32 $0x7FFFFFFF, v30;
	v15 =	vld.idx.msk [tilespmem:v23+s23+$0x0], $0xffff  }
0x210: {  	v10 =	vsub.s32 $0x10, v14;
	v17 =	vcvt.s32.f32 v13;
	vm0 =	vle.f32 v11, v6;
	v6 =	vmovc v13;
	v16 =	vld.idx.msk [tilespmem:v25+s23+$0x0], $0xffff  }
0x211: {  	v11 =	vand.u32 $0x7FFFFFFF, v27;
	v20 =	vshrl.u32 v27, $0x1F;
	v14 =	vnsel vm0, $0x0, v10;
	v18 =	vld.idx.msk [tilespmem:v26+s23+$0x0], $0xffff  }
0x212: {  	v19 =	vmul.f32 $1.739069970e-07, v17;
	v14 =	vadd.s32 v14, v12;
	v10 =	vand.u32 $0x7FFFFFFF, v21;
	v13 =	vld.idx.msk [tilespmem:v23+s25+$0x0], $0xffff  }
0x213: {  	v22 =	vcvt.s32.f32 v11;
	v12 =	vand.u32 $0x7FFFFFFF, v24;
	v17 =	vld.idx.msk [tilespmem:v25+s25+$0x0], $0xffff;
	v25 =	vadd.s32 v1, v14  }
0x214: {  	v27 =	vcvt.s32.f32 v10;
	v19 =	vadd.f32 $3.616496890e+02, v19;
	v32 =	vcvt.s32.f32 v12;
	v14 =	vld.idx.msk [tilespmem:v26+s25+$0x0], $0xffff  }
.Ltmp4:
0x215: {  	v26 =	vmul.f32 $1.739069970e-07, v22;
	v22 =	vshrl.u32 v21, $0x1F;
	v21 =	vshrl.u32 v24, $0x1F;
	[tilespmem:v28+s29+$0x0] =	vst.idx.add.s32.msk $0xffff, v2;
	(pc) =	sbr.rel @p0 .LBB2_10-.Ltmp4, $4  }
0x216: {  	v23 =	vshll.u32 v20, $0x9;
	v24 =	vmul.f32 $1.739069970e-07, v27;
	v19 =	vtrunc.f32 v19;
	[tilespmem:v29+s29+$0x0] =	vst.idx.add.s32.msk $0xffff, v2  }
0x217: {  	v29 =	vmul.f32 $1.739069970e-07, v32;
	v32 =	vcvt.f32.s32 v19;
	v19 =	vshrl.u32 v30, $0x1F;
	[tilespmem:v31+s29+$0x0] =	vst.idx.add.s32.msk $0xffff, v2  }
0x218: {  	v27 =	vadd.f32 $3.616496890e+02, v26;
	v28 =	vadd.f32 $3.616496890e+02, v24;
	v24 =	vshll.u32 v19, $0x9;
	[tilespmem:v25+s29+$0x0] =	vst.idx.add.s32.msk $0xffff, v2  }
0x219: {  	s2 =	sadd.s32 $0x200, s2;
	s4 =	sadd.s32 $0x2, s4;
	v25 =	vshll.u32 v22, $0x9;
	v26 =	vadd.f32 $3.616496890e+02, v29;
	v24 =	vadd.s32 v32, v24  }
0x21a: {  	v27 =	vtrunc.f32 v27  }
0x21b: {  	v28 =	vtrunc.f32 v28;
	v27 =	vcvt.f32.s32 v27  }
0x21c: {  	v28 =	vcvt.f32.s32 v28  }
0x21d: {  	v26 =	vtrunc.f32 v26;
	v23 =	vadd.s32 v27, v23  }
0x21e: {  	v26 =	vcvt.f32.s32 v26;
	v25 =	vadd.s32 v28, v25  }
0x21f: {  	v27 =	vshll.u32 v21, $0x9  }
0x220: {  	v26 =	vadd.s32 v26, v27;
	v27 =	vld.idx.msk [tilespmem:v24+s23+$0x0], $0xffff  }
0x221: {  	v20 =	vshll.u32 v20, $0x5;
	v22 =	vshll.u32 v22, $0x5;
	vm0 =	vle.f32 v15, v3;
	v24 =	vld.idx.msk [tilespmem:v24+s25+$0x0], $0xffff  }
0x222: {  	vm1 =	vle.f32 v16, v5;
	vm2 =	vle.f32 v18, v4;
	v3 =	vsub.s32 $0x10, v20;
	v5 =	vld.idx.msk [tilespmem:v23+s23+$0x0], $0xffff  }
0x223: {  	v15 =	vsub.s32 $0x10, v22;
	v4 =	vnsel vm0, $0x0, v9;
	v8 =	vnsel vm1, $0x0, v8;
	v9 =	vld.idx.msk [tilespmem:v25+s23+$0x0], $0xffff  }
0x224: {  	v7 =	vnsel vm2, $0x0, v7;
	v4 =	vadd.s32 v4, v13;
	v8 =	vadd.s32 v8, v17;
	v18 =	vld.idx.msk [tilespmem:v23+s25+$0x0], $0xffff  }
0x225: {  	v17 =	vshll.u32 v19, $0x5;
	v7 =	vadd.s32 v7, v14;
	v21 =	vshll.u32 v21, $0x5;
	v13 =	vld.idx.msk [tilespmem:v26+s23+$0x0], $0xffff  }
0x226: {  	v4 =	vadd.s32 v1, v4;
	v17 =	vsub.s32 $0x10, v17;
	vm11 =	vle.f32 v27, v6;
	v6 =	vld.idx.msk [tilespmem:v25+s25+$0x0], $0xffff  }
0x227: {  	v8 =	vadd.s32 v1, v8;
	v7 =	vadd.s32 v1, v7;
	v14 =	vnsel vm11, $0x0, v17;
	v17 =	vld.idx.msk [tilespmem:v26+s25+$0x0], $0xffff  }
0x228: {  	v16 =	vsub.s32 $0x10, v21;
	v14 =	vadd.s32 v14, v24;
	vm12 =	vle.f32 v5, v11  }
0x229: {  	v5 =	vadd.s32 v1, v14;
	vm13 =	vle.f32 v9, v10;
	v3 =	vnsel vm12, $0x0, v3  }
0x22a: {  	vm14 =	vle.f32 v13, v12;
	v9 =	vnsel vm13, $0x0, v15;
	v3 =	vadd.s32 v3, v18  }
0x22b: {  	v6 =	vadd.s32 v9, v6;
	v9 =	vnsel vm14, $0x0, v16;
	v3 =	vadd.s32 v1, v3  }
0x22c: {  	[tilespmem:v4+s29+$0x0] =	vst.idx.add.s32.msk $0xffff, v2;
	v4 =	vadd.s32 v1, v6;
	v6 =	vadd.s32 v9, v17  }
0x22d: {  	[tilespmem:v8+s29+$0x0] =	vst.idx.add.s32.msk $0xffff, v2;
	v6 =	vadd.s32 v1, v6  }
0x22e: {  	[tilespmem:v7+s29+$0x0] =	vst.idx.add.s32.msk $0xffff, v2  }
0x22f: {  	[tilespmem:v5+s29+$0x0] =	vst.idx.add.s32.msk $0xffff, v2  }
0x230: {  	[tilespmem:v3+s29+$0x0] =	vst.idx.add.s32.msk $0xffff, v2  }
0x231: {  	[tilespmem:v4+s29+$0x0] =	vst.idx.add.s32.msk $0xffff, v2  }
0x232: {  	s0 =	simm.s32 $0x0;
	[tilespmem:v6+s29+$0x0] =	vst.idx.add.s32.msk $0xffff, v2  }
0x233: {  	[tilespmem:s0], [sflag:$0x1] =	stream.linear.gather [hbm4b:s11+s0], $0x8000, $0x38;
	[tilespmem:$0x11280] =	vst v63  }
0x234: {  	s2 =	sand.u32 $0x7C00, s0;
	s4 =	sand.u32 $0x380, s0;
	_ =	swait.ge [sflag:s30], $0x8000  }
0x235: {  	s2 =	sor.u32 s4, s2;
	s0 =	sand.u32 $0x40, s0;
	[sflag:s30] =	ssyncset.done $0x0  }
0x236: {  	s0 =	sor.u32 s0, s2;
	[sflag:s30] =	ssyncadd.s32 $0xFFFF8000  }
0x237: {  	v4 =	vld [tilespmem:s0+$0x8030];
	_ =	sdelay $0x2  }
0x238: {  	v7 =	vld [tilespmem:s0+$0x8010];
	_ =	sdelay $0x1  }
0x239: {  	v10 =	vand.u32 $0x7FFFFFFF, v4  }
0x23a: {  	v6 =	vld [tilespmem:s0+$0x8000];
	v3 =	vcvt.s32.f32 v10  }
0x23b: {  	v8 =	vld [tilespmem:s0+$0x8020]  }
0x23c: {  	v5 =	vand.u32 $0x7FFFFFFF, v7;
	v3 =	vmul.f32 $1.739069970e-07, v3  }
0x23d: {  	v13 =	vcvt.s32.f32 v5  }
0x23e: {  	v9 =	vadd.f32 $3.616496890e+02, v3  }
0x23f: {  	v12 =	vshrl.u32 v4, $0x1F;
	v13 =	vmul.f32 $1.739069970e-07, v13;
	v3 =	vand.u32 $0x7FFFFFFF, v6  }
0x240: {  	v4 =	vand.u32 $0x7FFFFFFF, v8;
	v11 =	vcvt.s32.f32 v3;
	v9 =	vtrunc.f32 v9  }
0x241: {  	s6 =	simm.s32 $0x200;
	s7 =	simm.s32 $0x2;
	v7 =	vshrl.u32 v7, $0x1F;
	v13 =	vadd.f32 $3.616496890e+02, v13;
	v9 =	vcvt.f32.s32 v9  }
0x242: {  	s31 =	simm.s32 $0x40;
	s2 =	sand.u32 $0x380, s7;
	s0 =	sand.u32 $0x7C00, s6;
	v14 =	vshll.u32 v12, $0x9;
	v15 =	vcvt.s32.f32 v4;
	v11 =	vmul.f32 $1.739069970e-07, v11  }
0x243: {  	s8 =	sand.u32 $0x40, s31;
	s0 =	sor.u32 s2, s0;
	v8 =	vshrl.u32 v8, $0x1F;
	v13 =	vtrunc.f32 v13;
	v9 =	vadd.s32 v9, v14  }
0x244: {  	s0 =	sor.u32 s8, s0;
	v13 =	vcvt.f32.s32 v13;
	v14 =	vmul.f32 $1.739069970e-07, v15;
	v11 =	vadd.f32 $3.616496890e+02, v11  }
0x245: {  	v19 =	vld [tilespmem:s0+$0x8030];
	v16 =	vshll.u32 v7, $0x9;
	v18 =	vshll.u32 v8, $0x9  }
0x246: {  	v24 =	vadd.s32 v13, v16;
	v13 =	vld [tilespmem:s0+$0x8010];
	v14 =	vadd.f32 $3.616496890e+02, v14;
	v11 =	vtrunc.f32 v11  }
0x247: {  	v20 =	vld [tilespmem:s0+$0x8000];
	v7 =	vshll.u32 v7, $0x5;
	v6 =	vshrl.u32 v6, $0x1F;
	v11 =	vcvt.f32.s32 v11  }
0x248: {  	v15 =	vshll.u32 v6, $0x9;
	v6 =	vshll.u32 v6, $0x5;
	v14 =	vtrunc.f32 v14;
	v17 =	vld.idx.msk [tilespmem:v9+s23+$0x0], $0xffff  }
0x249: {  	v25 =	vld [tilespmem:s0+$0x8020];
	v14 =	vcvt.f32.s32 v14;
	v23 =	vadd.s32 v11, v15;
	v11 =	vshll.u32 v8, $0x5  }
0x24a: {  	v21 =	vld.idx.msk [tilespmem:v9+s25+$0x0], $0xffff;
	v9 =	vsub.s32 $0x10, v6;
	v8 =	vsub.s32 $0x10, v7;
	v6 =	vand.u32 $0x7FFFFFFF, v19  }
0x24b: {  	v22 =	vshrl.u32 v13, $0x1F;
	v19 =	vshrl.u32 v19, $0x1F;
	v7 =	vsub.s32 $0x10, v11  }
0x24c: {  	v11 =	vshll.u32 v12, $0x5;
	v12 =	vcvt.s32.f32 v6;
	v14 =	vadd.s32 v14, v18  }
0x24d: {  	v15 =	vsub.s32 $0x10, v11;
	v11 =	vand.u32 $0x7FFFFFFF, v20;
	vm15 =	vle.f32 v17, v10  }
0x24e: {  	v10 =	vand.u32 $0x7FFFFFFF, v13;
	v17 =	vmul.f32 $1.739069970e-07, v12;
	v15 =	vnsel vm15, $0x0, v15  }
0x24f: {  	v12 =	vand.u32 $0x7FFFFFFF, v25;
	v13 =	vld.idx.msk [tilespmem:v23+s25+$0x0], $0xffff;
	v16 =	vadd.s32 v15, v21;
	v21 =	vcvt.s32.f32 v11  }
0x250: {  	v27 =	vcvt.s32.f32 v10;
	v15 =	vld.idx.msk [tilespmem:v23+s23+$0x0], $0xffff;
	v17 =	vadd.f32 $3.616496890e+02, v17;
	v26 =	vadd.s32 v1, v16  }
0x251: {  	v20 =	vshrl.u32 v20, $0x1F;
	v28 =	vcvt.s32.f32 v12;
	v18 =	vld.idx.msk [tilespmem:v14+s23+$0x0], $0xffff;
	v29 =	vmul.f32 $1.739069970e-07, v21  }
0x252: {  	v16 =	vld.idx.msk [tilespmem:v24+s23+$0x0], $0xffff;
	v21 =	vshrl.u32 v25, $0x1F;
	v25 =	vmul.f32 $1.739069970e-07, v27;
	v27 =	vtrunc.f32 v17  }
0x253: {  	v23 =	vshll.u32 v20, $0x9;
	v17 =	vld.idx.msk [tilespmem:v24+s25+$0x0], $0xffff;
	v24 =	vmul.f32 $1.739069970e-07, v28;
	v30 =	vcvt.f32.s32 v27  }
0x254: {  	v14 =	vld.idx.msk [tilespmem:v14+s25+$0x0], $0xffff;
	v27 =	vadd.f32 $3.616496890e+02, v29;
	v28 =	vadd.f32 $3.616496890e+02, v25;
	v29 =	vshll.u32 v19, $0x9  }
0x255: {  	s4 =	simm.s32 $0x4;
	s2 =	simm.s32 $0x400;
	s0 =	simm.s32 $0x4;
	v25 =	vshll.u32 v22, $0x9;
	[tilespmem:v26+s29+$0x0] =	vst.idx.add.s32.msk $0xffff, v2;
	v26 =	vadd.f32 $3.616496890e+02, v24;
	v24 =	vadd.s32 v30, v29  }
.LBB2_12:
0x256: {  	s6 =	sand.u32 $0x7C00, s2;
	s7 =	sand.u32 $0x380, s4;
	v27 =	vtrunc.f32 v27;
	v28 =	vtrunc.f32 v28;
	v29 =	vshll.u32 v21, $0x9;
	s31 =	sadd.s32 $0x40, s31  }
0x257: {  	s0 =	sadd.s32 $0x4, s0;
	v20 =	vshll.u32 v20, $0x5;
	s8 =	sand.u32 $0x40, s31;
	s6 =	sor.u32 s7, s6;
	v27 =	vcvt.f32.s32 v27;
	v26 =	vtrunc.f32 v26  }
0x258: {  	v22 =	vshll.u32 v22, $0x5;
	p0 =	slt.u32 s0, $0x7FC;
	v28 =	vcvt.f32.s32 v28;
	s6 =	sor.u32 s8, s6;
	v26 =	vcvt.f32.s32 v26  }
0x259: {  	v21 =	vshll.u32 v21, $0x5;
	vm0 =	vle.f32 v15, v3;
	v3 =	vmovc v11;
	v30 =	vld [tilespmem:s6+$0x8030];
	v23 =	vadd.s32 v27, v23  }
0x25a: {  	vm1 =	vle.f32 v16, v5;
	v25 =	vadd.s32 v28, v25;
	v26 =	vadd.s32 v26, v29;
	v11 =	vld.idx.msk [tilespmem:v24+s23+$0x0], $0xffff  }
0x25b: {  	vm2 =	vle.f32 v18, v4;
	v5 =	vmovc v10;
	v4 =	vmovc v12;
	v15 =	vsub.s32 $0x10, v20;
	v16 =	vsub.s32 $0x10, v22;
	v27 =	vld [tilespmem:s6+$0x8000]  }
0x25c: {  	v10 =	vsub.s32 $0x10, v21;
	v18 =	vnsel vm0, $0x0, v9;
	v20 =	vnsel vm1, $0x0, v8;
	v9 =	vmovc v15;
	v8 =	vmovc v16;
	v12 =	vld.idx.msk [tilespmem:v24+s25+$0x0], $0xffff  }
0x25d: {  	v13 =	vadd.s32 v18, v13;
	v15 =	vadd.s32 v20, v17;
	v16 =	vnsel vm2, $0x0, v7;
	v7 =	vmovc v10;
	v21 =	vld [tilespmem:s6+$0x8010]  }
0x25e: {  	v28 =	vadd.s32 v1, v13;
	v10 =	vadd.s32 v16, v14;
	v29 =	vadd.s32 v1, v15;
	v24 =	vld [tilespmem:s6+$0x8020]  }
0x25f: {  	v14 =	vshll.u32 v19, $0x5;
	v31 =	vadd.s32 v1, v10;
	v13 =	vand.u32 $0x7FFFFFFF, v30;
	v15 =	vld.idx.msk [tilespmem:v23+s23+$0x0], $0xffff  }
0x260: {  	v10 =	vsub.s32 $0x10, v14;
	v17 =	vcvt.s32.f32 v13;
	vm0 =	vle.f32 v11, v6;
	v6 =	vmovc v13;
	v16 =	vld.idx.msk [tilespmem:v25+s23+$0x0], $0xffff  }
0x261: {  	v11 =	vand.u32 $0x7FFFFFFF, v27;
	v20 =	vshrl.u32 v27, $0x1F;
	v14 =	vnsel vm0, $0x0, v10;
	v18 =	vld.idx.msk [tilespmem:v26+s23+$0x0], $0xffff  }
0x262: {  	v19 =	vmul.f32 $1.739069970e-07, v17;
	v14 =	vadd.s32 v14, v12;
	v10 =	vand.u32 $0x7FFFFFFF, v21;
	v13 =	vld.idx.msk [tilespmem:v23+s25+$0x0], $0xffff  }
0x263: {  	v22 =	vcvt.s32.f32 v11;
	v12 =	vand.u32 $0x7FFFFFFF, v24;
	v17 =	vld.idx.msk [tilespmem:v25+s25+$0x0], $0xffff;
	v25 =	vadd.s32 v1, v14  }
0x264: {  	v27 =	vcvt.s32.f32 v10;
	v19 =	vadd.f32 $3.616496890e+02, v19;
	v32 =	vcvt.s32.f32 v12;
	v14 =	vld.idx.msk [tilespmem:v26+s25+$0x0], $0xffff  }
.Ltmp5:
0x265: {  	v26 =	vmul.f32 $1.739069970e-07, v22;
	v22 =	vshrl.u32 v21, $0x1F;
	v21 =	vshrl.u32 v24, $0x1F;
	[tilespmem:v28+s29+$0x0] =	vst.idx.add.s32.msk $0xffff, v2;
	(pc) =	sbr.rel @p0 .LBB2_12-.Ltmp5, $4  }
0x266: {  	v23 =	vshll.u32 v20, $0x9;
	v24 =	vmul.f32 $1.739069970e-07, v27;
	v19 =	vtrunc.f32 v19;
	[tilespmem:v29+s29+$0x0] =	vst.idx.add.s32.msk $0xffff, v2  }
0x267: {  	v29 =	vmul.f32 $1.739069970e-07, v32;
	v32 =	vcvt.f32.s32 v19;
	v19 =	vshrl.u32 v30, $0x1F;
	[tilespmem:v31+s29+$0x0] =	vst.idx.add.s32.msk $0xffff, v2  }
0x268: {  	v27 =	vadd.f32 $3.616496890e+02, v26;
	v28 =	vadd.f32 $3.616496890e+02, v24;
	v24 =	vshll.u32 v19, $0x9;
	[tilespmem:v25+s29+$0x0] =	vst.idx.add.s32.msk $0xffff, v2  }
0x269: {  	s2 =	sadd.s32 $0x200, s2;
	s4 =	sadd.s32 $0x2, s4;
	v25 =	vshll.u32 v22, $0x9;
	v26 =	vadd.f32 $3.616496890e+02, v29;
	v24 =	vadd.s32 v32, v24  }
0x26a: {  	v27 =	vtrunc.f32 v27  }
0x26b: {  	v28 =	vtrunc.f32 v28;
	v27 =	vcvt.f32.s32 v27  }
0x26c: {  	v28 =	vcvt.f32.s32 v28  }
0x26d: {  	v26 =	vtrunc.f32 v26;
	v23 =	vadd.s32 v27, v23  }
0x26e: {  	v26 =	vcvt.f32.s32 v26;
	v25 =	vadd.s32 v28, v25  }
0x26f: {  	v27 =	vshll.u32 v21, $0x9  }
0x270: {  	v26 =	vadd.s32 v26, v27;
	v27 =	vld.idx.msk [tilespmem:v24+s23+$0x0], $0xffff  }
0x271: {  	v20 =	vshll.u32 v20, $0x5;
	v22 =	vshll.u32 v22, $0x5;
	vm0 =	vle.f32 v15, v3;
	v24 =	vld.idx.msk [tilespmem:v24+s25+$0x0], $0xffff  }
0x272: {  	vm1 =	vle.f32 v16, v5;
	vm2 =	vle.f32 v18, v4;
	v3 =	vsub.s32 $0x10, v20;
	v5 =	vld.idx.msk [tilespmem:v23+s23+$0x0], $0xffff  }
0x273: {  	v15 =	vsub.s32 $0x10, v22;
	v4 =	vnsel vm0, $0x0, v9;
	v8 =	vnsel vm1, $0x0, v8;
	v9 =	vld.idx.msk [tilespmem:v25+s23+$0x0], $0xffff  }
0x274: {  	v7 =	vnsel vm2, $0x0, v7;
	v4 =	vadd.s32 v4, v13;
	v8 =	vadd.s32 v8, v17;
	v18 =	vld.idx.msk [tilespmem:v23+s25+$0x0], $0xffff  }
0x275: {  	v17 =	vshll.u32 v19, $0x5;
	v7 =	vadd.s32 v7, v14;
	v21 =	vshll.u32 v21, $0x5;
	v13 =	vld.idx.msk [tilespmem:v26+s23+$0x0], $0xffff  }
0x276: {  	v4 =	vadd.s32 v1, v4;
	v17 =	vsub.s32 $0x10, v17;
	vm11 =	vle.f32 v27, v6;
	v6 =	vld.idx.msk [tilespmem:v25+s25+$0x0], $0xffff  }
0x277: {  	v8 =	vadd.s32 v1, v8;
	v7 =	vadd.s32 v1, v7;
	v14 =	vnsel vm11, $0x0, v17;
	v17 =	vld.idx.msk [tilespmem:v26+s25+$0x0], $0xffff  }
0x278: {  	v16 =	vsub.s32 $0x10, v21;
	v14 =	vadd.s32 v14, v24;
	vm12 =	vle.f32 v5, v11  }
0x279: {  	v5 =	vadd.s32 v1, v14;
	vm13 =	vle.f32 v9, v10;
	v3 =	vnsel vm12, $0x0, v3  }
0x27a: {  	vm14 =	vle.f32 v13, v12;
	v9 =	vnsel vm13, $0x0, v15;
	v3 =	vadd.s32 v3, v18  }
0x27b: {  	v6 =	vadd.s32 v9, v6;
	v9 =	vnsel vm14, $0x0, v16;
	v3 =	vadd.s32 v1, v3  }
0x27c: {  	[tilespmem:v4+s29+$0x0] =	vst.idx.add.s32.msk $0xffff, v2;
	v4 =	vadd.s32 v1, v6;
	v6 =	vadd.s32 v9, v17  }
0x27d: {  	[tilespmem:v8+s29+$0x0] =	vst.idx.add.s32.msk $0xffff, v2;
	v6 =	vadd.s32 v1, v6  }
0x27e: {  	[tilespmem:v7+s29+$0x0] =	vst.idx.add.s32.msk $0xffff, v2  }
0x27f: {  	[tilespmem:v5+s29+$0x0] =	vst.idx.add.s32.msk $0xffff, v2  }
0x280: {  	[tilespmem:v3+s29+$0x0] =	vst.idx.add.s32.msk $0xffff, v2  }
0x281: {  	[tilespmem:v4+s29+$0x0] =	vst.idx.add.s32.msk $0xffff, v2  }
0x282: {  	s0 =	simm.s32 $0x0;
	[tilespmem:v6+s29+$0x0] =	vst.idx.add.s32.msk $0xffff, v2  }
0x283: {  	[tilespmem:s26], [sflag:$0x2] =	stream.linear.gather [hbm4b:s12+s0], $0x8000, $0x38;
	[tilespmem:$0x11280] =	vst v63  }
0x284: {  	s2 =	sand.u32 $0x7C00, s0;
	s4 =	sand.u32 $0x380, s0;
	_ =	swait.ge [sflag:s28], $0x8000  }
0x285: {  	s2 =	sor.u32 s4, s2;
	s0 =	sand.u32 $0x40, s0;
	[sflag:s28] =	ssyncset.done $0x0  }
0x286: {  	s0 =	sor.u32 s0, s2;
	[sflag:s28] =	ssyncadd.s32 $0xFFFF8000  }
0x287: {  	v4 =	vld [tilespmem:s0+$0x30];
	_ =	sdelay $0x2  }
0x288: {  	v7 =	vld [tilespmem:s0+$0x10];
	_ =	sdelay $0x1  }
0x289: {  	v10 =	vand.u32 $0x7FFFFFFF, v4  }
0x28a: {  	v6 =	vld [tilespmem:s0+$0x0];
	v3 =	vcvt.s32.f32 v10  }
0x28b: {  	v8 =	vld [tilespmem:s0+$0x20]  }
0x28c: {  	v5 =	vand.u32 $0x7FFFFFFF, v7;
	v3 =	vmul.f32 $1.739069970e-07, v3  }
0x28d: {  	v13 =	vcvt.s32.f32 v5  }
0x28e: {  	v9 =	vadd.f32 $3.616496890e+02, v3  }
0x28f: {  	v12 =	vshrl.u32 v4, $0x1F;
	v13 =	vmul.f32 $1.739069970e-07, v13;
	v3 =	vand.u32 $0x7FFFFFFF, v6  }
0x290: {  	v4 =	vand.u32 $0x7FFFFFFF, v8;
	v11 =	vcvt.s32.f32 v3;
	v9 =	vtrunc.f32 v9  }
0x291: {  	s6 =	simm.s32 $0x200;
	s7 =	simm.s32 $0x2;
	v7 =	vshrl.u32 v7, $0x1F;
	v13 =	vadd.f32 $3.616496890e+02, v13;
	v9 =	vcvt.f32.s32 v9  }
0x292: {  	s31 =	simm.s32 $0x40;
	s2 =	sand.u32 $0x380, s7;
	s0 =	sand.u32 $0x7C00, s6;
	v14 =	vshll.u32 v12, $0x9;
	v15 =	vcvt.s32.f32 v4;
	v11 =	vmul.f32 $1.739069970e-07, v11  }
0x293: {  	s8 =	sand.u32 $0x40, s31;
	s0 =	sor.u32 s2, s0;
	v8 =	vshrl.u32 v8, $0x1F;
	v13 =	vtrunc.f32 v13;
	v9 =	vadd.s32 v9, v14  }
0x294: {  	s0 =	sor.u32 s8, s0;
	v13 =	vcvt.f32.s32 v13;
	v14 =	vmul.f32 $1.739069970e-07, v15;
	v11 =	vadd.f32 $3.616496890e+02, v11  }
0x295: {  	v19 =	vld [tilespmem:s0+$0x30];
	v16 =	vshll.u32 v7, $0x9;
	v18 =	vshll.u32 v8, $0x9  }
0x296: {  	v24 =	vadd.s32 v13, v16;
	v13 =	vld [tilespmem:s0+$0x10];
	v14 =	vadd.f32 $3.616496890e+02, v14;
	v11 =	vtrunc.f32 v11  }
0x297: {  	v20 =	vld [tilespmem:s0+$0x0];
	v7 =	vshll.u32 v7, $0x5;
	v6 =	vshrl.u32 v6, $0x1F;
	v11 =	vcvt.f32.s32 v11  }
0x298: {  	v15 =	vshll.u32 v6, $0x9;
	v6 =	vshll.u32 v6, $0x5;
	v14 =	vtrunc.f32 v14;
	v17 =	vld.idx.msk [tilespmem:v9+s23+$0x0], $0xffff  }
0x299: {  	v25 =	vld [tilespmem:s0+$0x20];
	v14 =	vcvt.f32.s32 v14;
	v23 =	vadd.s32 v11, v15;
	v11 =	vshll.u32 v8, $0x5  }
0x29a: {  	v21 =	vld.idx.msk [tilespmem:v9+s25+$0x0], $0xffff;
	v9 =	vsub.s32 $0x10, v6;
	v8 =	vsub.s32 $0x10, v7;
	v6 =	vand.u32 $0x7FFFFFFF, v19  }
0x29b: {  	v22 =	vshrl.u32 v13, $0x1F;
	v19 =	vshrl.u32 v19, $0x1F;
	v7 =	vsub.s32 $0x10, v11  }
0x29c: {  	v11 =	vshll.u32 v12, $0x5;
	v12 =	vcvt.s32.f32 v6;
	v14 =	vadd.s32 v14, v18  }
0x29d: {  	v15 =	vsub.s32 $0x10, v11;
	v11 =	vand.u32 $0x7FFFFFFF, v20;
	vm15 =	vle.f32 v17, v10  }
0x29e: {  	v10 =	vand.u32 $0x7FFFFFFF, v13;
	v17 =	vmul.f32 $1.739069970e-07, v12;
	v15 =	vnsel vm15, $0x0, v15  }
0x29f: {  	v12 =	vand.u32 $0x7FFFFFFF, v25;
	v13 =	vld.idx.msk [tilespmem:v23+s25+$0x0], $0xffff;
	v16 =	vadd.s32 v15, v21;
	v21 =	vcvt.s32.f32 v11  }
0x2a0: {  	v27 =	vcvt.s32.f32 v10;
	v15 =	vld.idx.msk [tilespmem:v23+s23+$0x0], $0xffff;
	v17 =	vadd.f32 $3.616496890e+02, v17;
	v26 =	vadd.s32 v1, v16  }
0x2a1: {  	v20 =	vshrl.u32 v20, $0x1F;
	v28 =	vcvt.s32.f32 v12;
	v18 =	vld.idx.msk [tilespmem:v14+s23+$0x0], $0xffff;
	v29 =	vmul.f32 $1.739069970e-07, v21  }
0x2a2: {  	v16 =	vld.idx.msk [tilespmem:v24+s23+$0x0], $0xffff;
	v21 =	vshrl.u32 v25, $0x1F;
	v25 =	vmul.f32 $1.739069970e-07, v27;
	v27 =	vtrunc.f32 v17  }
0x2a3: {  	v23 =	vshll.u32 v20, $0x9;
	v17 =	vld.idx.msk [tilespmem:v24+s25+$0x0], $0xffff;
	v24 =	vmul.f32 $1.739069970e-07, v28;
	v30 =	vcvt.f32.s32 v27  }
0x2a4: {  	v14 =	vld.idx.msk [tilespmem:v14+s25+$0x0], $0xffff;
	v27 =	vadd.f32 $3.616496890e+02, v29;
	v28 =	vadd.f32 $3.616496890e+02, v25;
	v29 =	vshll.u32 v19, $0x9  }
0x2a5: {  	s4 =	simm.s32 $0x4;
	s2 =	simm.s32 $0x400;
	s0 =	simm.s32 $0x4;
	v25 =	vshll.u32 v22, $0x9;
	[tilespmem:v26+s29+$0x0] =	vst.idx.add.s32.msk $0xffff, v2;
	v26 =	vadd.f32 $3.616496890e+02, v24;
	v24 =	vadd.s32 v30, v29  }
.LBB2_14:
0x2a6: {  	s6 =	sand.u32 $0x7C00, s2;
	s7 =	sand.u32 $0x380, s4;
	v27 =	vtrunc.f32 v27;
	v28 =	vtrunc.f32 v28;
	v29 =	vshll.u32 v21, $0x9;
	s31 =	sadd.s32 $0x40, s31  }
0x2a7: {  	s0 =	sadd.s32 $0x4, s0;
	v20 =	vshll.u32 v20, $0x5;
	s8 =	sand.u32 $0x40, s31;
	s6 =	sor.u32 s7, s6;
	v27 =	vcvt.f32.s32 v27;
	v26 =	vtrunc.f32 v26  }
0x2a8: {  	v22 =	vshll.u32 v22, $0x5;
	p0 =	slt.u32 s0, $0x7FC;
	v28 =	vcvt.f32.s32 v28;
	s6 =	sor.u32 s8, s6;
	v26 =	vcvt.f32.s32 v26  }
0x2a9: {  	v21 =	vshll.u32 v21, $0x5;
	vm0 =	vle.f32 v15, v3;
	v3 =	vmovc v11;
	v30 =	vld [tilespmem:s6+$0x30];
	v23 =	vadd.s32 v27, v23  }
0x2aa: {  	vm1 =	vle.f32 v16, v5;
	v25 =	vadd.s32 v28, v25;
	v26 =	vadd.s32 v26, v29;
	v11 =	vld.idx.msk [tilespmem:v24+s23+$0x0], $0xffff  }
0x2ab: {  	vm2 =	vle.f32 v18, v4;
	v5 =	vmovc v10;
	v4 =	vmovc v12;
	v15 =	vsub.s32 $0x10, v20;
	v16 =	vsub.s32 $0x10, v22;
	v27 =	vld [tilespmem:s6+$0x0]  }
0x2ac: {  	v10 =	vsub.s32 $0x10, v21;
	v18 =	vnsel vm0, $0x0, v9;
	v20 =	vnsel vm1, $0x0, v8;
	v9 =	vmovc v15;
	v8 =	vmovc v16;
	v12 =	vld.idx.msk [tilespmem:v24+s25+$0x0], $0xffff  }
0x2ad: {  	v13 =	vadd.s32 v18, v13;
	v15 =	vadd.s32 v20, v17;
	v16 =	vnsel vm2, $0x0, v7;
	v7 =	vmovc v10;
	v21 =	vld [tilespmem:s6+$0x10]  }
0x2ae: {  	v28 =	vadd.s32 v1, v13;
	v10 =	vadd.s32 v16, v14;
	v29 =	vadd.s32 v1, v15;
	v24 =	vld [tilespmem:s6+$0x20]  }
0x2af: {  	v14 =	vshll.u32 v19, $0x5;
	v31 =	vadd.s32 v1, v10;
	v13 =	vand.u32 $0x7FFFFFFF, v30;
	v15 =	vld.idx.msk [tilespmem:v23+s23+$0x0], $0xffff  }
0x2b0: {  	v10 =	vsub.s32 $0x10, v14;
	v17 =	vcvt.s32.f32 v13;
	vm0 =	vle.f32 v11, v6;
	v6 =	vmovc v13;
	v16 =	vld.idx.msk [tilespmem:v25+s23+$0x0], $0xffff  }
0x2b1: {  	v11 =	vand.u32 $0x7FFFFFFF, v27;
	v20 =	vshrl.u32 v27, $0x1F;
	v14 =	vnsel vm0, $0x0, v10;
	v18 =	vld.idx.msk [tilespmem:v26+s23+$0x0], $0xffff  }
0x2b2: {  	v19 =	vmul.f32 $1.739069970e-07, v17;
	v14 =	vadd.s32 v14, v12;
	v10 =	vand.u32 $0x7FFFFFFF, v21;
	v13 =	vld.idx.msk [tilespmem:v23+s25+$0x0], $0xffff  }
0x2b3: {  	v22 =	vcvt.s32.f32 v11;
	v12 =	vand.u32 $0x7FFFFFFF, v24;
	v17 =	vld.idx.msk [tilespmem:v25+s25+$0x0], $0xffff;
	v25 =	vadd.s32 v1, v14  }
0x2b4: {  	v27 =	vcvt.s32.f32 v10;
	v19 =	vadd.f32 $3.616496890e+02, v19;
	v32 =	vcvt.s32.f32 v12;
	v14 =	vld.idx.msk [tilespmem:v26+s25+$0x0], $0xffff  }
.Ltmp6:
0x2b5: {  	v26 =	vmul.f32 $1.739069970e-07, v22;
	v22 =	vshrl.u32 v21, $0x1F;
	v21 =	vshrl.u32 v24, $0x1F;
	[tilespmem:v28+s29+$0x0] =	vst.idx.add.s32.msk $0xffff, v2;
	(pc) =	sbr.rel @p0 .LBB2_14-.Ltmp6, $4  }
0x2b6: {  	v23 =	vshll.u32 v20, $0x9;
	v24 =	vmul.f32 $1.739069970e-07, v27;
	v19 =	vtrunc.f32 v19;
	[tilespmem:v29+s29+$0x0] =	vst.idx.add.s32.msk $0xffff, v2  }
0x2b7: {  	v29 =	vmul.f32 $1.739069970e-07, v32;
	v32 =	vcvt.f32.s32 v19;
	v19 =	vshrl.u32 v30, $0x1F;
	[tilespmem:v31+s29+$0x0] =	vst.idx.add.s32.msk $0xffff, v2  }
0x2b8: {  	v27 =	vadd.f32 $3.616496890e+02, v26;
	v28 =	vadd.f32 $3.616496890e+02, v24;
	v24 =	vshll.u32 v19, $0x9;
	[tilespmem:v25+s29+$0x0] =	vst.idx.add.s32.msk $0xffff, v2  }
0x2b9: {  	s2 =	sadd.s32 $0x200, s2;
	s4 =	sadd.s32 $0x2, s4;
	v25 =	vshll.u32 v22, $0x9;
	v26 =	vadd.f32 $3.616496890e+02, v29;
	v24 =	vadd.s32 v32, v24  }
0x2ba: {  	v27 =	vtrunc.f32 v27  }
0x2bb: {  	v28 =	vtrunc.f32 v28;
	v27 =	vcvt.f32.s32 v27  }
0x2bc: {  	v28 =	vcvt.f32.s32 v28  }
0x2bd: {  	v26 =	vtrunc.f32 v26;
	v23 =	vadd.s32 v27, v23  }
0x2be: {  	v26 =	vcvt.f32.s32 v26;
	v25 =	vadd.s32 v28, v25  }
0x2bf: {  	v27 =	vshll.u32 v21, $0x9  }
0x2c0: {  	v26 =	vadd.s32 v26, v27;
	v27 =	vld.idx.msk [tilespmem:v24+s23+$0x0], $0xffff  }
0x2c1: {  	v20 =	vshll.u32 v20, $0x5;
	v22 =	vshll.u32 v22, $0x5;
	vm0 =	vle.f32 v15, v3;
	v24 =	vld.idx.msk [tilespmem:v24+s25+$0x0], $0xffff  }
0x2c2: {  	vm1 =	vle.f32 v16, v5;
	vm2 =	vle.f32 v18, v4;
	v3 =	vsub.s32 $0x10, v20;
	v5 =	vld.idx.msk [tilespmem:v23+s23+$0x0], $0xffff  }
0x2c3: {  	v15 =	vsub.s32 $0x10, v22;
	v4 =	vnsel vm0, $0x0, v9;
	v8 =	vnsel vm1, $0x0, v8;
	v9 =	vld.idx.msk [tilespmem:v25+s23+$0x0], $0xffff  }
0x2c4: {  	v7 =	vnsel vm2, $0x0, v7;
	v4 =	vadd.s32 v4, v13;
	v8 =	vadd.s32 v8, v17;
	v18 =	vld.idx.msk [tilespmem:v23+s25+$0x0], $0xffff  }
0x2c5: {  	v17 =	vshll.u32 v19, $0x5;
	v7 =	vadd.s32 v7, v14;
	v21 =	vshll.u32 v21, $0x5;
	v13 =	vld.idx.msk [tilespmem:v26+s23+$0x0], $0xffff  }
0x2c6: {  	v4 =	vadd.s32 v1, v4;
	v17 =	vsub.s32 $0x10, v17;
	vm11 =	vle.f32 v27, v6;
	v6 =	vld.idx.msk [tilespmem:v25+s25+$0x0], $0xffff  }
0x2c7: {  	v8 =	vadd.s32 v1, v8;
	v7 =	vadd.s32 v1, v7;
	v14 =	vnsel vm11, $0x0, v17;
	v17 =	vld.idx.msk [tilespmem:v26+s25+$0x0], $0xffff  }
0x2c8: {  	v16 =	vsub.s32 $0x10, v21;
	v14 =	vadd.s32 v14, v24;
	vm12 =	vle.f32 v5, v11  }
0x2c9: {  	v5 =	vadd.s32 v1, v14;
	vm13 =	vle.f32 v9, v10;
	v3 =	vnsel vm12, $0x0, v3  }
0x2ca: {  	vm14 =	vle.f32 v13, v12;
	v9 =	vnsel vm13, $0x0, v15;
	v3 =	vadd.s32 v3, v18  }
0x2cb: {  	v6 =	vadd.s32 v9, v6;
	v9 =	vnsel vm14, $0x0, v16;
	v3 =	vadd.s32 v1, v3  }
0x2cc: {  	[tilespmem:v4+s29+$0x0] =	vst.idx.add.s32.msk $0xffff, v2;
	v4 =	vadd.s32 v1, v6;
	v6 =	vadd.s32 v9, v17  }
0x2cd: {  	[tilespmem:v8+s29+$0x0] =	vst.idx.add.s32.msk $0xffff, v2;
	v6 =	vadd.s32 v1, v6  }
0x2ce: {  	[tilespmem:v7+s29+$0x0] =	vst.idx.add.s32.msk $0xffff, v2  }
0x2cf: {  	[tilespmem:v5+s29+$0x0] =	vst.idx.add.s32.msk $0xffff, v2  }
0x2d0: {  	[tilespmem:v3+s29+$0x0] =	vst.idx.add.s32.msk $0xffff, v2  }
0x2d1: {  	[tilespmem:v4+s29+$0x0] =	vst.idx.add.s32.msk $0xffff, v2  }
0x2d2: {  	s0 =	simm.s32 $0x0;
	[tilespmem:v6+s29+$0x0] =	vst.idx.add.s32.msk $0xffff, v2  }
0x2d3: {  	[tilespmem:s0], [sflag:$0x1] =	stream.linear.gather [hbm4b:s13+s0], $0x8000, $0x38;
	[tilespmem:$0x11280] =	vst v63  }
0x2d4: {  	s2 =	sand.u32 $0x7C00, s0;
	s4 =	sand.u32 $0x380, s0;
	_ =	swait.ge [sflag:s30], $0x8000  }
0x2d5: {  	s2 =	sor.u32 s4, s2;
	s0 =	sand.u32 $0x40, s0;
	[sflag:s30] =	ssyncset.done $0x0  }
0x2d6: {  	s0 =	sor.u32 s0, s2;
	[sflag:s30] =	ssyncadd.s32 $0xFFFF8000  }
0x2d7: {  	v4 =	vld [tilespmem:s0+$0x8030];
	_ =	sdelay $0x2  }
0x2d8: {  	v7 =	vld [tilespmem:s0+$0x8010];
	_ =	sdelay $0x1  }
0x2d9: {  	v10 =	vand.u32 $0x7FFFFFFF, v4  }
0x2da: {  	v6 =	vld [tilespmem:s0+$0x8000];
	v3 =	vcvt.s32.f32 v10  }
0x2db: {  	v8 =	vld [tilespmem:s0+$0x8020]  }
0x2dc: {  	v5 =	vand.u32 $0x7FFFFFFF, v7;
	v3 =	vmul.f32 $1.739069970e-07, v3  }
0x2dd: {  	v13 =	vcvt.s32.f32 v5  }
0x2de: {  	v9 =	vadd.f32 $3.616496890e+02, v3  }
0x2df: {  	v12 =	vshrl.u32 v4, $0x1F;
	v13 =	vmul.f32 $1.739069970e-07, v13;
	v3 =	vand.u32 $0x7FFFFFFF, v6  }
0x2e0: {  	v4 =	vand.u32 $0x7FFFFFFF, v8;
	v11 =	vcvt.s32.f32 v3;
	v9 =	vtrunc.f32 v9  }
0x2e1: {  	s6 =	simm.s32 $0x200;
	s7 =	simm.s32 $0x2;
	v7 =	vshrl.u32 v7, $0x1F;
	v13 =	vadd.f32 $3.616496890e+02, v13;
	v9 =	vcvt.f32.s32 v9  }
0x2e2: {  	s31 =	simm.s32 $0x40;
	s2 =	sand.u32 $0x380, s7;
	s0 =	sand.u32 $0x7C00, s6;
	v14 =	vshll.u32 v12, $0x9;
	v15 =	vcvt.s32.f32 v4;
	v11 =	vmul.f32 $1.739069970e-07, v11  }
0x2e3: {  	s8 =	sand.u32 $0x40, s31;
	s0 =	sor.u32 s2, s0;
	v8 =	vshrl.u32 v8, $0x1F;
	v13 =	vtrunc.f32 v13;
	v9 =	vadd.s32 v9, v14  }
0x2e4: {  	s0 =	sor.u32 s8, s0;
	v13 =	vcvt.f32.s32 v13;
	v14 =	vmul.f32 $1.739069970e-07, v15;
	v11 =	vadd.f32 $3.616496890e+02, v11  }
0x2e5: {  	v19 =	vld [tilespmem:s0+$0x8030];
	v16 =	vshll.u32 v7, $0x9;
	v18 =	vshll.u32 v8, $0x9  }
0x2e6: {  	v24 =	vadd.s32 v13, v16;
	v13 =	vld [tilespmem:s0+$0x8010];
	v14 =	vadd.f32 $3.616496890e+02, v14;
	v11 =	vtrunc.f32 v11  }
0x2e7: {  	v20 =	vld [tilespmem:s0+$0x8000];
	v7 =	vshll.u32 v7, $0x5;
	v6 =	vshrl.u32 v6, $0x1F;
	v11 =	vcvt.f32.s32 v11  }
0x2e8: {  	v15 =	vshll.u32 v6, $0x9;
	v6 =	vshll.u32 v6, $0x5;
	v14 =	vtrunc.f32 v14;
	v17 =	vld.idx.msk [tilespmem:v9+s23+$0x0], $0xffff  }
0x2e9: {  	v25 =	vld [tilespmem:s0+$0x8020];
	v14 =	vcvt.f32.s32 v14;
	v23 =	vadd.s32 v11, v15;
	v11 =	vshll.u32 v8, $0x5  }
0x2ea: {  	v21 =	vld.idx.msk [tilespmem:v9+s25+$0x0], $0xffff;
	v9 =	vsub.s32 $0x10, v6;
	v8 =	vsub.s32 $0x10, v7;
	v6 =	vand.u32 $0x7FFFFFFF, v19  }
0x2eb: {  	v22 =	vshrl.u32 v13, $0x1F;
	v19 =	vshrl.u32 v19, $0x1F;
	v7 =	vsub.s32 $0x10, v11  }
0x2ec: {  	v11 =	vshll.u32 v12, $0x5;
	v12 =	vcvt.s32.f32 v6;
	v14 =	vadd.s32 v14, v18  }
0x2ed: {  	v15 =	vsub.s32 $0x10, v11;
	v11 =	vand.u32 $0x7FFFFFFF, v20;
	vm15 =	vle.f32 v17, v10  }
0x2ee: {  	v10 =	vand.u32 $0x7FFFFFFF, v13;
	v17 =	vmul.f32 $1.739069970e-07, v12;
	v15 =	vnsel vm15, $0x0, v15  }
0x2ef: {  	v12 =	vand.u32 $0x7FFFFFFF, v25;
	v13 =	vld.idx.msk [tilespmem:v23+s25+$0x0], $0xffff;
	v16 =	vadd.s32 v15, v21;
	v21 =	vcvt.s32.f32 v11  }
0x2f0: {  	v27 =	vcvt.s32.f32 v10;
	v15 =	vld.idx.msk [tilespmem:v23+s23+$0x0], $0xffff;
	v17 =	vadd.f32 $3.616496890e+02, v17;
	v26 =	vadd.s32 v1, v16  }
0x2f1: {  	v20 =	vshrl.u32 v20, $0x1F;
	v28 =	vcvt.s32.f32 v12;
	v18 =	vld.idx.msk [tilespmem:v14+s23+$0x0], $0xffff;
	v29 =	vmul.f32 $1.739069970e-07, v21  }
0x2f2: {  	v16 =	vld.idx.msk [tilespmem:v24+s23+$0x0], $0xffff;
	v21 =	vshrl.u32 v25, $0x1F;
	v25 =	vmul.f32 $1.739069970e-07, v27;
	v27 =	vtrunc.f32 v17  }
0x2f3: {  	v23 =	vshll.u32 v20, $0x9;
	v17 =	vld.idx.msk [tilespmem:v24+s25+$0x0], $0xffff;
	v24 =	vmul.f32 $1.739069970e-07, v28;
	v30 =	vcvt.f32.s32 v27  }
0x2f4: {  	v14 =	vld.idx.msk [tilespmem:v14+s25+$0x0], $0xffff;
	v27 =	vadd.f32 $3.616496890e+02, v29;
	v28 =	vadd.f32 $3.616496890e+02, v25;
	v29 =	vshll.u32 v19, $0x9  }
0x2f5: {  	s4 =	simm.s32 $0x4;
	s2 =	simm.s32 $0x400;
	s0 =	simm.s32 $0x4;
	v25 =	vshll.u32 v22, $0x9;
	[tilespmem:v26+s29+$0x0] =	vst.idx.add.s32.msk $0xffff, v2;
	v26 =	vadd.f32 $3.616496890e+02, v24;
	v24 =	vadd.s32 v30, v29  }
.LBB2_16:
0x2f6: {  	s6 =	sand.u32 $0x7C00, s2;
	s7 =	sand.u32 $0x380, s4;
	v27 =	vtrunc.f32 v27;
	v28 =	vtrunc.f32 v28;
	v29 =	vshll.u32 v21, $0x9;
	s31 =	sadd.s32 $0x40, s31  }
0x2f7: {  	s0 =	sadd.s32 $0x4, s0;
	v20 =	vshll.u32 v20, $0x5;
	s8 =	sand.u32 $0x40, s31;
	s6 =	sor.u32 s7, s6;
	v27 =	vcvt.f32.s32 v27;
	v26 =	vtrunc.f32 v26  }
0x2f8: {  	v22 =	vshll.u32 v22, $0x5;
	p0 =	slt.u32 s0, $0x7FC;
	v28 =	vcvt.f32.s32 v28;
	s6 =	sor.u32 s8, s6;
	v26 =	vcvt.f32.s32 v26  }
0x2f9: {  	v21 =	vshll.u32 v21, $0x5;
	vm0 =	vle.f32 v15, v3;
	v3 =	vmovc v11;
	v30 =	vld [tilespmem:s6+$0x8030];
	v23 =	vadd.s32 v27, v23  }
0x2fa: {  	vm1 =	vle.f32 v16, v5;
	v25 =	vadd.s32 v28, v25;
	v26 =	vadd.s32 v26, v29;
	v11 =	vld.idx.msk [tilespmem:v24+s23+$0x0], $0xffff  }
0x2fb: {  	vm2 =	vle.f32 v18, v4;
	v5 =	vmovc v10;
	v4 =	vmovc v12;
	v15 =	vsub.s32 $0x10, v20;
	v16 =	vsub.s32 $0x10, v22;
	v27 =	vld [tilespmem:s6+$0x8000]  }
0x2fc: {  	v10 =	vsub.s32 $0x10, v21;
	v18 =	vnsel vm0, $0x0, v9;
	v20 =	vnsel vm1, $0x0, v8;
	v9 =	vmovc v15;
	v8 =	vmovc v16;
	v12 =	vld.idx.msk [tilespmem:v24+s25+$0x0], $0xffff  }
0x2fd: {  	v13 =	vadd.s32 v18, v13;
	v15 =	vadd.s32 v20, v17;
	v16 =	vnsel vm2, $0x0, v7;
	v7 =	vmovc v10;
	v21 =	vld [tilespmem:s6+$0x8010]  }
0x2fe: {  	v28 =	vadd.s32 v1, v13;
	v10 =	vadd.s32 v16, v14;
	v29 =	vadd.s32 v1, v15;
	v24 =	vld [tilespmem:s6+$0x8020]  }
0x2ff: {  	v14 =	vshll.u32 v19, $0x5;
	v31 =	vadd.s32 v1, v10;
	v13 =	vand.u32 $0x7FFFFFFF, v30;
	v15 =	vld.idx.msk [tilespmem:v23+s23+$0x0], $0xffff  }
0x300: {  	v10 =	vsub.s32 $0x10, v14;
	v17 =	vcvt.s32.f32 v13;
	vm0 =	vle.f32 v11, v6;
	v6 =	vmovc v13;
	v16 =	vld.idx.msk [tilespmem:v25+s23+$0x0], $0xffff  }
0x301: {  	v11 =	vand.u32 $0x7FFFFFFF, v27;
	v20 =	vshrl.u32 v27, $0x1F;
	v14 =	vnsel vm0, $0x0, v10;
	v18 =	vld.idx.msk [tilespmem:v26+s23+$0x0], $0xffff  }
0x302: {  	v19 =	vmul.f32 $1.739069970e-07, v17;
	v14 =	vadd.s32 v14, v12;
	v10 =	vand.u32 $0x7FFFFFFF, v21;
	v13 =	vld.idx.msk [tilespmem:v23+s25+$0x0], $0xffff  }
0x303: {  	v22 =	vcvt.s32.f32 v11;
	v12 =	vand.u32 $0x7FFFFFFF, v24;
	v17 =	vld.idx.msk [tilespmem:v25+s25+$0x0], $0xffff;
	v25 =	vadd.s32 v1, v14  }
0x304: {  	v27 =	vcvt.s32.f32 v10;
	v19 =	vadd.f32 $3.616496890e+02, v19;
	v32 =	vcvt.s32.f32 v12;
	v14 =	vld.idx.msk [tilespmem:v26+s25+$0x0], $0xffff  }
.Ltmp7:
0x305: {  	v26 =	vmul.f32 $1.739069970e-07, v22;
	v22 =	vshrl.u32 v21, $0x1F;
	v21 =	vshrl.u32 v24, $0x1F;
	[tilespmem:v28+s29+$0x0] =	vst.idx.add.s32.msk $0xffff, v2;
	(pc) =	sbr.rel @p0 .LBB2_16-.Ltmp7, $4  }
0x306: {  	v23 =	vshll.u32 v20, $0x9;
	v24 =	vmul.f32 $1.739069970e-07, v27;
	v19 =	vtrunc.f32 v19;
	[tilespmem:v29+s29+$0x0] =	vst.idx.add.s32.msk $0xffff, v2  }
0x307: {  	v29 =	vmul.f32 $1.739069970e-07, v32;
	v32 =	vcvt.f32.s32 v19;
	v19 =	vshrl.u32 v30, $0x1F;
	[tilespmem:v31+s29+$0x0] =	vst.idx.add.s32.msk $0xffff, v2  }
0x308: {  	v27 =	vadd.f32 $3.616496890e+02, v26;
	v28 =	vadd.f32 $3.616496890e+02, v24;
	v24 =	vshll.u32 v19, $0x9;
	[tilespmem:v25+s29+$0x0] =	vst.idx.add.s32.msk $0xffff, v2  }
0x309: {  	s2 =	sadd.s32 $0x200, s2;
	s4 =	sadd.s32 $0x2, s4;
	v25 =	vshll.u32 v22, $0x9;
	v26 =	vadd.f32 $3.616496890e+02, v29;
	v24 =	vadd.s32 v32, v24  }
0x30a: {  	v27 =	vtrunc.f32 v27  }
0x30b: {  	v28 =	vtrunc.f32 v28;
	v27 =	vcvt.f32.s32 v27  }
0x30c: {  	v28 =	vcvt.f32.s32 v28  }
0x30d: {  	v26 =	vtrunc.f32 v26;
	v23 =	vadd.s32 v27, v23  }
0x30e: {  	v26 =	vcvt.f32.s32 v26;
	v25 =	vadd.s32 v28, v25  }
0x30f: {  	v27 =	vshll.u32 v21, $0x9  }
0x310: {  	v26 =	vadd.s32 v26, v27;
	v27 =	vld.idx.msk [tilespmem:v24+s23+$0x0], $0xffff  }
0x311: {  	v20 =	vshll.u32 v20, $0x5;
	v22 =	vshll.u32 v22, $0x5;
	vm0 =	vle.f32 v15, v3;
	v24 =	vld.idx.msk [tilespmem:v24+s25+$0x0], $0xffff  }
0x312: {  	vm1 =	vle.f32 v16, v5;
	vm2 =	vle.f32 v18, v4;
	v3 =	vsub.s32 $0x10, v20;
	v5 =	vld.idx.msk [tilespmem:v23+s23+$0x0], $0xffff  }
0x313: {  	v15 =	vsub.s32 $0x10, v22;
	v4 =	vnsel vm0, $0x0, v9;
	v8 =	vnsel vm1, $0x0, v8;
	v9 =	vld.idx.msk [tilespmem:v25+s23+$0x0], $0xffff  }
0x314: {  	v7 =	vnsel vm2, $0x0, v7;
	v4 =	vadd.s32 v4, v13;
	v8 =	vadd.s32 v8, v17;
	v18 =	vld.idx.msk [tilespmem:v23+s25+$0x0], $0xffff  }
0x315: {  	v17 =	vshll.u32 v19, $0x5;
	v7 =	vadd.s32 v7, v14;
	v21 =	vshll.u32 v21, $0x5;
	v13 =	vld.idx.msk [tilespmem:v26+s23+$0x0], $0xffff  }
0x316: {  	v4 =	vadd.s32 v1, v4;
	v17 =	vsub.s32 $0x10, v17;
	vm11 =	vle.f32 v27, v6;
	v6 =	vld.idx.msk [tilespmem:v25+s25+$0x0], $0xffff  }
0x317: {  	v8 =	vadd.s32 v1, v8;
	v7 =	vadd.s32 v1, v7;
	v14 =	vnsel vm11, $0x0, v17;
	v17 =	vld.idx.msk [tilespmem:v26+s25+$0x0], $0xffff  }
0x318: {  	v16 =	vsub.s32 $0x10, v21;
	v14 =	vadd.s32 v14, v24;
	vm12 =	vle.f32 v5, v11  }
0x319: {  	v5 =	vadd.s32 v1, v14;
	vm13 =	vle.f32 v9, v10;
	v3 =	vnsel vm12, $0x0, v3  }
0x31a: {  	vm14 =	vle.f32 v13, v12;
	v9 =	vnsel vm13, $0x0, v15;
	v3 =	vadd.s32 v3, v18  }
0x31b: {  	v6 =	vadd.s32 v9, v6;
	v9 =	vnsel vm14, $0x0, v16;
	v3 =	vadd.s32 v1, v3  }
0x31c: {  	[tilespmem:v4+s29+$0x0] =	vst.idx.add.s32.msk $0xffff, v2;
	v4 =	vadd.s32 v1, v6;
	v6 =	vadd.s32 v9, v17  }
0x31d: {  	[tilespmem:v8+s29+$0x0] =	vst.idx.add.s32.msk $0xffff, v2;
	v6 =	vadd.s32 v1, v6  }
0x31e: {  	[tilespmem:v7+s29+$0x0] =	vst.idx.add.s32.msk $0xffff, v2  }
0x31f: {  	[tilespmem:v5+s29+$0x0] =	vst.idx.add.s32.msk $0xffff, v2  }
0x320: {  	[tilespmem:v3+s29+$0x0] =	vst.idx.add.s32.msk $0xffff, v2  }
0x321: {  	[tilespmem:v4+s29+$0x0] =	vst.idx.add.s32.msk $0xffff, v2  }
0x322: {  	s0 =	simm.s32 $0x0;
	[tilespmem:v6+s29+$0x0] =	vst.idx.add.s32.msk $0xffff, v2  }
0x323: {  	[tilespmem:s26], [sflag:$0x2] =	stream.linear.gather [hbm4b:s14+s0], $0x8000, $0x38;
	[tilespmem:$0x11280] =	vst v63  }
0x324: {  	s2 =	sand.u32 $0x7C00, s0;
	s4 =	sand.u32 $0x380, s0;
	_ =	swait.ge [sflag:s28], $0x8000  }
0x325: {  	s2 =	sor.u32 s4, s2;
	s0 =	sand.u32 $0x40, s0;
	[sflag:s28] =	ssyncset.done $0x0  }
0x326: {  	s0 =	sor.u32 s0, s2;
	[sflag:s28] =	ssyncadd.s32 $0xFFFF8000  }
0x327: {  	v4 =	vld [tilespmem:s0+$0x30];
	_ =	sdelay $0x2  }
0x328: {  	v7 =	vld [tilespmem:s0+$0x10];
	_ =	sdelay $0x1  }
0x329: {  	v10 =	vand.u32 $0x7FFFFFFF, v4  }
0x32a: {  	v6 =	vld [tilespmem:s0+$0x0];
	v3 =	vcvt.s32.f32 v10  }
0x32b: {  	v8 =	vld [tilespmem:s0+$0x20]  }
0x32c: {  	v5 =	vand.u32 $0x7FFFFFFF, v7;
	v3 =	vmul.f32 $1.739069970e-07, v3  }
0x32d: {  	v13 =	vcvt.s32.f32 v5  }
0x32e: {  	v9 =	vadd.f32 $3.616496890e+02, v3  }
0x32f: {  	v12 =	vshrl.u32 v4, $0x1F;
	v13 =	vmul.f32 $1.739069970e-07, v13;
	v3 =	vand.u32 $0x7FFFFFFF, v6  }
0x330: {  	v4 =	vand.u32 $0x7FFFFFFF, v8;
	v11 =	vcvt.s32.f32 v3;
	v9 =	vtrunc.f32 v9  }
0x331: {  	s6 =	simm.s32 $0x200;
	s7 =	simm.s32 $0x2;
	v7 =	vshrl.u32 v7, $0x1F;
	v13 =	vadd.f32 $3.616496890e+02, v13;
	v9 =	vcvt.f32.s32 v9  }
0x332: {  	s31 =	simm.s32 $0x40;
	s2 =	sand.u32 $0x380, s7;
	s0 =	sand.u32 $0x7C00, s6;
	v14 =	vshll.u32 v12, $0x9;
	v15 =	vcvt.s32.f32 v4;
	v11 =	vmul.f32 $1.739069970e-07, v11  }
0x333: {  	s8 =	sand.u32 $0x40, s31;
	s0 =	sor.u32 s2, s0;
	v8 =	vshrl.u32 v8, $0x1F;
	v13 =	vtrunc.f32 v13;
	v9 =	vadd.s32 v9, v14  }
0x334: {  	s0 =	sor.u32 s8, s0;
	v13 =	vcvt.f32.s32 v13;
	v14 =	vmul.f32 $1.739069970e-07, v15;
	v11 =	vadd.f32 $3.616496890e+02, v11  }
0x335: {  	v19 =	vld [tilespmem:s0+$0x30];
	v16 =	vshll.u32 v7, $0x9;
	v18 =	vshll.u32 v8, $0x9  }
0x336: {  	v24 =	vadd.s32 v13, v16;
	v13 =	vld [tilespmem:s0+$0x10];
	v14 =	vadd.f32 $3.616496890e+02, v14;
	v11 =	vtrunc.f32 v11  }
0x337: {  	v20 =	vld [tilespmem:s0+$0x0];
	v7 =	vshll.u32 v7, $0x5;
	v6 =	vshrl.u32 v6, $0x1F;
	v11 =	vcvt.f32.s32 v11  }
0x338: {  	v15 =	vshll.u32 v6, $0x9;
	v6 =	vshll.u32 v6, $0x5;
	v14 =	vtrunc.f32 v14;
	v17 =	vld.idx.msk [tilespmem:v9+s23+$0x0], $0xffff  }
0x339: {  	v25 =	vld [tilespmem:s0+$0x20];
	v14 =	vcvt.f32.s32 v14;
	v23 =	vadd.s32 v11, v15;
	v11 =	vshll.u32 v8, $0x5  }
0x33a: {  	v21 =	vld.idx.msk [tilespmem:v9+s25+$0x0], $0xffff;
	v9 =	vsub.s32 $0x10, v6;
	v8 =	vsub.s32 $0x10, v7;
	v6 =	vand.u32 $0x7FFFFFFF, v19  }
0x33b: {  	v22 =	vshrl.u32 v13, $0x1F;
	v19 =	vshrl.u32 v19, $0x1F;
	v7 =	vsub.s32 $0x10, v11  }
0x33c: {  	v11 =	vshll.u32 v12, $0x5;
	v12 =	vcvt.s32.f32 v6;
	v14 =	vadd.s32 v14, v18  }
0x33d: {  	v15 =	vsub.s32 $0x10, v11;
	v11 =	vand.u32 $0x7FFFFFFF, v20;
	vm15 =	vle.f32 v17, v10  }
0x33e: {  	v10 =	vand.u32 $0x7FFFFFFF, v13;
	v17 =	vmul.f32 $1.739069970e-07, v12;
	v15 =	vnsel vm15, $0x0, v15  }
0x33f: {  	v12 =	vand.u32 $0x7FFFFFFF, v25;
	v13 =	vld.idx.msk [tilespmem:v23+s25+$0x0], $0xffff;
	v16 =	vadd.s32 v15, v21;
	v21 =	vcvt.s32.f32 v11  }
0x340: {  	v27 =	vcvt.s32.f32 v10;
	v15 =	vld.idx.msk [tilespmem:v23+s23+$0x0], $0xffff;
	v17 =	vadd.f32 $3.616496890e+02, v17;
	v26 =	vadd.s32 v1, v16  }
0x341: {  	v20 =	vshrl.u32 v20, $0x1F;
	v28 =	vcvt.s32.f32 v12;
	v18 =	vld.idx.msk [tilespmem:v14+s23+$0x0], $0xffff;
	v29 =	vmul.f32 $1.739069970e-07, v21  }
0x342: {  	v16 =	vld.idx.msk [tilespmem:v24+s23+$0x0], $0xffff;
	v21 =	vshrl.u32 v25, $0x1F;
	v25 =	vmul.f32 $1.739069970e-07, v27;
	v27 =	vtrunc.f32 v17  }
0x343: {  	v23 =	vshll.u32 v20, $0x9;
	v17 =	vld.idx.msk [tilespmem:v24+s25+$0x0], $0xffff;
	v24 =	vmul.f32 $1.739069970e-07, v28;
	v30 =	vcvt.f32.s32 v27  }
0x344: {  	v14 =	vld.idx.msk [tilespmem:v14+s25+$0x0], $0xffff;
	v27 =	vadd.f32 $3.616496890e+02, v29;
	v28 =	vadd.f32 $3.616496890e+02, v25;
	v29 =	vshll.u32 v19, $0x9  }
0x345: {  	s4 =	simm.s32 $0x4;
	s2 =	simm.s32 $0x400;
	s0 =	simm.s32 $0x4;
	v25 =	vshll.u32 v22, $0x9;
	[tilespmem:v26+s29+$0x0] =	vst.idx.add.s32.msk $0xffff, v2;
	v26 =	vadd.f32 $3.616496890e+02, v24;
	v24 =	vadd.s32 v30, v29  }
.LBB2_18:
0x346: {  	s6 =	sand.u32 $0x7C00, s2;
	s7 =	sand.u32 $0x380, s4;
	v27 =	vtrunc.f32 v27;
	v28 =	vtrunc.f32 v28;
	v29 =	vshll.u32 v21, $0x9;
	s31 =	sadd.s32 $0x40, s31  }
0x347: {  	s0 =	sadd.s32 $0x4, s0;
	v20 =	vshll.u32 v20, $0x5;
	s8 =	sand.u32 $0x40, s31;
	s6 =	sor.u32 s7, s6;
	v27 =	vcvt.f32.s32 v27;
	v26 =	vtrunc.f32 v26  }
0x348: {  	v22 =	vshll.u32 v22, $0x5;
	p0 =	slt.u32 s0, $0x7FC;
	v28 =	vcvt.f32.s32 v28;
	s6 =	sor.u32 s8, s6;
	v26 =	vcvt.f32.s32 v26  }
0x349: {  	v21 =	vshll.u32 v21, $0x5;
	vm0 =	vle.f32 v15, v3;
	v3 =	vmovc v11;
	v30 =	vld [tilespmem:s6+$0x30];
	v23 =	vadd.s32 v27, v23  }
0x34a: {  	vm1 =	vle.f32 v16, v5;
	v25 =	vadd.s32 v28, v25;
	v26 =	vadd.s32 v26, v29;
	v11 =	vld.idx.msk [tilespmem:v24+s23+$0x0], $0xffff  }
0x34b: {  	vm2 =	vle.f32 v18, v4;
	v5 =	vmovc v10;
	v4 =	vmovc v12;
	v15 =	vsub.s32 $0x10, v20;
	v16 =	vsub.s32 $0x10, v22;
	v27 =	vld [tilespmem:s6+$0x0]  }
0x34c: {  	v10 =	vsub.s32 $0x10, v21;
	v18 =	vnsel vm0, $0x0, v9;
	v20 =	vnsel vm1, $0x0, v8;
	v9 =	vmovc v15;
	v8 =	vmovc v16;
	v12 =	vld.idx.msk [tilespmem:v24+s25+$0x0], $0xffff  }
0x34d: {  	v13 =	vadd.s32 v18, v13;
	v15 =	vadd.s32 v20, v17;
	v16 =	vnsel vm2, $0x0, v7;
	v7 =	vmovc v10;
	v21 =	vld [tilespmem:s6+$0x10]  }
0x34e: {  	v28 =	vadd.s32 v1, v13;
	v10 =	vadd.s32 v16, v14;
	v29 =	vadd.s32 v1, v15;
	v24 =	vld [tilespmem:s6+$0x20]  }
0x34f: {  	v14 =	vshll.u32 v19, $0x5;
	v31 =	vadd.s32 v1, v10;
	v13 =	vand.u32 $0x7FFFFFFF, v30;
	v15 =	vld.idx.msk [tilespmem:v23+s23+$0x0], $0xffff  }
0x350: {  	v10 =	vsub.s32 $0x10, v14;
	v17 =	vcvt.s32.f32 v13;
	vm0 =	vle.f32 v11, v6;
	v6 =	vmovc v13;
	v16 =	vld.idx.msk [tilespmem:v25+s23+$0x0], $0xffff  }
0x351: {  	v11 =	vand.u32 $0x7FFFFFFF, v27;
	v20 =	vshrl.u32 v27, $0x1F;
	v14 =	vnsel vm0, $0x0, v10;
	v18 =	vld.idx.msk [tilespmem:v26+s23+$0x0], $0xffff  }
0x352: {  	v19 =	vmul.f32 $1.739069970e-07, v17;
	v14 =	vadd.s32 v14, v12;
	v10 =	vand.u32 $0x7FFFFFFF, v21;
	v13 =	vld.idx.msk [tilespmem:v23+s25+$0x0], $0xffff  }
0x353: {  	v22 =	vcvt.s32.f32 v11;
	v12 =	vand.u32 $0x7FFFFFFF, v24;
	v17 =	vld.idx.msk [tilespmem:v25+s25+$0x0], $0xffff;
	v25 =	vadd.s32 v1, v14  }
0x354: {  	v27 =	vcvt.s32.f32 v10;
	v19 =	vadd.f32 $3.616496890e+02, v19;
	v32 =	vcvt.s32.f32 v12;
	v14 =	vld.idx.msk [tilespmem:v26+s25+$0x0], $0xffff  }
.Ltmp8:
0x355: {  	v26 =	vmul.f32 $1.739069970e-07, v22;
	v22 =	vshrl.u32 v21, $0x1F;
	v21 =	vshrl.u32 v24, $0x1F;
	[tilespmem:v28+s29+$0x0] =	vst.idx.add.s32.msk $0xffff, v2;
	(pc) =	sbr.rel @p0 .LBB2_18-.Ltmp8, $4  }
0x356: {  	v23 =	vshll.u32 v20, $0x9;
	v24 =	vmul.f32 $1.739069970e-07, v27;
	v19 =	vtrunc.f32 v19;
	[tilespmem:v29+s29+$0x0] =	vst.idx.add.s32.msk $0xffff, v2  }
0x357: {  	v29 =	vmul.f32 $1.739069970e-07, v32;
	v32 =	vcvt.f32.s32 v19;
	v19 =	vshrl.u32 v30, $0x1F;
	[tilespmem:v31+s29+$0x0] =	vst.idx.add.s32.msk $0xffff, v2  }
0x358: {  	v27 =	vadd.f32 $3.616496890e+02, v26;
	v28 =	vadd.f32 $3.616496890e+02, v24;
	v24 =	vshll.u32 v19, $0x9;
	[tilespmem:v25+s29+$0x0] =	vst.idx.add.s32.msk $0xffff, v2  }
0x359: {  	s2 =	sadd.s32 $0x200, s2;
	s4 =	sadd.s32 $0x2, s4;
	v25 =	vshll.u32 v22, $0x9;
	v26 =	vadd.f32 $3.616496890e+02, v29;
	v24 =	vadd.s32 v32, v24  }
0x35a: {  	v27 =	vtrunc.f32 v27  }
0x35b: {  	v28 =	vtrunc.f32 v28;
	v27 =	vcvt.f32.s32 v27  }
0x35c: {  	v28 =	vcvt.f32.s32 v28  }
0x35d: {  	v26 =	vtrunc.f32 v26;
	v23 =	vadd.s32 v27, v23  }
0x35e: {  	v26 =	vcvt.f32.s32 v26;
	v25 =	vadd.s32 v28, v25  }
0x35f: {  	v27 =	vshll.u32 v21, $0x9  }
0x360: {  	v26 =	vadd.s32 v26, v27;
	v27 =	vld.idx.msk [tilespmem:v24+s23+$0x0], $0xffff  }
0x361: {  	v20 =	vshll.u32 v20, $0x5;
	v22 =	vshll.u32 v22, $0x5;
	vm0 =	vle.f32 v15, v3;
	v24 =	vld.idx.msk [tilespmem:v24+s25+$0x0], $0xffff  }
0x362: {  	vm1 =	vle.f32 v16, v5;
	vm2 =	vle.f32 v18, v4;
	v3 =	vsub.s32 $0x10, v20;
	v5 =	vld.idx.msk [tilespmem:v23+s23+$0x0], $0xffff  }
0x363: {  	v15 =	vsub.s32 $0x10, v22;
	v4 =	vnsel vm0, $0x0, v9;
	v8 =	vnsel vm1, $0x0, v8;
	v9 =	vld.idx.msk [tilespmem:v25+s23+$0x0], $0xffff  }
0x364: {  	v7 =	vnsel vm2, $0x0, v7;
	v4 =	vadd.s32 v4, v13;
	v8 =	vadd.s32 v8, v17;
	v18 =	vld.idx.msk [tilespmem:v23+s25+$0x0], $0xffff  }
0x365: {  	v17 =	vshll.u32 v19, $0x5;
	v7 =	vadd.s32 v7, v14;
	v21 =	vshll.u32 v21, $0x5;
	v13 =	vld.idx.msk [tilespmem:v26+s23+$0x0], $0xffff  }
0x366: {  	v4 =	vadd.s32 v1, v4;
	v17 =	vsub.s32 $0x10, v17;
	vm11 =	vle.f32 v27, v6;
	v6 =	vld.idx.msk [tilespmem:v25+s25+$0x0], $0xffff  }
0x367: {  	v8 =	vadd.s32 v1, v8;
	v7 =	vadd.s32 v1, v7;
	v14 =	vnsel vm11, $0x0, v17;
	v17 =	vld.idx.msk [tilespmem:v26+s25+$0x0], $0xffff  }
0x368: {  	v16 =	vsub.s32 $0x10, v21;
	v14 =	vadd.s32 v14, v24;
	vm12 =	vle.f32 v5, v11  }
0x369: {  	v5 =	vadd.s32 v1, v14;
	vm13 =	vle.f32 v9, v10;
	v3 =	vnsel vm12, $0x0, v3  }
0x36a: {  	vm14 =	vle.f32 v13, v12;
	v9 =	vnsel vm13, $0x0, v15;
	v3 =	vadd.s32 v3, v18  }
0x36b: {  	v6 =	vadd.s32 v9, v6;
	v9 =	vnsel vm14, $0x0, v16;
	v3 =	vadd.s32 v1, v3  }
0x36c: {  	[tilespmem:v4+s29+$0x0] =	vst.idx.add.s32.msk $0xffff, v2;
	v4 =	vadd.s32 v1, v6;
	v6 =	vadd.s32 v9, v17  }
0x36d: {  	[tilespmem:v8+s29+$0x0] =	vst.idx.add.s32.msk $0xffff, v2;
	v6 =	vadd.s32 v1, v6  }
0x36e: {  	[tilespmem:v7+s29+$0x0] =	vst.idx.add.s32.msk $0xffff, v2  }
0x36f: {  	[tilespmem:v5+s29+$0x0] =	vst.idx.add.s32.msk $0xffff, v2  }
0x370: {  	[tilespmem:v3+s29+$0x0] =	vst.idx.add.s32.msk $0xffff, v2  }
0x371: {  	[tilespmem:v4+s29+$0x0] =	vst.idx.add.s32.msk $0xffff, v2  }
0x372: {  	s0 =	simm.s32 $0x0;
	[tilespmem:v6+s29+$0x0] =	vst.idx.add.s32.msk $0xffff, v2  }
0x373: {  	[tilespmem:s0], [sflag:$0x1] =	stream.linear.gather [hbm4b:s15+s0], $0x8000, $0x38;
	[tilespmem:$0x11280] =	vst v63  }
0x374: {  	s2 =	sand.u32 $0x7C00, s0;
	s4 =	sand.u32 $0x380, s0;
	_ =	swait.ge [sflag:s30], $0x8000  }
0x375: {  	s2 =	sor.u32 s4, s2;
	s0 =	sand.u32 $0x40, s0;
	[sflag:s30] =	ssyncset.done $0x0  }
0x376: {  	s0 =	sor.u32 s0, s2;
	[sflag:s30] =	ssyncadd.s32 $0xFFFF8000  }
0x377: {  	v4 =	vld [tilespmem:s0+$0x8030];
	_ =	sdelay $0x2  }
0x378: {  	v7 =	vld [tilespmem:s0+$0x8010];
	_ =	sdelay $0x1  }
0x379: {  	v10 =	vand.u32 $0x7FFFFFFF, v4  }
0x37a: {  	v6 =	vld [tilespmem:s0+$0x8000];
	v3 =	vcvt.s32.f32 v10  }
0x37b: {  	v8 =	vld [tilespmem:s0+$0x8020]  }
0x37c: {  	v5 =	vand.u32 $0x7FFFFFFF, v7;
	v3 =	vmul.f32 $1.739069970e-07, v3  }
0x37d: {  	v13 =	vcvt.s32.f32 v5  }
0x37e: {  	v9 =	vadd.f32 $3.616496890e+02, v3  }
0x37f: {  	v12 =	vshrl.u32 v4, $0x1F;
	v13 =	vmul.f32 $1.739069970e-07, v13;
	v3 =	vand.u32 $0x7FFFFFFF, v6  }
0x380: {  	v4 =	vand.u32 $0x7FFFFFFF, v8;
	v11 =	vcvt.s32.f32 v3;
	v9 =	vtrunc.f32 v9  }
0x381: {  	s6 =	simm.s32 $0x200;
	s7 =	simm.s32 $0x2;
	v7 =	vshrl.u32 v7, $0x1F;
	v13 =	vadd.f32 $3.616496890e+02, v13;
	v9 =	vcvt.f32.s32 v9  }
0x382: {  	s31 =	simm.s32 $0x40;
	s2 =	sand.u32 $0x380, s7;
	s0 =	sand.u32 $0x7C00, s6;
	v14 =	vshll.u32 v12, $0x9;
	v15 =	vcvt.s32.f32 v4;
	v11 =	vmul.f32 $1.739069970e-07, v11  }
0x383: {  	s8 =	sand.u32 $0x40, s31;
	s0 =	sor.u32 s2, s0;
	v8 =	vshrl.u32 v8, $0x1F;
	v13 =	vtrunc.f32 v13;
	v9 =	vadd.s32 v9, v14  }
0x384: {  	s0 =	sor.u32 s8, s0;
	v13 =	vcvt.f32.s32 v13;
	v14 =	vmul.f32 $1.739069970e-07, v15;
	v11 =	vadd.f32 $3.616496890e+02, v11  }
0x385: {  	v19 =	vld [tilespmem:s0+$0x8030];
	v16 =	vshll.u32 v7, $0x9;
	v18 =	vshll.u32 v8, $0x9  }
0x386: {  	v24 =	vadd.s32 v13, v16;
	v13 =	vld [tilespmem:s0+$0x8010];
	v14 =	vadd.f32 $3.616496890e+02, v14;
	v11 =	vtrunc.f32 v11  }
0x387: {  	v20 =	vld [tilespmem:s0+$0x8000];
	v7 =	vshll.u32 v7, $0x5;
	v6 =	vshrl.u32 v6, $0x1F;
	v11 =	vcvt.f32.s32 v11  }
0x388: {  	v15 =	vshll.u32 v6, $0x9;
	v6 =	vshll.u32 v6, $0x5;
	v14 =	vtrunc.f32 v14;
	v17 =	vld.idx.msk [tilespmem:v9+s23+$0x0], $0xffff  }
0x389: {  	v25 =	vld [tilespmem:s0+$0x8020];
	v14 =	vcvt.f32.s32 v14;
	v23 =	vadd.s32 v11, v15;
	v11 =	vshll.u32 v8, $0x5  }
0x38a: {  	v21 =	vld.idx.msk [tilespmem:v9+s25+$0x0], $0xffff;
	v9 =	vsub.s32 $0x10, v6;
	v8 =	vsub.s32 $0x10, v7;
	v6 =	vand.u32 $0x7FFFFFFF, v19  }
0x38b: {  	v22 =	vshrl.u32 v13, $0x1F;
	v19 =	vshrl.u32 v19, $0x1F;
	v7 =	vsub.s32 $0x10, v11  }
0x38c: {  	v11 =	vshll.u32 v12, $0x5;
	v12 =	vcvt.s32.f32 v6;
	v14 =	vadd.s32 v14, v18  }
0x38d: {  	v15 =	vsub.s32 $0x10, v11;
	v11 =	vand.u32 $0x7FFFFFFF, v20;
	vm15 =	vle.f32 v17, v10  }
0x38e: {  	v10 =	vand.u32 $0x7FFFFFFF, v13;
	v17 =	vmul.f32 $1.739069970e-07, v12;
	v15 =	vnsel vm15, $0x0, v15  }
0x38f: {  	v12 =	vand.u32 $0x7FFFFFFF, v25;
	v13 =	vld.idx.msk [tilespmem:v23+s25+$0x0], $0xffff;
	v16 =	vadd.s32 v15, v21;
	v21 =	vcvt.s32.f32 v11  }
0x390: {  	v27 =	vcvt.s32.f32 v10;
	v15 =	vld.idx.msk [tilespmem:v23+s23+$0x0], $0xffff;
	v17 =	vadd.f32 $3.616496890e+02, v17;
	v26 =	vadd.s32 v1, v16  }
0x391: {  	v20 =	vshrl.u32 v20, $0x1F;
	v28 =	vcvt.s32.f32 v12;
	v18 =	vld.idx.msk [tilespmem:v14+s23+$0x0], $0xffff;
	v29 =	vmul.f32 $1.739069970e-07, v21  }
0x392: {  	v16 =	vld.idx.msk [tilespmem:v24+s23+$0x0], $0xffff;
	v21 =	vshrl.u32 v25, $0x1F;
	v25 =	vmul.f32 $1.739069970e-07, v27;
	v27 =	vtrunc.f32 v17  }
0x393: {  	v23 =	vshll.u32 v20, $0x9;
	v17 =	vld.idx.msk [tilespmem:v24+s25+$0x0], $0xffff;
	v24 =	vmul.f32 $1.739069970e-07, v28;
	v30 =	vcvt.f32.s32 v27  }
0x394: {  	v14 =	vld.idx.msk [tilespmem:v14+s25+$0x0], $0xffff;
	v27 =	vadd.f32 $3.616496890e+02, v29;
	v28 =	vadd.f32 $3.616496890e+02, v25;
	v29 =	vshll.u32 v19, $0x9  }
0x395: {  	s4 =	simm.s32 $0x4;
	s2 =	simm.s32 $0x400;
	s0 =	simm.s32 $0x4;
	v25 =	vshll.u32 v22, $0x9;
	[tilespmem:v26+s29+$0x0] =	vst.idx.add.s32.msk $0xffff, v2;
	v26 =	vadd.f32 $3.616496890e+02, v24;
	v24 =	vadd.s32 v30, v29  }
.LBB2_20:
0x396: {  	s6 =	sand.u32 $0x7C00, s2;
	s7 =	sand.u32 $0x380, s4;
	v27 =	vtrunc.f32 v27;
	v28 =	vtrunc.f32 v28;
	v29 =	vshll.u32 v21, $0x9;
	s31 =	sadd.s32 $0x40, s31  }
0x397: {  	s0 =	sadd.s32 $0x4, s0;
	v20 =	vshll.u32 v20, $0x5;
	s8 =	sand.u32 $0x40, s31;
	s6 =	sor.u32 s7, s6;
	v27 =	vcvt.f32.s32 v27;
	v26 =	vtrunc.f32 v26  }
0x398: {  	v22 =	vshll.u32 v22, $0x5;
	p0 =	slt.u32 s0, $0x7FC;
	v28 =	vcvt.f32.s32 v28;
	s6 =	sor.u32 s8, s6;
	v26 =	vcvt.f32.s32 v26  }
0x399: {  	v21 =	vshll.u32 v21, $0x5;
	vm0 =	vle.f32 v15, v3;
	v3 =	vmovc v11;
	v30 =	vld [tilespmem:s6+$0x8030];
	v23 =	vadd.s32 v27, v23  }
0x39a: {  	vm1 =	vle.f32 v16, v5;
	v25 =	vadd.s32 v28, v25;
	v26 =	vadd.s32 v26, v29;
	v11 =	vld.idx.msk [tilespmem:v24+s23+$0x0], $0xffff  }
0x39b: {  	vm2 =	vle.f32 v18, v4;
	v5 =	vmovc v10;
	v4 =	vmovc v12;
	v15 =	vsub.s32 $0x10, v20;
	v16 =	vsub.s32 $0x10, v22;
	v27 =	vld [tilespmem:s6+$0x8000]  }
0x39c: {  	v10 =	vsub.s32 $0x10, v21;
	v18 =	vnsel vm0, $0x0, v9;
	v20 =	vnsel vm1, $0x0, v8;
	v9 =	vmovc v15;
	v8 =	vmovc v16;
	v12 =	vld.idx.msk [tilespmem:v24+s25+$0x0], $0xffff  }
0x39d: {  	v13 =	vadd.s32 v18, v13;
	v15 =	vadd.s32 v20, v17;
	v16 =	vnsel vm2, $0x0, v7;
	v7 =	vmovc v10;
	v21 =	vld [tilespmem:s6+$0x8010]  }
0x39e: {  	v28 =	vadd.s32 v1, v13;
	v10 =	vadd.s32 v16, v14;
	v29 =	vadd.s32 v1, v15;
	v24 =	vld [tilespmem:s6+$0x8020]  }
0x39f: {  	v14 =	vshll.u32 v19, $0x5;
	v31 =	vadd.s32 v1, v10;
	v13 =	vand.u32 $0x7FFFFFFF, v30;
	v15 =	vld.idx.msk [tilespmem:v23+s23+$0x0], $0xffff  }
0x3a0: {  	v10 =	vsub.s32 $0x10, v14;
	v17 =	vcvt.s32.f32 v13;
	vm0 =	vle.f32 v11, v6;
	v6 =	vmovc v13;
	v16 =	vld.idx.msk [tilespmem:v25+s23+$0x0], $0xffff  }
0x3a1: {  	v11 =	vand.u32 $0x7FFFFFFF, v27;
	v20 =	vshrl.u32 v27, $0x1F;
	v14 =	vnsel vm0, $0x0, v10;
	v18 =	vld.idx.msk [tilespmem:v26+s23+$0x0], $0xffff  }
0x3a2: {  	v19 =	vmul.f32 $1.739069970e-07, v17;
	v14 =	vadd.s32 v14, v12;
	v10 =	vand.u32 $0x7FFFFFFF, v21;
	v13 =	vld.idx.msk [tilespmem:v23+s25+$0x0], $0xffff  }
0x3a3: {  	v22 =	vcvt.s32.f32 v11;
	v12 =	vand.u32 $0x7FFFFFFF, v24;
	v17 =	vld.idx.msk [tilespmem:v25+s25+$0x0], $0xffff;
	v25 =	vadd.s32 v1, v14  }
0x3a4: {  	v27 =	vcvt.s32.f32 v10;
	v19 =	vadd.f32 $3.616496890e+02, v19;
	v32 =	vcvt.s32.f32 v12;
	v14 =	vld.idx.msk [tilespmem:v26+s25+$0x0], $0xffff  }
.Ltmp9:
0x3a5: {  	v26 =	vmul.f32 $1.739069970e-07, v22;
	v22 =	vshrl.u32 v21, $0x1F;
	v21 =	vshrl.u32 v24, $0x1F;
	[tilespmem:v28+s29+$0x0] =	vst.idx.add.s32.msk $0xffff, v2;
	(pc) =	sbr.rel @p0 .LBB2_20-.Ltmp9, $4  }
0x3a6: {  	v23 =	vshll.u32 v20, $0x9;
	v24 =	vmul.f32 $1.739069970e-07, v27;
	v19 =	vtrunc.f32 v19;
	[tilespmem:v29+s29+$0x0] =	vst.idx.add.s32.msk $0xffff, v2  }
0x3a7: {  	v29 =	vmul.f32 $1.739069970e-07, v32;
	v32 =	vcvt.f32.s32 v19;
	v19 =	vshrl.u32 v30, $0x1F;
	[tilespmem:v31+s29+$0x0] =	vst.idx.add.s32.msk $0xffff, v2  }
0x3a8: {  	v27 =	vadd.f32 $3.616496890e+02, v26;
	v28 =	vadd.f32 $3.616496890e+02, v24;
	v24 =	vshll.u32 v19, $0x9;
	[tilespmem:v25+s29+$0x0] =	vst.idx.add.s32.msk $0xffff, v2  }
0x3a9: {  	s2 =	sadd.s32 $0x200, s2;
	s4 =	sadd.s32 $0x2, s4;
	v25 =	vshll.u32 v22, $0x9;
	v26 =	vadd.f32 $3.616496890e+02, v29;
	v24 =	vadd.s32 v32, v24  }
0x3aa: {  	v27 =	vtrunc.f32 v27  }
0x3ab: {  	v28 =	vtrunc.f32 v28;
	v27 =	vcvt.f32.s32 v27  }
0x3ac: {  	v28 =	vcvt.f32.s32 v28  }
0x3ad: {  	v26 =	vtrunc.f32 v26;
	v23 =	vadd.s32 v27, v23  }
0x3ae: {  	v26 =	vcvt.f32.s32 v26;
	v25 =	vadd.s32 v28, v25  }
0x3af: {  	v27 =	vshll.u32 v21, $0x9  }
0x3b0: {  	v26 =	vadd.s32 v26, v27;
	v27 =	vld.idx.msk [tilespmem:v24+s23+$0x0], $0xffff  }
0x3b1: {  	v20 =	vshll.u32 v20, $0x5;
	v22 =	vshll.u32 v22, $0x5;
	vm0 =	vle.f32 v15, v3;
	v24 =	vld.idx.msk [tilespmem:v24+s25+$0x0], $0xffff  }
0x3b2: {  	vm1 =	vle.f32 v16, v5;
	vm2 =	vle.f32 v18, v4;
	v3 =	vsub.s32 $0x10, v20;
	v5 =	vld.idx.msk [tilespmem:v23+s23+$0x0], $0xffff  }
0x3b3: {  	v15 =	vsub.s32 $0x10, v22;
	v4 =	vnsel vm0, $0x0, v9;
	v8 =	vnsel vm1, $0x0, v8;
	v9 =	vld.idx.msk [tilespmem:v25+s23+$0x0], $0xffff  }
0x3b4: {  	v7 =	vnsel vm2, $0x0, v7;
	v4 =	vadd.s32 v4, v13;
	v8 =	vadd.s32 v8, v17;
	v18 =	vld.idx.msk [tilespmem:v23+s25+$0x0], $0xffff  }
0x3b5: {  	v17 =	vshll.u32 v19, $0x5;
	v7 =	vadd.s32 v7, v14;
	v21 =	vshll.u32 v21, $0x5;
	v13 =	vld.idx.msk [tilespmem:v26+s23+$0x0], $0xffff  }
0x3b6: {  	v4 =	vadd.s32 v1, v4;
	v17 =	vsub.s32 $0x10, v17;
	vm11 =	vle.f32 v27, v6;
	v6 =	vld.idx.msk [tilespmem:v25+s25+$0x0], $0xffff  }
0x3b7: {  	v8 =	vadd.s32 v1, v8;
	v7 =	vadd.s32 v1, v7;
	v14 =	vnsel vm11, $0x0, v17;
	v17 =	vld.idx.msk [tilespmem:v26+s25+$0x0], $0xffff  }
0x3b8: {  	v16 =	vsub.s32 $0x10, v21;
	v14 =	vadd.s32 v14, v24;
	vm12 =	vle.f32 v5, v11  }
0x3b9: {  	v5 =	vadd.s32 v1, v14;
	vm13 =	vle.f32 v9, v10;
	v3 =	vnsel vm12, $0x0, v3  }
0x3ba: {  	vm14 =	vle.f32 v13, v12;
	v9 =	vnsel vm13, $0x0, v15;
	v3 =	vadd.s32 v3, v18  }
0x3bb: {  	v6 =	vadd.s32 v9, v6;
	v9 =	vnsel vm14, $0x0, v16;
	v3 =	vadd.s32 v1, v3  }
0x3bc: {  	[tilespmem:v4+s29+$0x0] =	vst.idx.add.s32.msk $0xffff, v2;
	v4 =	vadd.s32 v1, v6;
	v6 =	vadd.s32 v9, v17  }
0x3bd: {  	[tilespmem:v8+s29+$0x0] =	vst.idx.add.s32.msk $0xffff, v2;
	v6 =	vadd.s32 v1, v6  }
0x3be: {  	[tilespmem:v7+s29+$0x0] =	vst.idx.add.s32.msk $0xffff, v2  }
0x3bf: {  	[tilespmem:v5+s29+$0x0] =	vst.idx.add.s32.msk $0xffff, v2  }
0x3c0: {  	[tilespmem:v3+s29+$0x0] =	vst.idx.add.s32.msk $0xffff, v2  }
0x3c1: {  	[tilespmem:v4+s29+$0x0] =	vst.idx.add.s32.msk $0xffff, v2  }
0x3c2: {  	s0 =	simm.s32 $0x0;
	[tilespmem:v6+s29+$0x0] =	vst.idx.add.s32.msk $0xffff, v2  }
0x3c3: {  	[tilespmem:s26], [sflag:$0x2] =	stream.linear.gather [hbm4b:s16+s0], $0x8000, $0x38;
	[tilespmem:$0x11280] =	vst v63  }
0x3c4: {  	s2 =	sand.u32 $0x7C00, s0;
	s4 =	sand.u32 $0x380, s0;
	_ =	swait.ge [sflag:s28], $0x8000  }
0x3c5: {  	s2 =	sor.u32 s4, s2;
	s0 =	sand.u32 $0x40, s0;
	[sflag:s28] =	ssyncset.done $0x0  }
0x3c6: {  	s0 =	sor.u32 s0, s2;
	[sflag:s28] =	ssyncadd.s32 $0xFFFF8000  }
0x3c7: {  	v4 =	vld [tilespmem:s0+$0x30];
	_ =	sdelay $0x2  }
0x3c8: {  	v7 =	vld [tilespmem:s0+$0x10];
	_ =	sdelay $0x1  }
0x3c9: {  	v10 =	vand.u32 $0x7FFFFFFF, v4  }
0x3ca: {  	v6 =	vld [tilespmem:s0+$0x0];
	v3 =	vcvt.s32.f32 v10  }
0x3cb: {  	v8 =	vld [tilespmem:s0+$0x20]  }
0x3cc: {  	v5 =	vand.u32 $0x7FFFFFFF, v7;
	v3 =	vmul.f32 $1.739069970e-07, v3  }
0x3cd: {  	v13 =	vcvt.s32.f32 v5  }
0x3ce: {  	v9 =	vadd.f32 $3.616496890e+02, v3  }
0x3cf: {  	v12 =	vshrl.u32 v4, $0x1F;
	v13 =	vmul.f32 $1.739069970e-07, v13;
	v3 =	vand.u32 $0x7FFFFFFF, v6  }
0x3d0: {  	v4 =	vand.u32 $0x7FFFFFFF, v8;
	v11 =	vcvt.s32.f32 v3;
	v9 =	vtrunc.f32 v9  }
0x3d1: {  	s6 =	simm.s32 $0x200;
	s7 =	simm.s32 $0x2;
	v7 =	vshrl.u32 v7, $0x1F;
	v13 =	vadd.f32 $3.616496890e+02, v13;
	v9 =	vcvt.f32.s32 v9  }
0x3d2: {  	s31 =	simm.s32 $0x40;
	s2 =	sand.u32 $0x380, s7;
	s0 =	sand.u32 $0x7C00, s6;
	v14 =	vshll.u32 v12, $0x9;
	v15 =	vcvt.s32.f32 v4;
	v11 =	vmul.f32 $1.739069970e-07, v11  }
0x3d3: {  	s8 =	sand.u32 $0x40, s31;
	s0 =	sor.u32 s2, s0;
	v8 =	vshrl.u32 v8, $0x1F;
	v13 =	vtrunc.f32 v13;
	v9 =	vadd.s32 v9, v14  }
0x3d4: {  	s0 =	sor.u32 s8, s0;
	v13 =	vcvt.f32.s32 v13;
	v14 =	vmul.f32 $1.739069970e-07, v15;
	v11 =	vadd.f32 $3.616496890e+02, v11  }
0x3d5: {  	v19 =	vld [tilespmem:s0+$0x30];
	v16 =	vshll.u32 v7, $0x9;
	v18 =	vshll.u32 v8, $0x9  }
0x3d6: {  	v24 =	vadd.s32 v13, v16;
	v13 =	vld [tilespmem:s0+$0x10];
	v14 =	vadd.f32 $3.616496890e+02, v14;
	v11 =	vtrunc.f32 v11  }
0x3d7: {  	v20 =	vld [tilespmem:s0+$0x0];
	v7 =	vshll.u32 v7, $0x5;
	v6 =	vshrl.u32 v6, $0x1F;
	v11 =	vcvt.f32.s32 v11  }
0x3d8: {  	v15 =	vshll.u32 v6, $0x9;
	v6 =	vshll.u32 v6, $0x5;
	v14 =	vtrunc.f32 v14;
	v17 =	vld.idx.msk [tilespmem:v9+s23+$0x0], $0xffff  }
0x3d9: {  	v25 =	vld [tilespmem:s0+$0x20];
	v14 =	vcvt.f32.s32 v14;
	v23 =	vadd.s32 v11, v15;
	v11 =	vshll.u32 v8, $0x5  }
0x3da: {  	v21 =	vld.idx.msk [tilespmem:v9+s25+$0x0], $0xffff;
	v9 =	vsub.s32 $0x10, v6;
	v8 =	vsub.s32 $0x10, v7;
	v6 =	vand.u32 $0x7FFFFFFF, v19  }
0x3db: {  	v22 =	vshrl.u32 v13, $0x1F;
	v19 =	vshrl.u32 v19, $0x1F;
	v7 =	vsub.s32 $0x10, v11  }
0x3dc: {  	v11 =	vshll.u32 v12, $0x5;
	v12 =	vcvt.s32.f32 v6;
	v14 =	vadd.s32 v14, v18  }
0x3dd: {  	v15 =	vsub.s32 $0x10, v11;
	v11 =	vand.u32 $0x7FFFFFFF, v20;
	vm15 =	vle.f32 v17, v10  }
0x3de: {  	v10 =	vand.u32 $0x7FFFFFFF, v13;
	v17 =	vmul.f32 $1.739069970e-07, v12;
	v15 =	vnsel vm15, $0x0, v15  }
0x3df: {  	v12 =	vand.u32 $0x7FFFFFFF, v25;
	v13 =	vld.idx.msk [tilespmem:v23+s25+$0x0], $0xffff;
	v16 =	vadd.s32 v15, v21;
	v21 =	vcvt.s32.f32 v11  }
0x3e0: {  	v27 =	vcvt.s32.f32 v10;
	v15 =	vld.idx.msk [tilespmem:v23+s23+$0x0], $0xffff;
	v17 =	vadd.f32 $3.616496890e+02, v17;
	v26 =	vadd.s32 v1, v16  }
0x3e1: {  	v20 =	vshrl.u32 v20, $0x1F;
	v28 =	vcvt.s32.f32 v12;
	v18 =	vld.idx.msk [tilespmem:v14+s23+$0x0], $0xffff;
	v29 =	vmul.f32 $1.739069970e-07, v21  }
0x3e2: {  	v16 =	vld.idx.msk [tilespmem:v24+s23+$0x0], $0xffff;
	v21 =	vshrl.u32 v25, $0x1F;
	v25 =	vmul.f32 $1.739069970e-07, v27;
	v27 =	vtrunc.f32 v17  }
0x3e3: {  	v23 =	vshll.u32 v20, $0x9;
	v17 =	vld.idx.msk [tilespmem:v24+s25+$0x0], $0xffff;
	v24 =	vmul.f32 $1.739069970e-07, v28;
	v30 =	vcvt.f32.s32 v27  }
0x3e4: {  	v14 =	vld.idx.msk [tilespmem:v14+s25+$0x0], $0xffff;
	v27 =	vadd.f32 $3.616496890e+02, v29;
	v28 =	vadd.f32 $3.616496890e+02, v25;
	v29 =	vshll.u32 v19, $0x9  }
0x3e5: {  	s4 =	simm.s32 $0x4;
	s2 =	simm.s32 $0x400;
	s0 =	simm.s32 $0x4;
	v25 =	vshll.u32 v22, $0x9;
	[tilespmem:v26+s29+$0x0] =	vst.idx.add.s32.msk $0xffff, v2;
	v26 =	vadd.f32 $3.616496890e+02, v24;
	v24 =	vadd.s32 v30, v29  }
.LBB2_22:
0x3e6: {  	s6 =	sand.u32 $0x7C00, s2;
	s7 =	sand.u32 $0x380, s4;
	v27 =	vtrunc.f32 v27;
	v28 =	vtrunc.f32 v28;
	v29 =	vshll.u32 v21, $0x9;
	s31 =	sadd.s32 $0x40, s31  }
0x3e7: {  	s0 =	sadd.s32 $0x4, s0;
	v20 =	vshll.u32 v20, $0x5;
	s8 =	sand.u32 $0x40, s31;
	s6 =	sor.u32 s7, s6;
	v27 =	vcvt.f32.s32 v27;
	v26 =	vtrunc.f32 v26  }
0x3e8: {  	v22 =	vshll.u32 v22, $0x5;
	p0 =	slt.u32 s0, $0x7FC;
	v28 =	vcvt.f32.s32 v28;
	s6 =	sor.u32 s8, s6;
	v26 =	vcvt.f32.s32 v26  }
0x3e9: {  	v21 =	vshll.u32 v21, $0x5;
	vm0 =	vle.f32 v15, v3;
	v3 =	vmovc v11;
	v30 =	vld [tilespmem:s6+$0x30];
	v23 =	vadd.s32 v27, v23  }
0x3ea: {  	vm1 =	vle.f32 v16, v5;
	v25 =	vadd.s32 v28, v25;
	v26 =	vadd.s32 v26, v29;
	v11 =	vld.idx.msk [tilespmem:v24+s23+$0x0], $0xffff  }
0x3eb: {  	vm2 =	vle.f32 v18, v4;
	v5 =	vmovc v10;
	v4 =	vmovc v12;
	v15 =	vsub.s32 $0x10, v20;
	v16 =	vsub.s32 $0x10, v22;
	v27 =	vld [tilespmem:s6+$0x0]  }
0x3ec: {  	v10 =	vsub.s32 $0x10, v21;
	v18 =	vnsel vm0, $0x0, v9;
	v20 =	vnsel vm1, $0x0, v8;
	v9 =	vmovc v15;
	v8 =	vmovc v16;
	v12 =	vld.idx.msk [tilespmem:v24+s25+$0x0], $0xffff  }
0x3ed: {  	v13 =	vadd.s32 v18, v13;
	v15 =	vadd.s32 v20, v17;
	v16 =	vnsel vm2, $0x0, v7;
	v7 =	vmovc v10;
	v21 =	vld [tilespmem:s6+$0x10]  }
0x3ee: {  	v28 =	vadd.s32 v1, v13;
	v10 =	vadd.s32 v16, v14;
	v29 =	vadd.s32 v1, v15;
	v24 =	vld [tilespmem:s6+$0x20]  }
0x3ef: {  	v14 =	vshll.u32 v19, $0x5;
	v31 =	vadd.s32 v1, v10;
	v13 =	vand.u32 $0x7FFFFFFF, v30;
	v15 =	vld.idx.msk [tilespmem:v23+s23+$0x0], $0xffff  }
0x3f0: {  	v10 =	vsub.s32 $0x10, v14;
	v17 =	vcvt.s32.f32 v13;
	vm0 =	vle.f32 v11, v6;
	v6 =	vmovc v13;
	v16 =	vld.idx.msk [tilespmem:v25+s23+$0x0], $0xffff  }
0x3f1: {  	v11 =	vand.u32 $0x7FFFFFFF, v27;
	v20 =	vshrl.u32 v27, $0x1F;
	v14 =	vnsel vm0, $0x0, v10;
	v18 =	vld.idx.msk [tilespmem:v26+s23+$0x0], $0xffff  }
0x3f2: {  	v19 =	vmul.f32 $1.739069970e-07, v17;
	v14 =	vadd.s32 v14, v12;
	v10 =	vand.u32 $0x7FFFFFFF, v21;
	v13 =	vld.idx.msk [tilespmem:v23+s25+$0x0], $0xffff  }
0x3f3: {  	v22 =	vcvt.s32.f32 v11;
	v12 =	vand.u32 $0x7FFFFFFF, v24;
	v17 =	vld.idx.msk [tilespmem:v25+s25+$0x0], $0xffff;
	v25 =	vadd.s32 v1, v14  }
0x3f4: {  	v27 =	vcvt.s32.f32 v10;
	v19 =	vadd.f32 $3.616496890e+02, v19;
	v32 =	vcvt.s32.f32 v12;
	v14 =	vld.idx.msk [tilespmem:v26+s25+$0x0], $0xffff  }
.Ltmp10:
0x3f5: {  	v26 =	vmul.f32 $1.739069970e-07, v22;
	v22 =	vshrl.u32 v21, $0x1F;
	v21 =	vshrl.u32 v24, $0x1F;
	[tilespmem:v28+s29+$0x0] =	vst.idx.add.s32.msk $0xffff, v2;
	(pc) =	sbr.rel @p0 .LBB2_22-.Ltmp10, $4  }
0x3f6: {  	v23 =	vshll.u32 v20, $0x9;
	v24 =	vmul.f32 $1.739069970e-07, v27;
	v19 =	vtrunc.f32 v19;
	[tilespmem:v29+s29+$0x0] =	vst.idx.add.s32.msk $0xffff, v2  }
0x3f7: {  	v29 =	vmul.f32 $1.739069970e-07, v32;
	v32 =	vcvt.f32.s32 v19;
	v19 =	vshrl.u32 v30, $0x1F;
	[tilespmem:v31+s29+$0x0] =	vst.idx.add.s32.msk $0xffff, v2  }
0x3f8: {  	v27 =	vadd.f32 $3.616496890e+02, v26;
	v28 =	vadd.f32 $3.616496890e+02, v24;
	v24 =	vshll.u32 v19, $0x9;
	[tilespmem:v25+s29+$0x0] =	vst.idx.add.s32.msk $0xffff, v2  }
0x3f9: {  	s2 =	sadd.s32 $0x200, s2;
	s4 =	sadd.s32 $0x2, s4;
	v25 =	vshll.u32 v22, $0x9;
	v26 =	vadd.f32 $3.616496890e+02, v29;
	v24 =	vadd.s32 v32, v24  }
0x3fa: {  	v27 =	vtrunc.f32 v27  }
0x3fb: {  	v28 =	vtrunc.f32 v28;
	v27 =	vcvt.f32.s32 v27  }
0x3fc: {  	v28 =	vcvt.f32.s32 v28  }
0x3fd: {  	v26 =	vtrunc.f32 v26;
	v23 =	vadd.s32 v27, v23  }
0x3fe: {  	v26 =	vcvt.f32.s32 v26;
	v25 =	vadd.s32 v28, v25  }
0x3ff: {  	v27 =	vshll.u32 v21, $0x9  }
0x400: {  	v26 =	vadd.s32 v26, v27;
	v27 =	vld.idx.msk [tilespmem:v24+s23+$0x0], $0xffff  }
0x401: {  	v20 =	vshll.u32 v20, $0x5;
	v22 =	vshll.u32 v22, $0x5;
	vm0 =	vle.f32 v15, v3;
	v24 =	vld.idx.msk [tilespmem:v24+s25+$0x0], $0xffff  }
0x402: {  	vm1 =	vle.f32 v16, v5;
	vm2 =	vle.f32 v18, v4;
	v3 =	vsub.s32 $0x10, v20;
	v5 =	vld.idx.msk [tilespmem:v23+s23+$0x0], $0xffff  }
0x403: {  	v15 =	vsub.s32 $0x10, v22;
	v4 =	vnsel vm0, $0x0, v9;
	v8 =	vnsel vm1, $0x0, v8;
	v9 =	vld.idx.msk [tilespmem:v25+s23+$0x0], $0xffff  }
0x404: {  	v7 =	vnsel vm2, $0x0, v7;
	v4 =	vadd.s32 v4, v13;
	v8 =	vadd.s32 v8, v17;
	v18 =	vld.idx.msk [tilespmem:v23+s25+$0x0], $0xffff  }
0x405: {  	v17 =	vshll.u32 v19, $0x5;
	v7 =	vadd.s32 v7, v14;
	v21 =	vshll.u32 v21, $0x5;
	v13 =	vld.idx.msk [tilespmem:v26+s23+$0x0], $0xffff  }
0x406: {  	v4 =	vadd.s32 v1, v4;
	v17 =	vsub.s32 $0x10, v17;
	vm11 =	vle.f32 v27, v6;
	v6 =	vld.idx.msk [tilespmem:v25+s25+$0x0], $0xffff  }
0x407: {  	v8 =	vadd.s32 v1, v8;
	v7 =	vadd.s32 v1, v7;
	v14 =	vnsel vm11, $0x0, v17;
	v17 =	vld.idx.msk [tilespmem:v26+s25+$0x0], $0xffff  }
0x408: {  	v16 =	vsub.s32 $0x10, v21;
	v14 =	vadd.s32 v14, v24;
	vm12 =	vle.f32 v5, v11  }
0x409: {  	v5 =	vadd.s32 v1, v14;
	vm13 =	vle.f32 v9, v10;
	v3 =	vnsel vm12, $0x0, v3  }
0x40a: {  	vm14 =	vle.f32 v13, v12;
	v9 =	vnsel vm13, $0x0, v15;
	v3 =	vadd.s32 v3, v18  }
0x40b: {  	v6 =	vadd.s32 v9, v6;
	v9 =	vnsel vm14, $0x0, v16;
	v3 =	vadd.s32 v1, v3  }
0x40c: {  	[tilespmem:v4+s29+$0x0] =	vst.idx.add.s32.msk $0xffff, v2;
	v4 =	vadd.s32 v1, v6;
	v6 =	vadd.s32 v9, v17  }
0x40d: {  	[tilespmem:v8+s29+$0x0] =	vst.idx.add.s32.msk $0xffff, v2;
	v6 =	vadd.s32 v1, v6  }
0x40e: {  	[tilespmem:v7+s29+$0x0] =	vst.idx.add.s32.msk $0xffff, v2  }
0x40f: {  	[tilespmem:v5+s29+$0x0] =	vst.idx.add.s32.msk $0xffff, v2  }
0x410: {  	[tilespmem:v3+s29+$0x0] =	vst.idx.add.s32.msk $0xffff, v2  }
0x411: {  	[tilespmem:v4+s29+$0x0] =	vst.idx.add.s32.msk $0xffff, v2  }
0x412: {  	s0 =	simm.s32 $0x0;
	[tilespmem:v6+s29+$0x0] =	vst.idx.add.s32.msk $0xffff, v2  }
0x413: {  	[tilespmem:s0], [sflag:$0x1] =	stream.linear.gather [hbm4b:s17+s0], $0x8000, $0x38;
	[tilespmem:$0x11280] =	vst v63  }
0x414: {  	s2 =	sand.u32 $0x7C00, s0;
	s4 =	sand.u32 $0x380, s0;
	_ =	swait.ge [sflag:s30], $0x8000  }
0x415: {  	s2 =	sor.u32 s4, s2;
	s0 =	sand.u32 $0x40, s0;
	[sflag:s30] =	ssyncset.done $0x0  }
0x416: {  	s0 =	sor.u32 s0, s2;
	[sflag:s30] =	ssyncadd.s32 $0xFFFF8000  }
0x417: {  	v4 =	vld [tilespmem:s0+$0x8030];
	_ =	sdelay $0x2  }
0x418: {  	v7 =	vld [tilespmem:s0+$0x8010];
	_ =	sdelay $0x1  }
0x419: {  	v10 =	vand.u32 $0x7FFFFFFF, v4  }
0x41a: {  	v6 =	vld [tilespmem:s0+$0x8000];
	v3 =	vcvt.s32.f32 v10  }
0x41b: {  	v8 =	vld [tilespmem:s0+$0x8020]  }
0x41c: {  	v5 =	vand.u32 $0x7FFFFFFF, v7;
	v3 =	vmul.f32 $1.739069970e-07, v3  }
0x41d: {  	v13 =	vcvt.s32.f32 v5  }
0x41e: {  	v9 =	vadd.f32 $3.616496890e+02, v3  }
0x41f: {  	v12 =	vshrl.u32 v4, $0x1F;
	v13 =	vmul.f32 $1.739069970e-07, v13;
	v3 =	vand.u32 $0x7FFFFFFF, v6  }
0x420: {  	v4 =	vand.u32 $0x7FFFFFFF, v8;
	v11 =	vcvt.s32.f32 v3;
	v9 =	vtrunc.f32 v9  }
0x421: {  	s6 =	simm.s32 $0x200;
	s7 =	simm.s32 $0x2;
	v7 =	vshrl.u32 v7, $0x1F;
	v13 =	vadd.f32 $3.616496890e+02, v13;
	v9 =	vcvt.f32.s32 v9  }
0x422: {  	s31 =	simm.s32 $0x40;
	s2 =	sand.u32 $0x380, s7;
	s0 =	sand.u32 $0x7C00, s6;
	v14 =	vshll.u32 v12, $0x9;
	v15 =	vcvt.s32.f32 v4;
	v11 =	vmul.f32 $1.739069970e-07, v11  }
0x423: {  	s8 =	sand.u32 $0x40, s31;
	s0 =	sor.u32 s2, s0;
	v8 =	vshrl.u32 v8, $0x1F;
	v13 =	vtrunc.f32 v13;
	v9 =	vadd.s32 v9, v14  }
0x424: {  	s0 =	sor.u32 s8, s0;
	v13 =	vcvt.f32.s32 v13;
	v14 =	vmul.f32 $1.739069970e-07, v15;
	v11 =	vadd.f32 $3.616496890e+02, v11  }
0x425: {  	v19 =	vld [tilespmem:s0+$0x8030];
	v16 =	vshll.u32 v7, $0x9;
	v18 =	vshll.u32 v8, $0x9  }
0x426: {  	v24 =	vadd.s32 v13, v16;
	v13 =	vld [tilespmem:s0+$0x8010];
	v14 =	vadd.f32 $3.616496890e+02, v14;
	v11 =	vtrunc.f32 v11  }
0x427: {  	v20 =	vld [tilespmem:s0+$0x8000];
	v7 =	vshll.u32 v7, $0x5;
	v6 =	vshrl.u32 v6, $0x1F;
	v11 =	vcvt.f32.s32 v11  }
0x428: {  	v15 =	vshll.u32 v6, $0x9;
	v6 =	vshll.u32 v6, $0x5;
	v14 =	vtrunc.f32 v14;
	v17 =	vld.idx.msk [tilespmem:v9+s23+$0x0], $0xffff  }
0x429: {  	v25 =	vld [tilespmem:s0+$0x8020];
	v14 =	vcvt.f32.s32 v14;
	v23 =	vadd.s32 v11, v15;
	v11 =	vshll.u32 v8, $0x5  }
0x42a: {  	v21 =	vld.idx.msk [tilespmem:v9+s25+$0x0], $0xffff;
	v9 =	vsub.s32 $0x10, v6;
	v8 =	vsub.s32 $0x10, v7;
	v6 =	vand.u32 $0x7FFFFFFF, v19  }
0x42b: {  	v22 =	vshrl.u32 v13, $0x1F;
	v19 =	vshrl.u32 v19, $0x1F;
	v7 =	vsub.s32 $0x10, v11  }
0x42c: {  	v11 =	vshll.u32 v12, $0x5;
	v12 =	vcvt.s32.f32 v6;
	v14 =	vadd.s32 v14, v18  }
0x42d: {  	v15 =	vsub.s32 $0x10, v11;
	v11 =	vand.u32 $0x7FFFFFFF, v20;
	vm15 =	vle.f32 v17, v10  }
0x42e: {  	v10 =	vand.u32 $0x7FFFFFFF, v13;
	v17 =	vmul.f32 $1.739069970e-07, v12;
	v15 =	vnsel vm15, $0x0, v15  }
0x42f: {  	v12 =	vand.u32 $0x7FFFFFFF, v25;
	v13 =	vld.idx.msk [tilespmem:v23+s25+$0x0], $0xffff;
	v16 =	vadd.s32 v15, v21;
	v21 =	vcvt.s32.f32 v11  }
0x430: {  	v27 =	vcvt.s32.f32 v10;
	v15 =	vld.idx.msk [tilespmem:v23+s23+$0x0], $0xffff;
	v17 =	vadd.f32 $3.616496890e+02, v17;
	v26 =	vadd.s32 v1, v16  }
0x431: {  	v20 =	vshrl.u32 v20, $0x1F;
	v28 =	vcvt.s32.f32 v12;
	v18 =	vld.idx.msk [tilespmem:v14+s23+$0x0], $0xffff;
	v29 =	vmul.f32 $1.739069970e-07, v21  }
0x432: {  	v16 =	vld.idx.msk [tilespmem:v24+s23+$0x0], $0xffff;
	v21 =	vshrl.u32 v25, $0x1F;
	v25 =	vmul.f32 $1.739069970e-07, v27;
	v27 =	vtrunc.f32 v17  }
0x433: {  	v23 =	vshll.u32 v20, $0x9;
	v17 =	vld.idx.msk [tilespmem:v24+s25+$0x0], $0xffff;
	v24 =	vmul.f32 $1.739069970e-07, v28;
	v30 =	vcvt.f32.s32 v27  }
0x434: {  	v14 =	vld.idx.msk [tilespmem:v14+s25+$0x0], $0xffff;
	v27 =	vadd.f32 $3.616496890e+02, v29;
	v28 =	vadd.f32 $3.616496890e+02, v25;
	v29 =	vshll.u32 v19, $0x9  }
0x435: {  	s4 =	simm.s32 $0x4;
	s2 =	simm.s32 $0x400;
	s0 =	simm.s32 $0x4;
	v25 =	vshll.u32 v22, $0x9;
	[tilespmem:v26+s29+$0x0] =	vst.idx.add.s32.msk $0xffff, v2;
	v26 =	vadd.f32 $3.616496890e+02, v24;
	v24 =	vadd.s32 v30, v29  }
.LBB2_24:
0x436: {  	s6 =	sand.u32 $0x7C00, s2;
	s7 =	sand.u32 $0x380, s4;
	v27 =	vtrunc.f32 v27;
	v28 =	vtrunc.f32 v28;
	v29 =	vshll.u32 v21, $0x9;
	s31 =	sadd.s32 $0x40, s31  }
0x437: {  	s0 =	sadd.s32 $0x4, s0;
	v20 =	vshll.u32 v20, $0x5;
	s8 =	sand.u32 $0x40, s31;
	s6 =	sor.u32 s7, s6;
	v27 =	vcvt.f32.s32 v27;
	v26 =	vtrunc.f32 v26  }
0x438: {  	v22 =	vshll.u32 v22, $0x5;
	p0 =	slt.u32 s0, $0x7FC;
	v28 =	vcvt.f32.s32 v28;
	s6 =	sor.u32 s8, s6;
	v26 =	vcvt.f32.s32 v26  }
0x439: {  	v21 =	vshll.u32 v21, $0x5;
	vm0 =	vle.f32 v15, v3;
	v3 =	vmovc v11;
	v30 =	vld [tilespmem:s6+$0x8030];
	v23 =	vadd.s32 v27, v23  }
0x43a: {  	vm1 =	vle.f32 v16, v5;
	v25 =	vadd.s32 v28, v25;
	v26 =	vadd.s32 v26, v29;
	v11 =	vld.idx.msk [tilespmem:v24+s23+$0x0], $0xffff  }
0x43b: {  	vm2 =	vle.f32 v18, v4;
	v5 =	vmovc v10;
	v4 =	vmovc v12;
	v15 =	vsub.s32 $0x10, v20;
	v16 =	vsub.s32 $0x10, v22;
	v27 =	vld [tilespmem:s6+$0x8000]  }
0x43c: {  	v10 =	vsub.s32 $0x10, v21;
	v18 =	vnsel vm0, $0x0, v9;
	v20 =	vnsel vm1, $0x0, v8;
	v9 =	vmovc v15;
	v8 =	vmovc v16;
	v12 =	vld.idx.msk [tilespmem:v24+s25+$0x0], $0xffff  }
0x43d: {  	v13 =	vadd.s32 v18, v13;
	v15 =	vadd.s32 v20, v17;
	v16 =	vnsel vm2, $0x0, v7;
	v7 =	vmovc v10;
	v21 =	vld [tilespmem:s6+$0x8010]  }
0x43e: {  	v28 =	vadd.s32 v1, v13;
	v10 =	vadd.s32 v16, v14;
	v29 =	vadd.s32 v1, v15;
	v24 =	vld [tilespmem:s6+$0x8020]  }
0x43f: {  	v14 =	vshll.u32 v19, $0x5;
	v31 =	vadd.s32 v1, v10;
	v13 =	vand.u32 $0x7FFFFFFF, v30;
	v15 =	vld.idx.msk [tilespmem:v23+s23+$0x0], $0xffff  }
0x440: {  	v10 =	vsub.s32 $0x10, v14;
	v17 =	vcvt.s32.f32 v13;
	vm0 =	vle.f32 v11, v6;
	v6 =	vmovc v13;
	v16 =	vld.idx.msk [tilespmem:v25+s23+$0x0], $0xffff  }
0x441: {  	v11 =	vand.u32 $0x7FFFFFFF, v27;
	v20 =	vshrl.u32 v27, $0x1F;
	v14 =	vnsel vm0, $0x0, v10;
	v18 =	vld.idx.msk [tilespmem:v26+s23+$0x0], $0xffff  }
0x442: {  	v19 =	vmul.f32 $1.739069970e-07, v17;
	v14 =	vadd.s32 v14, v12;
	v10 =	vand.u32 $0x7FFFFFFF, v21;
	v13 =	vld.idx.msk [tilespmem:v23+s25+$0x0], $0xffff  }
0x443: {  	v22 =	vcvt.s32.f32 v11;
	v12 =	vand.u32 $0x7FFFFFFF, v24;
	v17 =	vld.idx.msk [tilespmem:v25+s25+$0x0], $0xffff;
	v25 =	vadd.s32 v1, v14  }
0x444: {  	v27 =	vcvt.s32.f32 v10;
	v19 =	vadd.f32 $3.616496890e+02, v19;
	v32 =	vcvt.s32.f32 v12;
	v14 =	vld.idx.msk [tilespmem:v26+s25+$0x0], $0xffff  }
.Ltmp11:
0x445: {  	v26 =	vmul.f32 $1.739069970e-07, v22;
	v22 =	vshrl.u32 v21, $0x1F;
	v21 =	vshrl.u32 v24, $0x1F;
	[tilespmem:v28+s29+$0x0] =	vst.idx.add.s32.msk $0xffff, v2;
	(pc) =	sbr.rel @p0 .LBB2_24-.Ltmp11, $4  }
0x446: {  	v23 =	vshll.u32 v20, $0x9;
	v24 =	vmul.f32 $1.739069970e-07, v27;
	v19 =	vtrunc.f32 v19;
	[tilespmem:v29+s29+$0x0] =	vst.idx.add.s32.msk $0xffff, v2  }
0x447: {  	v29 =	vmul.f32 $1.739069970e-07, v32;
	v32 =	vcvt.f32.s32 v19;
	v19 =	vshrl.u32 v30, $0x1F;
	[tilespmem:v31+s29+$0x0] =	vst.idx.add.s32.msk $0xffff, v2  }
0x448: {  	v27 =	vadd.f32 $3.616496890e+02, v26;
	v28 =	vadd.f32 $3.616496890e+02, v24;
	v24 =	vshll.u32 v19, $0x9;
	[tilespmem:v25+s29+$0x0] =	vst.idx.add.s32.msk $0xffff, v2  }
0x449: {  	s2 =	sadd.s32 $0x200, s2;
	s4 =	sadd.s32 $0x2, s4;
	v25 =	vshll.u32 v22, $0x9;
	v26 =	vadd.f32 $3.616496890e+02, v29;
	v24 =	vadd.s32 v32, v24  }
0x44a: {  	v27 =	vtrunc.f32 v27  }
0x44b: {  	v28 =	vtrunc.f32 v28;
	v27 =	vcvt.f32.s32 v27  }
0x44c: {  	v28 =	vcvt.f32.s32 v28  }
0x44d: {  	v26 =	vtrunc.f32 v26;
	v23 =	vadd.s32 v27, v23  }
0x44e: {  	v26 =	vcvt.f32.s32 v26;
	v25 =	vadd.s32 v28, v25  }
0x44f: {  	v27 =	vshll.u32 v21, $0x9  }
0x450: {  	v26 =	vadd.s32 v26, v27;
	v27 =	vld.idx.msk [tilespmem:v24+s23+$0x0], $0xffff  }
0x451: {  	v20 =	vshll.u32 v20, $0x5;
	v22 =	vshll.u32 v22, $0x5;
	vm0 =	vle.f32 v15, v3;
	v24 =	vld.idx.msk [tilespmem:v24+s25+$0x0], $0xffff  }
0x452: {  	vm1 =	vle.f32 v16, v5;
	vm2 =	vle.f32 v18, v4;
	v3 =	vsub.s32 $0x10, v20;
	v5 =	vld.idx.msk [tilespmem:v23+s23+$0x0], $0xffff  }
0x453: {  	v15 =	vsub.s32 $0x10, v22;
	v4 =	vnsel vm0, $0x0, v9;
	v8 =	vnsel vm1, $0x0, v8;
	v9 =	vld.idx.msk [tilespmem:v25+s23+$0x0], $0xffff  }
0x454: {  	v7 =	vnsel vm2, $0x0, v7;
	v4 =	vadd.s32 v4, v13;
	v8 =	vadd.s32 v8, v17;
	v18 =	vld.idx.msk [tilespmem:v23+s25+$0x0], $0xffff  }
0x455: {  	v17 =	vshll.u32 v19, $0x5;
	v7 =	vadd.s32 v7, v14;
	v21 =	vshll.u32 v21, $0x5;
	v13 =	vld.idx.msk [tilespmem:v26+s23+$0x0], $0xffff  }
0x456: {  	v4 =	vadd.s32 v1, v4;
	v17 =	vsub.s32 $0x10, v17;
	vm11 =	vle.f32 v27, v6;
	v6 =	vld.idx.msk [tilespmem:v25+s25+$0x0], $0xffff  }
0x457: {  	v8 =	vadd.s32 v1, v8;
	v7 =	vadd.s32 v1, v7;
	v14 =	vnsel vm11, $0x0, v17;
	v17 =	vld.idx.msk [tilespmem:v26+s25+$0x0], $0xffff  }
0x458: {  	v16 =	vsub.s32 $0x10, v21;
	v14 =	vadd.s32 v14, v24;
	vm12 =	vle.f32 v5, v11  }
0x459: {  	v5 =	vadd.s32 v1, v14;
	vm13 =	vle.f32 v9, v10;
	v3 =	vnsel vm12, $0x0, v3  }
0x45a: {  	vm14 =	vle.f32 v13, v12;
	v9 =	vnsel vm13, $0x0, v15;
	v3 =	vadd.s32 v3, v18  }
0x45b: {  	v6 =	vadd.s32 v9, v6;
	v9 =	vnsel vm14, $0x0, v16;
	v3 =	vadd.s32 v1, v3  }
0x45c: {  	[tilespmem:v4+s29+$0x0] =	vst.idx.add.s32.msk $0xffff, v2;
	v4 =	vadd.s32 v1, v6;
	v6 =	vadd.s32 v9, v17  }
0x45d: {  	[tilespmem:v8+s29+$0x0] =	vst.idx.add.s32.msk $0xffff, v2;
	v6 =	vadd.s32 v1, v6  }
0x45e: {  	[tilespmem:v7+s29+$0x0] =	vst.idx.add.s32.msk $0xffff, v2  }
0x45f: {  	[tilespmem:v5+s29+$0x0] =	vst.idx.add.s32.msk $0xffff, v2  }
0x460: {  	[tilespmem:v3+s29+$0x0] =	vst.idx.add.s32.msk $0xffff, v2  }
0x461: {  	[tilespmem:v4+s29+$0x0] =	vst.idx.add.s32.msk $0xffff, v2  }
0x462: {  	s0 =	simm.s32 $0x0;
	[tilespmem:v6+s29+$0x0] =	vst.idx.add.s32.msk $0xffff, v2  }
0x463: {  	[tilespmem:s26], [sflag:$0x2] =	stream.linear.gather [hbm4b:s18+s0], $0x8000, $0x38;
	[tilespmem:$0x11280] =	vst v63  }
0x464: {  	s2 =	sand.u32 $0x7C00, s0;
	s4 =	sand.u32 $0x380, s0;
	_ =	swait.ge [sflag:s28], $0x8000  }
0x465: {  	s2 =	sor.u32 s4, s2;
	s0 =	sand.u32 $0x40, s0;
	[sflag:s28] =	ssyncset.done $0x0  }
0x466: {  	s0 =	sor.u32 s0, s2;
	[sflag:s28] =	ssyncadd.s32 $0xFFFF8000  }
0x467: {  	v4 =	vld [tilespmem:s0+$0x30];
	_ =	sdelay $0x2  }
0x468: {  	v7 =	vld [tilespmem:s0+$0x10];
	_ =	sdelay $0x1  }
0x469: {  	v10 =	vand.u32 $0x7FFFFFFF, v4  }
0x46a: {  	v6 =	vld [tilespmem:s0+$0x0];
	v3 =	vcvt.s32.f32 v10  }
0x46b: {  	v8 =	vld [tilespmem:s0+$0x20]  }
0x46c: {  	v5 =	vand.u32 $0x7FFFFFFF, v7;
	v3 =	vmul.f32 $1.739069970e-07, v3  }
0x46d: {  	v13 =	vcvt.s32.f32 v5  }
0x46e: {  	v9 =	vadd.f32 $3.616496890e+02, v3  }
0x46f: {  	v12 =	vshrl.u32 v4, $0x1F;
	v13 =	vmul.f32 $1.739069970e-07, v13;
	v3 =	vand.u32 $0x7FFFFFFF, v6  }
0x470: {  	v4 =	vand.u32 $0x7FFFFFFF, v8;
	v11 =	vcvt.s32.f32 v3;
	v9 =	vtrunc.f32 v9  }
0x471: {  	s6 =	simm.s32 $0x200;
	s7 =	simm.s32 $0x2;
	v7 =	vshrl.u32 v7, $0x1F;
	v13 =	vadd.f32 $3.616496890e+02, v13;
	v9 =	vcvt.f32.s32 v9  }
0x472: {  	s31 =	simm.s32 $0x40;
	s2 =	sand.u32 $0x380, s7;
	s0 =	sand.u32 $0x7C00, s6;
	v14 =	vshll.u32 v12, $0x9;
	v15 =	vcvt.s32.f32 v4;
	v11 =	vmul.f32 $1.739069970e-07, v11  }
0x473: {  	s8 =	sand.u32 $0x40, s31;
	s0 =	sor.u32 s2, s0;
	v8 =	vshrl.u32 v8, $0x1F;
	v13 =	vtrunc.f32 v13;
	v9 =	vadd.s32 v9, v14  }
0x474: {  	s0 =	sor.u32 s8, s0;
	v13 =	vcvt.f32.s32 v13;
	v14 =	vmul.f32 $1.739069970e-07, v15;
	v11 =	vadd.f32 $3.616496890e+02, v11  }
0x475: {  	v19 =	vld [tilespmem:s0+$0x30];
	v16 =	vshll.u32 v7, $0x9;
	v18 =	vshll.u32 v8, $0x9  }
0x476: {  	v24 =	vadd.s32 v13, v16;
	v13 =	vld [tilespmem:s0+$0x10];
	v14 =	vadd.f32 $3.616496890e+02, v14;
	v11 =	vtrunc.f32 v11  }
0x477: {  	v20 =	vld [tilespmem:s0+$0x0];
	v7 =	vshll.u32 v7, $0x5;
	v6 =	vshrl.u32 v6, $0x1F;
	v11 =	vcvt.f32.s32 v11  }
0x478: {  	v15 =	vshll.u32 v6, $0x9;
	v6 =	vshll.u32 v6, $0x5;
	v14 =	vtrunc.f32 v14;
	v17 =	vld.idx.msk [tilespmem:v9+s23+$0x0], $0xffff  }
0x479: {  	v25 =	vld [tilespmem:s0+$0x20];
	v14 =	vcvt.f32.s32 v14;
	v23 =	vadd.s32 v11, v15;
	v11 =	vshll.u32 v8, $0x5  }
0x47a: {  	v21 =	vld.idx.msk [tilespmem:v9+s25+$0x0], $0xffff;
	v9 =	vsub.s32 $0x10, v6;
	v8 =	vsub.s32 $0x10, v7;
	v6 =	vand.u32 $0x7FFFFFFF, v19  }
0x47b: {  	v22 =	vshrl.u32 v13, $0x1F;
	v19 =	vshrl.u32 v19, $0x1F;
	v7 =	vsub.s32 $0x10, v11  }
0x47c: {  	v11 =	vshll.u32 v12, $0x5;
	v12 =	vcvt.s32.f32 v6;
	v14 =	vadd.s32 v14, v18  }
0x47d: {  	v15 =	vsub.s32 $0x10, v11;
	v11 =	vand.u32 $0x7FFFFFFF, v20;
	vm15 =	vle.f32 v17, v10  }
0x47e: {  	v10 =	vand.u32 $0x7FFFFFFF, v13;
	v17 =	vmul.f32 $1.739069970e-07, v12;
	v15 =	vnsel vm15, $0x0, v15  }
0x47f: {  	v12 =	vand.u32 $0x7FFFFFFF, v25;
	v13 =	vld.idx.msk [tilespmem:v23+s25+$0x0], $0xffff;
	v16 =	vadd.s32 v15, v21;
	v21 =	vcvt.s32.f32 v11  }
0x480: {  	v27 =	vcvt.s32.f32 v10;
	v15 =	vld.idx.msk [tilespmem:v23+s23+$0x0], $0xffff;
	v17 =	vadd.f32 $3.616496890e+02, v17;
	v26 =	vadd.s32 v1, v16  }
0x481: {  	v20 =	vshrl.u32 v20, $0x1F;
	v28 =	vcvt.s32.f32 v12;
	v18 =	vld.idx.msk [tilespmem:v14+s23+$0x0], $0xffff;
	v29 =	vmul.f32 $1.739069970e-07, v21  }
0x482: {  	v16 =	vld.idx.msk [tilespmem:v24+s23+$0x0], $0xffff;
	v21 =	vshrl.u32 v25, $0x1F;
	v25 =	vmul.f32 $1.739069970e-07, v27;
	v27 =	vtrunc.f32 v17  }
0x483: {  	v23 =	vshll.u32 v20, $0x9;
	v17 =	vld.idx.msk [tilespmem:v24+s25+$0x0], $0xffff;
	v24 =	vmul.f32 $1.739069970e-07, v28;
	v30 =	vcvt.f32.s32 v27  }
0x484: {  	v14 =	vld.idx.msk [tilespmem:v14+s25+$0x0], $0xffff;
	v27 =	vadd.f32 $3.616496890e+02, v29;
	v28 =	vadd.f32 $3.616496890e+02, v25;
	v29 =	vshll.u32 v19, $0x9  }
0x485: {  	s4 =	simm.s32 $0x4;
	s2 =	simm.s32 $0x400;
	s0 =	simm.s32 $0x4;
	v25 =	vshll.u32 v22, $0x9;
	[tilespmem:v26+s29+$0x0] =	vst.idx.add.s32.msk $0xffff, v2;
	v26 =	vadd.f32 $3.616496890e+02, v24;
	v24 =	vadd.s32 v30, v29  }
.LBB2_26:
0x486: {  	s6 =	sand.u32 $0x7C00, s2;
	s7 =	sand.u32 $0x380, s4;
	v27 =	vtrunc.f32 v27;
	v28 =	vtrunc.f32 v28;
	v29 =	vshll.u32 v21, $0x9;
	s31 =	sadd.s32 $0x40, s31  }
0x487: {  	s0 =	sadd.s32 $0x4, s0;
	v20 =	vshll.u32 v20, $0x5;
	s8 =	sand.u32 $0x40, s31;
	s6 =	sor.u32 s7, s6;
	v27 =	vcvt.f32.s32 v27;
	v26 =	vtrunc.f32 v26  }
0x488: {  	v22 =	vshll.u32 v22, $0x5;
	p0 =	slt.u32 s0, $0x7FC;
	v28 =	vcvt.f32.s32 v28;
	s6 =	sor.u32 s8, s6;
	v26 =	vcvt.f32.s32 v26  }
0x489: {  	v21 =	vshll.u32 v21, $0x5;
	vm0 =	vle.f32 v15, v3;
	v3 =	vmovc v11;
	v30 =	vld [tilespmem:s6+$0x30];
	v23 =	vadd.s32 v27, v23  }
0x48a: {  	vm1 =	vle.f32 v16, v5;
	v25 =	vadd.s32 v28, v25;
	v26 =	vadd.s32 v26, v29;
	v11 =	vld.idx.msk [tilespmem:v24+s23+$0x0], $0xffff  }
0x48b: {  	vm2 =	vle.f32 v18, v4;
	v5 =	vmovc v10;
	v4 =	vmovc v12;
	v15 =	vsub.s32 $0x10, v20;
	v16 =	vsub.s32 $0x10, v22;
	v27 =	vld [tilespmem:s6+$0x0]  }
0x48c: {  	v10 =	vsub.s32 $0x10, v21;
	v18 =	vnsel vm0, $0x0, v9;
	v20 =	vnsel vm1, $0x0, v8;
	v9 =	vmovc v15;
	v8 =	vmovc v16;
	v12 =	vld.idx.msk [tilespmem:v24+s25+$0x0], $0xffff  }
0x48d: {  	v13 =	vadd.s32 v18, v13;
	v15 =	vadd.s32 v20, v17;
	v16 =	vnsel vm2, $0x0, v7;
	v7 =	vmovc v10;
	v21 =	vld [tilespmem:s6+$0x10]  }
0x48e: {  	v28 =	vadd.s32 v1, v13;
	v10 =	vadd.s32 v16, v14;
	v29 =	vadd.s32 v1, v15;
	v24 =	vld [tilespmem:s6+$0x20]  }
0x48f: {  	v14 =	vshll.u32 v19, $0x5;
	v31 =	vadd.s32 v1, v10;
	v13 =	vand.u32 $0x7FFFFFFF, v30;
	v15 =	vld.idx.msk [tilespmem:v23+s23+$0x0], $0xffff  }
0x490: {  	v10 =	vsub.s32 $0x10, v14;
	v17 =	vcvt.s32.f32 v13;
	vm0 =	vle.f32 v11, v6;
	v6 =	vmovc v13;
	v16 =	vld.idx.msk [tilespmem:v25+s23+$0x0], $0xffff  }
0x491: {  	v11 =	vand.u32 $0x7FFFFFFF, v27;
	v20 =	vshrl.u32 v27, $0x1F;
	v14 =	vnsel vm0, $0x0, v10;
	v18 =	vld.idx.msk [tilespmem:v26+s23+$0x0], $0xffff  }
0x492: {  	v19 =	vmul.f32 $1.739069970e-07, v17;
	v14 =	vadd.s32 v14, v12;
	v10 =	vand.u32 $0x7FFFFFFF, v21;
	v13 =	vld.idx.msk [tilespmem:v23+s25+$0x0], $0xffff  }
0x493: {  	v22 =	vcvt.s32.f32 v11;
	v12 =	vand.u32 $0x7FFFFFFF, v24;
	v17 =	vld.idx.msk [tilespmem:v25+s25+$0x0], $0xffff;
	v25 =	vadd.s32 v1, v14  }
0x494: {  	v27 =	vcvt.s32.f32 v10;
	v19 =	vadd.f32 $3.616496890e+02, v19;
	v32 =	vcvt.s32.f32 v12;
	v14 =	vld.idx.msk [tilespmem:v26+s25+$0x0], $0xffff  }
.Ltmp12:
0x495: {  	v26 =	vmul.f32 $1.739069970e-07, v22;
	v22 =	vshrl.u32 v21, $0x1F;
	v21 =	vshrl.u32 v24, $0x1F;
	[tilespmem:v28+s29+$0x0] =	vst.idx.add.s32.msk $0xffff, v2;
	(pc) =	sbr.rel @p0 .LBB2_26-.Ltmp12, $4  }
0x496: {  	v23 =	vshll.u32 v20, $0x9;
	v24 =	vmul.f32 $1.739069970e-07, v27;
	v19 =	vtrunc.f32 v19;
	[tilespmem:v29+s29+$0x0] =	vst.idx.add.s32.msk $0xffff, v2  }
0x497: {  	v29 =	vmul.f32 $1.739069970e-07, v32;
	v32 =	vcvt.f32.s32 v19;
	v19 =	vshrl.u32 v30, $0x1F;
	[tilespmem:v31+s29+$0x0] =	vst.idx.add.s32.msk $0xffff, v2  }
0x498: {  	v27 =	vadd.f32 $3.616496890e+02, v26;
	v28 =	vadd.f32 $3.616496890e+02, v24;
	v24 =	vshll.u32 v19, $0x9;
	[tilespmem:v25+s29+$0x0] =	vst.idx.add.s32.msk $0xffff, v2  }
0x499: {  	s2 =	sadd.s32 $0x200, s2;
	s4 =	sadd.s32 $0x2, s4;
	v25 =	vshll.u32 v22, $0x9;
	v26 =	vadd.f32 $3.616496890e+02, v29;
	v24 =	vadd.s32 v32, v24  }
0x49a: {  	v27 =	vtrunc.f32 v27  }
0x49b: {  	v28 =	vtrunc.f32 v28;
	v27 =	vcvt.f32.s32 v27  }
0x49c: {  	v28 =	vcvt.f32.s32 v28  }
0x49d: {  	v26 =	vtrunc.f32 v26;
	v23 =	vadd.s32 v27, v23  }
0x49e: {  	v26 =	vcvt.f32.s32 v26;
	v25 =	vadd.s32 v28, v25  }
0x49f: {  	v27 =	vshll.u32 v21, $0x9  }
0x4a0: {  	v26 =	vadd.s32 v26, v27;
	v27 =	vld.idx.msk [tilespmem:v24+s23+$0x0], $0xffff  }
0x4a1: {  	v20 =	vshll.u32 v20, $0x5;
	v22 =	vshll.u32 v22, $0x5;
	vm0 =	vle.f32 v15, v3;
	v24 =	vld.idx.msk [tilespmem:v24+s25+$0x0], $0xffff  }
0x4a2: {  	vm1 =	vle.f32 v16, v5;
	vm2 =	vle.f32 v18, v4;
	v3 =	vsub.s32 $0x10, v20;
	v5 =	vld.idx.msk [tilespmem:v23+s23+$0x0], $0xffff  }
0x4a3: {  	v15 =	vsub.s32 $0x10, v22;
	v4 =	vnsel vm0, $0x0, v9;
	v8 =	vnsel vm1, $0x0, v8;
	v9 =	vld.idx.msk [tilespmem:v25+s23+$0x0], $0xffff  }
0x4a4: {  	v7 =	vnsel vm2, $0x0, v7;
	v4 =	vadd.s32 v4, v13;
	v8 =	vadd.s32 v8, v17;
	v18 =	vld.idx.msk [tilespmem:v23+s25+$0x0], $0xffff  }
0x4a5: {  	v17 =	vshll.u32 v19, $0x5;
	v7 =	vadd.s32 v7, v14;
	v21 =	vshll.u32 v21, $0x5;
	v13 =	vld.idx.msk [tilespmem:v26+s23+$0x0], $0xffff  }
0x4a6: {  	v4 =	vadd.s32 v1, v4;
	v17 =	vsub.s32 $0x10, v17;
	vm11 =	vle.f32 v27, v6;
	v6 =	vld.idx.msk [tilespmem:v25+s25+$0x0], $0xffff  }
0x4a7: {  	v8 =	vadd.s32 v1, v8;
	v7 =	vadd.s32 v1, v7;
	v14 =	vnsel vm11, $0x0, v17;
	v17 =	vld.idx.msk [tilespmem:v26+s25+$0x0], $0xffff  }
0x4a8: {  	v16 =	vsub.s32 $0x10, v21;
	v14 =	vadd.s32 v14, v24;
	vm12 =	vle.f32 v5, v11  }
0x4a9: {  	v5 =	vadd.s32 v1, v14;
	vm13 =	vle.f32 v9, v10;
	v3 =	vnsel vm12, $0x0, v3  }
0x4aa: {  	vm14 =	vle.f32 v13, v12;
	v9 =	vnsel vm13, $0x0, v15;
	v3 =	vadd.s32 v3, v18  }
0x4ab: {  	v6 =	vadd.s32 v9, v6;
	v9 =	vnsel vm14, $0x0, v16;
	v3 =	vadd.s32 v1, v3  }
0x4ac: {  	[tilespmem:v4+s29+$0x0] =	vst.idx.add.s32.msk $0xffff, v2;
	v4 =	vadd.s32 v1, v6;
	v6 =	vadd.s32 v9, v17  }
0x4ad: {  	[tilespmem:v8+s29+$0x0] =	vst.idx.add.s32.msk $0xffff, v2;
	v6 =	vadd.s32 v1, v6  }
0x4ae: {  	[tilespmem:v7+s29+$0x0] =	vst.idx.add.s32.msk $0xffff, v2  }
0x4af: {  	[tilespmem:v5+s29+$0x0] =	vst.idx.add.s32.msk $0xffff, v2  }
0x4b0: {  	[tilespmem:v3+s29+$0x0] =	vst.idx.add.s32.msk $0xffff, v2  }
0x4b1: {  	[tilespmem:v4+s29+$0x0] =	vst.idx.add.s32.msk $0xffff, v2  }
0x4b2: {  	s0 =	simm.s32 $0x0;
	[tilespmem:v6+s29+$0x0] =	vst.idx.add.s32.msk $0xffff, v2  }
0x4b3: {  	[tilespmem:s0], [sflag:$0x1] =	stream.linear.gather [hbm4b:s19+s0], $0x8000, $0x38;
	[tilespmem:$0x11280] =	vst v63  }
0x4b4: {  	s2 =	sand.u32 $0x7C00, s0;
	s4 =	sand.u32 $0x380, s0;
	_ =	swait.ge [sflag:s30], $0x8000  }
0x4b5: {  	s2 =	sor.u32 s4, s2;
	s0 =	sand.u32 $0x40, s0;
	[sflag:s30] =	ssyncset.done $0x0  }
0x4b6: {  	s0 =	sor.u32 s0, s2;
	[sflag:s30] =	ssyncadd.s32 $0xFFFF8000  }
0x4b7: {  	v4 =	vld [tilespmem:s0+$0x8030];
	_ =	sdelay $0x2  }
0x4b8: {  	v7 =	vld [tilespmem:s0+$0x8010];
	_ =	sdelay $0x1  }
0x4b9: {  	v10 =	vand.u32 $0x7FFFFFFF, v4  }
0x4ba: {  	v6 =	vld [tilespmem:s0+$0x8000];
	v3 =	vcvt.s32.f32 v10  }
0x4bb: {  	v8 =	vld [tilespmem:s0+$0x8020]  }
0x4bc: {  	v5 =	vand.u32 $0x7FFFFFFF, v7;
	v3 =	vmul.f32 $1.739069970e-07, v3  }
0x4bd: {  	v13 =	vcvt.s32.f32 v5  }
0x4be: {  	v9 =	vadd.f32 $3.616496890e+02, v3  }
0x4bf: {  	v12 =	vshrl.u32 v4, $0x1F;
	v13 =	vmul.f32 $1.739069970e-07, v13;
	v3 =	vand.u32 $0x7FFFFFFF, v6  }
0x4c0: {  	v4 =	vand.u32 $0x7FFFFFFF, v8;
	v11 =	vcvt.s32.f32 v3;
	v9 =	vtrunc.f32 v9  }
0x4c1: {  	s6 =	simm.s32 $0x200;
	s7 =	simm.s32 $0x2;
	v7 =	vshrl.u32 v7, $0x1F;
	v13 =	vadd.f32 $3.616496890e+02, v13;
	v9 =	vcvt.f32.s32 v9  }
0x4c2: {  	s31 =	simm.s32 $0x40;
	s2 =	sand.u32 $0x380, s7;
	s0 =	sand.u32 $0x7C00, s6;
	v14 =	vshll.u32 v12, $0x9;
	v15 =	vcvt.s32.f32 v4;
	v11 =	vmul.f32 $1.739069970e-07, v11  }
0x4c3: {  	s8 =	sand.u32 $0x40, s31;
	s0 =	sor.u32 s2, s0;
	v8 =	vshrl.u32 v8, $0x1F;
	v13 =	vtrunc.f32 v13;
	v9 =	vadd.s32 v9, v14  }
0x4c4: {  	s0 =	sor.u32 s8, s0;
	v13 =	vcvt.f32.s32 v13;
	v14 =	vmul.f32 $1.739069970e-07, v15;
	v11 =	vadd.f32 $3.616496890e+02, v11  }
0x4c5: {  	v19 =	vld [tilespmem:s0+$0x8030];
	v16 =	vshll.u32 v7, $0x9;
	v18 =	vshll.u32 v8, $0x9  }
0x4c6: {  	v24 =	vadd.s32 v13, v16;
	v13 =	vld [tilespmem:s0+$0x8010];
	v14 =	vadd.f32 $3.616496890e+02, v14;
	v11 =	vtrunc.f32 v11  }
0x4c7: {  	v20 =	vld [tilespmem:s0+$0x8000];
	v7 =	vshll.u32 v7, $0x5;
	v6 =	vshrl.u32 v6, $0x1F;
	v11 =	vcvt.f32.s32 v11  }
0x4c8: {  	v15 =	vshll.u32 v6, $0x9;
	v6 =	vshll.u32 v6, $0x5;
	v14 =	vtrunc.f32 v14;
	v17 =	vld.idx.msk [tilespmem:v9+s23+$0x0], $0xffff  }
0x4c9: {  	v25 =	vld [tilespmem:s0+$0x8020];
	v14 =	vcvt.f32.s32 v14;
	v23 =	vadd.s32 v11, v15;
	v11 =	vshll.u32 v8, $0x5  }
0x4ca: {  	v21 =	vld.idx.msk [tilespmem:v9+s25+$0x0], $0xffff;
	v9 =	vsub.s32 $0x10, v6;
	v8 =	vsub.s32 $0x10, v7;
	v6 =	vand.u32 $0x7FFFFFFF, v19  }
0x4cb: {  	v22 =	vshrl.u32 v13, $0x1F;
	v19 =	vshrl.u32 v19, $0x1F;
	v7 =	vsub.s32 $0x10, v11  }
0x4cc: {  	v11 =	vshll.u32 v12, $0x5;
	v12 =	vcvt.s32.f32 v6;
	v14 =	vadd.s32 v14, v18  }
0x4cd: {  	v15 =	vsub.s32 $0x10, v11;
	v11 =	vand.u32 $0x7FFFFFFF, v20;
	vm15 =	vle.f32 v17, v10  }
0x4ce: {  	v10 =	vand.u32 $0x7FFFFFFF, v13;
	v17 =	vmul.f32 $1.739069970e-07, v12;
	v15 =	vnsel vm15, $0x0, v15  }
0x4cf: {  	v12 =	vand.u32 $0x7FFFFFFF, v25;
	v13 =	vld.idx.msk [tilespmem:v23+s25+$0x0], $0xffff;
	v16 =	vadd.s32 v15, v21;
	v21 =	vcvt.s32.f32 v11  }
0x4d0: {  	v27 =	vcvt.s32.f32 v10;
	v15 =	vld.idx.msk [tilespmem:v23+s23+$0x0], $0xffff;
	v17 =	vadd.f32 $3.616496890e+02, v17;
	v26 =	vadd.s32 v1, v16  }
0x4d1: {  	v20 =	vshrl.u32 v20, $0x1F;
	v28 =	vcvt.s32.f32 v12;
	v18 =	vld.idx.msk [tilespmem:v14+s23+$0x0], $0xffff;
	v29 =	vmul.f32 $1.739069970e-07, v21  }
0x4d2: {  	v16 =	vld.idx.msk [tilespmem:v24+s23+$0x0], $0xffff;
	v21 =	vshrl.u32 v25, $0x1F;
	v25 =	vmul.f32 $1.739069970e-07, v27;
	v27 =	vtrunc.f32 v17  }
0x4d3: {  	v23 =	vshll.u32 v20, $0x9;
	v17 =	vld.idx.msk [tilespmem:v24+s25+$0x0], $0xffff;
	v24 =	vmul.f32 $1.739069970e-07, v28;
	v30 =	vcvt.f32.s32 v27  }
0x4d4: {  	v14 =	vld.idx.msk [tilespmem:v14+s25+$0x0], $0xffff;
	v27 =	vadd.f32 $3.616496890e+02, v29;
	v28 =	vadd.f32 $3.616496890e+02, v25;
	v29 =	vshll.u32 v19, $0x9  }
0x4d5: {  	s4 =	simm.s32 $0x4;
	s2 =	simm.s32 $0x400;
	s0 =	simm.s32 $0x4;
	v25 =	vshll.u32 v22, $0x9;
	[tilespmem:v26+s29+$0x0] =	vst.idx.add.s32.msk $0xffff, v2;
	v26 =	vadd.f32 $3.616496890e+02, v24;
	v24 =	vadd.s32 v30, v29  }
.LBB2_28:
0x4d6: {  	s6 =	sand.u32 $0x7C00, s2;
	s7 =	sand.u32 $0x380, s4;
	v27 =	vtrunc.f32 v27;
	v28 =	vtrunc.f32 v28;
	v29 =	vshll.u32 v21, $0x9;
	s31 =	sadd.s32 $0x40, s31  }
0x4d7: {  	s0 =	sadd.s32 $0x4, s0;
	v20 =	vshll.u32 v20, $0x5;
	s8 =	sand.u32 $0x40, s31;
	s6 =	sor.u32 s7, s6;
	v27 =	vcvt.f32.s32 v27;
	v26 =	vtrunc.f32 v26  }
0x4d8: {  	v22 =	vshll.u32 v22, $0x5;
	p0 =	slt.u32 s0, $0x7FC;
	v28 =	vcvt.f32.s32 v28;
	s6 =	sor.u32 s8, s6;
	v26 =	vcvt.f32.s32 v26  }
0x4d9: {  	v21 =	vshll.u32 v21, $0x5;
	vm0 =	vle.f32 v15, v3;
	v3 =	vmovc v11;
	v30 =	vld [tilespmem:s6+$0x8030];
	v23 =	vadd.s32 v27, v23  }
0x4da: {  	vm1 =	vle.f32 v16, v5;
	v25 =	vadd.s32 v28, v25;
	v26 =	vadd.s32 v26, v29;
	v11 =	vld.idx.msk [tilespmem:v24+s23+$0x0], $0xffff  }
0x4db: {  	vm2 =	vle.f32 v18, v4;
	v5 =	vmovc v10;
	v4 =	vmovc v12;
	v15 =	vsub.s32 $0x10, v20;
	v16 =	vsub.s32 $0x10, v22;
	v27 =	vld [tilespmem:s6+$0x8000]  }
0x4dc: {  	v10 =	vsub.s32 $0x10, v21;
	v18 =	vnsel vm0, $0x0, v9;
	v20 =	vnsel vm1, $0x0, v8;
	v9 =	vmovc v15;
	v8 =	vmovc v16;
	v12 =	vld.idx.msk [tilespmem:v24+s25+$0x0], $0xffff  }
0x4dd: {  	v13 =	vadd.s32 v18, v13;
	v15 =	vadd.s32 v20, v17;
	v16 =	vnsel vm2, $0x0, v7;
	v7 =	vmovc v10;
	v21 =	vld [tilespmem:s6+$0x8010]  }
0x4de: {  	v28 =	vadd.s32 v1, v13;
	v10 =	vadd.s32 v16, v14;
	v29 =	vadd.s32 v1, v15;
	v24 =	vld [tilespmem:s6+$0x8020]  }
0x4df: {  	v14 =	vshll.u32 v19, $0x5;
	v31 =	vadd.s32 v1, v10;
	v13 =	vand.u32 $0x7FFFFFFF, v30;
	v15 =	vld.idx.msk [tilespmem:v23+s23+$0x0], $0xffff  }
0x4e0: {  	v10 =	vsub.s32 $0x10, v14;
	v17 =	vcvt.s32.f32 v13;
	vm0 =	vle.f32 v11, v6;
	v6 =	vmovc v13;
	v16 =	vld.idx.msk [tilespmem:v25+s23+$0x0], $0xffff  }
0x4e1: {  	v11 =	vand.u32 $0x7FFFFFFF, v27;
	v20 =	vshrl.u32 v27, $0x1F;
	v14 =	vnsel vm0, $0x0, v10;
	v18 =	vld.idx.msk [tilespmem:v26+s23+$0x0], $0xffff  }
0x4e2: {  	v19 =	vmul.f32 $1.739069970e-07, v17;
	v14 =	vadd.s32 v14, v12;
	v10 =	vand.u32 $0x7FFFFFFF, v21;
	v13 =	vld.idx.msk [tilespmem:v23+s25+$0x0], $0xffff  }
0x4e3: {  	v22 =	vcvt.s32.f32 v11;
	v12 =	vand.u32 $0x7FFFFFFF, v24;
	v17 =	vld.idx.msk [tilespmem:v25+s25+$0x0], $0xffff;
	v25 =	vadd.s32 v1, v14  }
0x4e4: {  	v27 =	vcvt.s32.f32 v10;
	v19 =	vadd.f32 $3.616496890e+02, v19;
	v32 =	vcvt.s32.f32 v12;
	v14 =	vld.idx.msk [tilespmem:v26+s25+$0x0], $0xffff  }
.Ltmp13:
0x4e5: {  	v26 =	vmul.f32 $1.739069970e-07, v22;
	v22 =	vshrl.u32 v21, $0x1F;
	v21 =	vshrl.u32 v24, $0x1F;
	[tilespmem:v28+s29+$0x0] =	vst.idx.add.s32.msk $0xffff, v2;
	(pc) =	sbr.rel @p0 .LBB2_28-.Ltmp13, $4  }
0x4e6: {  	v23 =	vshll.u32 v20, $0x9;
	v24 =	vmul.f32 $1.739069970e-07, v27;
	v19 =	vtrunc.f32 v19;
	[tilespmem:v29+s29+$0x0] =	vst.idx.add.s32.msk $0xffff, v2  }
0x4e7: {  	v29 =	vmul.f32 $1.739069970e-07, v32;
	v32 =	vcvt.f32.s32 v19;
	v19 =	vshrl.u32 v30, $0x1F;
	[tilespmem:v31+s29+$0x0] =	vst.idx.add.s32.msk $0xffff, v2  }
0x4e8: {  	v27 =	vadd.f32 $3.616496890e+02, v26;
	v28 =	vadd.f32 $3.616496890e+02, v24;
	v24 =	vshll.u32 v19, $0x9;
	[tilespmem:v25+s29+$0x0] =	vst.idx.add.s32.msk $0xffff, v2  }
0x4e9: {  	s2 =	sadd.s32 $0x200, s2;
	s4 =	sadd.s32 $0x2, s4;
	v25 =	vshll.u32 v22, $0x9;
	v26 =	vadd.f32 $3.616496890e+02, v29;
	v24 =	vadd.s32 v32, v24  }
0x4ea: {  	v27 =	vtrunc.f32 v27  }
0x4eb: {  	v28 =	vtrunc.f32 v28;
	v27 =	vcvt.f32.s32 v27  }
0x4ec: {  	v28 =	vcvt.f32.s32 v28  }
0x4ed: {  	v26 =	vtrunc.f32 v26;
	v23 =	vadd.s32 v27, v23  }
0x4ee: {  	v26 =	vcvt.f32.s32 v26;
	v25 =	vadd.s32 v28, v25  }
0x4ef: {  	v27 =	vshll.u32 v21, $0x9  }
0x4f0: {  	v26 =	vadd.s32 v26, v27;
	v27 =	vld.idx.msk [tilespmem:v24+s23+$0x0], $0xffff  }
0x4f1: {  	v20 =	vshll.u32 v20, $0x5;
	v22 =	vshll.u32 v22, $0x5;
	vm0 =	vle.f32 v15, v3;
	v24 =	vld.idx.msk [tilespmem:v24+s25+$0x0], $0xffff  }
0x4f2: {  	vm1 =	vle.f32 v16, v5;
	vm2 =	vle.f32 v18, v4;
	v3 =	vsub.s32 $0x10, v20;
	v5 =	vld.idx.msk [tilespmem:v23+s23+$0x0], $0xffff  }
0x4f3: {  	v15 =	vsub.s32 $0x10, v22;
	v4 =	vnsel vm0, $0x0, v9;
	v8 =	vnsel vm1, $0x0, v8;
	v9 =	vld.idx.msk [tilespmem:v25+s23+$0x0], $0xffff  }
0x4f4: {  	v7 =	vnsel vm2, $0x0, v7;
	v4 =	vadd.s32 v4, v13;
	v8 =	vadd.s32 v8, v17;
	v18 =	vld.idx.msk [tilespmem:v23+s25+$0x0], $0xffff  }
0x4f5: {  	v17 =	vshll.u32 v19, $0x5;
	v7 =	vadd.s32 v7, v14;
	v21 =	vshll.u32 v21, $0x5;
	v13 =	vld.idx.msk [tilespmem:v26+s23+$0x0], $0xffff  }
0x4f6: {  	v4 =	vadd.s32 v1, v4;
	v17 =	vsub.s32 $0x10, v17;
	vm11 =	vle.f32 v27, v6;
	v6 =	vld.idx.msk [tilespmem:v25+s25+$0x0], $0xffff  }
0x4f7: {  	v8 =	vadd.s32 v1, v8;
	v7 =	vadd.s32 v1, v7;
	v14 =	vnsel vm11, $0x0, v17;
	v17 =	vld.idx.msk [tilespmem:v26+s25+$0x0], $0xffff  }
0x4f8: {  	v16 =	vsub.s32 $0x10, v21;
	v14 =	vadd.s32 v14, v24;
	vm12 =	vle.f32 v5, v11  }
0x4f9: {  	v5 =	vadd.s32 v1, v14;
	vm13 =	vle.f32 v9, v10;
	v3 =	vnsel vm12, $0x0, v3  }
0x4fa: {  	vm14 =	vle.f32 v13, v12;
	v9 =	vnsel vm13, $0x0, v15;
	v3 =	vadd.s32 v3, v18  }
0x4fb: {  	v6 =	vadd.s32 v9, v6;
	v9 =	vnsel vm14, $0x0, v16;
	v3 =	vadd.s32 v1, v3  }
0x4fc: {  	[tilespmem:v4+s29+$0x0] =	vst.idx.add.s32.msk $0xffff, v2;
	v4 =	vadd.s32 v1, v6;
	v6 =	vadd.s32 v9, v17  }
0x4fd: {  	[tilespmem:v8+s29+$0x0] =	vst.idx.add.s32.msk $0xffff, v2;
	v6 =	vadd.s32 v1, v6  }
0x4fe: {  	[tilespmem:v7+s29+$0x0] =	vst.idx.add.s32.msk $0xffff, v2  }
0x4ff: {  	[tilespmem:v5+s29+$0x0] =	vst.idx.add.s32.msk $0xffff, v2  }
0x500: {  	[tilespmem:v3+s29+$0x0] =	vst.idx.add.s32.msk $0xffff, v2  }
0x501: {  	[tilespmem:v4+s29+$0x0] =	vst.idx.add.s32.msk $0xffff, v2  }
0x502: {  	s0 =	simm.s32 $0x0;
	[tilespmem:v6+s29+$0x0] =	vst.idx.add.s32.msk $0xffff, v2  }
0x503: {  	[tilespmem:s26], [sflag:$0x2] =	stream.linear.gather [hbm4b:s20+s0], $0x8000, $0x38;
	[tilespmem:$0x11280] =	vst v63  }
0x504: {  	s2 =	sand.u32 $0x7C00, s0;
	s4 =	sand.u32 $0x380, s0;
	_ =	swait.ge [sflag:s28], $0x8000  }
0x505: {  	s2 =	sor.u32 s4, s2;
	s0 =	sand.u32 $0x40, s0;
	[sflag:s28] =	ssyncset.done $0x0  }
0x506: {  	s0 =	sor.u32 s0, s2;
	[sflag:s28] =	ssyncadd.s32 $0xFFFF8000  }
0x507: {  	v4 =	vld [tilespmem:s0+$0x30];
	_ =	sdelay $0x2  }
0x508: {  	v7 =	vld [tilespmem:s0+$0x10];
	_ =	sdelay $0x1  }
0x509: {  	v10 =	vand.u32 $0x7FFFFFFF, v4  }
0x50a: {  	v6 =	vld [tilespmem:s0+$0x0];
	v3 =	vcvt.s32.f32 v10  }
0x50b: {  	v8 =	vld [tilespmem:s0+$0x20]  }
0x50c: {  	v5 =	vand.u32 $0x7FFFFFFF, v7;
	v3 =	vmul.f32 $1.739069970e-07, v3  }
0x50d: {  	v13 =	vcvt.s32.f32 v5  }
0x50e: {  	v9 =	vadd.f32 $3.616496890e+02, v3  }
0x50f: {  	v12 =	vshrl.u32 v4, $0x1F;
	v13 =	vmul.f32 $1.739069970e-07, v13;
	v3 =	vand.u32 $0x7FFFFFFF, v6  }
0x510: {  	v4 =	vand.u32 $0x7FFFFFFF, v8;
	v11 =	vcvt.s32.f32 v3;
	v9 =	vtrunc.f32 v9  }
0x511: {  	s6 =	simm.s32 $0x200;
	s7 =	simm.s32 $0x2;
	v7 =	vshrl.u32 v7, $0x1F;
	v13 =	vadd.f32 $3.616496890e+02, v13;
	v9 =	vcvt.f32.s32 v9  }
0x512: {  	s31 =	simm.s32 $0x40;
	s2 =	sand.u32 $0x380, s7;
	s0 =	sand.u32 $0x7C00, s6;
	v14 =	vshll.u32 v12, $0x9;
	v15 =	vcvt.s32.f32 v4;
	v11 =	vmul.f32 $1.739069970e-07, v11  }
0x513: {  	s8 =	sand.u32 $0x40, s31;
	s0 =	sor.u32 s2, s0;
	v8 =	vshrl.u32 v8, $0x1F;
	v13 =	vtrunc.f32 v13;
	v9 =	vadd.s32 v9, v14  }
0x514: {  	s0 =	sor.u32 s8, s0;
	v13 =	vcvt.f32.s32 v13;
	v14 =	vmul.f32 $1.739069970e-07, v15;
	v11 =	vadd.f32 $3.616496890e+02, v11  }
0x515: {  	v19 =	vld [tilespmem:s0+$0x30];
	v16 =	vshll.u32 v7, $0x9;
	v18 =	vshll.u32 v8, $0x9  }
0x516: {  	v24 =	vadd.s32 v13, v16;
	v13 =	vld [tilespmem:s0+$0x10];
	v14 =	vadd.f32 $3.616496890e+02, v14;
	v11 =	vtrunc.f32 v11  }
0x517: {  	v20 =	vld [tilespmem:s0+$0x0];
	v7 =	vshll.u32 v7, $0x5;
	v6 =	vshrl.u32 v6, $0x1F;
	v11 =	vcvt.f32.s32 v11  }
0x518: {  	v15 =	vshll.u32 v6, $0x9;
	v6 =	vshll.u32 v6, $0x5;
	v14 =	vtrunc.f32 v14;
	v17 =	vld.idx.msk [tilespmem:v9+s23+$0x0], $0xffff  }
0x519: {  	v25 =	vld [tilespmem:s0+$0x20];
	v14 =	vcvt.f32.s32 v14;
	v23 =	vadd.s32 v11, v15;
	v11 =	vshll.u32 v8, $0x5  }
0x51a: {  	v21 =	vld.idx.msk [tilespmem:v9+s25+$0x0], $0xffff;
	v9 =	vsub.s32 $0x10, v6;
	v8 =	vsub.s32 $0x10, v7;
	v6 =	vand.u32 $0x7FFFFFFF, v19  }
0x51b: {  	v22 =	vshrl.u32 v13, $0x1F;
	v19 =	vshrl.u32 v19, $0x1F;
	v7 =	vsub.s32 $0x10, v11  }
0x51c: {  	v11 =	vshll.u32 v12, $0x5;
	v12 =	vcvt.s32.f32 v6;
	v14 =	vadd.s32 v14, v18  }
0x51d: {  	v15 =	vsub.s32 $0x10, v11;
	v11 =	vand.u32 $0x7FFFFFFF, v20;
	vm15 =	vle.f32 v17, v10  }
0x51e: {  	v10 =	vand.u32 $0x7FFFFFFF, v13;
	v17 =	vmul.f32 $1.739069970e-07, v12;
	v15 =	vnsel vm15, $0x0, v15  }
0x51f: {  	v12 =	vand.u32 $0x7FFFFFFF, v25;
	v13 =	vld.idx.msk [tilespmem:v23+s25+$0x0], $0xffff;
	v16 =	vadd.s32 v15, v21;
	v21 =	vcvt.s32.f32 v11  }
0x520: {  	v27 =	vcvt.s32.f32 v10;
	v15 =	vld.idx.msk [tilespmem:v23+s23+$0x0], $0xffff;
	v17 =	vadd.f32 $3.616496890e+02, v17;
	v26 =	vadd.s32 v1, v16  }
0x521: {  	v20 =	vshrl.u32 v20, $0x1F;
	v28 =	vcvt.s32.f32 v12;
	v18 =	vld.idx.msk [tilespmem:v14+s23+$0x0], $0xffff;
	v29 =	vmul.f32 $1.739069970e-07, v21  }
0x522: {  	v16 =	vld.idx.msk [tilespmem:v24+s23+$0x0], $0xffff;
	v21 =	vshrl.u32 v25, $0x1F;
	v25 =	vmul.f32 $1.739069970e-07, v27;
	v27 =	vtrunc.f32 v17  }
0x523: {  	v23 =	vshll.u32 v20, $0x9;
	v17 =	vld.idx.msk [tilespmem:v24+s25+$0x0], $0xffff;
	v24 =	vmul.f32 $1.739069970e-07, v28;
	v30 =	vcvt.f32.s32 v27  }
0x524: {  	v14 =	vld.idx.msk [tilespmem:v14+s25+$0x0], $0xffff;
	v27 =	vadd.f32 $3.616496890e+02, v29;
	v28 =	vadd.f32 $3.616496890e+02, v25;
	v29 =	vshll.u32 v19, $0x9  }
0x525: {  	s4 =	simm.s32 $0x4;
	s2 =	simm.s32 $0x400;
	s0 =	simm.s32 $0x4;
	v25 =	vshll.u32 v22, $0x9;
	[tilespmem:v26+s29+$0x0] =	vst.idx.add.s32.msk $0xffff, v2;
	v26 =	vadd.f32 $3.616496890e+02, v24;
	v24 =	vadd.s32 v30, v29  }
.LBB2_30:
0x526: {  	s6 =	sand.u32 $0x7C00, s2;
	s7 =	sand.u32 $0x380, s4;
	v27 =	vtrunc.f32 v27;
	v28 =	vtrunc.f32 v28;
	v29 =	vshll.u32 v21, $0x9;
	s31 =	sadd.s32 $0x40, s31  }
0x527: {  	s0 =	sadd.s32 $0x4, s0;
	v20 =	vshll.u32 v20, $0x5;
	s8 =	sand.u32 $0x40, s31;
	s6 =	sor.u32 s7, s6;
	v27 =	vcvt.f32.s32 v27;
	v26 =	vtrunc.f32 v26  }
0x528: {  	v22 =	vshll.u32 v22, $0x5;
	p0 =	slt.u32 s0, $0x7FC;
	v28 =	vcvt.f32.s32 v28;
	s6 =	sor.u32 s8, s6;
	v26 =	vcvt.f32.s32 v26  }
0x529: {  	v21 =	vshll.u32 v21, $0x5;
	vm0 =	vle.f32 v15, v3;
	v3 =	vmovc v11;
	v30 =	vld [tilespmem:s6+$0x30];
	v23 =	vadd.s32 v27, v23  }
0x52a: {  	vm1 =	vle.f32 v16, v5;
	v25 =	vadd.s32 v28, v25;
	v26 =	vadd.s32 v26, v29;
	v11 =	vld.idx.msk [tilespmem:v24+s23+$0x0], $0xffff  }
0x52b: {  	vm2 =	vle.f32 v18, v4;
	v5 =	vmovc v10;
	v4 =	vmovc v12;
	v15 =	vsub.s32 $0x10, v20;
	v16 =	vsub.s32 $0x10, v22;
	v27 =	vld [tilespmem:s6+$0x0]  }
0x52c: {  	v10 =	vsub.s32 $0x10, v21;
	v18 =	vnsel vm0, $0x0, v9;
	v20 =	vnsel vm1, $0x0, v8;
	v9 =	vmovc v15;
	v8 =	vmovc v16;
	v12 =	vld.idx.msk [tilespmem:v24+s25+$0x0], $0xffff  }
0x52d: {  	v13 =	vadd.s32 v18, v13;
	v15 =	vadd.s32 v20, v17;
	v16 =	vnsel vm2, $0x0, v7;
	v7 =	vmovc v10;
	v21 =	vld [tilespmem:s6+$0x10]  }
0x52e: {  	v28 =	vadd.s32 v1, v13;
	v10 =	vadd.s32 v16, v14;
	v29 =	vadd.s32 v1, v15;
	v24 =	vld [tilespmem:s6+$0x20]  }
0x52f: {  	v14 =	vshll.u32 v19, $0x5;
	v31 =	vadd.s32 v1, v10;
	v13 =	vand.u32 $0x7FFFFFFF, v30;
	v15 =	vld.idx.msk [tilespmem:v23+s23+$0x0], $0xffff  }
0x530: {  	v10 =	vsub.s32 $0x10, v14;
	v17 =	vcvt.s32.f32 v13;
	vm0 =	vle.f32 v11, v6;
	v6 =	vmovc v13;
	v16 =	vld.idx.msk [tilespmem:v25+s23+$0x0], $0xffff  }
0x531: {  	v11 =	vand.u32 $0x7FFFFFFF, v27;
	v20 =	vshrl.u32 v27, $0x1F;
	v14 =	vnsel vm0, $0x0, v10;
	v18 =	vld.idx.msk [tilespmem:v26+s23+$0x0], $0xffff  }
0x532: {  	v19 =	vmul.f32 $1.739069970e-07, v17;
	v14 =	vadd.s32 v14, v12;
	v10 =	vand.u32 $0x7FFFFFFF, v21;
	v13 =	vld.idx.msk [tilespmem:v23+s25+$0x0], $0xffff  }
0x533: {  	v22 =	vcvt.s32.f32 v11;
	v12 =	vand.u32 $0x7FFFFFFF, v24;
	v17 =	vld.idx.msk [tilespmem:v25+s25+$0x0], $0xffff;
	v25 =	vadd.s32 v1, v14  }
0x534: {  	v27 =	vcvt.s32.f32 v10;
	v19 =	vadd.f32 $3.616496890e+02, v19;
	v32 =	vcvt.s32.f32 v12;
	v14 =	vld.idx.msk [tilespmem:v26+s25+$0x0], $0xffff  }
.Ltmp14:
0x535: {  	v26 =	vmul.f32 $1.739069970e-07, v22;
	v22 =	vshrl.u32 v21, $0x1F;
	v21 =	vshrl.u32 v24, $0x1F;
	[tilespmem:v28+s29+$0x0] =	vst.idx.add.s32.msk $0xffff, v2;
	(pc) =	sbr.rel @p0 .LBB2_30-.Ltmp14, $4  }
0x536: {  	v23 =	vshll.u32 v20, $0x9;
	v24 =	vmul.f32 $1.739069970e-07, v27;
	v19 =	vtrunc.f32 v19;
	[tilespmem:v29+s29+$0x0] =	vst.idx.add.s32.msk $0xffff, v2  }
0x537: {  	v29 =	vmul.f32 $1.739069970e-07, v32;
	v32 =	vcvt.f32.s32 v19;
	v19 =	vshrl.u32 v30, $0x1F;
	[tilespmem:v31+s29+$0x0] =	vst.idx.add.s32.msk $0xffff, v2  }
0x538: {  	v27 =	vadd.f32 $3.616496890e+02, v26;
	v28 =	vadd.f32 $3.616496890e+02, v24;
	v24 =	vshll.u32 v19, $0x9;
	[tilespmem:v25+s29+$0x0] =	vst.idx.add.s32.msk $0xffff, v2  }
0x539: {  	s2 =	sadd.s32 $0x200, s2;
	s4 =	sadd.s32 $0x2, s4;
	v25 =	vshll.u32 v22, $0x9;
	v26 =	vadd.f32 $3.616496890e+02, v29;
	v24 =	vadd.s32 v32, v24  }
0x53a: {  	v27 =	vtrunc.f32 v27  }
0x53b: {  	v28 =	vtrunc.f32 v28;
	v27 =	vcvt.f32.s32 v27  }
0x53c: {  	v28 =	vcvt.f32.s32 v28  }
0x53d: {  	v26 =	vtrunc.f32 v26;
	v23 =	vadd.s32 v27, v23  }
0x53e: {  	v26 =	vcvt.f32.s32 v26;
	v25 =	vadd.s32 v28, v25  }
0x53f: {  	v27 =	vshll.u32 v21, $0x9  }
0x540: {  	v26 =	vadd.s32 v26, v27;
	v27 =	vld.idx.msk [tilespmem:v24+s23+$0x0], $0xffff  }
0x541: {  	v20 =	vshll.u32 v20, $0x5;
	v22 =	vshll.u32 v22, $0x5;
	vm0 =	vle.f32 v15, v3;
	v24 =	vld.idx.msk [tilespmem:v24+s25+$0x0], $0xffff  }
0x542: {  	vm1 =	vle.f32 v16, v5;
	vm2 =	vle.f32 v18, v4;
	v3 =	vsub.s32 $0x10, v20;
	v5 =	vld.idx.msk [tilespmem:v23+s23+$0x0], $0xffff  }
0x543: {  	v15 =	vsub.s32 $0x10, v22;
	v4 =	vnsel vm0, $0x0, v9;
	v8 =	vnsel vm1, $0x0, v8;
	v9 =	vld.idx.msk [tilespmem:v25+s23+$0x0], $0xffff  }
0x544: {  	v7 =	vnsel vm2, $0x0, v7;
	v4 =	vadd.s32 v4, v13;
	v8 =	vadd.s32 v8, v17;
	v18 =	vld.idx.msk [tilespmem:v23+s25+$0x0], $0xffff  }
0x545: {  	v17 =	vshll.u32 v19, $0x5;
	v7 =	vadd.s32 v7, v14;
	v21 =	vshll.u32 v21, $0x5;
	v13 =	vld.idx.msk [tilespmem:v26+s23+$0x0], $0xffff  }
0x546: {  	v4 =	vadd.s32 v1, v4;
	v17 =	vsub.s32 $0x10, v17;
	vm11 =	vle.f32 v27, v6;
	v6 =	vld.idx.msk [tilespmem:v25+s25+$0x0], $0xffff  }
0x547: {  	v8 =	vadd.s32 v1, v8;
	v7 =	vadd.s32 v1, v7;
	v14 =	vnsel vm11, $0x0, v17;
	v17 =	vld.idx.msk [tilespmem:v26+s25+$0x0], $0xffff  }
0x548: {  	v16 =	vsub.s32 $0x10, v21;
	v14 =	vadd.s32 v14, v24;
	vm12 =	vle.f32 v5, v11  }
0x549: {  	v5 =	vadd.s32 v1, v14;
	vm13 =	vle.f32 v9, v10;
	v3 =	vnsel vm12, $0x0, v3  }
0x54a: {  	vm14 =	vle.f32 v13, v12;
	v9 =	vnsel vm13, $0x0, v15;
	v3 =	vadd.s32 v3, v18  }
0x54b: {  	v6 =	vadd.s32 v9, v6;
	v9 =	vnsel vm14, $0x0, v16;
	v3 =	vadd.s32 v1, v3  }
0x54c: {  	[tilespmem:v4+s29+$0x0] =	vst.idx.add.s32.msk $0xffff, v2;
	v4 =	vadd.s32 v1, v6;
	v6 =	vadd.s32 v9, v17  }
0x54d: {  	[tilespmem:v8+s29+$0x0] =	vst.idx.add.s32.msk $0xffff, v2;
	v6 =	vadd.s32 v1, v6  }
0x54e: {  	[tilespmem:v7+s29+$0x0] =	vst.idx.add.s32.msk $0xffff, v2  }
0x54f: {  	[tilespmem:v5+s29+$0x0] =	vst.idx.add.s32.msk $0xffff, v2  }
0x550: {  	[tilespmem:v3+s29+$0x0] =	vst.idx.add.s32.msk $0xffff, v2  }
0x551: {  	[tilespmem:v4+s29+$0x0] =	vst.idx.add.s32.msk $0xffff, v2  }
0x552: {  	s0 =	simm.s32 $0x0;
	[tilespmem:v6+s29+$0x0] =	vst.idx.add.s32.msk $0xffff, v2  }
0x553: {  	s2 =	sand.u32 $0x7C00, s0;
	s4 =	sand.u32 $0x380, s0;
	_ =	swait.ge [sflag:s30], $0x8000  }
0x554: {  	s0 =	sand.u32 $0x40, s0;
	s2 =	sor.u32 s4, s2;
	[sflag:s30] =	ssyncset.done $0x0  }
0x555: {  	s0 =	sor.u32 s0, s2;
	[sflag:s30] =	ssyncadd.s32 $0xFFFF8000  }
0x556: {  	v4 =	vld [tilespmem:s0+$0x8030];
	_ =	sdelay $0x2  }
0x557: {  	v7 =	vld [tilespmem:s0+$0x8010];
	_ =	sdelay $0x1  }
0x558: {  	v10 =	vand.u32 $0x7FFFFFFF, v4  }
0x559: {  	v6 =	vld [tilespmem:s0+$0x8000];
	v3 =	vcvt.s32.f32 v10  }
0x55a: {  	v8 =	vld [tilespmem:s0+$0x8020]  }
0x55b: {  	v5 =	vand.u32 $0x7FFFFFFF, v7;
	v3 =	vmul.f32 $1.739069970e-07, v3  }
0x55c: {  	v13 =	vcvt.s32.f32 v5  }
0x55d: {  	v9 =	vadd.f32 $3.616496890e+02, v3  }
0x55e: {  	v12 =	vshrl.u32 v4, $0x1F;
	v13 =	vmul.f32 $1.739069970e-07, v13;
	v3 =	vand.u32 $0x7FFFFFFF, v6  }
0x55f: {  	v4 =	vand.u32 $0x7FFFFFFF, v8;
	v11 =	vcvt.s32.f32 v3;
	v9 =	vtrunc.f32 v9  }
0x560: {  	s6 =	simm.s32 $0x200;
	s7 =	simm.s32 $0x2;
	v7 =	vshrl.u32 v7, $0x1F;
	v13 =	vadd.f32 $3.616496890e+02, v13;
	v9 =	vcvt.f32.s32 v9  }
0x561: {  	s31 =	simm.s32 $0x40;
	s2 =	sand.u32 $0x380, s7;
	s0 =	sand.u32 $0x7C00, s6;
	v14 =	vshll.u32 v12, $0x9;
	v15 =	vcvt.s32.f32 v4;
	v11 =	vmul.f32 $1.739069970e-07, v11  }
0x562: {  	s8 =	sand.u32 $0x40, s31;
	s0 =	sor.u32 s2, s0;
	v8 =	vshrl.u32 v8, $0x1F;
	v13 =	vtrunc.f32 v13;
	v9 =	vadd.s32 v9, v14  }
0x563: {  	s0 =	sor.u32 s8, s0;
	v13 =	vcvt.f32.s32 v13;
	v14 =	vmul.f32 $1.739069970e-07, v15;
	v11 =	vadd.f32 $3.616496890e+02, v11  }
0x564: {  	v19 =	vld [tilespmem:s0+$0x8030];
	v16 =	vshll.u32 v7, $0x9;
	v18 =	vshll.u32 v8, $0x9  }
0x565: {  	v24 =	vadd.s32 v13, v16;
	v13 =	vld [tilespmem:s0+$0x8010];
	v14 =	vadd.f32 $3.616496890e+02, v14;
	v11 =	vtrunc.f32 v11  }
0x566: {  	v20 =	vld [tilespmem:s0+$0x8000];
	v7 =	vshll.u32 v7, $0x5;
	v6 =	vshrl.u32 v6, $0x1F;
	v11 =	vcvt.f32.s32 v11  }
0x567: {  	v15 =	vshll.u32 v6, $0x9;
	v6 =	vshll.u32 v6, $0x5;
	v14 =	vtrunc.f32 v14;
	v17 =	vld.idx.msk [tilespmem:v9+s23+$0x0], $0xffff  }
0x568: {  	v25 =	vld [tilespmem:s0+$0x8020];
	v14 =	vcvt.f32.s32 v14;
	v23 =	vadd.s32 v11, v15;
	v11 =	vshll.u32 v8, $0x5  }
0x569: {  	v21 =	vld.idx.msk [tilespmem:v9+s25+$0x0], $0xffff;
	v9 =	vsub.s32 $0x10, v6;
	v8 =	vsub.s32 $0x10, v7;
	v6 =	vand.u32 $0x7FFFFFFF, v19  }
0x56a: {  	v22 =	vshrl.u32 v13, $0x1F;
	v19 =	vshrl.u32 v19, $0x1F;
	v7 =	vsub.s32 $0x10, v11  }
0x56b: {  	v11 =	vshll.u32 v12, $0x5;
	v12 =	vcvt.s32.f32 v6;
	v14 =	vadd.s32 v14, v18  }
0x56c: {  	v15 =	vsub.s32 $0x10, v11;
	v11 =	vand.u32 $0x7FFFFFFF, v20;
	vm15 =	vle.f32 v17, v10  }
0x56d: {  	v10 =	vand.u32 $0x7FFFFFFF, v13;
	v17 =	vmul.f32 $1.739069970e-07, v12;
	v15 =	vnsel vm15, $0x0, v15  }
0x56e: {  	v12 =	vand.u32 $0x7FFFFFFF, v25;
	v13 =	vld.idx.msk [tilespmem:v23+s25+$0x0], $0xffff;
	v16 =	vadd.s32 v15, v21;
	v21 =	vcvt.s32.f32 v11  }
0x56f: {  	v27 =	vcvt.s32.f32 v10;
	v15 =	vld.idx.msk [tilespmem:v23+s23+$0x0], $0xffff;
	v17 =	vadd.f32 $3.616496890e+02, v17;
	v26 =	vadd.s32 v1, v16  }
0x570: {  	v20 =	vshrl.u32 v20, $0x1F;
	v28 =	vcvt.s32.f32 v12;
	v18 =	vld.idx.msk [tilespmem:v14+s23+$0x0], $0xffff;
	v29 =	vmul.f32 $1.739069970e-07, v21  }
0x571: {  	v16 =	vld.idx.msk [tilespmem:v24+s23+$0x0], $0xffff;
	v21 =	vshrl.u32 v25, $0x1F;
	v25 =	vmul.f32 $1.739069970e-07, v27;
	v27 =	vtrunc.f32 v17  }
0x572: {  	v23 =	vshll.u32 v20, $0x9;
	v17 =	vld.idx.msk [tilespmem:v24+s25+$0x0], $0xffff;
	v24 =	vmul.f32 $1.739069970e-07, v28;
	v30 =	vcvt.f32.s32 v27  }
0x573: {  	v14 =	vld.idx.msk [tilespmem:v14+s25+$0x0], $0xffff;
	v27 =	vadd.f32 $3.616496890e+02, v29;
	v28 =	vadd.f32 $3.616496890e+02, v25;
	v29 =	vshll.u32 v19, $0x9  }
0x574: {  	s4 =	simm.s32 $0x4;
	s2 =	simm.s32 $0x400;
	s0 =	simm.s32 $0x4;
	v25 =	vshll.u32 v22, $0x9;
	[tilespmem:v26+s29+$0x0] =	vst.idx.add.s32.msk $0xffff, v2;
	v26 =	vadd.f32 $3.616496890e+02, v24;
	v24 =	vadd.s32 v30, v29  }
.LBB2_32:
0x575: {  	s6 =	sand.u32 $0x7C00, s2;
	s7 =	sand.u32 $0x380, s4;
	v27 =	vtrunc.f32 v27;
	v28 =	vtrunc.f32 v28;
	v29 =	vshll.u32 v21, $0x9;
	s31 =	sadd.s32 $0x40, s31  }
0x576: {  	s0 =	sadd.s32 $0x4, s0;
	v20 =	vshll.u32 v20, $0x5;
	s8 =	sand.u32 $0x40, s31;
	s6 =	sor.u32 s7, s6;
	v27 =	vcvt.f32.s32 v27;
	v26 =	vtrunc.f32 v26  }
0x577: {  	v22 =	vshll.u32 v22, $0x5;
	p0 =	slt.u32 s0, $0x7FC;
	v28 =	vcvt.f32.s32 v28;
	s6 =	sor.u32 s8, s6;
	v26 =	vcvt.f32.s32 v26  }
0x578: {  	v21 =	vshll.u32 v21, $0x5;
	vm0 =	vle.f32 v15, v3;
	v3 =	vmovc v11;
	v30 =	vld [tilespmem:s6+$0x8030];
	v23 =	vadd.s32 v27, v23  }
0x579: {  	vm1 =	vle.f32 v16, v5;
	v25 =	vadd.s32 v28, v25;
	v26 =	vadd.s32 v26, v29;
	v11 =	vld.idx.msk [tilespmem:v24+s23+$0x0], $0xffff  }
0x57a: {  	vm2 =	vle.f32 v18, v4;
	v5 =	vmovc v10;
	v4 =	vmovc v12;
	v15 =	vsub.s32 $0x10, v20;
	v16 =	vsub.s32 $0x10, v22;
	v27 =	vld [tilespmem:s6+$0x8000]  }
0x57b: {  	v10 =	vsub.s32 $0x10, v21;
	v18 =	vnsel vm0, $0x0, v9;
	v20 =	vnsel vm1, $0x0, v8;
	v9 =	vmovc v15;
	v8 =	vmovc v16;
	v12 =	vld.idx.msk [tilespmem:v24+s25+$0x0], $0xffff  }
0x57c: {  	v13 =	vadd.s32 v18, v13;
	v15 =	vadd.s32 v20, v17;
	v16 =	vnsel vm2, $0x0, v7;
	v7 =	vmovc v10;
	v21 =	vld [tilespmem:s6+$0x8010]  }
0x57d: {  	v28 =	vadd.s32 v1, v13;
	v10 =	vadd.s32 v16, v14;
	v29 =	vadd.s32 v1, v15;
	v24 =	vld [tilespmem:s6+$0x8020]  }
0x57e: {  	v14 =	vshll.u32 v19, $0x5;
	v31 =	vadd.s32 v1, v10;
	v13 =	vand.u32 $0x7FFFFFFF, v30;
	v15 =	vld.idx.msk [tilespmem:v23+s23+$0x0], $0xffff  }
0x57f: {  	v10 =	vsub.s32 $0x10, v14;
	v17 =	vcvt.s32.f32 v13;
	vm0 =	vle.f32 v11, v6;
	v6 =	vmovc v13;
	v16 =	vld.idx.msk [tilespmem:v25+s23+$0x0], $0xffff  }
0x580: {  	v11 =	vand.u32 $0x7FFFFFFF, v27;
	v20 =	vshrl.u32 v27, $0x1F;
	v14 =	vnsel vm0, $0x0, v10;
	v18 =	vld.idx.msk [tilespmem:v26+s23+$0x0], $0xffff  }
0x581: {  	v19 =	vmul.f32 $1.739069970e-07, v17;
	v14 =	vadd.s32 v14, v12;
	v10 =	vand.u32 $0x7FFFFFFF, v21;
	v13 =	vld.idx.msk [tilespmem:v23+s25+$0x0], $0xffff  }
0x582: {  	v22 =	vcvt.s32.f32 v11;
	v12 =	vand.u32 $0x7FFFFFFF, v24;
	v17 =	vld.idx.msk [tilespmem:v25+s25+$0x0], $0xffff;
	v25 =	vadd.s32 v1, v14  }
0x583: {  	v27 =	vcvt.s32.f32 v10;
	v19 =	vadd.f32 $3.616496890e+02, v19;
	v32 =	vcvt.s32.f32 v12;
	v14 =	vld.idx.msk [tilespmem:v26+s25+$0x0], $0xffff  }
.Ltmp15:
0x584: {  	v26 =	vmul.f32 $1.739069970e-07, v22;
	v22 =	vshrl.u32 v21, $0x1F;
	v21 =	vshrl.u32 v24, $0x1F;
	[tilespmem:v28+s29+$0x0] =	vst.idx.add.s32.msk $0xffff, v2;
	(pc) =	sbr.rel @p0 .LBB2_32-.Ltmp15, $4  }
0x585: {  	v23 =	vshll.u32 v20, $0x9;
	v24 =	vmul.f32 $1.739069970e-07, v27;
	v19 =	vtrunc.f32 v19;
	[tilespmem:v29+s29+$0x0] =	vst.idx.add.s32.msk $0xffff, v2  }
0x586: {  	v29 =	vmul.f32 $1.739069970e-07, v32;
	v32 =	vcvt.f32.s32 v19;
	v19 =	vshrl.u32 v30, $0x1F;
	[tilespmem:v31+s29+$0x0] =	vst.idx.add.s32.msk $0xffff, v2  }
0x587: {  	v27 =	vadd.f32 $3.616496890e+02, v26;
	v28 =	vadd.f32 $3.616496890e+02, v24;
	v24 =	vshll.u32 v19, $0x9;
	[tilespmem:v25+s29+$0x0] =	vst.idx.add.s32.msk $0xffff, v2  }
0x588: {  	s2 =	sadd.s32 $0x200, s2;
	s4 =	sadd.s32 $0x2, s4;
	v25 =	vshll.u32 v22, $0x9;
	v26 =	vadd.f32 $3.616496890e+02, v29;
	v24 =	vadd.s32 v32, v24  }
0x589: {  	v27 =	vtrunc.f32 v27  }
0x58a: {  	v28 =	vtrunc.f32 v28;
	v27 =	vcvt.f32.s32 v27  }
0x58b: {  	v28 =	vcvt.f32.s32 v28  }
0x58c: {  	v26 =	vtrunc.f32 v26;
	v23 =	vadd.s32 v27, v23  }
0x58d: {  	v26 =	vcvt.f32.s32 v26;
	v25 =	vadd.s32 v28, v25  }
0x58e: {  	v45 =	vshll.u32 v21, $0x9  }
0x58f: {  	v46 =	vld.idx.msk [tilespmem:v24+s23+$0x0], $0xffff;
	v26 =	vadd.s32 v26, v45  }
0x590: {  	v20 =	vshll.u32 v20, $0x5;
	v22 =	vshll.u32 v22, $0x5;
	v47 =	vshll.u32 v21, $0x5;
	v48 =	vld.idx.msk [tilespmem:v24+s25+$0x0], $0xffff  }
0x591: {  	vm0 =	vle.f32 v15, v3;
	vm1 =	vle.f32 v16, v5;
	vm2 =	vle.f32 v18, v4;
	v49 =	vld.idx.msk [tilespmem:v23+s23+$0x0], $0xffff  }
0x592: {  	v55 =	vshll.u32 v19, $0x5;
	v3 =	vsub.s32 $0x10, v20;
	v50 =	vsub.s32 $0x10, v22;
	v52 =	vld.idx.msk [tilespmem:v25+s23+$0x0], $0xffff  }
0x593: {  	v51 =	vnsel vm0, $0x0, v9;
	v53 =	vsub.s32 $0x10, v47;
	v8 =	vnsel vm1, $0x0, v8;
	v56 =	vld.idx.msk [tilespmem:v23+s25+$0x0], $0xffff  }
0x594: {  	v7 =	vnsel vm2, $0x0, v7;
	v4 =	vadd.s32 v51, v13;
	v8 =	vadd.s32 v8, v17;
	v54 =	vld.idx.msk [tilespmem:v26+s23+$0x0], $0xffff  }
0x595: {  	v17 =	vsub.s32 $0x10, v55;
	v7 =	vadd.s32 v7, v14;
	vm12 =	vle.f32 v46, v6;
	v57 =	vld.idx.msk [tilespmem:v25+s25+$0x0], $0xffff  }
0x596: {  	v4 =	vadd.s32 v1, v4;
	v8 =	vadd.s32 v1, v8;
	v58 =	vnsel vm12, $0x0, v17;
	v59 =	vld.idx.msk [tilespmem:v26+s25+$0x0], $0xffff  }
0x597: {  	v7 =	vadd.s32 v1, v7;
	v14 =	vadd.s32 v58, v48;
	vm13 =	vle.f32 v49, v11  }
0x598: {  	v60 =	vadd.s32 v1, v14;
	vm14 =	vle.f32 v52, v10;
	v3 =	vnsel vm13, $0x0, v3  }
0x599: {  	vm15 =	vle.f32 v54, v12;
	v9 =	vnsel vm14, $0x0, v50;
	v3 =	vadd.s32 v3, v56  }
0x59a: {  	v6 =	vadd.s32 v9, v57;
	v61 =	vnsel vm15, $0x0, v53;
	v3 =	vadd.s32 v1, v3  }
0x59b: {  	[tilespmem:v4+s29+$0x0] =	vst.idx.add.s32.msk $0xffff, v2;
	v62 =	vadd.s32 v1, v6;
	v63 =	vadd.s32 v61, v59  }
0x59c: {  	[tilespmem:v8+s29+$0x0] =	vst.idx.add.s32.msk $0xffff, v2;
	v6 =	vadd.s32 v1, v63  }
0x59d: {  	[tilespmem:v7+s29+$0x0] =	vst.idx.add.s32.msk $0xffff, v2  }
0x59e: {  	[tilespmem:v60+s29+$0x0] =	vst.idx.add.s32.msk $0xffff, v2  }
0x59f: {  	s1 =	sadd.s32 $0x1, s1;
	[tilespmem:v3+s29+$0x0] =	vst.idx.add.s32.msk $0xffff, v2  }
0x5a0: {  	p0 =	sne.s32 s1, s22;
	[tilespmem:v62+s29+$0x0] =	vst.idx.add.s32.msk $0xffff, v2  }
.Ltmp16:
0x5a1: {  	s0 =	simm.s32 $0x80;
	s2 =	simm.s32 $0x400;
	[tilespmem:v6+s29+$0x0] =	vst.idx.add.s32.msk $0xffff, v2;
	(pc) =	sbr.rel @p0 .LBB2_1-.Ltmp16, $4  }
0x5a2: {  	[hbm4b:s21+s0] =	stream.strided.scatter [tilespmem:s29], [sflag:$0x3], $0x880, s2, s0, $0x38;
	[tilespmem:$0x11280] =	vst v63  }
0x5a3: {  	_ =	swait.ge [sflag:s24], $0x880  }
0x5a4: {  	[sflag:s24] =	ssyncset.done $0x0  }
0x5a5: {  	[sflag:s24] =	ssyncadd.s32 $0xFFFFF780  }
0x5a6: {  	_ =	sfence.sel $0x180000  }
0x5a7: {  	[bflag:$0x0] =	sbarrier.arrive $0xFFFF  }
0x5a8: {  	_ =	strace $0x90000047  }
0x5a9: {  	s0 =	stileid.u32;
	[bflag:$0x2] =	sbarrier.arrive $0xFFFF  }
0x5aa: {  	p0 =	sne.s32 s0, $0x0;
	s0 =	rddreg [dreg:$0x2]  }
0x5ab: {  	s0 =	sadd.s32 @!p0 $0x100000, s0  }
0x5ac: {  	[sflag:s0] =	ssyncadd.tile.s32 @!p0 $0x1;
	_ =	shalt  }
.Lfunc_end2:
_tile_overlayer_lowered:
.L_overlay_start_2:
0x5ad: {  	(tag) =	ssettag $0x2  }
0x5ae: {  	s0 =	rddreg [dreg:$0x0];
	s2 =	stileid.u32  }
0x5af: {  	s1 =	rddreg [dreg:$0x1];
	p0 =	sne.s32 s2, $0x0  }
0x5b0: {  	s3 =	rddreg [dreg:$0x2];
	[bflag:$0x3] =	sbarrier.arrive $0xFFFF;
	s2 =	simm.s32 @!p0 $0x1C03  }
0x5b1: {  	[timem:s3], [sflag:s2] =	dma.local @!p0 [hbm:s0], s1  }
0x5b2: {  	s0 =	simm.s32 @!p0 $0x3  }
0x5b3: {  	_ =	swait.ge @!p0 [sflag:s0], s1  }
0x5b4: {  	s1 =	ssub.s32 @!p0 $0x0, s1;
	[sflag:s0] =	ssyncset.done @!p0 $0x0  }
0x5b5: {  	[sflag:s0] =	ssyncadd.s32 @!p0 s1  }
0x5b6: {  	[bflag:$0x3] =	sbarrier.arrive $0xFFFF  }
0x5b7: {  	_ =	shalt  }

</sc_bundles>
